<compile_context>
chip_gen: v7x
topology: tpu7x:2x2x1
jax: 0.10.2.dev20260603
libtpu: 0.0.44.dev20260713+nightly
codegen_flags: <defaults>
</compile_context>

<pallas_src>
import functools

import jax
import jax.numpy as jnp
from jax import lax
from jax.experimental import pallas as pl
from jax.experimental.pallas import tpu as pltpu
from jax.experimental.pallas import tpu_sc as plsc

N = 10000
H = 128
E = 320000
EL = 100000

NC = 2
NS = 16
NW = NC * NS

CHUNK = 80
NP_ = 10240
ROWS_PER_TILE = NP_ // NS
ZROWS = 128
E_PER_TILE = E // NW
E_CHUNKS = E_PER_TILE // CHUNK
EL_CHUNKS = EL // CHUNK
EL_ROUNDS = (EL_CHUNKS + NW - 1) // NW

_mesh = plsc.VectorSubcoreMesh(core_axis_name="c", subcore_axis_name="s",
                               num_cores=NC, num_subcores=NS)


def _zero_rows(buf, nrows, ncols):
    def body(r, _):
        for j in range(ncols // 16):
            buf[r, pl.ds(j * 16, 16)] = jnp.zeros((16,), jnp.float32)
        return 0
    lax.fori_loop(0, nrows, body, 0)


def _agg_kernel_body(u_hbm, src_hbm, dst_hbm, s_out,
                     src_v, dst_v, rows_v, stage_v, sem, acc):
    sid = lax.axis_index("s")
    cid = lax.axis_index("c")
    wid = sid * NC + cid

    _zero_rows(stage_v, ZROWS, H)
    for t in range(ROWS_PER_TILE // ZROWS):
        pltpu.sync_copy(stage_v,
                        acc.at[pl.ds(sid * ROWS_PER_TILE + t * ZROWS, ZROWS)])
    plsc.subcore_barrier()

    def body(i, _):
        base = wid * E_PER_TILE + i * CHUNK
        pltpu.sync_copy(src_hbm.at[pl.ds(base, CHUNK)], src_v)
        pltpu.sync_copy(dst_hbm.at[pl.ds(base, CHUNK)], dst_v)
        pltpu.async_copy(u_hbm.at[src_v], rows_v, sem).wait()
        pltpu.sync_copy(rows_v, acc.at[dst_v], add=True)
        return 0
    lax.fori_loop(0, E_CHUNKS, body, 0)
    plsc.subcore_barrier()

    for t in range(ROWS_PER_TILE // ZROWS):
        r0 = sid * ROWS_PER_TILE + t * ZROWS
        pltpu.sync_copy(acc.at[pl.ds(r0, ZROWS)], stage_v)
        pltpu.sync_copy(stage_v, s_out.at[cid].at[pl.ds(r0, ZROWS)])


_agg = pl.kernel(
    _agg_kernel_body,
    out_type=jax.ShapeDtypeStruct((NC, NP_, H), jnp.float32),
    mesh=_mesh,
    scratch_types=[
        pltpu.VMEM((CHUNK,), jnp.int32),
        pltpu.VMEM((CHUNK,), jnp.int32),
        pltpu.VMEM((CHUNK, H), jnp.float32),
        pltpu.VMEM((ZROWS, H), jnp.float32),
        pltpu.SemaphoreType.DMA,
        pltpu.VMEM_SHARED((NP_, H), jnp.float32),
    ],
)


def _deg_kernel_body(dst_hbm, dg_out, dst_v, ones_v, stage_v, dacc):
    sid = lax.axis_index("s")
    cid = lax.axis_index("c")
    wid = sid * NC + cid

    _zero_rows(stage_v, ZROWS, H)
    for t in range(ROWS_PER_TILE // ZROWS):
        pltpu.sync_copy(stage_v,
                        dacc.at[pl.ds(sid * ROWS_PER_TILE + t * ZROWS, ZROWS)])

    def ones_body(r, _):
        for j in range(H // 16):
            ones_v[r, pl.ds(j * 16, 16)] = jnp.ones((16,), jnp.float32)
        return 0
    lax.fori_loop(0, CHUNK, ones_body, 0)
    plsc.subcore_barrier()

    def body(i, _):
        base = wid * E_PER_TILE + i * CHUNK
        pltpu.sync_copy(dst_hbm.at[pl.ds(base, CHUNK)], dst_v)
        pltpu.sync_copy(ones_v, dacc.at[dst_v], add=True)
        return 0
    lax.fori_loop(0, E_CHUNKS, body, 0)
    plsc.subcore_barrier()

    for t in range(ROWS_PER_TILE // ZROWS):
        r0 = sid * ROWS_PER_TILE + t * ZROWS
        pltpu.sync_copy(dacc.at[pl.ds(r0, ZROWS)], stage_v)
        pltpu.sync_copy(stage_v, dg_out.at[cid].at[pl.ds(r0, ZROWS)])


_deg = pl.kernel(
    _deg_kernel_body,
    out_type=jax.ShapeDtypeStruct((NC, NP_, H), jnp.float32),
    mesh=_mesh,
    scratch_types=[
        pltpu.VMEM((CHUNK,), jnp.int32),
        pltpu.VMEM((CHUNK, H), jnp.float32),
        pltpu.VMEM((ZROWS, H), jnp.float32),
        pltpu.VMEM_SHARED((NP_, H), jnp.float32),
    ],
)


def _dec_gather_body(p_hbm, q_hbm, row_hbm, col_hbm, g_out,
                     ri_v, ci_v, pr_v, qr_v, g_v, sem):
    sid = lax.axis_index("s")
    cid = lax.axis_index("c")
    wid = sid * NC + cid

    def round_body(i, _):
        c = i * NW + wid

        @pl.when(c < EL_CHUNKS)
        def _():
            base = c * CHUNK
            pltpu.sync_copy(row_hbm.at[pl.ds(base, CHUNK)], ri_v)
            pltpu.sync_copy(col_hbm.at[pl.ds(base, CHUNK)], ci_v)
            pltpu.async_copy(p_hbm.at[ri_v], pr_v, sem).wait()
            pltpu.async_copy(q_hbm.at[ci_v], qr_v, sem).wait()

            def edge_body(e, _):
                for j in range(H // 16):
                    g_v[e, pl.ds(j * 16, 16)] = (
                        pr_v[e, pl.ds(j * 16, 16)]
                        + qr_v[e, pl.ds(j * 16, 16)])
                return 0
            lax.fori_loop(0, CHUNK, edge_body, 0)
            pltpu.sync_copy(g_v, g_out.at[pl.ds(base, CHUNK)])
        return 0
    lax.fori_loop(0, EL_ROUNDS, round_body, 0)


_dec_gather = pl.kernel(
    _dec_gather_body,
    out_type=jax.ShapeDtypeStruct((EL, H), jnp.float32),
    mesh=_mesh,
    scratch_types=[
        pltpu.VMEM((CHUNK,), jnp.int32),
        pltpu.VMEM((CHUNK,), jnp.int32),
        pltpu.VMEM((CHUNK, H), jnp.float32),
        pltpu.VMEM((CHUNK, H), jnp.float32),
        pltpu.VMEM((CHUNK, H), jnp.float32),
        pltpu.SemaphoreType.DMA,
    ],
)



_RB = 2000


def _tc_layer_body(relu, s_ref, dg_ref, z_ref, bl_ref, wl_ref, wr_ref,
                   zo_ref):
    deg = dg_ref[0, :, 0:1] + dg_ref[1, :, 0:1]
    agg = (s_ref[0] + s_ref[1]) / jnp.maximum(deg, 1.0)
    v = (jnp.dot(agg, wl_ref[...], preferred_element_type=jnp.float32)
         + bl_ref[...]
         + jnp.dot(z_ref[...], wr_ref[...], preferred_element_type=jnp.float32))
    if relu:
        v = jnp.maximum(v, 0.0)
    zo_ref[...] = v


def _make_tc_layer(relu):
    return pl.pallas_call(
        functools.partial(_tc_layer_body, relu),
        grid=(N // _RB,),
        in_specs=[
            pl.BlockSpec((NC, _RB, H), lambda i: (0, i, 0)),
            pl.BlockSpec((NC, _RB, H), lambda i: (0, i, 0)),
            pl.BlockSpec((_RB, H), lambda i: (i, 0)),
            pl.BlockSpec((H,), lambda i: (0,)),
            pl.BlockSpec((H, H), lambda i: (0, 0)),
            pl.BlockSpec((H, H), lambda i: (0, 0)),
        ],
        out_specs=pl.BlockSpec((_RB, H), lambda i: (i, 0)),
        out_shape=jax.ShapeDtypeStruct((N, H), jnp.float32),
    )


_tc_layer_relu = _make_tc_layer(True)


def _tc_last_body(s_ref, dg_ref, z_ref, bl_ref, wl_ref, wr_ref,
                  wa_ref, wb_ref, bd1_ref, p_ref, q_ref):
    deg = dg_ref[0, :, 0:1] + dg_ref[1, :, 0:1]
    agg = (s_ref[0] + s_ref[1]) / jnp.maximum(deg, 1.0)
    z5 = (jnp.dot(agg, wl_ref[...], preferred_element_type=jnp.float32)
          + bl_ref[...]
          + jnp.dot(z_ref[...], wr_ref[...], preferred_element_type=jnp.float32))
    p_ref[...] = (jnp.dot(z5, wa_ref[...], preferred_element_type=jnp.float32)
                  + bd1_ref[...])
    q_ref[...] = jnp.dot(z5, wb_ref[...], preferred_element_type=jnp.float32)


_tc_last = pl.pallas_call(
    _tc_last_body,
    grid=(N // _RB,),
    in_specs=[
        pl.BlockSpec((NC, _RB, H), lambda i: (0, i, 0)),
        pl.BlockSpec((NC, _RB, H), lambda i: (0, i, 0)),
        pl.BlockSpec((_RB, H), lambda i: (i, 0)),
        pl.BlockSpec((H,), lambda i: (0,)),
        pl.BlockSpec((H, H), lambda i: (0, 0)),
        pl.BlockSpec((H, H), lambda i: (0, 0)),
        pl.BlockSpec((H, H), lambda i: (0, 0)),
        pl.BlockSpec((H, H), lambda i: (0, 0)),
        pl.BlockSpec((H,), lambda i: (0,)),
    ],
    out_specs=[
        pl.BlockSpec((_RB, H), lambda i: (i, 0)),
        pl.BlockSpec((_RB, H), lambda i: (i, 0)),
    ],
    out_shape=[
        jax.ShapeDtypeStruct((N, H), jnp.float32),
        jax.ShapeDtypeStruct((N, H), jnp.float32),
    ],
)


_DB = 8


def _tc_dec_body(g_ref, w2_ref, b2_ref, o_ref):
    h = jnp.maximum(g_ref[...], 0.0)
    o_ref[...] = jnp.sum(h * w2_ref[...], axis=-1) + b2_ref[...]


_tc_dec = pl.pallas_call(
    _tc_dec_body,
    grid=(10,),
    in_specs=[
        pl.BlockSpec((_DB, 1250, H), lambda i: (i, 0, 0)),
        pl.BlockSpec((H,), lambda i: (0,)),
        pl.BlockSpec((_DB, 1250), lambda i: (i, 0)),
    ],
    out_specs=pl.BlockSpec((_DB, 1250), lambda i: (i, 0)),
    out_shape=jax.ShapeDtypeStruct((10 * _DB, 1250), jnp.float32),
)


def kernel(x, edge_index, edge_label_index,
           Wl1, bl1, Wr1, Wl2, bl2, Wr2, Wl3, bl3, Wr3, Wl4, bl4, Wr4,
           Wd1, bd1, Wd2, bd2):
    src = edge_index[0]
    dst = edge_index[1]
    row = edge_label_index[0]
    col = edge_label_index[1]

    dg = _deg(dst)
    s = _agg(x, src, dst)
    z = _tc_layer_relu(s, dg, x, bl1, Wl1, Wr1)
    s = _agg(z, src, dst)
    z = _tc_layer_relu(s, dg, z, bl2, Wl2, Wr2)
    s = _agg(z, src, dst)
    z = _tc_layer_relu(s, dg, z, bl3, Wl3, Wr3)
    s = _agg(z, src, dst)
    p, q = _tc_last(s, dg, z, bl4, Wl4, Wr4, Wd1[:H], Wd1[H:], bd1)

    g = _dec_gather(p, q, row, col)
    g3 = g.reshape(10 * _DB, 1250, H)
    b2 = jnp.broadcast_to(bd2, (10 * _DB, 1250))
    o2 = _tc_dec(g3, Wd2[:, 0], b2)
    return o2.reshape(-1)

# --- scband reference (transcript-rebuilt; emitter-appended) ---
"""Pipeline reference for scband-model-7361573945762 (READ-ONLY COPY).

The authoritative reference and input builder live on the scoring server;
editing this copy changes nothing except your own understanding.
"""

import jax, jax.numpy as jnp
import numpy as np

N = 10000
E = 320000
EL = 100000
H = 128


def setup_inputs(seed: int = 0) -> dict:
    key = jax.random.key(seed)
    ks = jax.random.split(key, 20)
    s = 1.0 / np.sqrt(H)
    inp = {}
    inp['x'] = jax.random.normal(ks[0], (N, H), dtype=jnp.float32)
    inp['edge_index'] = jax.random.randint(ks[1], (2, E), 0, N, dtype=jnp.int32)
    inp['edge_label_index'] = jax.random.randint(ks[2], (2, EL), 0, N, dtype=jnp.int32)
    # SAGEConv params: lin_l (with bias) applied to mean-aggregated neighbors,
    # lin_r (no bias) applied to root features. 4 layers, all H->H.
    k = 3
    for i in range(1, 5):
        inp['Wl%d' % i] = jax.random.normal(ks[k], (H, H), dtype=jnp.float32) * s; k += 1
        inp['bl%d' % i] = jnp.zeros((H,), dtype=jnp.float32)
        inp['Wr%d' % i] = jax.random.normal(ks[k], (H, H), dtype=jnp.float32) * s; k += 1
    # EdgeDecoder params
    inp['Wd1'] = jax.random.normal(ks[k], (2 * H, H), dtype=jnp.float32) * (1.0 / np.sqrt(2 * H)); k += 1
    inp['bd1'] = jnp.zeros((H,), dtype=jnp.float32)
    inp['Wd2'] = jax.random.normal(ks[k], (H, 1), dtype=jnp.float32) * s; k += 1
    inp['bd2'] = jnp.zeros((1,), dtype=jnp.float32)
    return inp


def _sage_conv(x, src, dst, Wl, bl, Wr):
    # PyG SAGEConv, aggr='mean': out = lin_l(mean_{j in N(i)} x_j) + lin_r(x_i)
    msg = x[src]
    agg = jax.ops.segment_sum(msg, dst, num_segments=N)
    deg = jax.ops.segment_sum(jnp.ones((src.shape[0],), jnp.float32), dst, num_segments=N)
    agg = agg / jnp.clip(deg, 1.0, None)[:, None]
    return agg @ Wl + bl + x @ Wr


def reference(x, edge_index, edge_label_index,
              Wl1, bl1, Wr1, Wl2, bl2, Wr2, Wl3, bl3, Wr3, Wl4, bl4, Wr4,
              Wd1, bd1, Wd2, bd2):
    src, dst = edge_index[0], edge_index[1]
    # GNNEncoder (to_hetero with single 'author' node type, aggr='sum' is identity here)
    z = jax.nn.relu(_sage_conv(x, src, dst, Wl1, bl1, Wr1))
    z = jax.nn.relu(_sage_conv(z, src, dst, Wl2, bl2, Wr2))
    z = jax.nn.relu(_sage_conv(z, src, dst, Wl3, bl3, Wr3))
    z = _sage_conv(z, src, dst, Wl4, bl4, Wr4)
    # EdgeDecoder
    row, col = edge_label_index[0], edge_label_index[1]
    h = jnp.concatenate([z[row], z[col]], axis=-1)
    h = jax.nn.relu(h @ Wd1 + bd1)
    out = h @ Wd2 + bd2
    return out.reshape(-1)

if __name__ == "__main__":
    import jax
    _d = setup_inputs()
    print(jax.jit(kernel)(*tuple(_d.values())))

</pallas_src>

<mosaic_0001>
#map = affine_map<(d0, d1) -> (0, 0)>
#map1 = affine_map<(d0, d1) -> (0)>
#map2 = affine_map<(d0, d1) -> (0, 0, 0)>
module attributes {stable_mosaic.version = 14 : i64} {
  func.func @_agg_kernel_body(%arg0: i32, %arg1: i32, %arg2: memref<10000x128xf32, #tpu.memory_space<hbm>>, %arg3: memref<320000xi32, #tpu.memory_space<hbm>>, %arg4: memref<320000xi32, #tpu.memory_space<hbm>>, %arg5: memref<2x10240x128xf32, #tpu.memory_space<hbm>>, %arg6: memref<80xi32, #tpu.memory_space<vmem>>, %arg7: memref<80xi32, #tpu.memory_space<vmem>>, %arg8: memref<80x128xf32, #tpu.memory_space<vmem>>, %arg9: memref<128x128xf32, #tpu.memory_space<vmem>>, %arg10: memref<!tpu.dma_semaphore, #tpu.memory_space<semaphore_mem>>, %arg11: memref<10240x128xf32, #tpu.memory_space<vmem_shared>>) attributes {dimension_semantics = [#tpu.dimension_semantics<core_parallel>, #tpu.dimension_semantics<subcore_parallel>], iteration_bounds = array<i64: 2, 16>, scalar_prefetch = 0 : i64, scratch_operands = 6 : i64, tpu.core_type = #tpu.core_type<sc_vector_subcore>, window_params = [{transform_indices = #map}, {transform_indices = #map1}, {transform_indices = #map1}, {transform_indices = #map2}]} {
    %mul3A = arith.constant 2 : i32
    %mul3A_0 = arith.muli %arg1, %mul3A : i32
    %add3A = arith.addi %mul3A_0, %arg0 : i32
    %scan3A = arith.constant 0 : i32
    %scan3A_1 = arith.constant 0 : i32
    %scan3A_2 = arith.constant 128 : i32
    %scan3A_3 = arith.addi %scan3A_1, %scan3A_2 : i32
    %scan3A_4 = arith.constant 1 : i32
    %scan3A_5 = scf.for %scan3A_55 = %scan3A_1 to %scan3A_3 step %scan3A_4 iter_args(%scan3A_56 = %scan3A) -> (i32)  : i32 {
      %broadcast_in_dim3A = arith.constant 0.000000e+00 : f32
      %broadcast_in_dim3A_57 = vector.broadcast %broadcast_in_dim3A : f32 to vector<16xf32>
      %swap3A = arith.index_cast %scan3A_55 : i32 to index
      %swap3A_58 = arith.constant 0 : index
      %swap3A_59 = tpu.vector_load %arg9[%swap3A, %swap3A_58] {strides = array<i32>} : memref<128x128xf32, #tpu.memory_space<vmem>>, vector<1x16xf32>,
      %swap3A_60 = vector.shape_cast %swap3A_59 : vector<1x16xf32> to vector<16xf32>
      %swap3A_61 = vector.shape_cast %broadcast_in_dim3A_57 : vector<16xf32> to vector<1x16xf32>
      tpu.vector_store %arg9[%swap3A, %swap3A_58], %swap3A_61 {strides = array<i32>} : memref<128x128xf32, #tpu.memory_space<vmem>>, vector<1x16xf32>,
      %broadcast_in_dim3A_62 = arith.constant 0.000000e+00 : f32
      %broadcast_in_dim3A_63 = vector.broadcast %broadcast_in_dim3A_62 : f32 to vector<16xf32>
      %swap3A_64 = arith.index_cast %scan3A_55 : i32 to index
      %swap3A_65 = arith.constant 16 : index
      %swap3A_66 = tpu.vector_load %arg9[%swap3A_64, %swap3A_65] {strides = array<i32>} : memref<128x128xf32, #tpu.memory_space<vmem>>, vector<1x16xf32>,
      %swap3A_67 = vector.shape_cast %swap3A_66 : vector<1x16xf32> to vector<16xf32>
      %swap3A_68 = vector.shape_cast %broadcast_in_dim3A_63 : vector<16xf32> to vector<1x16xf32>
      tpu.vector_store %arg9[%swap3A_64, %swap3A_65], %swap3A_68 {strides = array<i32>} : memref<128x128xf32, #tpu.memory_space<vmem>>, vector<1x16xf32>,
      %broadcast_in_dim3A_69 = arith.constant 0.000000e+00 : f32
      %broadcast_in_dim3A_70 = vector.broadcast %broadcast_in_dim3A_69 : f32 to vector<16xf32>
      %swap3A_71 = arith.index_cast %scan3A_55 : i32 to index
      %swap3A_72 = arith.constant 32 : index
      %swap3A_73 = tpu.vector_load %arg9[%swap3A_71, %swap3A_72] {strides = array<i32>} : memref<128x128xf32, #tpu.memory_space<vmem>>, vector<1x16xf32>,
      %swap3A_74 = vector.shape_cast %swap3A_73 : vector<1x16xf32> to vector<16xf32>
      %swap3A_75 = vector.shape_cast %broadcast_in_dim3A_70 : vector<16xf32> to vector<1x16xf32>
      tpu.vector_store %arg9[%swap3A_71, %swap3A_72], %swap3A_75 {strides = array<i32>} : memref<128x128xf32, #tpu.memory_space<vmem>>, vector<1x16xf32>,
      %broadcast_in_dim3A_76 = arith.constant 0.000000e+00 : f32
      %broadcast_in_dim3A_77 = vector.broadcast %broadcast_in_dim3A_76 : f32 to vector<16xf32>
      %swap3A_78 = arith.index_cast %scan3A_55 : i32 to index
      %swap3A_79 = arith.constant 48 : index
      %swap3A_80 = tpu.vector_load %arg9[%swap3A_78, %swap3A_79] {strides = array<i32>} : memref<128x128xf32, #tpu.memory_space<vmem>>, vector<1x16xf32>,
      %swap3A_81 = vector.shape_cast %swap3A_80 : vector<1x16xf32> to vector<16xf32>
      %swap3A_82 = vector.shape_cast %broadcast_in_dim3A_77 : vector<16xf32> to vector<1x16xf32>
      tpu.vector_store %arg9[%swap3A_78, %swap3A_79], %swap3A_82 {strides = array<i32>} : memref<128x128xf32, #tpu.memory_space<vmem>>, vector<1x16xf32>,
      %broadcast_in_dim3A_83 = arith.constant 0.000000e+00 : f32
      %broadcast_in_dim3A_84 = vector.broadcast %broadcast_in_dim3A_83 : f32 to vector<16xf32>
      %swap3A_85 = arith.index_cast %scan3A_55 : i32 to index
      %swap3A_86 = arith.constant 64 : index
      %swap3A_87 = tpu.vector_load %arg9[%swap3A_85, %swap3A_86] {strides = array<i32>} : memref<128x128xf32, #tpu.memory_space<vmem>>, vector<1x16xf32>,
      %swap3A_88 = vector.shape_cast %swap3A_87 : vector<1x16xf32> to vector<16xf32>
      %swap3A_89 = vector.shape_cast %broadcast_in_dim3A_84 : vector<16xf32> to vector<1x16xf32>
      tpu.vector_store %arg9[%swap3A_85, %swap3A_86], %swap3A_89 {strides = array<i32>} : memref<128x128xf32, #tpu.memory_space<vmem>>, vector<1x16xf32>,
      %broadcast_in_dim3A_90 = arith.constant 0.000000e+00 : f32
      %broadcast_in_dim3A_91 = vector.broadcast %broadcast_in_dim3A_90 : f32 to vector<16xf32>
      %swap3A_92 = arith.index_cast %scan3A_55 : i32 to index
      %swap3A_93 = arith.constant 80 : index
      %swap3A_94 = tpu.vector_load %arg9[%swap3A_92, %swap3A_93] {strides = array<i32>} : memref<128x128xf32, #tpu.memory_space<vmem>>, vector<1x16xf32>,
      %swap3A_95 = vector.shape_cast %swap3A_94 : vector<1x16xf32> to vector<16xf32>
      %swap3A_96 = vector.shape_cast %broadcast_in_dim3A_91 : vector<16xf32> to vector<1x16xf32>
      tpu.vector_store %arg9[%swap3A_92, %swap3A_93], %swap3A_96 {strides = array<i32>} : memref<128x128xf32, #tpu.memory_space<vmem>>, vector<1x16xf32>,
      %broadcast_in_dim3A_97 = arith.constant 0.000000e+00 : f32
      %broadcast_in_dim3A_98 = vector.broadcast %broadcast_in_dim3A_97 : f32 to vector<16xf32>
      %swap3A_99 = arith.index_cast %scan3A_55 : i32 to index
      %swap3A_100 = arith.constant 96 : index
      %swap3A_101 = tpu.vector_load %arg9[%swap3A_99, %swap3A_100] {strides = array<i32>} : memref<128x128xf32, #tpu.memory_space<vmem>>, vector<1x16xf32>,
      %swap3A_102 = vector.shape_cast %swap3A_101 : vector<1x16xf32> to vector<16xf32>
      %swap3A_103 = vector.shape_cast %broadcast_in_dim3A_98 : vector<16xf32> to vector<1x16xf32>
      tpu.vector_store %arg9[%swap3A_99, %swap3A_100], %swap3A_103 {strides = array<i32>} : memref<128x128xf32, #tpu.memory_space<vmem>>, vector<1x16xf32>,
      %broadcast_in_dim3A_104 = arith.constant 0.000000e+00 : f32
      %broadcast_in_dim3A_105 = vector.broadcast %broadcast_in_dim3A_104 : f32 to vector<16xf32>
      %swap3A_106 = arith.index_cast %scan3A_55 : i32 to index
      %swap3A_107 = arith.constant 112 : index
      %swap3A_108 = tpu.vector_load %arg9[%swap3A_106, %swap3A_107] {strides = array<i32>} : memref<128x128xf32, #tpu.memory_space<vmem>>, vector<1x16xf32>,
      %swap3A_109 = vector.shape_cast %swap3A_108 : vector<1x16xf32> to vector<16xf32>
      %swap3A_110 = vector.shape_cast %broadcast_in_dim3A_105 : vector<16xf32> to vector<1x16xf32>
      tpu.vector_store %arg9[%swap3A_106, %swap3A_107], %swap3A_110 {strides = array<i32>} : memref<128x128xf32, #tpu.memory_space<vmem>>, vector<1x16xf32>,
      %scan3A_111 = arith.constant 0 : i32
      scf.yield %scan3A_111 : i32
    }
    %scan3A_6 = arith.constant 128 : i32
    %mul3A_7 = arith.constant 640 : i32
    %mul3A_8 = arith.muli %arg1, %mul3A_7 : i32
    %add3A_9 = arith.constant 0 : i32
    %add3A_10 = arith.addi %mul3A_8, %add3A_9 : i32
    "tpu.region"() ({
      %run_scoped3A = tpu.sem_alloc : memref<!tpu.dma_semaphore, #tpu.memory_space<semaphore_mem>>
      %dma_start3A = arith.constant 0 : i32
      %dma_start3A_55 = tpu.memref_slice %arg11[%add3A_10, %dma_start3A] : memref<10240x128xf32, #tpu.memory_space<vmem_shared>> -> memref<128x128xf32, #tpu.memory_space<vmem_shared>>
      %dma_start3A_56 = arith.constant 0 : i32
      %dma_start3A_57 = tpu.memref_slice %arg11[%add3A_10, %dma_start3A_56] : memref<10240x128xf32, #tpu.memory_space<vmem_shared>> -> memref<128x128xf32, #tpu.memory_space<vmem_shared>>
      tpu.enqueue_dma source(%arg9 : memref<128x128xf32, #tpu.memory_space<vmem>>) target(%dma_start3A_57 : memref<128x128xf32, #tpu.memory_space<vmem_shared>>) target_semaphore(%run_scoped3A : memref<!tpu.dma_semaphore, #tpu.memory_space<semaphore_mem>>)
      %dma_wait3A = arith.constant 0 : i32
      %dma_wait3A_58 = tpu.memref_slice %arg11[%add3A_10, %dma_wait3A] : memref<10240x128xf32, #tpu.memory_space<vmem_shared>> -> memref<128x128xf32, #tpu.memory_space<vmem_shared>>
      %dma_wait3A_59 = arith.constant 0 : i32
      %dma_wait3A_60 = tpu.memref_slice %arg11[%add3A_10, %dma_wait3A_59] : memref<10240x128xf32, #tpu.memory_space<vmem_shared>> -> memref<128x128xf32, #tpu.memory_space<vmem_shared>>
      tpu.wait_dma2 semaphore(%run_scoped3A : memref<!tpu.dma_semaphore, #tpu.memory_space<semaphore_mem>>) src(%arg9 : memref<128x128xf32, #tpu.memory_space<vmem>>) dst(%dma_wait3A_60 : memref<128x128xf32, #tpu.memory_space<vmem_shared>>)
      tpu.yield
    }) : () -> ()
    %mul3A_11 = arith.constant 640 : i32
    %mul3A_12 = arith.muli %arg1, %mul3A_11 : i32
    %add3A_13 = arith.constant 128 : i32
    %add3A_14 = arith.addi %mul3A_12, %add3A_13 : i32
    "tpu.region"() ({
      %run_scoped3A = tpu.sem_alloc : memref<!tpu.dma_semaphore, #tpu.memory_space<semaphore_mem>>
      %dma_start3A = arith.constant 0 : i32
      %dma_start3A_55 = tpu.memref_slice %arg11[%add3A_14, %dma_start3A] : memref<10240x128xf32, #tpu.memory_space<vmem_shared>> -> memref<128x128xf32, #tpu.memory_space<vmem_shared>>
      %dma_start3A_56 = arith.constant 0 : i32
      %dma_start3A_57 = tpu.memref_slice %arg11[%add3A_14, %dma_start3A_56] : memref<10240x128xf32, #tpu.memory_space<vmem_shared>> -> memref<128x128xf32, #tpu.memory_space<vmem_shared>>
      tpu.enqueue_dma source(%arg9 : memref<128x128xf32, #tpu.memory_space<vmem>>) target(%dma_start3A_57 : memref<128x128xf32, #tpu.memory_space<vmem_shared>>) target_semaphore(%run_scoped3A : memref<!tpu.dma_semaphore, #tpu.memory_space<semaphore_mem>>)
      %dma_wait3A = arith.constant 0 : i32
      %dma_wait3A_58 = tpu.memref_slice %arg11[%add3A_14, %dma_wait3A] : memref<10240x128xf32, #tpu.memory_space<vmem_shared>> -> memref<128x128xf32, #tpu.memory_space<vmem_shared>>
      %dma_wait3A_59 = arith.constant 0 : i32
      %dma_wait3A_60 = tpu.memref_slice %arg11[%add3A_14, %dma_wait3A_59] : memref<10240x128xf32, #tpu.memory_space<vmem_shared>> -> memref<128x128xf32, #tpu.memory_space<vmem_shared>>
      tpu.wait_dma2 semaphore(%run_scoped3A : memref<!tpu.dma_semaphore, #tpu.memory_space<semaphore_mem>>) src(%arg9 : memref<128x128xf32, #tpu.memory_space<vmem>>) dst(%dma_wait3A_60 : memref<128x128xf32, #tpu.memory_space<vmem_shared>>)
      tpu.yield
    }) : () -> ()
    %mul3A_15 = arith.constant 640 : i32
    %mul3A_16 = arith.muli %arg1, %mul3A_15 : i32
    %add3A_17 = arith.constant 256 : i32
    %add3A_18 = arith.addi %mul3A_16, %add3A_17 : i32
    "tpu.region"() ({
      %run_scoped3A = tpu.sem_alloc : memref<!tpu.dma_semaphore, #tpu.memory_space<semaphore_mem>>
      %dma_start3A = arith.constant 0 : i32
      %dma_start3A_55 = tpu.memref_slice %arg11[%add3A_18, %dma_start3A] : memref<10240x128xf32, #tpu.memory_space<vmem_shared>> -> memref<128x128xf32, #tpu.memory_space<vmem_shared>>
      %dma_start3A_56 = arith.constant 0 : i32
      %dma_start3A_57 = tpu.memref_slice %arg11[%add3A_18, %dma_start3A_56] : memref<10240x128xf32, #tpu.memory_space<vmem_shared>> -> memref<128x128xf32, #tpu.memory_space<vmem_shared>>
      tpu.enqueue_dma source(%arg9 : memref<128x128xf32, #tpu.memory_space<vmem>>) target(%dma_start3A_57 : memref<128x128xf32, #tpu.memory_space<vmem_shared>>) target_semaphore(%run_scoped3A : memref<!tpu.dma_semaphore, #tpu.memory_space<semaphore_mem>>)
      %dma_wait3A = arith.constant 0 : i32
      %dma_wait3A_58 = tpu.memref_slice %arg11[%add3A_18, %dma_wait3A] : memref<10240x128xf32, #tpu.memory_space<vmem_shared>> -> memref<128x128xf32, #tpu.memory_space<vmem_shared>>
      %dma_wait3A_59 = arith.constant 0 : i32
      %dma_wait3A_60 = tpu.memref_slice %arg11[%add3A_18, %dma_wait3A_59] : memref<10240x128xf32, #tpu.memory_space<vmem_shared>> -> memref<128x128xf32, #tpu.memory_space<vmem_shared>>
      tpu.wait_dma2 semaphore(%run_scoped3A : memref<!tpu.dma_semaphore, #tpu.memory_space<semaphore_mem>>) src(%arg9 : memref<128x128xf32, #tpu.memory_space<vmem>>) dst(%dma_wait3A_60 : memref<128x128xf32, #tpu.memory_space<vmem_shared>>)
      tpu.yield
    }) : () -> ()
    %mul3A_19 = arith.constant 640 : i32
    %mul3A_20 = arith.muli %arg1, %mul3A_19 : i32
    %add3A_21 = arith.constant 384 : i32
    %add3A_22 = arith.addi %mul3A_20, %add3A_21 : i32
    "tpu.region"() ({
      %run_scoped3A = tpu.sem_alloc : memref<!tpu.dma_semaphore, #tpu.memory_space<semaphore_mem>>
      %dma_start3A = arith.constant 0 : i32
      %dma_start3A_55 = tpu.memref_slice %arg11[%add3A_22, %dma_start3A] : memref<10240x128xf32, #tpu.memory_space<vmem_shared>> -> memref<128x128xf32, #tpu.memory_space<vmem_shared>>
      %dma_start3A_56 = arith.constant 0 : i32
      %dma_start3A_57 = tpu.memref_slice %arg11[%add3A_22, %dma_start3A_56] : memref<10240x128xf32, #tpu.memory_space<vmem_shared>> -> memref<128x128xf32, #tpu.memory_space<vmem_shared>>
      tpu.enqueue_dma source(%arg9 : memref<128x128xf32, #tpu.memory_space<vmem>>) target(%dma_start3A_57 : memref<128x128xf32, #tpu.memory_space<vmem_shared>>) target_semaphore(%run_scoped3A : memref<!tpu.dma_semaphore, #tpu.memory_space<semaphore_mem>>)
      %dma_wait3A = arith.constant 0 : i32
      %dma_wait3A_58 = tpu.memref_slice %arg11[%add3A_22, %dma_wait3A] : memref<10240x128xf32, #tpu.memory_space<vmem_shared>> -> memref<128x128xf32, #tpu.memory_space<vmem_shared>>
      %dma_wait3A_59 = arith.constant 0 : i32
      %dma_wait3A_60 = tpu.memref_slice %arg11[%add3A_22, %dma_wait3A_59] : memref<10240x128xf32, #tpu.memory_space<vmem_shared>> -> memref<128x128xf32, #tpu.memory_space<vmem_shared>>
      tpu.wait_dma2 semaphore(%run_scoped3A : memref<!tpu.dma_semaphore, #tpu.memory_space<semaphore_mem>>) src(%arg9 : memref<128x128xf32, #tpu.memory_space<vmem>>) dst(%dma_wait3A_60 : memref<128x128xf32, #tpu.memory_space<vmem_shared>>)
      tpu.yield
    }) : () -> ()
    %mul3A_23 = arith.constant 640 : i32
    %mul3A_24 = arith.muli %arg1, %mul3A_23 : i32
    %add3A_25 = arith.constant 512 : i32
    %add3A_26 = arith.addi %mul3A_24, %add3A_25 : i32
    "tpu.region"() ({
      %run_scoped3A = tpu.sem_alloc : memref<!tpu.dma_semaphore, #tpu.memory_space<semaphore_mem>>
      %dma_start3A = arith.constant 0 : i32
      %dma_start3A_55 = tpu.memref_slice %arg11[%add3A_26, %dma_start3A] : memref<10240x128xf32, #tpu.memory_space<vmem_shared>> -> memref<128x128xf32, #tpu.memory_space<vmem_shared>>
      %dma_start3A_56 = arith.constant 0 : i32
      %dma_start3A_57 = tpu.memref_slice %arg11[%add3A_26, %dma_start3A_56] : memref<10240x128xf32, #tpu.memory_space<vmem_shared>> -> memref<128x128xf32, #tpu.memory_space<vmem_shared>>
      tpu.enqueue_dma source(%arg9 : memref<128x128xf32, #tpu.memory_space<vmem>>) target(%dma_start3A_57 : memref<128x128xf32, #tpu.memory_space<vmem_shared>>) target_semaphore(%run_scoped3A : memref<!tpu.dma_semaphore, #tpu.memory_space<semaphore_mem>>)
      %dma_wait3A = arith.constant 0 : i32
      %dma_wait3A_58 = tpu.memref_slice %arg11[%add3A_26, %dma_wait3A] : memref<10240x128xf32, #tpu.memory_space<vmem_shared>> -> memref<128x128xf32, #tpu.memory_space<vmem_shared>>
      %dma_wait3A_59 = arith.constant 0 : i32
      %dma_wait3A_60 = tpu.memref_slice %arg11[%add3A_26, %dma_wait3A_59] : memref<10240x128xf32, #tpu.memory_space<vmem_shared>> -> memref<128x128xf32, #tpu.memory_space<vmem_shared>>
      tpu.wait_dma2 semaphore(%run_scoped3A : memref<!tpu.dma_semaphore, #tpu.memory_space<semaphore_mem>>) src(%arg9 : memref<128x128xf32, #tpu.memory_space<vmem>>) dst(%dma_wait3A_60 : memref<128x128xf32, #tpu.memory_space<vmem_shared>>)
      tpu.yield
    }) : () -> ()
    %barrier3A = arith.constant 0 : index
    tpu.barrier barrier_id(%barrier3A)
    %scan3A_27 = arith.constant 0 : i32
    %scan3A_28 = arith.constant 0 : i32
    %scan3A_29 = arith.constant 125 : i32
    %scan3A_30 = arith.addi %scan3A_28, %scan3A_29 : i32
    %scan3A_31 = arith.constant 1 : i32
    %scan3A_32 = scf.for %scan3A_55 = %scan3A_28 to %scan3A_30 step %scan3A_31 iter_args(%scan3A_56 = %scan3A_27) -> (i32)  : i32 {
      %mul3A_57 = arith.constant 10000 : i32
      %mul3A_58 = arith.muli %add3A, %mul3A_57 : i32
      %mul3A_59 = arith.constant 80 : i32
      %mul3A_60 = arith.muli %scan3A_55, %mul3A_59 : i32
      %add3A_61 = arith.addi %mul3A_58, %mul3A_60 : i32
      "tpu.region"() ({
        %run_scoped3A = tpu.sem_alloc : memref<!tpu.dma_semaphore, #tpu.memory_space<semaphore_mem>>
        %dma_start3A_67 = tpu.memref_slice %arg3[%add3A_61] : memref<320000xi32, #tpu.memory_space<hbm>> -> memref<80xi32, #tpu.memory_space<hbm>>
        %dma_start3A_68 = tpu.memref_slice %arg3[%add3A_61] : memref<320000xi32, #tpu.memory_space<hbm>> -> memref<80xi32, #tpu.memory_space<hbm>>
        tpu.enqueue_dma source(%dma_start3A_68 : memref<80xi32, #tpu.memory_space<hbm>>) target(%arg6 : memref<80xi32, #tpu.memory_space<vmem>>) target_semaphore(%run_scoped3A : memref<!tpu.dma_semaphore, #tpu.memory_space<semaphore_mem>>)
        %dma_wait3A_69 = tpu.memref_slice %arg3[%add3A_61] : memref<320000xi32, #tpu.memory_space<hbm>> -> memref<80xi32, #tpu.memory_space<hbm>>
        %dma_wait3A_70 = tpu.memref_slice %arg3[%add3A_61] : memref<320000xi32, #tpu.memory_space<hbm>> -> memref<80xi32, #tpu.memory_space<hbm>>
        tpu.wait_dma2 semaphore(%run_scoped3A : memref<!tpu.dma_semaphore, #tpu.memory_space<semaphore_mem>>) src(%dma_wait3A_70 : memref<80xi32, #tpu.memory_space<hbm>>) dst(%arg6 : memref<80xi32, #tpu.memory_space<vmem>>)
        tpu.yield
      }) : () -> ()
      "tpu.region"() ({
        %run_scoped3A = tpu.sem_alloc : memref<!tpu.dma_semaphore, #tpu.memory_space<semaphore_mem>>
        %dma_start3A_67 = tpu.memref_slice %arg4[%add3A_61] : memref<320000xi32, #tpu.memory_space<hbm>> -> memref<80xi32, #tpu.memory_space<hbm>>
        %dma_start3A_68 = tpu.memref_slice %arg4[%add3A_61] : memref<320000xi32, #tpu.memory_space<hbm>> -> memref<80xi32, #tpu.memory_space<hbm>>
        tpu.enqueue_dma source(%dma_start3A_68 : memref<80xi32, #tpu.memory_space<hbm>>) target(%arg7 : memref<80xi32, #tpu.memory_space<vmem>>) target_semaphore(%run_scoped3A : memref<!tpu.dma_semaphore, #tpu.memory_space<semaphore_mem>>)
        %dma_wait3A_69 = tpu.memref_slice %arg4[%add3A_61] : memref<320000xi32, #tpu.memory_space<hbm>> -> memref<80xi32, #tpu.memory_space<hbm>>
        %dma_wait3A_70 = tpu.memref_slice %arg4[%add3A_61] : memref<320000xi32, #tpu.memory_space<hbm>> -> memref<80xi32, #tpu.memory_space<hbm>>
        tpu.wait_dma2 semaphore(%run_scoped3A : memref<!tpu.dma_semaphore, #tpu.memory_space<semaphore_mem>>) src(%dma_wait3A_70 : memref<80xi32, #tpu.memory_space<hbm>>) dst(%arg7 : memref<80xi32, #tpu.memory_space<vmem>>)
        tpu.yield
      }) : () -> ()
      %dma_start3A = arith.constant 0 : i32
      %dma_start3A_62 = arith.constant 0 : i32
      %dma_start3A_63 = tpu.memref_slice %arg2[%dma_start3A, %dma_start3A_62] : memref<10000x128xf32, #tpu.memory_space<hbm>> -> memref<10000x128xf32, #tpu.memory_space<hbm>>
      tpu.enqueue_indirect_dma source(%dma_start3A_63 : memref<10000x128xf32, #tpu.memory_space<hbm>>) target(%arg8 : memref<80x128xf32, #tpu.memory_space<vmem>>) offsets(%arg6 : memref<80xi32, #tpu.memory_space<vmem>>) semaphore(%arg10 : memref<!tpu.dma_semaphore, #tpu.memory_space<semaphore_mem>>)
      %dma_wait3A = arith.constant 0 : i32
      %dma_wait3A_64 = arith.constant 0 : i32
      %dma_wait3A_65 = tpu.memref_slice %arg2[%dma_wait3A, %dma_wait3A_64] : memref<10000x128xf32, #tpu.memory_space<hbm>> -> memref<10000x128xf32, #tpu.memory_space<hbm>>
      tpu.wait_indirect_dma semaphore(%arg10 : memref<!tpu.dma_semaphore, #tpu.memory_space<semaphore_mem>>) src(%dma_wait3A_65 : memref<10000x128xf32, #tpu.memory_space<hbm>>) dst(%arg8 : memref<80x128xf32, #tpu.memory_space<vmem>>)
      "tpu.region"() ({
        %run_scoped3A = tpu.sem_alloc : memref<!tpu.dma_semaphore, #tpu.memory_space<semaphore_mem>>
        %dma_start3A_67 = arith.constant 0 : i32
        %dma_start3A_68 = arith.constant 0 : i32
        %dma_start3A_69 = tpu.memref_slice %arg11[%dma_start3A_67, %dma_start3A_68] : memref<10240x128xf32, #tpu.memory_space<vmem_shared>> -> memref<10240x128xf32, #tpu.memory_space<vmem_shared>>
        tpu.enqueue_indirect_dma source(%arg8 : memref<80x128xf32, #tpu.memory_space<vmem>>) target(%dma_start3A_69 : memref<10240x128xf32, #tpu.memory_space<vmem_shared>>) offsets(%arg7 : memref<80xi32, #tpu.memory_space<vmem>>) semaphore(%run_scoped3A : memref<!tpu.dma_semaphore, #tpu.memory_space<semaphore_mem>>) {add = true}
        %dma_wait3A_70 = arith.constant 0 : i32
        %dma_wait3A_71 = arith.constant 0 : i32
        %dma_wait3A_72 = tpu.memref_slice %arg11[%dma_wait3A_70, %dma_wait3A_71] : memref<10240x128xf32, #tpu.memory_space<vmem_shared>> -> memref<10240x128xf32, #tpu.memory_space<vmem_shared>>
        tpu.wait_indirect_dma semaphore(%run_scoped3A : memref<!tpu.dma_semaphore, #tpu.memory_space<semaphore_mem>>) src(%arg8 : memref<80x128xf32, #tpu.memory_space<vmem>>) dst(%dma_wait3A_72 : memref<10240x128xf32, #tpu.memory_space<vmem_shared>>)
        tpu.yield
      }) : () -> ()
      %scan3A_66 = arith.constant 0 : i32
      scf.yield %scan3A_66 : i32
    }
    %scan3A_33 = arith.constant 125 : i32
    %barrier3A_34 = arith.constant 0 : index
    tpu.barrier barrier_id(%barrier3A_34)
    %mul3A_35 = arith.constant 640 : i32
    %mul3A_36 = arith.muli %arg1, %mul3A_35 : i32
    %add3A_37 = arith.constant 0 : i32
    %add3A_38 = arith.addi %mul3A_36, %add3A_37 : i32
    "tpu.region"() ({
      %run_scoped3A = tpu.sem_alloc : memref<!tpu.dma_semaphore, #tpu.memory_space<semaphore_mem>>
      %dma_start3A = arith.constant 0 : i32
      %dma_start3A_55 = tpu.memref_slice %arg11[%add3A_38, %dma_start3A] : memref<10240x128xf32, #tpu.memory_space<vmem_shared>> -> memref<128x128xf32, #tpu.memory_space<vmem_shared>>
      %dma_start3A_56 = arith.constant 0 : i32
      %dma_start3A_57 = tpu.memref_slice %arg11[%add3A_38, %dma_start3A_56] : memref<10240x128xf32, #tpu.memory_space<vmem_shared>> -> memref<128x128xf32, #tpu.memory_space<vmem_shared>>
      tpu.enqueue_dma source(%dma_start3A_57 : memref<128x128xf32, #tpu.memory_space<vmem_shared>>) target(%arg9 : memref<128x128xf32, #tpu.memory_space<vmem>>) target_semaphore(%run_scoped3A : memref<!tpu.dma_semaphore, #tpu.memory_space<semaphore_mem>>)
      %dma_wait3A = arith.constant 0 : i32
      %dma_wait3A_58 = tpu.memref_slice %arg11[%add3A_38, %dma_wait3A] : memref<10240x128xf32, #tpu.memory_space<vmem_shared>> -> memref<128x128xf32, #tpu.memory_space<vmem_shared>>
      %dma_wait3A_59 = arith.constant 0 : i32
      %dma_wait3A_60 = tpu.memref_slice %arg11[%add3A_38, %dma_wait3A_59] : memref<10240x128xf32, #tpu.memory_space<vmem_shared>> -> memref<128x128xf32, #tpu.memory_space<vmem_shared>>
      tpu.wait_dma2 semaphore(%run_scoped3A : memref<!tpu.dma_semaphore, #tpu.memory_space<semaphore_mem>>) src(%dma_wait3A_60 : memref<128x128xf32, #tpu.memory_space<vmem_shared>>) dst(%arg9 : memref<128x128xf32, #tpu.memory_space<vmem>>)
      tpu.yield
    }) : () -> ()
    "tpu.region"() ({
      %run_scoped3A = tpu.sem_alloc : memref<!tpu.dma_semaphore, #tpu.memory_space<semaphore_mem>>
      %dma_start3A = arith.constant 0 : i32
      %dma_start3A_55 = arith.constant 0 : i32
      %dma_start3A_56 = tpu.memref_slice %arg5[%arg0, %dma_start3A, %dma_start3A_55] : memref<2x10240x128xf32, #tpu.memory_space<hbm>> -> memref<1x10240x128xf32, #tpu.memory_space<hbm>>
      %dma_start3A_57 = tpu.memref_squeeze %dma_start3A_56 : memref<1x10240x128xf32, #tpu.memory_space<hbm>> -> memref<10240x128xf32, #tpu.memory_space<hbm>>
      %dma_start3A_58 = arith.constant 0 : i32
      %dma_start3A_59 = tpu.memref_slice %dma_start3A_57[%add3A_38, %dma_start3A_58] : memref<10240x128xf32, #tpu.memory_space<hbm>> -> memref<128x128xf32, #tpu.memory_space<hbm>>
      %dma_start3A_60 = arith.constant 0 : i32
      %dma_start3A_61 = arith.constant 0 : i32
      %dma_start3A_62 = tpu.memref_slice %arg5[%arg0, %dma_start3A_60, %dma_start3A_61] : memref<2x10240x128xf32, #tpu.memory_space<hbm>> -> memref<1x10240x128xf32, #tpu.memory_space<hbm>>
      %dma_start3A_63 = tpu.memref_squeeze %dma_start3A_62 : memref<1x10240x128xf32, #tpu.memory_space<hbm>> -> memref<10240x128xf32, #tpu.memory_space<hbm>>
      %dma_start3A_64 = arith.constant 0 : i32
      %dma_start3A_65 = tpu.memref_slice %dma_start3A_63[%add3A_38, %dma_start3A_64] : memref<10240x128xf32, #tpu.memory_space<hbm>> -> memref<128x128xf32, #tpu.memory_space<hbm>>
      tpu.enqueue_dma source(%arg9 : memref<128x128xf32, #tpu.memory_space<vmem>>) target(%dma_start3A_65 : memref<128x128xf32, #tpu.memory_space<hbm>>) target_semaphore(%run_scoped3A : memref<!tpu.dma_semaphore, #tpu.memory_space<semaphore_mem>>)
      %dma_wait3A = arith.constant 0 : i32
      %dma_wait3A_66 = arith.constant 0 : i32
      %dma_wait3A_67 = tpu.memref_slice %arg5[%arg0, %dma_wait3A, %dma_wait3A_66] : memref<2x10240x128xf32, #tpu.memory_space<hbm>> -> memref<1x10240x128xf32, #tpu.memory_space<hbm>>
      %dma_wait3A_68 = tpu.memref_squeeze %dma_wait3A_67 : memref<1x10240x128xf32, #tpu.memory_space<hbm>> -> memref<10240x128xf32, #tpu.memory_space<hbm>>
      %dma_wait3A_69 = arith.constant 0 : i32
      %dma_wait3A_70 = tpu.memref_slice %dma_wait3A_68[%add3A_38, %dma_wait3A_69] : memref<10240x128xf32, #tpu.memory_space<hbm>> -> memref<128x128xf32, #tpu.memory_space<hbm>>
      %dma_wait3A_71 = arith.constant 0 : i32
      %dma_wait3A_72 = arith.constant 0 : i32
      %dma_wait3A_73 = tpu.memref_slice %arg5[%arg0, %dma_wait3A_71, %dma_wait3A_72] : memref<2x10240x128xf32, #tpu.memory_space<hbm>> -> memref<1x10240x128xf32, #tpu.memory_space<hbm>>
      %dma_wait3A_74 = tpu.memref_squeeze %dma_wait3A_73 : memref<1x10240x128xf32, #tpu.memory_space<hbm>> -> memref<10240x128xf32, #tpu.memory_space<hbm>>
      %dma_wait3A_75 = arith.constant 0 : i32
      %dma_wait3A_76 = tpu.memref_slice %dma_wait3A_74[%add3A_38, %dma_wait3A_75] : memref<10240x128xf32, #tpu.memory_space<hbm>> -> memref<128x128xf32, #tpu.memory_space<hbm>>
      tpu.wait_dma2 semaphore(%run_scoped3A : memref<!tpu.dma_semaphore, #tpu.memory_space<semaphore_mem>>) src(%arg9 : memref<128x128xf32, #tpu.memory_space<vmem>>) dst(%dma_wait3A_76 : memref<128x128xf32, #tpu.memory_space<hbm>>)
      tpu.yield
    }) : () -> ()
    %mul3A_39 = arith.constant 640 : i32
    %mul3A_40 = arith.muli %arg1, %mul3A_39 : i32
    %add3A_41 = arith.constant 128 : i32
    %add3A_42 = arith.addi %mul3A_40, %add3A_41 : i32
    "tpu.region"() ({
      %run_scoped3A = tpu.sem_alloc : memref<!tpu.dma_semaphore, #tpu.memory_space<semaphore_mem>>
      %dma_start3A = arith.constant 0 : i32
      %dma_start3A_55 = tpu.memref_slice %arg11[%add3A_42, %dma_start3A] : memref<10240x128xf32, #tpu.memory_space<vmem_shared>> -> memref<128x128xf32, #tpu.memory_space<vmem_shared>>
      %dma_start3A_56 = arith.constant 0 : i32
      %dma_start3A_57 = tpu.memref_slice %arg11[%add3A_42, %dma_start3A_56] : memref<10240x128xf32, #tpu.memory_space<vmem_shared>> -> memref<128x128xf32, #tpu.memory_space<vmem_shared>>
      tpu.enqueue_dma source(%dma_start3A_57 : memref<128x128xf32, #tpu.memory_space<vmem_shared>>) target(%arg9 : memref<128x128xf32, #tpu.memory_space<vmem>>) target_semaphore(%run_scoped3A : memref<!tpu.dma_semaphore, #tpu.memory_space<semaphore_mem>>)
      %dma_wait3A = arith.constant 0 : i32
      %dma_wait3A_58 = tpu.memref_slice %arg11[%add3A_42, %dma_wait3A] : memref<10240x128xf32, #tpu.memory_space<vmem_shared>> -> memref<128x128xf32, #tpu.memory_space<vmem_shared>>
      %dma_wait3A_59 = arith.constant 0 : i32
      %dma_wait3A_60 = tpu.memref_slice %arg11[%add3A_42, %dma_wait3A_59] : memref<10240x128xf32, #tpu.memory_space<vmem_shared>> -> memref<128x128xf32, #tpu.memory_space<vmem_shared>>
      tpu.wait_dma2 semaphore(%run_scoped3A : memref<!tpu.dma_semaphore, #tpu.memory_space<semaphore_mem>>) src(%dma_wait3A_60 : memref<128x128xf32, #tpu.memory_space<vmem_shared>>) dst(%arg9 : memref<128x128xf32, #tpu.memory_space<vmem>>)
      tpu.yield
    }) : () -> ()
    "tpu.region"() ({
      %run_scoped3A = tpu.sem_alloc : memref<!tpu.dma_semaphore, #tpu.memory_space<semaphore_mem>>
      %dma_start3A = arith.constant 0 : i32
      %dma_start3A_55 = arith.constant 0 : i32
      %dma_start3A_56 = tpu.memref_slice %arg5[%arg0, %dma_start3A, %dma_start3A_55] : memref<2x10240x128xf32, #tpu.memory_space<hbm>> -> memref<1x10240x128xf32, #tpu.memory_space<hbm>>
      %dma_start3A_57 = tpu.memref_squeeze %dma_start3A_56 : memref<1x10240x128xf32, #tpu.memory_space<hbm>> -> memref<10240x128xf32, #tpu.memory_space<hbm>>
      %dma_start3A_58 = arith.constant 0 : i32
      %dma_start3A_59 = tpu.memref_slice %dma_start3A_57[%add3A_42, %dma_start3A_58] : memref<10240x128xf32, #tpu.memory_space<hbm>> -> memref<128x128xf32, #tpu.memory_space<hbm>>
      %dma_start3A_60 = arith.constant 0 : i32
      %dma_start3A_61 = arith.constant 0 : i32
      %dma_start3A_62 = tpu.memref_slice %arg5[%arg0, %dma_start3A_60, %dma_start3A_61] : memref<2x10240x128xf32, #tpu.memory_space<hbm>> -> memref<1x10240x128xf32, #tpu.memory_space<hbm>>
      %dma_start3A_63 = tpu.memref_squeeze %dma_start3A_62 : memref<1x10240x128xf32, #tpu.memory_space<hbm>> -> memref<10240x128xf32, #tpu.memory_space<hbm>>
      %dma_start3A_64 = arith.constant 0 : i32
      %dma_start3A_65 = tpu.memref_slice %dma_start3A_63[%add3A_42, %dma_start3A_64] : memref<10240x128xf32, #tpu.memory_space<hbm>> -> memref<128x128xf32, #tpu.memory_space<hbm>>
      tpu.enqueue_dma source(%arg9 : memref<128x128xf32, #tpu.memory_space<vmem>>) target(%dma_start3A_65 : memref<128x128xf32, #tpu.memory_space<hbm>>) target_semaphore(%run_scoped3A : memref<!tpu.dma_semaphore, #tpu.memory_space<semaphore_mem>>)
      %dma_wait3A = arith.constant 0 : i32
      %dma_wait3A_66 = arith.constant 0 : i32
      %dma_wait3A_67 = tpu.memref_slice %arg5[%arg0, %dma_wait3A, %dma_wait3A_66] : memref<2x10240x128xf32, #tpu.memory_space<hbm>> -> memref<1x10240x128xf32, #tpu.memory_space<hbm>>
      %dma_wait3A_68 = tpu.memref_squeeze %dma_wait3A_67 : memref<1x10240x128xf32, #tpu.memory_space<hbm>> -> memref<10240x128xf32, #tpu.memory_space<hbm>>
      %dma_wait3A_69 = arith.constant 0 : i32
      %dma_wait3A_70 = tpu.memref_slice %dma_wait3A_68[%add3A_42, %dma_wait3A_69] : memref<10240x128xf32, #tpu.memory_space<hbm>> -> memref<128x128xf32, #tpu.memory_space<hbm>>
      %dma_wait3A_71 = arith.constant 0 : i32
      %dma_wait3A_72 = arith.constant 0 : i32
      %dma_wait3A_73 = tpu.memref_slice %arg5[%arg0, %dma_wait3A_71, %dma_wait3A_72] : memref<2x10240x128xf32, #tpu.memory_space<hbm>> -> memref<1x10240x128xf32, #tpu.memory_space<hbm>>
      %dma_wait3A_74 = tpu.memref_squeeze %dma_wait3A_73 : memref<1x10240x128xf32, #tpu.memory_space<hbm>> -> memref<10240x128xf32, #tpu.memory_space<hbm>>
      %dma_wait3A_75 = arith.constant 0 : i32
      %dma_wait3A_76 = tpu.memref_slice %dma_wait3A_74[%add3A_42, %dma_wait3A_75] : memref<10240x128xf32, #tpu.memory_space<hbm>> -> memref<128x128xf32, #tpu.memory_space<hbm>>
      tpu.wait_dma2 semaphore(%run_scoped3A : memref<!tpu.dma_semaphore, #tpu.memory_space<semaphore_mem>>) src(%arg9 : memref<128x128xf32, #tpu.memory_space<vmem>>) dst(%dma_wait3A_76 : memref<128x128xf32, #tpu.memory_space<hbm>>)
      tpu.yield
    }) : () -> ()
    %mul3A_43 = arith.constant 640 : i32
    %mul3A_44 = arith.muli %arg1, %mul3A_43 : i32
    %add3A_45 = arith.constant 256 : i32
    %add3A_46 = arith.addi %mul3A_44, %add3A_45 : i32
    "tpu.region"() ({
      %run_scoped3A = tpu.sem_alloc : memref<!tpu.dma_semaphore, #tpu.memory_space<semaphore_mem>>
      %dma_start3A = arith.constant 0 : i32
      %dma_start3A_55 = tpu.memref_slice %arg11[%add3A_46, %dma_start3A] : memref<10240x128xf32, #tpu.memory_space<vmem_shared>> -> memref<128x128xf32, #tpu.memory_space<vmem_shared>>
      %dma_start3A_56 = arith.constant 0 : i32
      %dma_start3A_57 = tpu.memref_slice %arg11[%add3A_46, %dma_start3A_56] : memref<10240x128xf32, #tpu.memory_space<vmem_shared>> -> memref<128x128xf32, #tpu.memory_space<vmem_shared>>
      tpu.enqueue_dma source(%dma_start3A_57 : memref<128x128xf32, #tpu.memory_space<vmem_shared>>) target(%arg9 : memref<128x128xf32, #tpu.memory_space<vmem>>) target_semaphore(%run_scoped3A : memref<!tpu.dma_semaphore, #tpu.memory_space<semaphore_mem>>)
      %dma_wait3A = arith.constant 0 : i32
      %dma_wait3A_58 = tpu.memref_slice %arg11[%add3A_46, %dma_wait3A] : memref<10240x128xf32, #tpu.memory_space<vmem_shared>> -> memref<128x128xf32, #tpu.memory_space<vmem_shared>>
      %dma_wait3A_59 = arith.constant 0 : i32
      %dma_wait3A_60 = tpu.memref_slice %arg11[%add3A_46, %dma_wait3A_59] : memref<10240x128xf32, #tpu.memory_space<vmem_shared>> -> memref<128x128xf32, #tpu.memory_space<vmem_shared>>
      tpu.wait_dma2 semaphore(%run_scoped3A : memref<!tpu.dma_semaphore, #tpu.memory_space<semaphore_mem>>) src(%dma_wait3A_60 : memref<128x128xf32, #tpu.memory_space<vmem_shared>>) dst(%arg9 : memref<128x128xf32, #tpu.memory_space<vmem>>)
      tpu.yield
    }) : () -> ()
    "tpu.region"() ({
      %run_scoped3A = tpu.sem_alloc : memref<!tpu.dma_semaphore, #tpu.memory_space<semaphore_mem>>
      %dma_start3A = arith.constant 0 : i32
      %dma_start3A_55 = arith.constant 0 : i32
      %dma_start3A_56 = tpu.memref_slice %arg5[%arg0, %dma_start3A, %dma_start3A_55] : memref<2x10240x128xf32, #tpu.memory_space<hbm>> -> memref<1x10240x128xf32, #tpu.memory_space<hbm>>
      %dma_start3A_57 = tpu.memref_squeeze %dma_start3A_56 : memref<1x10240x128xf32, #tpu.memory_space<hbm>> -> memref<10240x128xf32, #tpu.memory_space<hbm>>
      %dma_start3A_58 = arith.constant 0 : i32
      %dma_start3A_59 = tpu.memref_slice %dma_start3A_57[%add3A_46, %dma_start3A_58] : memref<10240x128xf32, #tpu.memory_space<hbm>> -> memref<128x128xf32, #tpu.memory_space<hbm>>
      %dma_start3A_60 = arith.constant 0 : i32
      %dma_start3A_61 = arith.constant 0 : i32
      %dma_start3A_62 = tpu.memref_slice %arg5[%arg0, %dma_start3A_60, %dma_start3A_61] : memref<2x10240x128xf32, #tpu.memory_space<hbm>> -> memref<1x10240x128xf32, #tpu.memory_space<hbm>>
      %dma_start3A_63 = tpu.memref_squeeze %dma_start3A_62 : memref<1x10240x128xf32, #tpu.memory_space<hbm>> -> memref<10240x128xf32, #tpu.memory_space<hbm>>
      %dma_start3A_64 = arith.constant 0 : i32
      %dma_start3A_65 = tpu.memref_slice %dma_start3A_63[%add3A_46, %dma_start3A_64] : memref<10240x128xf32, #tpu.memory_space<hbm>> -> memref<128x128xf32, #tpu.memory_space<hbm>>
      tpu.enqueue_dma source(%arg9 : memref<128x128xf32, #tpu.memory_space<vmem>>) target(%dma_start3A_65 : memref<128x128xf32, #tpu.memory_space<hbm>>) target_semaphore(%run_scoped3A : memref<!tpu.dma_semaphore, #tpu.memory_space<semaphore_mem>>)
      %dma_wait3A = arith.constant 0 : i32
      %dma_wait3A_66 = arith.constant 0 : i32
      %dma_wait3A_67 = tpu.memref_slice %arg5[%arg0, %dma_wait3A, %dma_wait3A_66] : memref<2x10240x128xf32, #tpu.memory_space<hbm>> -> memref<1x10240x128xf32, #tpu.memory_space<hbm>>
      %dma_wait3A_68 = tpu.memref_squeeze %dma_wait3A_67 : memref<1x10240x128xf32, #tpu.memory_space<hbm>> -> memref<10240x128xf32, #tpu.memory_space<hbm>>
      %dma_wait3A_69 = arith.constant 0 : i32
      %dma_wait3A_70 = tpu.memref_slice %dma_wait3A_68[%add3A_46, %dma_wait3A_69] : memref<10240x128xf32, #tpu.memory_space<hbm>> -> memref<128x128xf32, #tpu.memory_space<hbm>>
      %dma_wait3A_71 = arith.constant 0 : i32
      %dma_wait3A_72 = arith.constant 0 : i32
      %dma_wait3A_73 = tpu.memref_slice %arg5[%arg0, %dma_wait3A_71, %dma_wait3A_72] : memref<2x10240x128xf32, #tpu.memory_space<hbm>> -> memref<1x10240x128xf32, #tpu.memory_space<hbm>>
      %dma_wait3A_74 = tpu.memref_squeeze %dma_wait3A_73 : memref<1x10240x128xf32, #tpu.memory_space<hbm>> -> memref<10240x128xf32, #tpu.memory_space<hbm>>
      %dma_wait3A_75 = arith.constant 0 : i32
      %dma_wait3A_76 = tpu.memref_slice %dma_wait3A_74[%add3A_46, %dma_wait3A_75] : memref<10240x128xf32, #tpu.memory_space<hbm>> -> memref<128x128xf32, #tpu.memory_space<hbm>>
      tpu.wait_dma2 semaphore(%run_scoped3A : memref<!tpu.dma_semaphore, #tpu.memory_space<semaphore_mem>>) src(%arg9 : memref<128x128xf32, #tpu.memory_space<vmem>>) dst(%dma_wait3A_76 : memref<128x128xf32, #tpu.memory_space<hbm>>)
      tpu.yield
    }) : () -> ()
    %mul3A_47 = arith.constant 640 : i32
    %mul3A_48 = arith.muli %arg1, %mul3A_47 : i32
    %add3A_49 = arith.constant 384 : i32
    %add3A_50 = arith.addi %mul3A_48, %add3A_49 : i32
    "tpu.region"() ({
      %run_scoped3A = tpu.sem_alloc : memref<!tpu.dma_semaphore, #tpu.memory_space<semaphore_mem>>
      %dma_start3A = arith.constant 0 : i32
      %dma_start3A_55 = tpu.memref_slice %arg11[%add3A_50, %dma_start3A] : memref<10240x128xf32, #tpu.memory_space<vmem_shared>> -> memref<128x128xf32, #tpu.memory_space<vmem_shared>>
      %dma_start3A_56 = arith.constant 0 : i32
      %dma_start3A_57 = tpu.memref_slice %arg11[%add3A_50, %dma_start3A_56] : memref<10240x128xf32, #tpu.memory_space<vmem_shared>> -> memref<128x128xf32, #tpu.memory_space<vmem_shared>>
      tpu.enqueue_dma source(%dma_start3A_57 : memref<128x128xf32, #tpu.memory_space<vmem_shared>>) target(%arg9 : memref<128x128xf32, #tpu.memory_space<vmem>>) target_semaphore(%run_scoped3A : memref<!tpu.dma_semaphore, #tpu.memory_space<semaphore_mem>>)
      %dma_wait3A = arith.constant 0 : i32
      %dma_wait3A_58 = tpu.memref_slice %arg11[%add3A_50, %dma_wait3A] : memref<10240x128xf32, #tpu.memory_space<vmem_shared>> -> memref<128x128xf32, #tpu.memory_space<vmem_shared>>
      %dma_wait3A_59 = arith.constant 0 : i32
      %dma_wait3A_60 = tpu.memref_slice %arg11[%add3A_50, %dma_wait3A_59] : memref<10240x128xf32, #tpu.memory_space<vmem_shared>> -> memref<128x128xf32, #tpu.memory_space<vmem_shared>>
      tpu.wait_dma2 semaphore(%run_scoped3A : memref<!tpu.dma_semaphore, #tpu.memory_space<semaphore_mem>>) src(%dma_wait3A_60 : memref<128x128xf32, #tpu.memory_space<vmem_shared>>) dst(%arg9 : memref<128x128xf32, #tpu.memory_space<vmem>>)
      tpu.yield
    }) : () -> ()
    "tpu.region"() ({
      %run_scoped3A = tpu.sem_alloc : memref<!tpu.dma_semaphore, #tpu.memory_space<semaphore_mem>>
      %dma_start3A = arith.constant 0 : i32
      %dma_start3A_55 = arith.constant 0 : i32
      %dma_start3A_56 = tpu.memref_slice %arg5[%arg0, %dma_start3A, %dma_start3A_55] : memref<2x10240x128xf32, #tpu.memory_space<hbm>> -> memref<1x10240x128xf32, #tpu.memory_space<hbm>>
      %dma_start3A_57 = tpu.memref_squeeze %dma_start3A_56 : memref<1x10240x128xf32, #tpu.memory_space<hbm>> -> memref<10240x128xf32, #tpu.memory_space<hbm>>
      %dma_start3A_58 = arith.constant 0 : i32
      %dma_start3A_59 = tpu.memref_slice %dma_start3A_57[%add3A_50, %dma_start3A_58] : memref<10240x128xf32, #tpu.memory_space<hbm>> -> memref<128x128xf32, #tpu.memory_space<hbm>>
      %dma_start3A_60 = arith.constant 0 : i32
      %dma_start3A_61 = arith.constant 0 : i32
      %dma_start3A_62 = tpu.memref_slice %arg5[%arg0, %dma_start3A_60, %dma_start3A_61] : memref<2x10240x128xf32, #tpu.memory_space<hbm>> -> memref<1x10240x128xf32, #tpu.memory_space<hbm>>
      %dma_start3A_63 = tpu.memref_squeeze %dma_start3A_62 : memref<1x10240x128xf32, #tpu.memory_space<hbm>> -> memref<10240x128xf32, #tpu.memory_space<hbm>>
      %dma_start3A_64 = arith.constant 0 : i32
      %dma_start3A_65 = tpu.memref_slice %dma_start3A_63[%add3A_50, %dma_start3A_64] : memref<10240x128xf32, #tpu.memory_space<hbm>> -> memref<128x128xf32, #tpu.memory_space<hbm>>
      tpu.enqueue_dma source(%arg9 : memref<128x128xf32, #tpu.memory_space<vmem>>) target(%dma_start3A_65 : memref<128x128xf32, #tpu.memory_space<hbm>>) target_semaphore(%run_scoped3A : memref<!tpu.dma_semaphore, #tpu.memory_space<semaphore_mem>>)
      %dma_wait3A = arith.constant 0 : i32
      %dma_wait3A_66 = arith.constant 0 : i32
      %dma_wait3A_67 = tpu.memref_slice %arg5[%arg0, %dma_wait3A, %dma_wait3A_66] : memref<2x10240x128xf32, #tpu.memory_space<hbm>> -> memref<1x10240x128xf32, #tpu.memory_space<hbm>>
      %dma_wait3A_68 = tpu.memref_squeeze %dma_wait3A_67 : memref<1x10240x128xf32, #tpu.memory_space<hbm>> -> memref<10240x128xf32, #tpu.memory_space<hbm>>
      %dma_wait3A_69 = arith.constant 0 : i32
      %dma_wait3A_70 = tpu.memref_slice %dma_wait3A_68[%add3A_50, %dma_wait3A_69] : memref<10240x128xf32, #tpu.memory_space<hbm>> -> memref<128x128xf32, #tpu.memory_space<hbm>>
      %dma_wait3A_71 = arith.constant 0 : i32
      %dma_wait3A_72 = arith.constant 0 : i32
      %dma_wait3A_73 = tpu.memref_slice %arg5[%arg0, %dma_wait3A_71, %dma_wait3A_72] : memref<2x10240x128xf32, #tpu.memory_space<hbm>> -> memref<1x10240x128xf32, #tpu.memory_space<hbm>>
      %dma_wait3A_74 = tpu.memref_squeeze %dma_wait3A_73 : memref<1x10240x128xf32, #tpu.memory_space<hbm>> -> memref<10240x128xf32, #tpu.memory_space<hbm>>
      %dma_wait3A_75 = arith.constant 0 : i32
      %dma_wait3A_76 = tpu.memref_slice %dma_wait3A_74[%add3A_50, %dma_wait3A_75] : memref<10240x128xf32, #tpu.memory_space<hbm>> -> memref<128x128xf32, #tpu.memory_space<hbm>>
      tpu.wait_dma2 semaphore(%run_scoped3A : memref<!tpu.dma_semaphore, #tpu.memory_space<semaphore_mem>>) src(%arg9 : memref<128x128xf32, #tpu.memory_space<vmem>>) dst(%dma_wait3A_76 : memref<128x128xf32, #tpu.memory_space<hbm>>)
      tpu.yield
    }) : () -> ()
    %mul3A_51 = arith.constant 640 : i32
    %mul3A_52 = arith.muli %arg1, %mul3A_51 : i32
    %add3A_53 = arith.constant 512 : i32
    %add3A_54 = arith.addi %mul3A_52, %add3A_53 : i32
    "tpu.region"() ({
      %run_scoped3A = tpu.sem_alloc : memref<!tpu.dma_semaphore, #tpu.memory_space<semaphore_mem>>
      %dma_start3A = arith.constant 0 : i32
      %dma_start3A_55 = tpu.memref_slice %arg11[%add3A_54, %dma_start3A] : memref<10240x128xf32, #tpu.memory_space<vmem_shared>> -> memref<128x128xf32, #tpu.memory_space<vmem_shared>>
      %dma_start3A_56 = arith.constant 0 : i32
      %dma_start3A_57 = tpu.memref_slice %arg11[%add3A_54, %dma_start3A_56] : memref<10240x128xf32, #tpu.memory_space<vmem_shared>> -> memref<128x128xf32, #tpu.memory_space<vmem_shared>>
      tpu.enqueue_dma source(%dma_start3A_57 : memref<128x128xf32, #tpu.memory_space<vmem_shared>>) target(%arg9 : memref<128x128xf32, #tpu.memory_space<vmem>>) target_semaphore(%run_scoped3A : memref<!tpu.dma_semaphore, #tpu.memory_space<semaphore_mem>>)
      %dma_wait3A = arith.constant 0 : i32
      %dma_wait3A_58 = tpu.memref_slice %arg11[%add3A_54, %dma_wait3A] : memref<10240x128xf32, #tpu.memory_space<vmem_shared>> -> memref<128x128xf32, #tpu.memory_space<vmem_shared>>
      %dma_wait3A_59 = arith.constant 0 : i32
      %dma_wait3A_60 = tpu.memref_slice %arg11[%add3A_54, %dma_wait3A_59] : memref<10240x128xf32, #tpu.memory_space<vmem_shared>> -> memref<128x128xf32, #tpu.memory_space<vmem_shared>>
      tpu.wait_dma2 semaphore(%run_scoped3A : memref<!tpu.dma_semaphore, #tpu.memory_space<semaphore_mem>>) src(%dma_wait3A_60 : memref<128x128xf32, #tpu.memory_space<vmem_shared>>) dst(%arg9 : memref<128x128xf32, #tpu.memory_space<vmem>>)
      tpu.yield
    }) : () -> ()
    "tpu.region"() ({
      %run_scoped3A = tpu.sem_alloc : memref<!tpu.dma_semaphore, #tpu.memory_space<semaphore_mem>>
      %dma_start3A = arith.constant 0 : i32
      %dma_start3A_55 = arith.constant 0 : i32
      %dma_start3A_56 = tpu.memref_slice %arg5[%arg0, %dma_start3A, %dma_start3A_55] : memref<2x10240x128xf32, #tpu.memory_space<hbm>> -> memref<1x10240x128xf32, #tpu.memory_space<hbm>>
      %dma_start3A_57 = tpu.memref_squeeze %dma_start3A_56 : memref<1x10240x128xf32, #tpu.memory_space<hbm>> -> memref<10240x128xf32, #tpu.memory_space<hbm>>
      %dma_start3A_58 = arith.constant 0 : i32
      %dma_start3A_59 = tpu.memref_slice %dma_start3A_57[%add3A_54, %dma_start3A_58] : memref<10240x128xf32, #tpu.memory_space<hbm>> -> memref<128x128xf32, #tpu.memory_space<hbm>>
      %dma_start3A_60 = arith.constant 0 : i32
      %dma_start3A_61 = arith.constant 0 : i32
      %dma_start3A_62 = tpu.memref_slice %arg5[%arg0, %dma_start3A_60, %dma_start3A_61] : memref<2x10240x128xf32, #tpu.memory_space<hbm>> -> memref<1x10240x128xf32, #tpu.memory_space<hbm>>
      %dma_start3A_63 = tpu.memref_squeeze %dma_start3A_62 : memref<1x10240x128xf32, #tpu.memory_space<hbm>> -> memref<10240x128xf32, #tpu.memory_space<hbm>>
      %dma_start3A_64 = arith.constant 0 : i32
      %dma_start3A_65 = tpu.memref_slice %dma_start3A_63[%add3A_54, %dma_start3A_64] : memref<10240x128xf32, #tpu.memory_space<hbm>> -> memref<128x128xf32, #tpu.memory_space<hbm>>
      tpu.enqueue_dma source(%arg9 : memref<128x128xf32, #tpu.memory_space<vmem>>) target(%dma_start3A_65 : memref<128x128xf32, #tpu.memory_space<hbm>>) target_semaphore(%run_scoped3A : memref<!tpu.dma_semaphore, #tpu.memory_space<semaphore_mem>>)
      %dma_wait3A = arith.constant 0 : i32
      %dma_wait3A_66 = arith.constant 0 : i32
      %dma_wait3A_67 = tpu.memref_slice %arg5[%arg0, %dma_wait3A, %dma_wait3A_66] : memref<2x10240x128xf32, #tpu.memory_space<hbm>> -> memref<1x10240x128xf32, #tpu.memory_space<hbm>>
      %dma_wait3A_68 = tpu.memref_squeeze %dma_wait3A_67 : memref<1x10240x128xf32, #tpu.memory_space<hbm>> -> memref<10240x128xf32, #tpu.memory_space<hbm>>
      %dma_wait3A_69 = arith.constant 0 : i32
      %dma_wait3A_70 = tpu.memref_slice %dma_wait3A_68[%add3A_54, %dma_wait3A_69] : memref<10240x128xf32, #tpu.memory_space<hbm>> -> memref<128x128xf32, #tpu.memory_space<hbm>>
      %dma_wait3A_71 = arith.constant 0 : i32
      %dma_wait3A_72 = arith.constant 0 : i32
      %dma_wait3A_73 = tpu.memref_slice %arg5[%arg0, %dma_wait3A_71, %dma_wait3A_72] : memref<2x10240x128xf32, #tpu.memory_space<hbm>> -> memref<1x10240x128xf32, #tpu.memory_space<hbm>>
      %dma_wait3A_74 = tpu.memref_squeeze %dma_wait3A_73 : memref<1x10240x128xf32, #tpu.memory_space<hbm>> -> memref<10240x128xf32, #tpu.memory_space<hbm>>
      %dma_wait3A_75 = arith.constant 0 : i32
      %dma_wait3A_76 = tpu.memref_slice %dma_wait3A_74[%add3A_54, %dma_wait3A_75] : memref<10240x128xf32, #tpu.memory_space<hbm>> -> memref<128x128xf32, #tpu.memory_space<hbm>>
      tpu.wait_dma2 semaphore(%run_scoped3A : memref<!tpu.dma_semaphore, #tpu.memory_space<semaphore_mem>>) src(%arg9 : memref<128x128xf32, #tpu.memory_space<vmem>>) dst(%dma_wait3A_76 : memref<128x128xf32, #tpu.memory_space<hbm>>)
      tpu.yield
    }) : () -> ()
    return
  }
}

#map = affine_map<(d0, d1) -> (0)>
#map1 = affine_map<(d0, d1) -> (0, 0, 0)>
module attributes {stable_mosaic.version = 14 : i64} {
  func.func @_deg_kernel_body(%arg0: i32, %arg1: i32, %arg2: memref<320000xi32, #tpu.memory_space<hbm>>, %arg3: memref<2x10240x128xf32, #tpu.memory_space<hbm>>, %arg4: memref<80xi32, #tpu.memory_space<vmem>>, %arg5: memref<80x128xf32, #tpu.memory_space<vmem>>, %arg6: memref<128x128xf32, #tpu.memory_space<vmem>>, %arg7: memref<10240x128xf32, #tpu.memory_space<vmem_shared>>) attributes {dimension_semantics = [#tpu.dimension_semantics<core_parallel>, #tpu.dimension_semantics<subcore_parallel>], iteration_bounds = array<i64: 2, 16>, scalar_prefetch = 0 : i64, scratch_operands = 4 : i64, tpu.core_type = #tpu.core_type<sc_vector_subcore>, window_params = [{transform_indices = #map}, {transform_indices = #map1}]} {
    %mul3A = arith.constant 2 : i32
    %mul3A_0 = arith.muli %arg1, %mul3A : i32
    %add3A = arith.addi %mul3A_0, %arg0 : i32
    %scan3A = arith.constant 0 : i32
    %scan3A_1 = arith.constant 0 : i32
    %scan3A_2 = arith.constant 128 : i32
    %scan3A_3 = arith.addi %scan3A_1, %scan3A_2 : i32
    %scan3A_4 = arith.constant 1 : i32
    %scan3A_5 = scf.for %scan3A_62 = %scan3A_1 to %scan3A_3 step %scan3A_4 iter_args(%scan3A_63 = %scan3A) -> (i32)  : i32 {
      %broadcast_in_dim3A = arith.constant 0.000000e+00 : f32
      %broadcast_in_dim3A_64 = vector.broadcast %broadcast_in_dim3A : f32 to vector<16xf32>
      %swap3A = arith.index_cast %scan3A_62 : i32 to index
      %swap3A_65 = arith.constant 0 : index
      %swap3A_66 = tpu.vector_load %arg6[%swap3A, %swap3A_65] {strides = array<i32>} : memref<128x128xf32, #tpu.memory_space<vmem>>, vector<1x16xf32>,
      %swap3A_67 = vector.shape_cast %swap3A_66 : vector<1x16xf32> to vector<16xf32>
      %swap3A_68 = vector.shape_cast %broadcast_in_dim3A_64 : vector<16xf32> to vector<1x16xf32>
      tpu.vector_store %arg6[%swap3A, %swap3A_65], %swap3A_68 {strides = array<i32>} : memref<128x128xf32, #tpu.memory_space<vmem>>, vector<1x16xf32>,
      %broadcast_in_dim3A_69 = arith.constant 0.000000e+00 : f32
      %broadcast_in_dim3A_70 = vector.broadcast %broadcast_in_dim3A_69 : f32 to vector<16xf32>
      %swap3A_71 = arith.index_cast %scan3A_62 : i32 to index
      %swap3A_72 = arith.constant 16 : index
      %swap3A_73 = tpu.vector_load %arg6[%swap3A_71, %swap3A_72] {strides = array<i32>} : memref<128x128xf32, #tpu.memory_space<vmem>>, vector<1x16xf32>,
      %swap3A_74 = vector.shape_cast %swap3A_73 : vector<1x16xf32> to vector<16xf32>
      %swap3A_75 = vector.shape_cast %broadcast_in_dim3A_70 : vector<16xf32> to vector<1x16xf32>
      tpu.vector_store %arg6[%swap3A_71, %swap3A_72], %swap3A_75 {strides = array<i32>} : memref<128x128xf32, #tpu.memory_space<vmem>>, vector<1x16xf32>,
      %broadcast_in_dim3A_76 = arith.constant 0.000000e+00 : f32
      %broadcast_in_dim3A_77 = vector.broadcast %broadcast_in_dim3A_76 : f32 to vector<16xf32>
      %swap3A_78 = arith.index_cast %scan3A_62 : i32 to index
      %swap3A_79 = arith.constant 32 : index
      %swap3A_80 = tpu.vector_load %arg6[%swap3A_78, %swap3A_79] {strides = array<i32>} : memref<128x128xf32, #tpu.memory_space<vmem>>, vector<1x16xf32>,
      %swap3A_81 = vector.shape_cast %swap3A_80 : vector<1x16xf32> to vector<16xf32>
      %swap3A_82 = vector.shape_cast %broadcast_in_dim3A_77 : vector<16xf32> to vector<1x16xf32>
      tpu.vector_store %arg6[%swap3A_78, %swap3A_79], %swap3A_82 {strides = array<i32>} : memref<128x128xf32, #tpu.memory_space<vmem>>, vector<1x16xf32>,
      %broadcast_in_dim3A_83 = arith.constant 0.000000e+00 : f32
      %broadcast_in_dim3A_84 = vector.broadcast %broadcast_in_dim3A_83 : f32 to vector<16xf32>
      %swap3A_85 = arith.index_cast %scan3A_62 : i32 to index
      %swap3A_86 = arith.constant 48 : index
      %swap3A_87 = tpu.vector_load %arg6[%swap3A_85, %swap3A_86] {strides = array<i32>} : memref<128x128xf32, #tpu.memory_space<vmem>>, vector<1x16xf32>,
      %swap3A_88 = vector.shape_cast %swap3A_87 : vector<1x16xf32> to vector<16xf32>
      %swap3A_89 = vector.shape_cast %broadcast_in_dim3A_84 : vector<16xf32> to vector<1x16xf32>
      tpu.vector_store %arg6[%swap3A_85, %swap3A_86], %swap3A_89 {strides = array<i32>} : memref<128x128xf32, #tpu.memory_space<vmem>>, vector<1x16xf32>,
      %broadcast_in_dim3A_90 = arith.constant 0.000000e+00 : f32
      %broadcast_in_dim3A_91 = vector.broadcast %broadcast_in_dim3A_90 : f32 to vector<16xf32>
      %swap3A_92 = arith.index_cast %scan3A_62 : i32 to index
      %swap3A_93 = arith.constant 64 : index
      %swap3A_94 = tpu.vector_load %arg6[%swap3A_92, %swap3A_93] {strides = array<i32>} : memref<128x128xf32, #tpu.memory_space<vmem>>, vector<1x16xf32>,
      %swap3A_95 = vector.shape_cast %swap3A_94 : vector<1x16xf32> to vector<16xf32>
      %swap3A_96 = vector.shape_cast %broadcast_in_dim3A_91 : vector<16xf32> to vector<1x16xf32>
      tpu.vector_store %arg6[%swap3A_92, %swap3A_93], %swap3A_96 {strides = array<i32>} : memref<128x128xf32, #tpu.memory_space<vmem>>, vector<1x16xf32>,
      %broadcast_in_dim3A_97 = arith.constant 0.000000e+00 : f32
      %broadcast_in_dim3A_98 = vector.broadcast %broadcast_in_dim3A_97 : f32 to vector<16xf32>
      %swap3A_99 = arith.index_cast %scan3A_62 : i32 to index
      %swap3A_100 = arith.constant 80 : index
      %swap3A_101 = tpu.vector_load %arg6[%swap3A_99, %swap3A_100] {strides = array<i32>} : memref<128x128xf32, #tpu.memory_space<vmem>>, vector<1x16xf32>,
      %swap3A_102 = vector.shape_cast %swap3A_101 : vector<1x16xf32> to vector<16xf32>
      %swap3A_103 = vector.shape_cast %broadcast_in_dim3A_98 : vector<16xf32> to vector<1x16xf32>
      tpu.vector_store %arg6[%swap3A_99, %swap3A_100], %swap3A_103 {strides = array<i32>} : memref<128x128xf32, #tpu.memory_space<vmem>>, vector<1x16xf32>,
      %broadcast_in_dim3A_104 = arith.constant 0.000000e+00 : f32
      %broadcast_in_dim3A_105 = vector.broadcast %broadcast_in_dim3A_104 : f32 to vector<16xf32>
      %swap3A_106 = arith.index_cast %scan3A_62 : i32 to index
      %swap3A_107 = arith.constant 96 : index
      %swap3A_108 = tpu.vector_load %arg6[%swap3A_106, %swap3A_107] {strides = array<i32>} : memref<128x128xf32, #tpu.memory_space<vmem>>, vector<1x16xf32>,
      %swap3A_109 = vector.shape_cast %swap3A_108 : vector<1x16xf32> to vector<16xf32>
      %swap3A_110 = vector.shape_cast %broadcast_in_dim3A_105 : vector<16xf32> to vector<1x16xf32>
      tpu.vector_store %arg6[%swap3A_106, %swap3A_107], %swap3A_110 {strides = array<i32>} : memref<128x128xf32, #tpu.memory_space<vmem>>, vector<1x16xf32>,
      %broadcast_in_dim3A_111 = arith.constant 0.000000e+00 : f32
      %broadcast_in_dim3A_112 = vector.broadcast %broadcast_in_dim3A_111 : f32 to vector<16xf32>
      %swap3A_113 = arith.index_cast %scan3A_62 : i32 to index
      %swap3A_114 = arith.constant 112 : index
      %swap3A_115 = tpu.vector_load %arg6[%swap3A_113, %swap3A_114] {strides = array<i32>} : memref<128x128xf32, #tpu.memory_space<vmem>>, vector<1x16xf32>,
      %swap3A_116 = vector.shape_cast %swap3A_115 : vector<1x16xf32> to vector<16xf32>
      %swap3A_117 = vector.shape_cast %broadcast_in_dim3A_112 : vector<16xf32> to vector<1x16xf32>
      tpu.vector_store %arg6[%swap3A_113, %swap3A_114], %swap3A_117 {strides = array<i32>} : memref<128x128xf32, #tpu.memory_space<vmem>>, vector<1x16xf32>,
      %scan3A_118 = arith.constant 0 : i32
      scf.yield %scan3A_118 : i32
    }
    %scan3A_6 = arith.constant 128 : i32
    %mul3A_7 = arith.constant 640 : i32
    %mul3A_8 = arith.muli %arg1, %mul3A_7 : i32
    %add3A_9 = arith.constant 0 : i32
    %add3A_10 = arith.addi %mul3A_8, %add3A_9 : i32
    "tpu.region"() ({
      %run_scoped3A = tpu.sem_alloc : memref<!tpu.dma_semaphore, #tpu.memory_space<semaphore_mem>>
      %dma_start3A = arith.constant 0 : i32
      %dma_start3A_62 = tpu.memref_slice %arg7[%add3A_10, %dma_start3A] : memref<10240x128xf32, #tpu.memory_space<vmem_shared>> -> memref<128x128xf32, #tpu.memory_space<vmem_shared>>
      %dma_start3A_63 = arith.constant 0 : i32
      %dma_start3A_64 = tpu.memref_slice %arg7[%add3A_10, %dma_start3A_63] : memref<10240x128xf32, #tpu.memory_space<vmem_shared>> -> memref<128x128xf32, #tpu.memory_space<vmem_shared>>
      tpu.enqueue_dma source(%arg6 : memref<128x128xf32, #tpu.memory_space<vmem>>) target(%dma_start3A_64 : memref<128x128xf32, #tpu.memory_space<vmem_shared>>) target_semaphore(%run_scoped3A : memref<!tpu.dma_semaphore, #tpu.memory_space<semaphore_mem>>)
      %dma_wait3A = arith.constant 0 : i32
      %dma_wait3A_65 = tpu.memref_slice %arg7[%add3A_10, %dma_wait3A] : memref<10240x128xf32, #tpu.memory_space<vmem_shared>> -> memref<128x128xf32, #tpu.memory_space<vmem_shared>>
      %dma_wait3A_66 = arith.constant 0 : i32
      %dma_wait3A_67 = tpu.memref_slice %arg7[%add3A_10, %dma_wait3A_66] : memref<10240x128xf32, #tpu.memory_space<vmem_shared>> -> memref<128x128xf32, #tpu.memory_space<vmem_shared>>
      tpu.wait_dma2 semaphore(%run_scoped3A : memref<!tpu.dma_semaphore, #tpu.memory_space<semaphore_mem>>) src(%arg6 : memref<128x128xf32, #tpu.memory_space<vmem>>) dst(%dma_wait3A_67 : memref<128x128xf32, #tpu.memory_space<vmem_shared>>)
      tpu.yield
    }) : () -> ()
    %mul3A_11 = arith.constant 640 : i32
    %mul3A_12 = arith.muli %arg1, %mul3A_11 : i32
    %add3A_13 = arith.constant 128 : i32
    %add3A_14 = arith.addi %mul3A_12, %add3A_13 : i32
    "tpu.region"() ({
      %run_scoped3A = tpu.sem_alloc : memref<!tpu.dma_semaphore, #tpu.memory_space<semaphore_mem>>
      %dma_start3A = arith.constant 0 : i32
      %dma_start3A_62 = tpu.memref_slice %arg7[%add3A_14, %dma_start3A] : memref<10240x128xf32, #tpu.memory_space<vmem_shared>> -> memref<128x128xf32, #tpu.memory_space<vmem_shared>>
      %dma_start3A_63 = arith.constant 0 : i32
      %dma_start3A_64 = tpu.memref_slice %arg7[%add3A_14, %dma_start3A_63] : memref<10240x128xf32, #tpu.memory_space<vmem_shared>> -> memref<128x128xf32, #tpu.memory_space<vmem_shared>>
      tpu.enqueue_dma source(%arg6 : memref<128x128xf32, #tpu.memory_space<vmem>>) target(%dma_start3A_64 : memref<128x128xf32, #tpu.memory_space<vmem_shared>>) target_semaphore(%run_scoped3A : memref<!tpu.dma_semaphore, #tpu.memory_space<semaphore_mem>>)
      %dma_wait3A = arith.constant 0 : i32
      %dma_wait3A_65 = tpu.memref_slice %arg7[%add3A_14, %dma_wait3A] : memref<10240x128xf32, #tpu.memory_space<vmem_shared>> -> memref<128x128xf32, #tpu.memory_space<vmem_shared>>
      %dma_wait3A_66 = arith.constant 0 : i32
      %dma_wait3A_67 = tpu.memref_slice %arg7[%add3A_14, %dma_wait3A_66] : memref<10240x128xf32, #tpu.memory_space<vmem_shared>> -> memref<128x128xf32, #tpu.memory_space<vmem_shared>>
      tpu.wait_dma2 semaphore(%run_scoped3A : memref<!tpu.dma_semaphore, #tpu.memory_space<semaphore_mem>>) src(%arg6 : memref<128x128xf32, #tpu.memory_space<vmem>>) dst(%dma_wait3A_67 : memref<128x128xf32, #tpu.memory_space<vmem_shared>>)
      tpu.yield
    }) : () -> ()
    %mul3A_15 = arith.constant 640 : i32
    %mul3A_16 = arith.muli %arg1, %mul3A_15 : i32
    %add3A_17 = arith.constant 256 : i32
    %add3A_18 = arith.addi %mul3A_16, %add3A_17 : i32
    "tpu.region"() ({
      %run_scoped3A = tpu.sem_alloc : memref<!tpu.dma_semaphore, #tpu.memory_space<semaphore_mem>>
      %dma_start3A = arith.constant 0 : i32
      %dma_start3A_62 = tpu.memref_slice %arg7[%add3A_18, %dma_start3A] : memref<10240x128xf32, #tpu.memory_space<vmem_shared>> -> memref<128x128xf32, #tpu.memory_space<vmem_shared>>
      %dma_start3A_63 = arith.constant 0 : i32
      %dma_start3A_64 = tpu.memref_slice %arg7[%add3A_18, %dma_start3A_63] : memref<10240x128xf32, #tpu.memory_space<vmem_shared>> -> memref<128x128xf32, #tpu.memory_space<vmem_shared>>
      tpu.enqueue_dma source(%arg6 : memref<128x128xf32, #tpu.memory_space<vmem>>) target(%dma_start3A_64 : memref<128x128xf32, #tpu.memory_space<vmem_shared>>) target_semaphore(%run_scoped3A : memref<!tpu.dma_semaphore, #tpu.memory_space<semaphore_mem>>)
      %dma_wait3A = arith.constant 0 : i32
      %dma_wait3A_65 = tpu.memref_slice %arg7[%add3A_18, %dma_wait3A] : memref<10240x128xf32, #tpu.memory_space<vmem_shared>> -> memref<128x128xf32, #tpu.memory_space<vmem_shared>>
      %dma_wait3A_66 = arith.constant 0 : i32
      %dma_wait3A_67 = tpu.memref_slice %arg7[%add3A_18, %dma_wait3A_66] : memref<10240x128xf32, #tpu.memory_space<vmem_shared>> -> memref<128x128xf32, #tpu.memory_space<vmem_shared>>
      tpu.wait_dma2 semaphore(%run_scoped3A : memref<!tpu.dma_semaphore, #tpu.memory_space<semaphore_mem>>) src(%arg6 : memref<128x128xf32, #tpu.memory_space<vmem>>) dst(%dma_wait3A_67 : memref<128x128xf32, #tpu.memory_space<vmem_shared>>)
      tpu.yield
    }) : () -> ()
    %mul3A_19 = arith.constant 640 : i32
    %mul3A_20 = arith.muli %arg1, %mul3A_19 : i32
    %add3A_21 = arith.constant 384 : i32
    %add3A_22 = arith.addi %mul3A_20, %add3A_21 : i32
    "tpu.region"() ({
      %run_scoped3A = tpu.sem_alloc : memref<!tpu.dma_semaphore, #tpu.memory_space<semaphore_mem>>
      %dma_start3A = arith.constant 0 : i32
      %dma_start3A_62 = tpu.memref_slice %arg7[%add3A_22, %dma_start3A] : memref<10240x128xf32, #tpu.memory_space<vmem_shared>> -> memref<128x128xf32, #tpu.memory_space<vmem_shared>>
      %dma_start3A_63 = arith.constant 0 : i32
      %dma_start3A_64 = tpu.memref_slice %arg7[%add3A_22, %dma_start3A_63] : memref<10240x128xf32, #tpu.memory_space<vmem_shared>> -> memref<128x128xf32, #tpu.memory_space<vmem_shared>>
      tpu.enqueue_dma source(%arg6 : memref<128x128xf32, #tpu.memory_space<vmem>>) target(%dma_start3A_64 : memref<128x128xf32, #tpu.memory_space<vmem_shared>>) target_semaphore(%run_scoped3A : memref<!tpu.dma_semaphore, #tpu.memory_space<semaphore_mem>>)
      %dma_wait3A = arith.constant 0 : i32
      %dma_wait3A_65 = tpu.memref_slice %arg7[%add3A_22, %dma_wait3A] : memref<10240x128xf32, #tpu.memory_space<vmem_shared>> -> memref<128x128xf32, #tpu.memory_space<vmem_shared>>
      %dma_wait3A_66 = arith.constant 0 : i32
      %dma_wait3A_67 = tpu.memref_slice %arg7[%add3A_22, %dma_wait3A_66] : memref<10240x128xf32, #tpu.memory_space<vmem_shared>> -> memref<128x128xf32, #tpu.memory_space<vmem_shared>>
      tpu.wait_dma2 semaphore(%run_scoped3A : memref<!tpu.dma_semaphore, #tpu.memory_space<semaphore_mem>>) src(%arg6 : memref<128x128xf32, #tpu.memory_space<vmem>>) dst(%dma_wait3A_67 : memref<128x128xf32, #tpu.memory_space<vmem_shared>>)
      tpu.yield
    }) : () -> ()
    %mul3A_23 = arith.constant 640 : i32
    %mul3A_24 = arith.muli %arg1, %mul3A_23 : i32
    %add3A_25 = arith.constant 512 : i32
    %add3A_26 = arith.addi %mul3A_24, %add3A_25 : i32
    "tpu.region"() ({
      %run_scoped3A = tpu.sem_alloc : memref<!tpu.dma_semaphore, #tpu.memory_space<semaphore_mem>>
      %dma_start3A = arith.constant 0 : i32
      %dma_start3A_62 = tpu.memref_slice %arg7[%add3A_26, %dma_start3A] : memref<10240x128xf32, #tpu.memory_space<vmem_shared>> -> memref<128x128xf32, #tpu.memory_space<vmem_shared>>
      %dma_start3A_63 = arith.constant 0 : i32
      %dma_start3A_64 = tpu.memref_slice %arg7[%add3A_26, %dma_start3A_63] : memref<10240x128xf32, #tpu.memory_space<vmem_shared>> -> memref<128x128xf32, #tpu.memory_space<vmem_shared>>
      tpu.enqueue_dma source(%arg6 : memref<128x128xf32, #tpu.memory_space<vmem>>) target(%dma_start3A_64 : memref<128x128xf32, #tpu.memory_space<vmem_shared>>) target_semaphore(%run_scoped3A : memref<!tpu.dma_semaphore, #tpu.memory_space<semaphore_mem>>)
      %dma_wait3A = arith.constant 0 : i32
      %dma_wait3A_65 = tpu.memref_slice %arg7[%add3A_26, %dma_wait3A] : memref<10240x128xf32, #tpu.memory_space<vmem_shared>> -> memref<128x128xf32, #tpu.memory_space<vmem_shared>>
      %dma_wait3A_66 = arith.constant 0 : i32
      %dma_wait3A_67 = tpu.memref_slice %arg7[%add3A_26, %dma_wait3A_66] : memref<10240x128xf32, #tpu.memory_space<vmem_shared>> -> memref<128x128xf32, #tpu.memory_space<vmem_shared>>
      tpu.wait_dma2 semaphore(%run_scoped3A : memref<!tpu.dma_semaphore, #tpu.memory_space<semaphore_mem>>) src(%arg6 : memref<128x128xf32, #tpu.memory_space<vmem>>) dst(%dma_wait3A_67 : memref<128x128xf32, #tpu.memory_space<vmem_shared>>)
      tpu.yield
    }) : () -> ()
    %scan3A_27 = arith.constant 0 : i32
    %scan3A_28 = arith.constant 0 : i32
    %scan3A_29 = arith.constant 80 : i32
    %scan3A_30 = arith.addi %scan3A_28, %scan3A_29 : i32
    %scan3A_31 = arith.constant 1 : i32
    %scan3A_32 = scf.for %scan3A_62 = %scan3A_28 to %scan3A_30 step %scan3A_31 iter_args(%scan3A_63 = %scan3A_27) -> (i32)  : i32 {
      %broadcast_in_dim3A = arith.constant 1.000000e+00 : f32
      %broadcast_in_dim3A_64 = vector.broadcast %broadcast_in_dim3A : f32 to vector<16xf32>
      %swap3A = arith.index_cast %scan3A_62 : i32 to index
      %swap3A_65 = arith.constant 0 : index
      %swap3A_66 = tpu.vector_load %arg5[%swap3A, %swap3A_65] {strides = array<i32>} : memref<80x128xf32, #tpu.memory_space<vmem>>, vector<1x16xf32>,
      %swap3A_67 = vector.shape_cast %swap3A_66 : vector<1x16xf32> to vector<16xf32>
      %swap3A_68 = vector.shape_cast %broadcast_in_dim3A_64 : vector<16xf32> to vector<1x16xf32>
      tpu.vector_store %arg5[%swap3A, %swap3A_65], %swap3A_68 {strides = array<i32>} : memref<80x128xf32, #tpu.memory_space<vmem>>, vector<1x16xf32>,
      %broadcast_in_dim3A_69 = arith.constant 1.000000e+00 : f32
      %broadcast_in_dim3A_70 = vector.broadcast %broadcast_in_dim3A_69 : f32 to vector<16xf32>
      %swap3A_71 = arith.index_cast %scan3A_62 : i32 to index
      %swap3A_72 = arith.constant 16 : index
      %swap3A_73 = tpu.vector_load %arg5[%swap3A_71, %swap3A_72] {strides = array<i32>} : memref<80x128xf32, #tpu.memory_space<vmem>>, vector<1x16xf32>,
      %swap3A_74 = vector.shape_cast %swap3A_73 : vector<1x16xf32> to vector<16xf32>
      %swap3A_75 = vector.shape_cast %broadcast_in_dim3A_70 : vector<16xf32> to vector<1x16xf32>
      tpu.vector_store %arg5[%swap3A_71, %swap3A_72], %swap3A_75 {strides = array<i32>} : memref<80x128xf32, #tpu.memory_space<vmem>>, vector<1x16xf32>,
      %broadcast_in_dim3A_76 = arith.constant 1.000000e+00 : f32
      %broadcast_in_dim3A_77 = vector.broadcast %broadcast_in_dim3A_76 : f32 to vector<16xf32>
      %swap3A_78 = arith.index_cast %scan3A_62 : i32 to index
      %swap3A_79 = arith.constant 32 : index
      %swap3A_80 = tpu.vector_load %arg5[%swap3A_78, %swap3A_79] {strides = array<i32>} : memref<80x128xf32, #tpu.memory_space<vmem>>, vector<1x16xf32>,
      %swap3A_81 = vector.shape_cast %swap3A_80 : vector<1x16xf32> to vector<16xf32>
      %swap3A_82 = vector.shape_cast %broadcast_in_dim3A_77 : vector<16xf32> to vector<1x16xf32>
      tpu.vector_store %arg5[%swap3A_78, %swap3A_79], %swap3A_82 {strides = array<i32>} : memref<80x128xf32, #tpu.memory_space<vmem>>, vector<1x16xf32>,
      %broadcast_in_dim3A_83 = arith.constant 1.000000e+00 : f32
      %broadcast_in_dim3A_84 = vector.broadcast %broadcast_in_dim3A_83 : f32 to vector<16xf32>
      %swap3A_85 = arith.index_cast %scan3A_62 : i32 to index
      %swap3A_86 = arith.constant 48 : index
      %swap3A_87 = tpu.vector_load %arg5[%swap3A_85, %swap3A_86] {strides = array<i32>} : memref<80x128xf32, #tpu.memory_space<vmem>>, vector<1x16xf32>,
      %swap3A_88 = vector.shape_cast %swap3A_87 : vector<1x16xf32> to vector<16xf32>
      %swap3A_89 = vector.shape_cast %broadcast_in_dim3A_84 : vector<16xf32> to vector<1x16xf32>
      tpu.vector_store %arg5[%swap3A_85, %swap3A_86], %swap3A_89 {strides = array<i32>} : memref<80x128xf32, #tpu.memory_space<vmem>>, vector<1x16xf32>,
      %broadcast_in_dim3A_90 = arith.constant 1.000000e+00 : f32
      %broadcast_in_dim3A_91 = vector.broadcast %broadcast_in_dim3A_90 : f32 to vector<16xf32>
      %swap3A_92 = arith.index_cast %scan3A_62 : i32 to index
      %swap3A_93 = arith.constant 64 : index
      %swap3A_94 = tpu.vector_load %arg5[%swap3A_92, %swap3A_93] {strides = array<i32>} : memref<80x128xf32, #tpu.memory_space<vmem>>, vector<1x16xf32>,
      %swap3A_95 = vector.shape_cast %swap3A_94 : vector<1x16xf32> to vector<16xf32>
      %swap3A_96 = vector.shape_cast %broadcast_in_dim3A_91 : vector<16xf32> to vector<1x16xf32>
      tpu.vector_store %arg5[%swap3A_92, %swap3A_93], %swap3A_96 {strides = array<i32>} : memref<80x128xf32, #tpu.memory_space<vmem>>, vector<1x16xf32>,
      %broadcast_in_dim3A_97 = arith.constant 1.000000e+00 : f32
      %broadcast_in_dim3A_98 = vector.broadcast %broadcast_in_dim3A_97 : f32 to vector<16xf32>
      %swap3A_99 = arith.index_cast %scan3A_62 : i32 to index
      %swap3A_100 = arith.constant 80 : index
      %swap3A_101 = tpu.vector_load %arg5[%swap3A_99, %swap3A_100] {strides = array<i32>} : memref<80x128xf32, #tpu.memory_space<vmem>>, vector<1x16xf32>,
      %swap3A_102 = vector.shape_cast %swap3A_101 : vector<1x16xf32> to vector<16xf32>
      %swap3A_103 = vector.shape_cast %broadcast_in_dim3A_98 : vector<16xf32> to vector<1x16xf32>
      tpu.vector_store %arg5[%swap3A_99, %swap3A_100], %swap3A_103 {strides = array<i32>} : memref<80x128xf32, #tpu.memory_space<vmem>>, vector<1x16xf32>,
      %broadcast_in_dim3A_104 = arith.constant 1.000000e+00 : f32
      %broadcast_in_dim3A_105 = vector.broadcast %broadcast_in_dim3A_104 : f32 to vector<16xf32>
      %swap3A_106 = arith.index_cast %scan3A_62 : i32 to index
      %swap3A_107 = arith.constant 96 : index
      %swap3A_108 = tpu.vector_load %arg5[%swap3A_106, %swap3A_107] {strides = array<i32>} : memref<80x128xf32, #tpu.memory_space<vmem>>, vector<1x16xf32>,
      %swap3A_109 = vector.shape_cast %swap3A_108 : vector<1x16xf32> to vector<16xf32>
      %swap3A_110 = vector.shape_cast %broadcast_in_dim3A_105 : vector<16xf32> to vector<1x16xf32>
      tpu.vector_store %arg5[%swap3A_106, %swap3A_107], %swap3A_110 {strides = array<i32>} : memref<80x128xf32, #tpu.memory_space<vmem>>, vector<1x16xf32>,
      %broadcast_in_dim3A_111 = arith.constant 1.000000e+00 : f32
      %broadcast_in_dim3A_112 = vector.broadcast %broadcast_in_dim3A_111 : f32 to vector<16xf32>
      %swap3A_113 = arith.index_cast %scan3A_62 : i32 to index
      %swap3A_114 = arith.constant 112 : index
      %swap3A_115 = tpu.vector_load %arg5[%swap3A_113, %swap3A_114] {strides = array<i32>} : memref<80x128xf32, #tpu.memory_space<vmem>>, vector<1x16xf32>,
      %swap3A_116 = vector.shape_cast %swap3A_115 : vector<1x16xf32> to vector<16xf32>
      %swap3A_117 = vector.shape_cast %broadcast_in_dim3A_112 : vector<16xf32> to vector<1x16xf32>
      tpu.vector_store %arg5[%swap3A_113, %swap3A_114], %swap3A_117 {strides = array<i32>} : memref<80x128xf32, #tpu.memory_space<vmem>>, vector<1x16xf32>,
      %scan3A_118 = arith.constant 0 : i32
      scf.yield %scan3A_118 : i32
    }
    %scan3A_33 = arith.constant 80 : i32
    %barrier3A = arith.constant 0 : index
    tpu.barrier barrier_id(%barrier3A)
    %scan3A_34 = arith.constant 0 : i32
    %scan3A_35 = arith.constant 0 : i32
    %scan3A_36 = arith.constant 125 : i32
    %scan3A_37 = arith.addi %scan3A_35, %scan3A_36 : i32
    %scan3A_38 = arith.constant 1 : i32
    %scan3A_39 = scf.for %scan3A_62 = %scan3A_35 to %scan3A_37 step %scan3A_38 iter_args(%scan3A_63 = %scan3A_34) -> (i32)  : i32 {
      %mul3A_64 = arith.constant 10000 : i32
      %mul3A_65 = arith.muli %add3A, %mul3A_64 : i32
      %mul3A_66 = arith.constant 80 : i32
      %mul3A_67 = arith.muli %scan3A_62, %mul3A_66 : i32
      %add3A_68 = arith.addi %mul3A_65, %mul3A_67 : i32
      "tpu.region"() ({
        %run_scoped3A = tpu.sem_alloc : memref<!tpu.dma_semaphore, #tpu.memory_space<semaphore_mem>>
        %dma_start3A = tpu.memref_slice %arg2[%add3A_68] : memref<320000xi32, #tpu.memory_space<hbm>> -> memref<80xi32, #tpu.memory_space<hbm>>
        %dma_start3A_70 = tpu.memref_slice %arg2[%add3A_68] : memref<320000xi32, #tpu.memory_space<hbm>> -> memref<80xi32, #tpu.memory_space<hbm>>
        tpu.enqueue_dma source(%dma_start3A_70 : memref<80xi32, #tpu.memory_space<hbm>>) target(%arg4 : memref<80xi32, #tpu.memory_space<vmem>>) target_semaphore(%run_scoped3A : memref<!tpu.dma_semaphore, #tpu.memory_space<semaphore_mem>>)
        %dma_wait3A = tpu.memref_slice %arg2[%add3A_68] : memref<320000xi32, #tpu.memory_space<hbm>> -> memref<80xi32, #tpu.memory_space<hbm>>
        %dma_wait3A_71 = tpu.memref_slice %arg2[%add3A_68] : memref<320000xi32, #tpu.memory_space<hbm>> -> memref<80xi32, #tpu.memory_space<hbm>>
        tpu.wait_dma2 semaphore(%run_scoped3A : memref<!tpu.dma_semaphore, #tpu.memory_space<semaphore_mem>>) src(%dma_wait3A_71 : memref<80xi32, #tpu.memory_space<hbm>>) dst(%arg4 : memref<80xi32, #tpu.memory_space<vmem>>)
        tpu.yield
      }) : () -> ()
      "tpu.region"() ({
        %run_scoped3A = tpu.sem_alloc : memref<!tpu.dma_semaphore, #tpu.memory_space<semaphore_mem>>
        %dma_start3A = arith.constant 0 : i32
        %dma_start3A_70 = arith.constant 0 : i32
        %dma_start3A_71 = tpu.memref_slice %arg7[%dma_start3A, %dma_start3A_70] : memref<10240x128xf32, #tpu.memory_space<vmem_shared>> -> memref<10240x128xf32, #tpu.memory_space<vmem_shared>>
        tpu.enqueue_indirect_dma source(%arg5 : memref<80x128xf32, #tpu.memory_space<vmem>>) target(%dma_start3A_71 : memref<10240x128xf32, #tpu.memory_space<vmem_shared>>) offsets(%arg4 : memref<80xi32, #tpu.memory_space<vmem>>) semaphore(%run_scoped3A : memref<!tpu.dma_semaphore, #tpu.memory_space<semaphore_mem>>) {add = true}
        %dma_wait3A = arith.constant 0 : i32
        %dma_wait3A_72 = arith.constant 0 : i32
        %dma_wait3A_73 = tpu.memref_slice %arg7[%dma_wait3A, %dma_wait3A_72] : memref<10240x128xf32, #tpu.memory_space<vmem_shared>> -> memref<10240x128xf32, #tpu.memory_space<vmem_shared>>
        tpu.wait_indirect_dma semaphore(%run_scoped3A : memref<!tpu.dma_semaphore, #tpu.memory_space<semaphore_mem>>) src(%arg5 : memref<80x128xf32, #tpu.memory_space<vmem>>) dst(%dma_wait3A_73 : memref<10240x128xf32, #tpu.memory_space<vmem_shared>>)
        tpu.yield
      }) : () -> ()
      %scan3A_69 = arith.constant 0 : i32
      scf.yield %scan3A_69 : i32
    }
    %scan3A_40 = arith.constant 125 : i32
    %barrier3A_41 = arith.constant 0 : index
    tpu.barrier barrier_id(%barrier3A_41)
    %mul3A_42 = arith.constant 640 : i32
    %mul3A_43 = arith.muli %arg1, %mul3A_42 : i32
    %add3A_44 = arith.constant 0 : i32
    %add3A_45 = arith.addi %mul3A_43, %add3A_44 : i32
    "tpu.region"() ({
      %run_scoped3A = tpu.sem_alloc : memref<!tpu.dma_semaphore, #tpu.memory_space<semaphore_mem>>
      %dma_start3A = arith.constant 0 : i32
      %dma_start3A_62 = tpu.memref_slice %arg7[%add3A_45, %dma_start3A] : memref<10240x128xf32, #tpu.memory_space<vmem_shared>> -> memref<128x128xf32, #tpu.memory_space<vmem_shared>>
      %dma_start3A_63 = arith.constant 0 : i32
      %dma_start3A_64 = tpu.memref_slice %arg7[%add3A_45, %dma_start3A_63] : memref<10240x128xf32, #tpu.memory_space<vmem_shared>> -> memref<128x128xf32, #tpu.memory_space<vmem_shared>>
      tpu.enqueue_dma source(%dma_start3A_64 : memref<128x128xf32, #tpu.memory_space<vmem_shared>>) target(%arg6 : memref<128x128xf32, #tpu.memory_space<vmem>>) target_semaphore(%run_scoped3A : memref<!tpu.dma_semaphore, #tpu.memory_space<semaphore_mem>>)
      %dma_wait3A = arith.constant 0 : i32
      %dma_wait3A_65 = tpu.memref_slice %arg7[%add3A_45, %dma_wait3A] : memref<10240x128xf32, #tpu.memory_space<vmem_shared>> -> memref<128x128xf32, #tpu.memory_space<vmem_shared>>
      %dma_wait3A_66 = arith.constant 0 : i32
      %dma_wait3A_67 = tpu.memref_slice %arg7[%add3A_45, %dma_wait3A_66] : memref<10240x128xf32, #tpu.memory_space<vmem_shared>> -> memref<128x128xf32, #tpu.memory_space<vmem_shared>>
      tpu.wait_dma2 semaphore(%run_scoped3A : memref<!tpu.dma_semaphore, #tpu.memory_space<semaphore_mem>>) src(%dma_wait3A_67 : memref<128x128xf32, #tpu.memory_space<vmem_shared>>) dst(%arg6 : memref<128x128xf32, #tpu.memory_space<vmem>>)
      tpu.yield
    }) : () -> ()
    "tpu.region"() ({
      %run_scoped3A = tpu.sem_alloc : memref<!tpu.dma_semaphore, #tpu.memory_space<semaphore_mem>>
      %dma_start3A = arith.constant 0 : i32
      %dma_start3A_62 = arith.constant 0 : i32
      %dma_start3A_63 = tpu.memref_slice %arg3[%arg0, %dma_start3A, %dma_start3A_62] : memref<2x10240x128xf32, #tpu.memory_space<hbm>> -> memref<1x10240x128xf32, #tpu.memory_space<hbm>>
      %dma_start3A_64 = tpu.memref_squeeze %dma_start3A_63 : memref<1x10240x128xf32, #tpu.memory_space<hbm>> -> memref<10240x128xf32, #tpu.memory_space<hbm>>
      %dma_start3A_65 = arith.constant 0 : i32
      %dma_start3A_66 = tpu.memref_slice %dma_start3A_64[%add3A_45, %dma_start3A_65] : memref<10240x128xf32, #tpu.memory_space<hbm>> -> memref<128x128xf32, #tpu.memory_space<hbm>>
      %dma_start3A_67 = arith.constant 0 : i32
      %dma_start3A_68 = arith.constant 0 : i32
      %dma_start3A_69 = tpu.memref_slice %arg3[%arg0, %dma_start3A_67, %dma_start3A_68] : memref<2x10240x128xf32, #tpu.memory_space<hbm>> -> memref<1x10240x128xf32, #tpu.memory_space<hbm>>
      %dma_start3A_70 = tpu.memref_squeeze %dma_start3A_69 : memref<1x10240x128xf32, #tpu.memory_space<hbm>> -> memref<10240x128xf32, #tpu.memory_space<hbm>>
      %dma_start3A_71 = arith.constant 0 : i32
      %dma_start3A_72 = tpu.memref_slice %dma_start3A_70[%add3A_45, %dma_start3A_71] : memref<10240x128xf32, #tpu.memory_space<hbm>> -> memref<128x128xf32, #tpu.memory_space<hbm>>
      tpu.enqueue_dma source(%arg6 : memref<128x128xf32, #tpu.memory_space<vmem>>) target(%dma_start3A_72 : memref<128x128xf32, #tpu.memory_space<hbm>>) target_semaphore(%run_scoped3A : memref<!tpu.dma_semaphore, #tpu.memory_space<semaphore_mem>>)
      %dma_wait3A = arith.constant 0 : i32
      %dma_wait3A_73 = arith.constant 0 : i32
      %dma_wait3A_74 = tpu.memref_slice %arg3[%arg0, %dma_wait3A, %dma_wait3A_73] : memref<2x10240x128xf32, #tpu.memory_space<hbm>> -> memref<1x10240x128xf32, #tpu.memory_space<hbm>>
      %dma_wait3A_75 = tpu.memref_squeeze %dma_wait3A_74 : memref<1x10240x128xf32, #tpu.memory_space<hbm>> -> memref<10240x128xf32, #tpu.memory_space<hbm>>
      %dma_wait3A_76 = arith.constant 0 : i32
      %dma_wait3A_77 = tpu.memref_slice %dma_wait3A_75[%add3A_45, %dma_wait3A_76] : memref<10240x128xf32, #tpu.memory_space<hbm>> -> memref<128x128xf32, #tpu.memory_space<hbm>>
      %dma_wait3A_78 = arith.constant 0 : i32
      %dma_wait3A_79 = arith.constant 0 : i32
      %dma_wait3A_80 = tpu.memref_slice %arg3[%arg0, %dma_wait3A_78, %dma_wait3A_79] : memref<2x10240x128xf32, #tpu.memory_space<hbm>> -> memref<1x10240x128xf32, #tpu.memory_space<hbm>>
      %dma_wait3A_81 = tpu.memref_squeeze %dma_wait3A_80 : memref<1x10240x128xf32, #tpu.memory_space<hbm>> -> memref<10240x128xf32, #tpu.memory_space<hbm>>
      %dma_wait3A_82 = arith.constant 0 : i32
      %dma_wait3A_83 = tpu.memref_slice %dma_wait3A_81[%add3A_45, %dma_wait3A_82] : memref<10240x128xf32, #tpu.memory_space<hbm>> -> memref<128x128xf32, #tpu.memory_space<hbm>>
      tpu.wait_dma2 semaphore(%run_scoped3A : memref<!tpu.dma_semaphore, #tpu.memory_space<semaphore_mem>>) src(%arg6 : memref<128x128xf32, #tpu.memory_space<vmem>>) dst(%dma_wait3A_83 : memref<128x128xf32, #tpu.memory_space<hbm>>)
      tpu.yield
    }) : () -> ()
    %mul3A_46 = arith.constant 640 : i32
    %mul3A_47 = arith.muli %arg1, %mul3A_46 : i32
    %add3A_48 = arith.constant 128 : i32
    %add3A_49 = arith.addi %mul3A_47, %add3A_48 : i32
    "tpu.region"() ({
      %run_scoped3A = tpu.sem_alloc : memref<!tpu.dma_semaphore, #tpu.memory_space<semaphore_mem>>
      %dma_start3A = arith.constant 0 : i32
      %dma_start3A_62 = tpu.memref_slice %arg7[%add3A_49, %dma_start3A] : memref<10240x128xf32, #tpu.memory_space<vmem_shared>> -> memref<128x128xf32, #tpu.memory_space<vmem_shared>>
      %dma_start3A_63 = arith.constant 0 : i32
      %dma_start3A_64 = tpu.memref_slice %arg7[%add3A_49, %dma_start3A_63] : memref<10240x128xf32, #tpu.memory_space<vmem_shared>> -> memref<128x128xf32, #tpu.memory_space<vmem_shared>>
      tpu.enqueue_dma source(%dma_start3A_64 : memref<128x128xf32, #tpu.memory_space<vmem_shared>>) target(%arg6 : memref<128x128xf32, #tpu.memory_space<vmem>>) target_semaphore(%run_scoped3A : memref<!tpu.dma_semaphore, #tpu.memory_space<semaphore_mem>>)
      %dma_wait3A = arith.constant 0 : i32
      %dma_wait3A_65 = tpu.memref_slice %arg7[%add3A_49, %dma_wait3A] : memref<10240x128xf32, #tpu.memory_space<vmem_shared>> -> memref<128x128xf32, #tpu.memory_space<vmem_shared>>
      %dma_wait3A_66 = arith.constant 0 : i32
      %dma_wait3A_67 = tpu.memref_slice %arg7[%add3A_49, %dma_wait3A_66] : memref<10240x128xf32, #tpu.memory_space<vmem_shared>> -> memref<128x128xf32, #tpu.memory_space<vmem_shared>>
      tpu.wait_dma2 semaphore(%run_scoped3A : memref<!tpu.dma_semaphore, #tpu.memory_space<semaphore_mem>>) src(%dma_wait3A_67 : memref<128x128xf32, #tpu.memory_space<vmem_shared>>) dst(%arg6 : memref<128x128xf32, #tpu.memory_space<vmem>>)
      tpu.yield
    }) : () -> ()
    "tpu.region"() ({
      %run_scoped3A = tpu.sem_alloc : memref<!tpu.dma_semaphore, #tpu.memory_space<semaphore_mem>>
      %dma_start3A = arith.constant 0 : i32
      %dma_start3A_62 = arith.constant 0 : i32
      %dma_start3A_63 = tpu.memref_slice %arg3[%arg0, %dma_start3A, %dma_start3A_62] : memref<2x10240x128xf32, #tpu.memory_space<hbm>> -> memref<1x10240x128xf32, #tpu.memory_space<hbm>>
      %dma_start3A_64 = tpu.memref_squeeze %dma_start3A_63 : memref<1x10240x128xf32, #tpu.memory_space<hbm>> -> memref<10240x128xf32, #tpu.memory_space<hbm>>
      %dma_start3A_65 = arith.constant 0 : i32
      %dma_start3A_66 = tpu.memref_slice %dma_start3A_64[%add3A_49, %dma_start3A_65] : memref<10240x128xf32, #tpu.memory_space<hbm>> -> memref<128x128xf32, #tpu.memory_space<hbm>>
      %dma_start3A_67 = arith.constant 0 : i32
      %dma_start3A_68 = arith.constant 0 : i32
      %dma_start3A_69 = tpu.memref_slice %arg3[%arg0, %dma_start3A_67, %dma_start3A_68] : memref<2x10240x128xf32, #tpu.memory_space<hbm>> -> memref<1x10240x128xf32, #tpu.memory_space<hbm>>
      %dma_start3A_70 = tpu.memref_squeeze %dma_start3A_69 : memref<1x10240x128xf32, #tpu.memory_space<hbm>> -> memref<10240x128xf32, #tpu.memory_space<hbm>>
      %dma_start3A_71 = arith.constant 0 : i32
      %dma_start3A_72 = tpu.memref_slice %dma_start3A_70[%add3A_49, %dma_start3A_71] : memref<10240x128xf32, #tpu.memory_space<hbm>> -> memref<128x128xf32, #tpu.memory_space<hbm>>
      tpu.enqueue_dma source(%arg6 : memref<128x128xf32, #tpu.memory_space<vmem>>) target(%dma_start3A_72 : memref<128x128xf32, #tpu.memory_space<hbm>>) target_semaphore(%run_scoped3A : memref<!tpu.dma_semaphore, #tpu.memory_space<semaphore_mem>>)
      %dma_wait3A = arith.constant 0 : i32
      %dma_wait3A_73 = arith.constant 0 : i32
      %dma_wait3A_74 = tpu.memref_slice %arg3[%arg0, %dma_wait3A, %dma_wait3A_73] : memref<2x10240x128xf32, #tpu.memory_space<hbm>> -> memref<1x10240x128xf32, #tpu.memory_space<hbm>>
      %dma_wait3A_75 = tpu.memref_squeeze %dma_wait3A_74 : memref<1x10240x128xf32, #tpu.memory_space<hbm>> -> memref<10240x128xf32, #tpu.memory_space<hbm>>
      %dma_wait3A_76 = arith.constant 0 : i32
      %dma_wait3A_77 = tpu.memref_slice %dma_wait3A_75[%add3A_49, %dma_wait3A_76] : memref<10240x128xf32, #tpu.memory_space<hbm>> -> memref<128x128xf32, #tpu.memory_space<hbm>>
      %dma_wait3A_78 = arith.constant 0 : i32
      %dma_wait3A_79 = arith.constant 0 : i32
      %dma_wait3A_80 = tpu.memref_slice %arg3[%arg0, %dma_wait3A_78, %dma_wait3A_79] : memref<2x10240x128xf32, #tpu.memory_space<hbm>> -> memref<1x10240x128xf32, #tpu.memory_space<hbm>>
      %dma_wait3A_81 = tpu.memref_squeeze %dma_wait3A_80 : memref<1x10240x128xf32, #tpu.memory_space<hbm>> -> memref<10240x128xf32, #tpu.memory_space<hbm>>
      %dma_wait3A_82 = arith.constant 0 : i32
      %dma_wait3A_83 = tpu.memref_slice %dma_wait3A_81[%add3A_49, %dma_wait3A_82] : memref<10240x128xf32, #tpu.memory_space<hbm>> -> memref<128x128xf32, #tpu.memory_space<hbm>>
      tpu.wait_dma2 semaphore(%run_scoped3A : memref<!tpu.dma_semaphore, #tpu.memory_space<semaphore_mem>>) src(%arg6 : memref<128x128xf32, #tpu.memory_space<vmem>>) dst(%dma_wait3A_83 : memref<128x128xf32, #tpu.memory_space<hbm>>)
      tpu.yield
    }) : () -> ()
    %mul3A_50 = arith.constant 640 : i32
    %mul3A_51 = arith.muli %arg1, %mul3A_50 : i32
    %add3A_52 = arith.constant 256 : i32
    %add3A_53 = arith.addi %mul3A_51, %add3A_52 : i32
    "tpu.region"() ({
      %run_scoped3A = tpu.sem_alloc : memref<!tpu.dma_semaphore, #tpu.memory_space<semaphore_mem>>
      %dma_start3A = arith.constant 0 : i32
      %dma_start3A_62 = tpu.memref_slice %arg7[%add3A_53, %dma_start3A] : memref<10240x128xf32, #tpu.memory_space<vmem_shared>> -> memref<128x128xf32, #tpu.memory_space<vmem_shared>>
      %dma_start3A_63 = arith.constant 0 : i32
      %dma_start3A_64 = tpu.memref_slice %arg7[%add3A_53, %dma_start3A_63] : memref<10240x128xf32, #tpu.memory_space<vmem_shared>> -> memref<128x128xf32, #tpu.memory_space<vmem_shared>>
      tpu.enqueue_dma source(%dma_start3A_64 : memref<128x128xf32, #tpu.memory_space<vmem_shared>>) target(%arg6 : memref<128x128xf32, #tpu.memory_space<vmem>>) target_semaphore(%run_scoped3A : memref<!tpu.dma_semaphore, #tpu.memory_space<semaphore_mem>>)
      %dma_wait3A = arith.constant 0 : i32
      %dma_wait3A_65 = tpu.memref_slice %arg7[%add3A_53, %dma_wait3A] : memref<10240x128xf32, #tpu.memory_space<vmem_shared>> -> memref<128x128xf32, #tpu.memory_space<vmem_shared>>
      %dma_wait3A_66 = arith.constant 0 : i32
      %dma_wait3A_67 = tpu.memref_slice %arg7[%add3A_53, %dma_wait3A_66] : memref<10240x128xf32, #tpu.memory_space<vmem_shared>> -> memref<128x128xf32, #tpu.memory_space<vmem_shared>>
      tpu.wait_dma2 semaphore(%run_scoped3A : memref<!tpu.dma_semaphore, #tpu.memory_space<semaphore_mem>>) src(%dma_wait3A_67 : memref<128x128xf32, #tpu.memory_space<vmem_shared>>) dst(%arg6 : memref<128x128xf32, #tpu.memory_space<vmem>>)
      tpu.yield
    }) : () -> ()
    "tpu.region"() ({
      %run_scoped3A = tpu.sem_alloc : memref<!tpu.dma_semaphore, #tpu.memory_space<semaphore_mem>>
      %dma_start3A = arith.constant 0 : i32
      %dma_start3A_62 = arith.constant 0 : i32
      %dma_start3A_63 = tpu.memref_slice %arg3[%arg0, %dma_start3A, %dma_start3A_62] : memref<2x10240x128xf32, #tpu.memory_space<hbm>> -> memref<1x10240x128xf32, #tpu.memory_space<hbm>>
      %dma_start3A_64 = tpu.memref_squeeze %dma_start3A_63 : memref<1x10240x128xf32, #tpu.memory_space<hbm>> -> memref<10240x128xf32, #tpu.memory_space<hbm>>
      %dma_start3A_65 = arith.constant 0 : i32
      %dma_start3A_66 = tpu.memref_slice %dma_start3A_64[%add3A_53, %dma_start3A_65] : memref<10240x128xf32, #tpu.memory_space<hbm>> -> memref<128x128xf32, #tpu.memory_space<hbm>>
      %dma_start3A_67 = arith.constant 0 : i32
      %dma_start3A_68 = arith.constant 0 : i32
      %dma_start3A_69 = tpu.memref_slice %arg3[%arg0, %dma_start3A_67, %dma_start3A_68] : memref<2x10240x128xf32, #tpu.memory_space<hbm>> -> memref<1x10240x128xf32, #tpu.memory_space<hbm>>
      %dma_start3A_70 = tpu.memref_squeeze %dma_start3A_69 : memref<1x10240x128xf32, #tpu.memory_space<hbm>> -> memref<10240x128xf32, #tpu.memory_space<hbm>>
      %dma_start3A_71 = arith.constant 0 : i32
      %dma_start3A_72 = tpu.memref_slice %dma_start3A_70[%add3A_53, %dma_start3A_71] : memref<10240x128xf32, #tpu.memory_space<hbm>> -> memref<128x128xf32, #tpu.memory_space<hbm>>
      tpu.enqueue_dma source(%arg6 : memref<128x128xf32, #tpu.memory_space<vmem>>) target(%dma_start3A_72 : memref<128x128xf32, #tpu.memory_space<hbm>>) target_semaphore(%run_scoped3A : memref<!tpu.dma_semaphore, #tpu.memory_space<semaphore_mem>>)
      %dma_wait3A = arith.constant 0 : i32
      %dma_wait3A_73 = arith.constant 0 : i32
      %dma_wait3A_74 = tpu.memref_slice %arg3[%arg0, %dma_wait3A, %dma_wait3A_73] : memref<2x10240x128xf32, #tpu.memory_space<hbm>> -> memref<1x10240x128xf32, #tpu.memory_space<hbm>>
      %dma_wait3A_75 = tpu.memref_squeeze %dma_wait3A_74 : memref<1x10240x128xf32, #tpu.memory_space<hbm>> -> memref<10240x128xf32, #tpu.memory_space<hbm>>
      %dma_wait3A_76 = arith.constant 0 : i32
      %dma_wait3A_77 = tpu.memref_slice %dma_wait3A_75[%add3A_53, %dma_wait3A_76] : memref<10240x128xf32, #tpu.memory_space<hbm>> -> memref<128x128xf32, #tpu.memory_space<hbm>>
      %dma_wait3A_78 = arith.constant 0 : i32
      %dma_wait3A_79 = arith.constant 0 : i32
      %dma_wait3A_80 = tpu.memref_slice %arg3[%arg0, %dma_wait3A_78, %dma_wait3A_79] : memref<2x10240x128xf32, #tpu.memory_space<hbm>> -> memref<1x10240x128xf32, #tpu.memory_space<hbm>>
      %dma_wait3A_81 = tpu.memref_squeeze %dma_wait3A_80 : memref<1x10240x128xf32, #tpu.memory_space<hbm>> -> memref<10240x128xf32, #tpu.memory_space<hbm>>
      %dma_wait3A_82 = arith.constant 0 : i32
      %dma_wait3A_83 = tpu.memref_slice %dma_wait3A_81[%add3A_53, %dma_wait3A_82] : memref<10240x128xf32, #tpu.memory_space<hbm>> -> memref<128x128xf32, #tpu.memory_space<hbm>>
      tpu.wait_dma2 semaphore(%run_scoped3A : memref<!tpu.dma_semaphore, #tpu.memory_space<semaphore_mem>>) src(%arg6 : memref<128x128xf32, #tpu.memory_space<vmem>>) dst(%dma_wait3A_83 : memref<128x128xf32, #tpu.memory_space<hbm>>)
      tpu.yield
    }) : () -> ()
    %mul3A_54 = arith.constant 640 : i32
    %mul3A_55 = arith.muli %arg1, %mul3A_54 : i32
    %add3A_56 = arith.constant 384 : i32
    %add3A_57 = arith.addi %mul3A_55, %add3A_56 : i32
    "tpu.region"() ({
      %run_scoped3A = tpu.sem_alloc : memref<!tpu.dma_semaphore, #tpu.memory_space<semaphore_mem>>
      %dma_start3A = arith.constant 0 : i32
      %dma_start3A_62 = tpu.memref_slice %arg7[%add3A_57, %dma_start3A] : memref<10240x128xf32, #tpu.memory_space<vmem_shared>> -> memref<128x128xf32, #tpu.memory_space<vmem_shared>>
      %dma_start3A_63 = arith.constant 0 : i32
      %dma_start3A_64 = tpu.memref_slice %arg7[%add3A_57, %dma_start3A_63] : memref<10240x128xf32, #tpu.memory_space<vmem_shared>> -> memref<128x128xf32, #tpu.memory_space<vmem_shared>>
      tpu.enqueue_dma source(%dma_start3A_64 : memref<128x128xf32, #tpu.memory_space<vmem_shared>>) target(%arg6 : memref<128x128xf32, #tpu.memory_space<vmem>>) target_semaphore(%run_scoped3A : memref<!tpu.dma_semaphore, #tpu.memory_space<semaphore_mem>>)
      %dma_wait3A = arith.constant 0 : i32
      %dma_wait3A_65 = tpu.memref_slice %arg7[%add3A_57, %dma_wait3A] : memref<10240x128xf32, #tpu.memory_space<vmem_shared>> -> memref<128x128xf32, #tpu.memory_space<vmem_shared>>
      %dma_wait3A_66 = arith.constant 0 : i32
      %dma_wait3A_67 = tpu.memref_slice %arg7[%add3A_57, %dma_wait3A_66] : memref<10240x128xf32, #tpu.memory_space<vmem_shared>> -> memref<128x128xf32, #tpu.memory_space<vmem_shared>>
      tpu.wait_dma2 semaphore(%run_scoped3A : memref<!tpu.dma_semaphore, #tpu.memory_space<semaphore_mem>>) src(%dma_wait3A_67 : memref<128x128xf32, #tpu.memory_space<vmem_shared>>) dst(%arg6 : memref<128x128xf32, #tpu.memory_space<vmem>>)
      tpu.yield
    }) : () -> ()
    "tpu.region"() ({
      %run_scoped3A = tpu.sem_alloc : memref<!tpu.dma_semaphore, #tpu.memory_space<semaphore_mem>>
      %dma_start3A = arith.constant 0 : i32
      %dma_start3A_62 = arith.constant 0 : i32
      %dma_start3A_63 = tpu.memref_slice %arg3[%arg0, %dma_start3A, %dma_start3A_62] : memref<2x10240x128xf32, #tpu.memory_space<hbm>> -> memref<1x10240x128xf32, #tpu.memory_space<hbm>>
      %dma_start3A_64 = tpu.memref_squeeze %dma_start3A_63 : memref<1x10240x128xf32, #tpu.memory_space<hbm>> -> memref<10240x128xf32, #tpu.memory_space<hbm>>
      %dma_start3A_65 = arith.constant 0 : i32
      %dma_start3A_66 = tpu.memref_slice %dma_start3A_64[%add3A_57, %dma_start3A_65] : memref<10240x128xf32, #tpu.memory_space<hbm>> -> memref<128x128xf32, #tpu.memory_space<hbm>>
      %dma_start3A_67 = arith.constant 0 : i32
      %dma_start3A_68 = arith.constant 0 : i32
      %dma_start3A_69 = tpu.memref_slice %arg3[%arg0, %dma_start3A_67, %dma_start3A_68] : memref<2x10240x128xf32, #tpu.memory_space<hbm>> -> memref<1x10240x128xf32, #tpu.memory_space<hbm>>
      %dma_start3A_70 = tpu.memref_squeeze %dma_start3A_69 : memref<1x10240x128xf32, #tpu.memory_space<hbm>> -> memref<10240x128xf32, #tpu.memory_space<hbm>>
      %dma_start3A_71 = arith.constant 0 : i32
      %dma_start3A_72 = tpu.memref_slice %dma_start3A_70[%add3A_57, %dma_start3A_71] : memref<10240x128xf32, #tpu.memory_space<hbm>> -> memref<128x128xf32, #tpu.memory_space<hbm>>
      tpu.enqueue_dma source(%arg6 : memref<128x128xf32, #tpu.memory_space<vmem>>) target(%dma_start3A_72 : memref<128x128xf32, #tpu.memory_space<hbm>>) target_semaphore(%run_scoped3A : memref<!tpu.dma_semaphore, #tpu.memory_space<semaphore_mem>>)
      %dma_wait3A = arith.constant 0 : i32
      %dma_wait3A_73 = arith.constant 0 : i32
      %dma_wait3A_74 = tpu.memref_slice %arg3[%arg0, %dma_wait3A, %dma_wait3A_73] : memref<2x10240x128xf32, #tpu.memory_space<hbm>> -> memref<1x10240x128xf32, #tpu.memory_space<hbm>>
      %dma_wait3A_75 = tpu.memref_squeeze %dma_wait3A_74 : memref<1x10240x128xf32, #tpu.memory_space<hbm>> -> memref<10240x128xf32, #tpu.memory_space<hbm>>
      %dma_wait3A_76 = arith.constant 0 : i32
      %dma_wait3A_77 = tpu.memref_slice %dma_wait3A_75[%add3A_57, %dma_wait3A_76] : memref<10240x128xf32, #tpu.memory_space<hbm>> -> memref<128x128xf32, #tpu.memory_space<hbm>>
      %dma_wait3A_78 = arith.constant 0 : i32
      %dma_wait3A_79 = arith.constant 0 : i32
      %dma_wait3A_80 = tpu.memref_slice %arg3[%arg0, %dma_wait3A_78, %dma_wait3A_79] : memref<2x10240x128xf32, #tpu.memory_space<hbm>> -> memref<1x10240x128xf32, #tpu.memory_space<hbm>>
      %dma_wait3A_81 = tpu.memref_squeeze %dma_wait3A_80 : memref<1x10240x128xf32, #tpu.memory_space<hbm>> -> memref<10240x128xf32, #tpu.memory_space<hbm>>
      %dma_wait3A_82 = arith.constant 0 : i32
      %dma_wait3A_83 = tpu.memref_slice %dma_wait3A_81[%add3A_57, %dma_wait3A_82] : memref<10240x128xf32, #tpu.memory_space<hbm>> -> memref<128x128xf32, #tpu.memory_space<hbm>>
      tpu.wait_dma2 semaphore(%run_scoped3A : memref<!tpu.dma_semaphore, #tpu.memory_space<semaphore_mem>>) src(%arg6 : memref<128x128xf32, #tpu.memory_space<vmem>>) dst(%dma_wait3A_83 : memref<128x128xf32, #tpu.memory_space<hbm>>)
      tpu.yield
    }) : () -> ()
    %mul3A_58 = arith.constant 640 : i32
    %mul3A_59 = arith.muli %arg1, %mul3A_58 : i32
    %add3A_60 = arith.constant 512 : i32
    %add3A_61 = arith.addi %mul3A_59, %add3A_60 : i32
    "tpu.region"() ({
      %run_scoped3A = tpu.sem_alloc : memref<!tpu.dma_semaphore, #tpu.memory_space<semaphore_mem>>
      %dma_start3A = arith.constant 0 : i32
      %dma_start3A_62 = tpu.memref_slice %arg7[%add3A_61, %dma_start3A] : memref<10240x128xf32, #tpu.memory_space<vmem_shared>> -> memref<128x128xf32, #tpu.memory_space<vmem_shared>>
      %dma_start3A_63 = arith.constant 0 : i32
      %dma_start3A_64 = tpu.memref_slice %arg7[%add3A_61, %dma_start3A_63] : memref<10240x128xf32, #tpu.memory_space<vmem_shared>> -> memref<128x128xf32, #tpu.memory_space<vmem_shared>>
      tpu.enqueue_dma source(%dma_start3A_64 : memref<128x128xf32, #tpu.memory_space<vmem_shared>>) target(%arg6 : memref<128x128xf32, #tpu.memory_space<vmem>>) target_semaphore(%run_scoped3A : memref<!tpu.dma_semaphore, #tpu.memory_space<semaphore_mem>>)
      %dma_wait3A = arith.constant 0 : i32
      %dma_wait3A_65 = tpu.memref_slice %arg7[%add3A_61, %dma_wait3A] : memref<10240x128xf32, #tpu.memory_space<vmem_shared>> -> memref<128x128xf32, #tpu.memory_space<vmem_shared>>
      %dma_wait3A_66 = arith.constant 0 : i32
      %dma_wait3A_67 = tpu.memref_slice %arg7[%add3A_61, %dma_wait3A_66] : memref<10240x128xf32, #tpu.memory_space<vmem_shared>> -> memref<128x128xf32, #tpu.memory_space<vmem_shared>>
      tpu.wait_dma2 semaphore(%run_scoped3A : memref<!tpu.dma_semaphore, #tpu.memory_space<semaphore_mem>>) src(%dma_wait3A_67 : memref<128x128xf32, #tpu.memory_space<vmem_shared>>) dst(%arg6 : memref<128x128xf32, #tpu.memory_space<vmem>>)
      tpu.yield
    }) : () -> ()
    "tpu.region"() ({
      %run_scoped3A = tpu.sem_alloc : memref<!tpu.dma_semaphore, #tpu.memory_space<semaphore_mem>>
      %dma_start3A = arith.constant 0 : i32
      %dma_start3A_62 = arith.constant 0 : i32
      %dma_start3A_63 = tpu.memref_slice %arg3[%arg0, %dma_start3A, %dma_start3A_62] : memref<2x10240x128xf32, #tpu.memory_space<hbm>> -> memref<1x10240x128xf32, #tpu.memory_space<hbm>>
      %dma_start3A_64 = tpu.memref_squeeze %dma_start3A_63 : memref<1x10240x128xf32, #tpu.memory_space<hbm>> -> memref<10240x128xf32, #tpu.memory_space<hbm>>
      %dma_start3A_65 = arith.constant 0 : i32
      %dma_start3A_66 = tpu.memref_slice %dma_start3A_64[%add3A_61, %dma_start3A_65] : memref<10240x128xf32, #tpu.memory_space<hbm>> -> memref<128x128xf32, #tpu.memory_space<hbm>>
      %dma_start3A_67 = arith.constant 0 : i32
      %dma_start3A_68 = arith.constant 0 : i32
      %dma_start3A_69 = tpu.memref_slice %arg3[%arg0, %dma_start3A_67, %dma_start3A_68] : memref<2x10240x128xf32, #tpu.memory_space<hbm>> -> memref<1x10240x128xf32, #tpu.memory_space<hbm>>
      %dma_start3A_70 = tpu.memref_squeeze %dma_start3A_69 : memref<1x10240x128xf32, #tpu.memory_space<hbm>> -> memref<10240x128xf32, #tpu.memory_space<hbm>>
      %dma_start3A_71 = arith.constant 0 : i32
      %dma_start3A_72 = tpu.memref_slice %dma_start3A_70[%add3A_61, %dma_start3A_71] : memref<10240x128xf32, #tpu.memory_space<hbm>> -> memref<128x128xf32, #tpu.memory_space<hbm>>
      tpu.enqueue_dma source(%arg6 : memref<128x128xf32, #tpu.memory_space<vmem>>) target(%dma_start3A_72 : memref<128x128xf32, #tpu.memory_space<hbm>>) target_semaphore(%run_scoped3A : memref<!tpu.dma_semaphore, #tpu.memory_space<semaphore_mem>>)
      %dma_wait3A = arith.constant 0 : i32
      %dma_wait3A_73 = arith.constant 0 : i32
      %dma_wait3A_74 = tpu.memref_slice %arg3[%arg0, %dma_wait3A, %dma_wait3A_73] : memref<2x10240x128xf32, #tpu.memory_space<hbm>> -> memref<1x10240x128xf32, #tpu.memory_space<hbm>>
      %dma_wait3A_75 = tpu.memref_squeeze %dma_wait3A_74 : memref<1x10240x128xf32, #tpu.memory_space<hbm>> -> memref<10240x128xf32, #tpu.memory_space<hbm>>
      %dma_wait3A_76 = arith.constant 0 : i32
      %dma_wait3A_77 = tpu.memref_slice %dma_wait3A_75[%add3A_61, %dma_wait3A_76] : memref<10240x128xf32, #tpu.memory_space<hbm>> -> memref<128x128xf32, #tpu.memory_space<hbm>>
      %dma_wait3A_78 = arith.constant 0 : i32
      %dma_wait3A_79 = arith.constant 0 : i32
      %dma_wait3A_80 = tpu.memref_slice %arg3[%arg0, %dma_wait3A_78, %dma_wait3A_79] : memref<2x10240x128xf32, #tpu.memory_space<hbm>> -> memref<1x10240x128xf32, #tpu.memory_space<hbm>>
      %dma_wait3A_81 = tpu.memref_squeeze %dma_wait3A_80 : memref<1x10240x128xf32, #tpu.memory_space<hbm>> -> memref<10240x128xf32, #tpu.memory_space<hbm>>
      %dma_wait3A_82 = arith.constant 0 : i32
      %dma_wait3A_83 = tpu.memref_slice %dma_wait3A_81[%add3A_61, %dma_wait3A_82] : memref<10240x128xf32, #tpu.memory_space<hbm>> -> memref<128x128xf32, #tpu.memory_space<hbm>>
      tpu.wait_dma2 semaphore(%run_scoped3A : memref<!tpu.dma_semaphore, #tpu.memory_space<semaphore_mem>>) src(%arg6 : memref<128x128xf32, #tpu.memory_space<vmem>>) dst(%dma_wait3A_83 : memref<128x128xf32, #tpu.memory_space<hbm>>)
      tpu.yield
    }) : () -> ()
    return
  }
}

#map = affine_map<(d0, d1) -> (0, 0)>
#map1 = affine_map<(d0, d1) -> (0)>
#map2 = affine_map<(d0, d1) -> (0, 0, 0)>
module attributes {stable_mosaic.version = 14 : i64} {
  func.func @_agg_kernel_body(%arg0: i32, %arg1: i32, %arg2: memref<10000x128xf32, #tpu.memory_space<hbm>>, %arg3: memref<320000xi32, #tpu.memory_space<hbm>>, %arg4: memref<320000xi32, #tpu.memory_space<hbm>>, %arg5: memref<2x10240x128xf32, #tpu.memory_space<hbm>>, %arg6: memref<80xi32, #tpu.memory_space<vmem>>, %arg7: memref<80xi32, #tpu.memory_space<vmem>>, %arg8: memref<80x128xf32, #tpu.memory_space<vmem>>, %arg9: memref<128x128xf32, #tpu.memory_space<vmem>>, %arg10: memref<!tpu.dma_semaphore, #tpu.memory_space<semaphore_mem>>, %arg11: memref<10240x128xf32, #tpu.memory_space<vmem_shared>>) attributes {dimension_semantics = [#tpu.dimension_semantics<core_parallel>, #tpu.dimension_semantics<subcore_parallel>], iteration_bounds = array<i64: 2, 16>, scalar_prefetch = 0 : i64, scratch_operands = 6 : i64, tpu.core_type = #tpu.core_type<sc_vector_subcore>, window_params = [{transform_indices = #map}, {transform_indices = #map1}, {transform_indices = #map1}, {transform_indices = #map2}]} {
    %mul3A = arith.constant 2 : i32
    %mul3A_0 = arith.muli %arg1, %mul3A : i32
    %add3A = arith.addi %mul3A_0, %arg0 : i32
    %scan3A = arith.constant 0 : i32
    %scan3A_1 = arith.constant 0 : i32
    %scan3A_2 = arith.constant 128 : i32
    %scan3A_3 = arith.addi %scan3A_1, %scan3A_2 : i32
    %scan3A_4 = arith.constant 1 : i32
    %scan3A_5 = scf.for %scan3A_55 = %scan3A_1 to %scan3A_3 step %scan3A_4 iter_args(%scan3A_56 = %scan3A) -> (i32)  : i32 {
      %broadcast_in_dim3A = arith.constant 0.000000e+00 : f32
      %broadcast_in_dim3A_57 = vector.broadcast %broadcast_in_dim3A : f32 to vector<16xf32>
      %swap3A = arith.index_cast %scan3A_55 : i32 to index
      %swap3A_58 = arith.constant 0 : index
      %swap3A_59 = tpu.vector_load %arg9[%swap3A, %swap3A_58] {strides = array<i32>} : memref<128x128xf32, #tpu.memory_space<vmem>>, vector<1x16xf32>,
      %swap3A_60 = vector.shape_cast %swap3A_59 : vector<1x16xf32> to vector<16xf32>
      %swap3A_61 = vector.shape_cast %broadcast_in_dim3A_57 : vector<16xf32> to vector<1x16xf32>
      tpu.vector_store %arg9[%swap3A, %swap3A_58], %swap3A_61 {strides = array<i32>} : memref<128x128xf32, #tpu.memory_space<vmem>>, vector<1x16xf32>,
      %broadcast_in_dim3A_62 = arith.constant 0.000000e+00 : f32
      %broadcast_in_dim3A_63 = vector.broadcast %broadcast_in_dim3A_62 : f32 to vector<16xf32>
      %swap3A_64 = arith.index_cast %scan3A_55 : i32 to index
      %swap3A_65 = arith.constant 16 : index
      %swap3A_66 = tpu.vector_load %arg9[%swap3A_64, %swap3A_65] {strides = array<i32>} : memref<128x128xf32, #tpu.memory_space<vmem>>, vector<1x16xf32>,
      %swap3A_67 = vector.shape_cast %swap3A_66 : vector<1x16xf32> to vector<16xf32>
      %swap3A_68 = vector.shape_cast %broadcast_in_dim3A_63 : vector<16xf32> to vector<1x16xf32>
      tpu.vector_store %arg9[%swap3A_64, %swap3A_65], %swap3A_68 {strides = array<i32>} : memref<128x128xf32, #tpu.memory_space<vmem>>, vector<1x16xf32>,
      %broadcast_in_dim3A_69 = arith.constant 0.000000e+00 : f32
      %broadcast_in_dim3A_70 = vector.broadcast %broadcast_in_dim3A_69 : f32 to vector<16xf32>
      %swap3A_71 = arith.index_cast %scan3A_55 : i32 to index
      %swap3A_72 = arith.constant 32 : index
      %swap3A_73 = tpu.vector_load %arg9[%swap3A_71, %swap3A_72] {strides = array<i32>} : memref<128x128xf32, #tpu.memory_space<vmem>>, vector<1x16xf32>,
      %swap3A_74 = vector.shape_cast %swap3A_73 : vector<1x16xf32> to vector<16xf32>
      %swap3A_75 = vector.shape_cast %broadcast_in_dim3A_70 : vector<16xf32> to vector<1x16xf32>
      tpu.vector_store %arg9[%swap3A_71, %swap3A_72], %swap3A_75 {strides = array<i32>} : memref<128x128xf32, #tpu.memory_space<vmem>>, vector<1x16xf32>,
      %broadcast_in_dim3A_76 = arith.constant 0.000000e+00 : f32
      %broadcast_in_dim3A_77 = vector.broadcast %broadcast_in_dim3A_76 : f32 to vector<16xf32>
      %swap3A_78 = arith.index_cast %scan3A_55 : i32 to index
      %swap3A_79 = arith.constant 48 : index
      %swap3A_80 = tpu.vector_load %arg9[%swap3A_78, %swap3A_79] {strides = array<i32>} : memref<128x128xf32, #tpu.memory_space<vmem>>, vector<1x16xf32>,
      %swap3A_81 = vector.shape_cast %swap3A_80 : vector<1x16xf32> to vector<16xf32>
      %swap3A_82 = vector.shape_cast %broadcast_in_dim3A_77 : vector<16xf32> to vector<1x16xf32>
      tpu.vector_store %arg9[%swap3A_78, %swap3A_79], %swap3A_82 {strides = array<i32>} : memref<128x128xf32, #tpu.memory_space<vmem>>, vector<1x16xf32>,
      %broadcast_in_dim3A_83 = arith.constant 0.000000e+00 : f32
      %broadcast_in_dim3A_84 = vector.broadcast %broadcast_in_dim3A_83 : f32 to vector<16xf32>
      %swap3A_85 = arith.index_cast %scan3A_55 : i32 to index
      %swap3A_86 = arith.constant 64 : index
      %swap3A_87 = tpu.vector_load %arg9[%swap3A_85, %swap3A_86] {strides = array<i32>} : memref<128x128xf32, #tpu.memory_space<vmem>>, vector<1x16xf32>,
      %swap3A_88 = vector.shape_cast %swap3A_87 : vector<1x16xf32> to vector<16xf32>
      %swap3A_89 = vector.shape_cast %broadcast_in_dim3A_84 : vector<16xf32> to vector<1x16xf32>
      tpu.vector_store %arg9[%swap3A_85, %swap3A_86], %swap3A_89 {strides = array<i32>} : memref<128x128xf32, #tpu.memory_space<vmem>>, vector<1x16xf32>,
      %broadcast_in_dim3A_90 = arith.constant 0.000000e+00 : f32
      %broadcast_in_dim3A_91 = vector.broadcast %broadcast_in_dim3A_90 : f32 to vector<16xf32>
      %swap3A_92 = arith.index_cast %scan3A_55 : i32 to index
      %swap3A_93 = arith.constant 80 : index
      %swap3A_94 = tpu.vector_load %arg9[%swap3A_92, %swap3A_93] {strides = array<i32>} : memref<128x128xf32, #tpu.memory_space<vmem>>, vector<1x16xf32>,
      %swap3A_95 = vector.shape_cast %swap3A_94 : vector<1x16xf32> to vector<16xf32>
      %swap3A_96 = vector.shape_cast %broadcast_in_dim3A_91 : vector<16xf32> to vector<1x16xf32>
      tpu.vector_store %arg9[%swap3A_92, %swap3A_93], %swap3A_96 {strides = array<i32>} : memref<128x128xf32, #tpu.memory_space<vmem>>, vector<1x16xf32>,
      %broadcast_in_dim3A_97 = arith.constant 0.000000e+00 : f32
      %broadcast_in_dim3A_98 = vector.broadcast %broadcast_in_dim3A_97 : f32 to vector<16xf32>
      %swap3A_99 = arith.index_cast %scan3A_55 : i32 to index
      %swap3A_100 = arith.constant 96 : index
      %swap3A_101 = tpu.vector_load %arg9[%swap3A_99, %swap3A_100] {strides = array<i32>} : memref<128x128xf32, #tpu.memory_space<vmem>>, vector<1x16xf32>,
      %swap3A_102 = vector.shape_cast %swap3A_101 : vector<1x16xf32> to vector<16xf32>
      %swap3A_103 = vector.shape_cast %broadcast_in_dim3A_98 : vector<16xf32> to vector<1x16xf32>
      tpu.vector_store %arg9[%swap3A_99, %swap3A_100], %swap3A_103 {strides = array<i32>} : memref<128x128xf32, #tpu.memory_space<vmem>>, vector<1x16xf32>,
      %broadcast_in_dim3A_104 = arith.constant 0.000000e+00 : f32
      %broadcast_in_dim3A_105 = vector.broadcast %broadcast_in_dim3A_104 : f32 to vector<16xf32>
      %swap3A_106 = arith.index_cast %scan3A_55 : i32 to index
      %swap3A_107 = arith.constant 112 : index
      %swap3A_108 = tpu.vector_load %arg9[%swap3A_106, %swap3A_107] {strides = array<i32>} : memref<128x128xf32, #tpu.memory_space<vmem>>, vector<1x16xf32>,
      %swap3A_109 = vector.shape_cast %swap3A_108 : vector<1x16xf32> to vector<16xf32>
      %swap3A_110 = vector.shape_cast %broadcast_in_dim3A_105 : vector<16xf32> to vector<1x16xf32>
      tpu.vector_store %arg9[%swap3A_106, %swap3A_107], %swap3A_110 {strides = array<i32>} : memref<128x128xf32, #tpu.memory_space<vmem>>, vector<1x16xf32>,
      %scan3A_111 = arith.constant 0 : i32
      scf.yield %scan3A_111 : i32
    }
    %scan3A_6 = arith.constant 128 : i32
    %mul3A_7 = arith.constant 640 : i32
    %mul3A_8 = arith.muli %arg1, %mul3A_7 : i32
    %add3A_9 = arith.constant 0 : i32
    %add3A_10 = arith.addi %mul3A_8, %add3A_9 : i32
    "tpu.region"() ({
      %run_scoped3A = tpu.sem_alloc : memref<!tpu.dma_semaphore, #tpu.memory_space<semaphore_mem>>
      %dma_start3A = arith.constant 0 : i32
      %dma_start3A_55 = tpu.memref_slice %arg11[%add3A_10, %dma_start3A] : memref<10240x128xf32, #tpu.memory_space<vmem_shared>> -> memref<128x128xf32, #tpu.memory_space<vmem_shared>>
      %dma_start3A_56 = arith.constant 0 : i32
      %dma_start3A_57 = tpu.memref_slice %arg11[%add3A_10, %dma_start3A_56] : memref<10240x128xf32, #tpu.memory_space<vmem_shared>> -> memref<128x128xf32, #tpu.memory_space<vmem_shared>>
      tpu.enqueue_dma source(%arg9 : memref<128x128xf32, #tpu.memory_space<vmem>>) target(%dma_start3A_57 : memref<128x128xf32, #tpu.memory_space<vmem_shared>>) target_semaphore(%run_scoped3A : memref<!tpu.dma_semaphore, #tpu.memory_space<semaphore_mem>>)
      %dma_wait3A = arith.constant 0 : i32
      %dma_wait3A_58 = tpu.memref_slice %arg11[%add3A_10, %dma_wait3A] : memref<10240x128xf32, #tpu.memory_space<vmem_shared>> -> memref<128x128xf32, #tpu.memory_space<vmem_shared>>
      %dma_wait3A_59 = arith.constant 0 : i32
      %dma_wait3A_60 = tpu.memref_slice %arg11[%add3A_10, %dma_wait3A_59] : memref<10240x128xf32, #tpu.memory_space<vmem_shared>> -> memref<128x128xf32, #tpu.memory_space<vmem_shared>>
      tpu.wait_dma2 semaphore(%run_scoped3A : memref<!tpu.dma_semaphore, #tpu.memory_space<semaphore_mem>>) src(%arg9 : memref<128x128xf32, #tpu.memory_space<vmem>>) dst(%dma_wait3A_60 : memref<128x128xf32, #tpu.memory_space<vmem_shared>>)
      tpu.yield
    }) : () -> ()
    %mul3A_11 = arith.constant 640 : i32
    %mul3A_12 = arith.muli %arg1, %mul3A_11 : i32
    %add3A_13 = arith.constant 128 : i32
    %add3A_14 = arith.addi %mul3A_12, %add3A_13 : i32
    "tpu.region"() ({
      %run_scoped3A = tpu.sem_alloc : memref<!tpu.dma_semaphore, #tpu.memory_space<semaphore_mem>>
      %dma_start3A = arith.constant 0 : i32
      %dma_start3A_55 = tpu.memref_slice %arg11[%add3A_14, %dma_start3A] : memref<10240x128xf32, #tpu.memory_space<vmem_shared>> -> memref<128x128xf32, #tpu.memory_space<vmem_shared>>
      %dma_start3A_56 = arith.constant 0 : i32
      %dma_start3A_57 = tpu.memref_slice %arg11[%add3A_14, %dma_start3A_56] : memref<10240x128xf32, #tpu.memory_space<vmem_shared>> -> memref<128x128xf32, #tpu.memory_space<vmem_shared>>
      tpu.enqueue_dma source(%arg9 : memref<128x128xf32, #tpu.memory_space<vmem>>) target(%dma_start3A_57 : memref<128x128xf32, #tpu.memory_space<vmem_shared>>) target_semaphore(%run_scoped3A : memref<!tpu.dma_semaphore, #tpu.memory_space<semaphore_mem>>)
      %dma_wait3A = arith.constant 0 : i32
      %dma_wait3A_58 = tpu.memref_slice %arg11[%add3A_14, %dma_wait3A] : memref<10240x128xf32, #tpu.memory_space<vmem_shared>> -> memref<128x128xf32, #tpu.memory_space<vmem_shared>>
      %dma_wait3A_59 = arith.constant 0 : i32
      %dma_wait3A_60 = tpu.memref_slice %arg11[%add3A_14, %dma_wait3A_59] : memref<10240x128xf32, #tpu.memory_space<vmem_shared>> -> memref<128x128xf32, #tpu.memory_space<vmem_shared>>
      tpu.wait_dma2 semaphore(%run_scoped3A : memref<!tpu.dma_semaphore, #tpu.memory_space<semaphore_mem>>) src(%arg9 : memref<128x128xf32, #tpu.memory_space<vmem>>) dst(%dma_wait3A_60 : memref<128x128xf32, #tpu.memory_space<vmem_shared>>)
      tpu.yield
    }) : () -> ()
    %mul3A_15 = arith.constant 640 : i32
    %mul3A_16 = arith.muli %arg1, %mul3A_15 : i32
    %add3A_17 = arith.constant 256 : i32
    %add3A_18 = arith.addi %mul3A_16, %add3A_17 : i32
    "tpu.region"() ({
      %run_scoped3A = tpu.sem_alloc : memref<!tpu.dma_semaphore, #tpu.memory_space<semaphore_mem>>
      %dma_start3A = arith.constant 0 : i32
      %dma_start3A_55 = tpu.memref_slice %arg11[%add3A_18, %dma_start3A] : memref<10240x128xf32, #tpu.memory_space<vmem_shared>> -> memref<128x128xf32, #tpu.memory_space<vmem_shared>>
      %dma_start3A_56 = arith.constant 0 : i32
      %dma_start3A_57 = tpu.memref_slice %arg11[%add3A_18, %dma_start3A_56] : memref<10240x128xf32, #tpu.memory_space<vmem_shared>> -> memref<128x128xf32, #tpu.memory_space<vmem_shared>>
      tpu.enqueue_dma source(%arg9 : memref<128x128xf32, #tpu.memory_space<vmem>>) target(%dma_start3A_57 : memref<128x128xf32, #tpu.memory_space<vmem_shared>>) target_semaphore(%run_scoped3A : memref<!tpu.dma_semaphore, #tpu.memory_space<semaphore_mem>>)
      %dma_wait3A = arith.constant 0 : i32
      %dma_wait3A_58 = tpu.memref_slice %arg11[%add3A_18, %dma_wait3A] : memref<10240x128xf32, #tpu.memory_space<vmem_shared>> -> memref<128x128xf32, #tpu.memory_space<vmem_shared>>
      %dma_wait3A_59 = arith.constant 0 : i32
      %dma_wait3A_60 = tpu.memref_slice %arg11[%add3A_18, %dma_wait3A_59] : memref<10240x128xf32, #tpu.memory_space<vmem_shared>> -> memref<128x128xf32, #tpu.memory_space<vmem_shared>>
      tpu.wait_dma2 semaphore(%run_scoped3A : memref<!tpu.dma_semaphore, #tpu.memory_space<semaphore_mem>>) src(%arg9 : memref<128x128xf32, #tpu.memory_space<vmem>>) dst(%dma_wait3A_60 : memref<128x128xf32, #tpu.memory_space<vmem_shared>>)
      tpu.yield
    }) : () -> ()
    %mul3A_19 = arith.constant 640 : i32
    %mul3A_20 = arith.muli %arg1, %mul3A_19 : i32
    %add3A_21 = arith.constant 384 : i32
    %add3A_22 = arith.addi %mul3A_20, %add3A_21 : i32
    "tpu.region"() ({
      %run_scoped3A = tpu.sem_alloc : memref<!tpu.dma_semaphore, #tpu.memory_space<semaphore_mem>>
      %dma_start3A = arith.constant 0 : i32
      %dma_start3A_55 = tpu.memref_slice %arg11[%add3A_22, %dma_start3A] : memref<10240x128xf32, #tpu.memory_space<vmem_shared>> -> memref<128x128xf32, #tpu.memory_space<vmem_shared>>
      %dma_start3A_56 = arith.constant 0 : i32
      %dma_start3A_57 = tpu.memref_slice %arg11[%add3A_22, %dma_start3A_56] : memref<10240x128xf32, #tpu.memory_space<vmem_shared>> -> memref<128x128xf32, #tpu.memory_space<vmem_shared>>
      tpu.enqueue_dma source(%arg9 : memref<128x128xf32, #tpu.memory_space<vmem>>) target(%dma_start3A_57 : memref<128x128xf32, #tpu.memory_space<vmem_shared>>) target_semaphore(%run_scoped3A : memref<!tpu.dma_semaphore, #tpu.memory_space<semaphore_mem>>)
      %dma_wait3A = arith.constant 0 : i32
      %dma_wait3A_58 = tpu.memref_slice %arg11[%add3A_22, %dma_wait3A] : memref<10240x128xf32, #tpu.memory_space<vmem_shared>> -> memref<128x128xf32, #tpu.memory_space<vmem_shared>>
      %dma_wait3A_59 = arith.constant 0 : i32
      %dma_wait3A_60 = tpu.memref_slice %arg11[%add3A_22, %dma_wait3A_59] : memref<10240x128xf32, #tpu.memory_space<vmem_shared>> -> memref<128x128xf32, #tpu.memory_space<vmem_shared>>
      tpu.wait_dma2 semaphore(%run_scoped3A : memref<!tpu.dma_semaphore, #tpu.memory_space<semaphore_mem>>) src(%arg9 : memref<128x128xf32, #tpu.memory_space<vmem>>) dst(%dma_wait3A_60 : memref<128x128xf32, #tpu.memory_space<vmem_shared>>)
      tpu.yield
    }) : () -> ()
    %mul3A_23 = arith.constant 640 : i32
    %mul3A_24 = arith.muli %arg1, %mul3A_23 : i32
    %add3A_25 = arith.constant 512 : i32
    %add3A_26 = arith.addi %mul3A_24, %add3A_25 : i32
    "tpu.region"() ({
      %run_scoped3A = tpu.sem_alloc : memref<!tpu.dma_semaphore, #tpu.memory_space<semaphore_mem>>
      %dma_start3A = arith.constant 0 : i32
      %dma_start3A_55 = tpu.memref_slice %arg11[%add3A_26, %dma_start3A] : memref<10240x128xf32, #tpu.memory_space<vmem_shared>> -> memref<128x128xf32, #tpu.memory_space<vmem_shared>>
      %dma_start3A_56 = arith.constant 0 : i32
      %dma_start3A_57 = tpu.memref_slice %arg11[%add3A_26, %dma_start3A_56] : memref<10240x128xf32, #tpu.memory_space<vmem_shared>> -> memref<128x128xf32, #tpu.memory_space<vmem_shared>>
      tpu.enqueue_dma source(%arg9 : memref<128x128xf32, #tpu.memory_space<vmem>>) target(%dma_start3A_57 : memref<128x128xf32, #tpu.memory_space<vmem_shared>>) target_semaphore(%run_scoped3A : memref<!tpu.dma_semaphore, #tpu.memory_space<semaphore_mem>>)
      %dma_wait3A = arith.constant 0 : i32
      %dma_wait3A_58 = tpu.memref_slice %arg11[%add3A_26, %dma_wait3A] : memref<10240x128xf32, #tpu.memory_space<vmem_shared>> -> memref<128x128xf32, #tpu.memory_space<vmem_shared>>
      %dma_wait3A_59 = arith.constant 0 : i32
      %dma_wait3A_60 = tpu.memref_slice %arg11[%add3A_26, %dma_wait3A_59] : memref<10240x128xf32, #tpu.memory_space<vmem_shared>> -> memref<128x128xf32, #tpu.memory_space<vmem_shared>>
      tpu.wait_dma2 semaphore(%run_scoped3A : memref<!tpu.dma_semaphore, #tpu.memory_space<semaphore_mem>>) src(%arg9 : memref<128x128xf32, #tpu.memory_space<vmem>>) dst(%dma_wait3A_60 : memref<128x128xf32, #tpu.memory_space<vmem_shared>>)
      tpu.yield
    }) : () -> ()
    %barrier3A = arith.constant 0 : index
    tpu.barrier barrier_id(%barrier3A)
    %scan3A_27 = arith.constant 0 : i32
    %scan3A_28 = arith.constant 0 : i32
    %scan3A_29 = arith.constant 125 : i32
    %scan3A_30 = arith.addi %scan3A_28, %scan3A_29 : i32
    %scan3A_31 = arith.constant 1 : i32
    %scan3A_32 = scf.for %scan3A_55 = %scan3A_28 to %scan3A_30 step %scan3A_31 iter_args(%scan3A_56 = %scan3A_27) -> (i32)  : i32 {
      %mul3A_57 = arith.constant 10000 : i32
      %mul3A_58 = arith.muli %add3A, %mul3A_57 : i32
      %mul3A_59 = arith.constant 80 : i32
      %mul3A_60 = arith.muli %scan3A_55, %mul3A_59 : i32
      %add3A_61 = arith.addi %mul3A_58, %mul3A_60 : i32
      "tpu.region"() ({
        %run_scoped3A = tpu.sem_alloc : memref<!tpu.dma_semaphore, #tpu.memory_space<semaphore_mem>>
        %dma_start3A_67 = tpu.memref_slice %arg3[%add3A_61] : memref<320000xi32, #tpu.memory_space<hbm>> -> memref<80xi32, #tpu.memory_space<hbm>>
        %dma_start3A_68 = tpu.memref_slice %arg3[%add3A_61] : memref<320000xi32, #tpu.memory_space<hbm>> -> memref<80xi32, #tpu.memory_space<hbm>>
        tpu.enqueue_dma source(%dma_start3A_68 : memref<80xi32, #tpu.memory_space<hbm>>) target(%arg6 : memref<80xi32, #tpu.memory_space<vmem>>) target_semaphore(%run_scoped3A : memref<!tpu.dma_semaphore, #tpu.memory_space<semaphore_mem>>)
        %dma_wait3A_69 = tpu.memref_slice %arg3[%add3A_61] : memref<320000xi32, #tpu.memory_space<hbm>> -> memref<80xi32, #tpu.memory_space<hbm>>
        %dma_wait3A_70 = tpu.memref_slice %arg3[%add3A_61] : memref<320000xi32, #tpu.memory_space<hbm>> -> memref<80xi32, #tpu.memory_space<hbm>>
        tpu.wait_dma2 semaphore(%run_scoped3A : memref<!tpu.dma_semaphore, #tpu.memory_space<semaphore_mem>>) src(%dma_wait3A_70 : memref<80xi32, #tpu.memory_space<hbm>>) dst(%arg6 : memref<80xi32, #tpu.memory_space<vmem>>)
        tpu.yield
      }) : () -> ()
      "tpu.region"() ({
        %run_scoped3A = tpu.sem_alloc : memref<!tpu.dma_semaphore, #tpu.memory_space<semaphore_mem>>
        %dma_start3A_67 = tpu.memref_slice %arg4[%add3A_61] : memref<320000xi32, #tpu.memory_space<hbm>> -> memref<80xi32, #tpu.memory_space<hbm>>
        %dma_start3A_68 = tpu.memref_slice %arg4[%add3A_61] : memref<320000xi32, #tpu.memory_space<hbm>> -> memref<80xi32, #tpu.memory_space<hbm>>
        tpu.enqueue_dma source(%dma_start3A_68 : memref<80xi32, #tpu.memory_space<hbm>>) target(%arg7 : memref<80xi32, #tpu.memory_space<vmem>>) target_semaphore(%run_scoped3A : memref<!tpu.dma_semaphore, #tpu.memory_space<semaphore_mem>>)
        %dma_wait3A_69 = tpu.memref_slice %arg4[%add3A_61] : memref<320000xi32, #tpu.memory_space<hbm>> -> memref<80xi32, #tpu.memory_space<hbm>>
        %dma_wait3A_70 = tpu.memref_slice %arg4[%add3A_61] : memref<320000xi32, #tpu.memory_space<hbm>> -> memref<80xi32, #tpu.memory_space<hbm>>
        tpu.wait_dma2 semaphore(%run_scoped3A : memref<!tpu.dma_semaphore, #tpu.memory_space<semaphore_mem>>) src(%dma_wait3A_70 : memref<80xi32, #tpu.memory_space<hbm>>) dst(%arg7 : memref<80xi32, #tpu.memory_space<vmem>>)
        tpu.yield
      }) : () -> ()
      %dma_start3A = arith.constant 0 : i32
      %dma_start3A_62 = arith.constant 0 : i32
      %dma_start3A_63 = tpu.memref_slice %arg2[%dma_start3A, %dma_start3A_62] : memref<10000x128xf32, #tpu.memory_space<hbm>> -> memref<10000x128xf32, #tpu.memory_space<hbm>>
      tpu.enqueue_indirect_dma source(%dma_start3A_63 : memref<10000x128xf32, #tpu.memory_space<hbm>>) target(%arg8 : memref<80x128xf32, #tpu.memory_space<vmem>>) offsets(%arg6 : memref<80xi32, #tpu.memory_space<vmem>>) semaphore(%arg10 : memref<!tpu.dma_semaphore, #tpu.memory_space<semaphore_mem>>)
      %dma_wait3A = arith.constant 0 : i32
      %dma_wait3A_64 = arith.constant 0 : i32
      %dma_wait3A_65 = tpu.memref_slice %arg2[%dma_wait3A, %dma_wait3A_64] : memref<10000x128xf32, #tpu.memory_space<hbm>> -> memref<10000x128xf32, #tpu.memory_space<hbm>>
      tpu.wait_indirect_dma semaphore(%arg10 : memref<!tpu.dma_semaphore, #tpu.memory_space<semaphore_mem>>) src(%dma_wait3A_65 : memref<10000x128xf32, #tpu.memory_space<hbm>>) dst(%arg8 : memref<80x128xf32, #tpu.memory_space<vmem>>)
      "tpu.region"() ({
        %run_scoped3A = tpu.sem_alloc : memref<!tpu.dma_semaphore, #tpu.memory_space<semaphore_mem>>
        %dma_start3A_67 = arith.constant 0 : i32
        %dma_start3A_68 = arith.constant 0 : i32
        %dma_start3A_69 = tpu.memref_slice %arg11[%dma_start3A_67, %dma_start3A_68] : memref<10240x128xf32, #tpu.memory_space<vmem_shared>> -> memref<10240x128xf32, #tpu.memory_space<vmem_shared>>
        tpu.enqueue_indirect_dma source(%arg8 : memref<80x128xf32, #tpu.memory_space<vmem>>) target(%dma_start3A_69 : memref<10240x128xf32, #tpu.memory_space<vmem_shared>>) offsets(%arg7 : memref<80xi32, #tpu.memory_space<vmem>>) semaphore(%run_scoped3A : memref<!tpu.dma_semaphore, #tpu.memory_space<semaphore_mem>>) {add = true}
        %dma_wait3A_70 = arith.constant 0 : i32
        %dma_wait3A_71 = arith.constant 0 : i32
        %dma_wait3A_72 = tpu.memref_slice %arg11[%dma_wait3A_70, %dma_wait3A_71] : memref<10240x128xf32, #tpu.memory_space<vmem_shared>> -> memref<10240x128xf32, #tpu.memory_space<vmem_shared>>
        tpu.wait_indirect_dma semaphore(%run_scoped3A : memref<!tpu.dma_semaphore, #tpu.memory_space<semaphore_mem>>) src(%arg8 : memref<80x128xf32, #tpu.memory_space<vmem>>) dst(%dma_wait3A_72 : memref<10240x128xf32, #tpu.memory_space<vmem_shared>>)
        tpu.yield
      }) : () -> ()
      %scan3A_66 = arith.constant 0 : i32
      scf.yield %scan3A_66 : i32
    }
    %scan3A_33 = arith.constant 125 : i32
    %barrier3A_34 = arith.constant 0 : index
    tpu.barrier barrier_id(%barrier3A_34)
    %mul3A_35 = arith.constant 640 : i32
    %mul3A_36 = arith.muli %arg1, %mul3A_35 : i32
    %add3A_37 = arith.constant 0 : i32
    %add3A_38 = arith.addi %mul3A_36, %add3A_37 : i32
    "tpu.region"() ({
      %run_scoped3A = tpu.sem_alloc : memref<!tpu.dma_semaphore, #tpu.memory_space<semaphore_mem>>
      %dma_start3A = arith.constant 0 : i32
      %dma_start3A_55 = tpu.memref_slice %arg11[%add3A_38, %dma_start3A] : memref<10240x128xf32, #tpu.memory_space<vmem_shared>> -> memref<128x128xf32, #tpu.memory_space<vmem_shared>>
      %dma_start3A_56 = arith.constant 0 : i32
      %dma_start3A_57 = tpu.memref_slice %arg11[%add3A_38, %dma_start3A_56] : memref<10240x128xf32, #tpu.memory_space<vmem_shared>> -> memref<128x128xf32, #tpu.memory_space<vmem_shared>>
      tpu.enqueue_dma source(%dma_start3A_57 : memref<128x128xf32, #tpu.memory_space<vmem_shared>>) target(%arg9 : memref<128x128xf32, #tpu.memory_space<vmem>>) target_semaphore(%run_scoped3A : memref<!tpu.dma_semaphore, #tpu.memory_space<semaphore_mem>>)
      %dma_wait3A = arith.constant 0 : i32
      %dma_wait3A_58 = tpu.memref_slice %arg11[%add3A_38, %dma_wait3A] : memref<10240x128xf32, #tpu.memory_space<vmem_shared>> -> memref<128x128xf32, #tpu.memory_space<vmem_shared>>
      %dma_wait3A_59 = arith.constant 0 : i32
      %dma_wait3A_60 = tpu.memref_slice %arg11[%add3A_38, %dma_wait3A_59] : memref<10240x128xf32, #tpu.memory_space<vmem_shared>> -> memref<128x128xf32, #tpu.memory_space<vmem_shared>>
      tpu.wait_dma2 semaphore(%run_scoped3A : memref<!tpu.dma_semaphore, #tpu.memory_space<semaphore_mem>>) src(%dma_wait3A_60 : memref<128x128xf32, #tpu.memory_space<vmem_shared>>) dst(%arg9 : memref<128x128xf32, #tpu.memory_space<vmem>>)
      tpu.yield
    }) : () -> ()
    "tpu.region"() ({
      %run_scoped3A = tpu.sem_alloc : memref<!tpu.dma_semaphore, #tpu.memory_space<semaphore_mem>>
      %dma_start3A = arith.constant 0 : i32
      %dma_start3A_55 = arith.constant 0 : i32
      %dma_start3A_56 = tpu.memref_slice %arg5[%arg0, %dma_start3A, %dma_start3A_55] : memref<2x10240x128xf32, #tpu.memory_space<hbm>> -> memref<1x10240x128xf32, #tpu.memory_space<hbm>>
      %dma_start3A_57 = tpu.memref_squeeze %dma_start3A_56 : memref<1x10240x128xf32, #tpu.memory_space<hbm>> -> memref<10240x128xf32, #tpu.memory_space<hbm>>
      %dma_start3A_58 = arith.constant 0 : i32
      %dma_start3A_59 = tpu.memref_slice %dma_start3A_57[%add3A_38, %dma_start3A_58] : memref<10240x128xf32, #tpu.memory_space<hbm>> -> memref<128x128xf32, #tpu.memory_space<hbm>>
      %dma_start3A_60 = arith.constant 0 : i32
      %dma_start3A_61 = arith.constant 0 : i32
      %dma_start3A_62 = tpu.memref_slice %arg5[%arg0, %dma_start3A_60, %dma_start3A_61] : memref<2x10240x128xf32, #tpu.memory_space<hbm>> -> memref<1x10240x128xf32, #tpu.memory_space<hbm>>
      %dma_start3A_63 = tpu.memref_squeeze %dma_start3A_62 : memref<1x10240x128xf32, #tpu.memory_space<hbm>> -> memref<10240x128xf32, #tpu.memory_space<hbm>>
      %dma_start3A_64 = arith.constant 0 : i32
      %dma_start3A_65 = tpu.memref_slice %dma_start3A_63[%add3A_38, %dma_start3A_64] : memref<10240x128xf32, #tpu.memory_space<hbm>> -> memref<128x128xf32, #tpu.memory_space<hbm>>
      tpu.enqueue_dma source(%arg9 : memref<128x128xf32, #tpu.memory_space<vmem>>) target(%dma_start3A_65 : memref<128x128xf32, #tpu.memory_space<hbm>>) target_semaphore(%run_scoped3A : memref<!tpu.dma_semaphore, #tpu.memory_space<semaphore_mem>>)
      %dma_wait3A = arith.constant 0 : i32
      %dma_wait3A_66 = arith.constant 0 : i32
      %dma_wait3A_67 = tpu.memref_slice %arg5[%arg0, %dma_wait3A, %dma_wait3A_66] : memref<2x10240x128xf32, #tpu.memory_space<hbm>> -> memref<1x10240x128xf32, #tpu.memory_space<hbm>>
      %dma_wait3A_68 = tpu.memref_squeeze %dma_wait3A_67 : memref<1x10240x128xf32, #tpu.memory_space<hbm>> -> memref<10240x128xf32, #tpu.memory_space<hbm>>
      %dma_wait3A_69 = arith.constant 0 : i32
      %dma_wait3A_70 = tpu.memref_slice %dma_wait3A_68[%add3A_38, %dma_wait3A_69] : memref<10240x128xf32, #tpu.memory_space<hbm>> -> memref<128x128xf32, #tpu.memory_space<hbm>>
      %dma_wait3A_71 = arith.constant 0 : i32
      %dma_wait3A_72 = arith.constant 0 : i32
      %dma_wait3A_73 = tpu.memref_slice %arg5[%arg0, %dma_wait3A_71, %dma_wait3A_72] : memref<2x10240x128xf32, #tpu.memory_space<hbm>> -> memref<1x10240x128xf32, #tpu.memory_space<hbm>>
      %dma_wait3A_74 = tpu.memref_squeeze %dma_wait3A_73 : memref<1x10240x128xf32, #tpu.memory_space<hbm>> -> memref<10240x128xf32, #tpu.memory_space<hbm>>
      %dma_wait3A_75 = arith.constant 0 : i32
      %dma_wait3A_76 = tpu.memref_slice %dma_wait3A_74[%add3A_38, %dma_wait3A_75] : memref<10240x128xf32, #tpu.memory_space<hbm>> -> memref<128x128xf32, #tpu.memory_space<hbm>>
      tpu.wait_dma2 semaphore(%run_scoped3A : memref<!tpu.dma_semaphore, #tpu.memory_space<semaphore_mem>>) src(%arg9 : memref<128x128xf32, #tpu.memory_space<vmem>>) dst(%dma_wait3A_76 : memref<128x128xf32, #tpu.memory_space<hbm>>)
      tpu.yield
    }) : () -> ()
    %mul3A_39 = arith.constant 640 : i32
    %mul3A_40 = arith.muli %arg1, %mul3A_39 : i32
    %add3A_41 = arith.constant 128 : i32
    %add3A_42 = arith.addi %mul3A_40, %add3A_41 : i32
    "tpu.region"() ({
      %run_scoped3A = tpu.sem_alloc : memref<!tpu.dma_semaphore, #tpu.memory_space<semaphore_mem>>
      %dma_start3A = arith.constant 0 : i32
      %dma_start3A_55 = tpu.memref_slice %arg11[%add3A_42, %dma_start3A] : memref<10240x128xf32, #tpu.memory_space<vmem_shared>> -> memref<128x128xf32, #tpu.memory_space<vmem_shared>>
      %dma_start3A_56 = arith.constant 0 : i32
      %dma_start3A_57 = tpu.memref_slice %arg11[%add3A_42, %dma_start3A_56] : memref<10240x128xf32, #tpu.memory_space<vmem_shared>> -> memref<128x128xf32, #tpu.memory_space<vmem_shared>>
      tpu.enqueue_dma source(%dma_start3A_57 : memref<128x128xf32, #tpu.memory_space<vmem_shared>>) target(%arg9 : memref<128x128xf32, #tpu.memory_space<vmem>>) target_semaphore(%run_scoped3A : memref<!tpu.dma_semaphore, #tpu.memory_space<semaphore_mem>>)
      %dma_wait3A = arith.constant 0 : i32
      %dma_wait3A_58 = tpu.memref_slice %arg11[%add3A_42, %dma_wait3A] : memref<10240x128xf32, #tpu.memory_space<vmem_shared>> -> memref<128x128xf32, #tpu.memory_space<vmem_shared>>
      %dma_wait3A_59 = arith.constant 0 : i32
      %dma_wait3A_60 = tpu.memref_slice %arg11[%add3A_42, %dma_wait3A_59] : memref<10240x128xf32, #tpu.memory_space<vmem_shared>> -> memref<128x128xf32, #tpu.memory_space<vmem_shared>>
      tpu.wait_dma2 semaphore(%run_scoped3A : memref<!tpu.dma_semaphore, #tpu.memory_space<semaphore_mem>>) src(%dma_wait3A_60 : memref<128x128xf32, #tpu.memory_space<vmem_shared>>) dst(%arg9 : memref<128x128xf32, #tpu.memory_space<vmem>>)
      tpu.yield
    }) : () -> ()
    "tpu.region"() ({
      %run_scoped3A = tpu.sem_alloc : memref<!tpu.dma_semaphore, #tpu.memory_space<semaphore_mem>>
      %dma_start3A = arith.constant 0 : i32
      %dma_start3A_55 = arith.constant 0 : i32
      %dma_start3A_56 = tpu.memref_slice %arg5[%arg0, %dma_start3A, %dma_start3A_55] : memref<2x10240x128xf32, #tpu.memory_space<hbm>> -> memref<1x10240x128xf32, #tpu.memory_space<hbm>>
      %dma_start3A_57 = tpu.memref_squeeze %dma_start3A_56 : memref<1x10240x128xf32, #tpu.memory_space<hbm>> -> memref<10240x128xf32, #tpu.memory_space<hbm>>
      %dma_start3A_58 = arith.constant 0 : i32
      %dma_start3A_59 = tpu.memref_slice %dma_start3A_57[%add3A_42, %dma_start3A_58] : memref<10240x128xf32, #tpu.memory_space<hbm>> -> memref<128x128xf32, #tpu.memory_space<hbm>>
      %dma_start3A_60 = arith.constant 0 : i32
      %dma_start3A_61 = arith.constant 0 : i32
      %dma_start3A_62 = tpu.memref_slice %arg5[%arg0, %dma_start3A_60, %dma_start3A_61] : memref<2x10240x128xf32, #tpu.memory_space<hbm>> -> memref<1x10240x128xf32, #tpu.memory_space<hbm>>
      %dma_start3A_63 = tpu.memref_squeeze %dma_start3A_62 : memref<1x10240x128xf32, #tpu.memory_space<hbm>> -> memref<10240x128xf32, #tpu.memory_space<hbm>>
      %dma_start3A_64 = arith.constant 0 : i32
      %dma_start3A_65 = tpu.memref_slice %dma_start3A_63[%add3A_42, %dma_start3A_64] : memref<10240x128xf32, #tpu.memory_space<hbm>> -> memref<128x128xf32, #tpu.memory_space<hbm>>
      tpu.enqueue_dma source(%arg9 : memref<128x128xf32, #tpu.memory_space<vmem>>) target(%dma_start3A_65 : memref<128x128xf32, #tpu.memory_space<hbm>>) target_semaphore(%run_scoped3A : memref<!tpu.dma_semaphore, #tpu.memory_space<semaphore_mem>>)
      %dma_wait3A = arith.constant 0 : i32
      %dma_wait3A_66 = arith.constant 0 : i32
      %dma_wait3A_67 = tpu.memref_slice %arg5[%arg0, %dma_wait3A, %dma_wait3A_66] : memref<2x10240x128xf32, #tpu.memory_space<hbm>> -> memref<1x10240x128xf32, #tpu.memory_space<hbm>>
      %dma_wait3A_68 = tpu.memref_squeeze %dma_wait3A_67 : memref<1x10240x128xf32, #tpu.memory_space<hbm>> -> memref<10240x128xf32, #tpu.memory_space<hbm>>
      %dma_wait3A_69 = arith.constant 0 : i32
      %dma_wait3A_70 = tpu.memref_slice %dma_wait3A_68[%add3A_42, %dma_wait3A_69] : memref<10240x128xf32, #tpu.memory_space<hbm>> -> memref<128x128xf32, #tpu.memory_space<hbm>>
      %dma_wait3A_71 = arith.constant 0 : i32
      %dma_wait3A_72 = arith.constant 0 : i32
      %dma_wait3A_73 = tpu.memref_slice %arg5[%arg0, %dma_wait3A_71, %dma_wait3A_72] : memref<2x10240x128xf32, #tpu.memory_space<hbm>> -> memref<1x10240x128xf32, #tpu.memory_space<hbm>>
      %dma_wait3A_74 = tpu.memref_squeeze %dma_wait3A_73 : memref<1x10240x128xf32, #tpu.memory_space<hbm>> -> memref<10240x128xf32, #tpu.memory_space<hbm>>
      %dma_wait3A_75 = arith.constant 0 : i32
      %dma_wait3A_76 = tpu.memref_slice %dma_wait3A_74[%add3A_42, %dma_wait3A_75] : memref<10240x128xf32, #tpu.memory_space<hbm>> -> memref<128x128xf32, #tpu.memory_space<hbm>>
      tpu.wait_dma2 semaphore(%run_scoped3A : memref<!tpu.dma_semaphore, #tpu.memory_space<semaphore_mem>>) src(%arg9 : memref<128x128xf32, #tpu.memory_space<vmem>>) dst(%dma_wait3A_76 : memref<128x128xf32, #tpu.memory_space<hbm>>)
      tpu.yield
    }) : () -> ()
    %mul3A_43 = arith.constant 640 : i32
    %mul3A_44 = arith.muli %arg1, %mul3A_43 : i32
    %add3A_45 = arith.constant 256 : i32
    %add3A_46 = arith.addi %mul3A_44, %add3A_45 : i32
    "tpu.region"() ({
      %run_scoped3A = tpu.sem_alloc : memref<!tpu.dma_semaphore, #tpu.memory_space<semaphore_mem>>
      %dma_start3A = arith.constant 0 : i32
      %dma_start3A_55 = tpu.memref_slice %arg11[%add3A_46, %dma_start3A] : memref<10240x128xf32, #tpu.memory_space<vmem_shared>> -> memref<128x128xf32, #tpu.memory_space<vmem_shared>>
      %dma_start3A_56 = arith.constant 0 : i32
      %dma_start3A_57 = tpu.memref_slice %arg11[%add3A_46, %dma_start3A_56] : memref<10240x128xf32, #tpu.memory_space<vmem_shared>> -> memref<128x128xf32, #tpu.memory_space<vmem_shared>>
      tpu.enqueue_dma source(%dma_start3A_57 : memref<128x128xf32, #tpu.memory_space<vmem_shared>>) target(%arg9 : memref<128x128xf32, #tpu.memory_space<vmem>>) target_semaphore(%run_scoped3A : memref<!tpu.dma_semaphore, #tpu.memory_space<semaphore_mem>>)
      %dma_wait3A = arith.constant 0 : i32
      %dma_wait3A_58 = tpu.memref_slice %arg11[%add3A_46, %dma_wait3A] : memref<10240x128xf32, #tpu.memory_space<vmem_shared>> -> memref<128x128xf32, #tpu.memory_space<vmem_shared>>
      %dma_wait3A_59 = arith.constant 0 : i32
      %dma_wait3A_60 = tpu.memref_slice %arg11[%add3A_46, %dma_wait3A_59] : memref<10240x128xf32, #tpu.memory_space<vmem_shared>> -> memref<128x128xf32, #tpu.memory_space<vmem_shared>>
      tpu.wait_dma2 semaphore(%run_scoped3A : memref<!tpu.dma_semaphore, #tpu.memory_space<semaphore_mem>>) src(%dma_wait3A_60 : memref<128x128xf32, #tpu.memory_space<vmem_shared>>) dst(%arg9 : memref<128x128xf32, #tpu.memory_space<vmem>>)
      tpu.yield
    }) : () -> ()
    "tpu.region"() ({
      %run_scoped3A = tpu.sem_alloc : memref<!tpu.dma_semaphore, #tpu.memory_space<semaphore_mem>>
      %dma_start3A = arith.constant 0 : i32
      %dma_start3A_55 = arith.constant 0 : i32
      %dma_start3A_56 = tpu.memref_slice %arg5[%arg0, %dma_start3A, %dma_start3A_55] : memref<2x10240x128xf32, #tpu.memory_space<hbm>> -> memref<1x10240x128xf32, #tpu.memory_space<hbm>>
      %dma_start3A_57 = tpu.memref_squeeze %dma_start3A_56 : memref<1x10240x128xf32, #tpu.memory_space<hbm>> -> memref<10240x128xf32, #tpu.memory_space<hbm>>
      %dma_start3A_58 = arith.constant 0 : i32
      %dma_start3A_59 = tpu.memref_slice %dma_start3A_57[%add3A_46, %dma_start3A_58] : memref<10240x128xf32, #tpu.memory_space<hbm>> -> memref<128x128xf32, #tpu.memory_space<hbm>>
      %dma_start3A_60 = arith.constant 0 : i32
      %dma_start3A_61 = arith.constant 0 : i32
      %dma_start3A_62 = tpu.memref_slice %arg5[%arg0, %dma_start3A_60, %dma_start3A_61] : memref<2x10240x128xf32, #tpu.memory_space<hbm>> -> memref<1x10240x128xf32, #tpu.memory_space<hbm>>
      %dma_start3A_63 = tpu.memref_squeeze %dma_start3A_62 : memref<1x10240x128xf32, #tpu.memory_space<hbm>> -> memref<10240x128xf32, #tpu.memory_space<hbm>>
      %dma_start3A_64 = arith.constant 0 : i32
      %dma_start3A_65 = tpu.memref_slice %dma_start3A_63[%add3A_46, %dma_start3A_64] : memref<10240x128xf32, #tpu.memory_space<hbm>> -> memref<128x128xf32, #tpu.memory_space<hbm>>
      tpu.enqueue_dma source(%arg9 : memref<128x128xf32, #tpu.memory_space<vmem>>) target(%dma_start3A_65 : memref<128x128xf32, #tpu.memory_space<hbm>>) target_semaphore(%run_scoped3A : memref<!tpu.dma_semaphore, #tpu.memory_space<semaphore_mem>>)
      %dma_wait3A = arith.constant 0 : i32
      %dma_wait3A_66 = arith.constant 0 : i32
      %dma_wait3A_67 = tpu.memref_slice %arg5[%arg0, %dma_wait3A, %dma_wait3A_66] : memref<2x10240x128xf32, #tpu.memory_space<hbm>> -> memref<1x10240x128xf32, #tpu.memory_space<hbm>>
      %dma_wait3A_68 = tpu.memref_squeeze %dma_wait3A_67 : memref<1x10240x128xf32, #tpu.memory_space<hbm>> -> memref<10240x128xf32, #tpu.memory_space<hbm>>
      %dma_wait3A_69 = arith.constant 0 : i32
      %dma_wait3A_70 = tpu.memref_slice %dma_wait3A_68[%add3A_46, %dma_wait3A_69] : memref<10240x128xf32, #tpu.memory_space<hbm>> -> memref<128x128xf32, #tpu.memory_space<hbm>>
      %dma_wait3A_71 = arith.constant 0 : i32
      %dma_wait3A_72 = arith.constant 0 : i32
      %dma_wait3A_73 = tpu.memref_slice %arg5[%arg0, %dma_wait3A_71, %dma_wait3A_72] : memref<2x10240x128xf32, #tpu.memory_space<hbm>> -> memref<1x10240x128xf32, #tpu.memory_space<hbm>>
      %dma_wait3A_74 = tpu.memref_squeeze %dma_wait3A_73 : memref<1x10240x128xf32, #tpu.memory_space<hbm>> -> memref<10240x128xf32, #tpu.memory_space<hbm>>
      %dma_wait3A_75 = arith.constant 0 : i32
      %dma_wait3A_76 = tpu.memref_slice %dma_wait3A_74[%add3A_46, %dma_wait3A_75] : memref<10240x128xf32, #tpu.memory_space<hbm>> -> memref<128x128xf32, #tpu.memory_space<hbm>>
      tpu.wait_dma2 semaphore(%run_scoped3A : memref<!tpu.dma_semaphore, #tpu.memory_space<semaphore_mem>>) src(%arg9 : memref<128x128xf32, #tpu.memory_space<vmem>>) dst(%dma_wait3A_76 : memref<128x128xf32, #tpu.memory_space<hbm>>)
      tpu.yield
    }) : () -> ()
    %mul3A_47 = arith.constant 640 : i32
    %mul3A_48 = arith.muli %arg1, %mul3A_47 : i32
    %add3A_49 = arith.constant 384 : i32
    %add3A_50 = arith.addi %mul3A_48, %add3A_49 : i32
    "tpu.region"() ({
      %run_scoped3A = tpu.sem_alloc : memref<!tpu.dma_semaphore, #tpu.memory_space<semaphore_mem>>
      %dma_start3A = arith.constant 0 : i32
      %dma_start3A_55 = tpu.memref_slice %arg11[%add3A_50, %dma_start3A] : memref<10240x128xf32, #tpu.memory_space<vmem_shared>> -> memref<128x128xf32, #tpu.memory_space<vmem_shared>>
      %dma_start3A_56 = arith.constant 0 : i32
      %dma_start3A_57 = tpu.memref_slice %arg11[%add3A_50, %dma_start3A_56] : memref<10240x128xf32, #tpu.memory_space<vmem_shared>> -> memref<128x128xf32, #tpu.memory_space<vmem_shared>>
      tpu.enqueue_dma source(%dma_start3A_57 : memref<128x128xf32, #tpu.memory_space<vmem_shared>>) target(%arg9 : memref<128x128xf32, #tpu.memory_space<vmem>>) target_semaphore(%run_scoped3A : memref<!tpu.dma_semaphore, #tpu.memory_space<semaphore_mem>>)
      %dma_wait3A = arith.constant 0 : i32
      %dma_wait3A_58 = tpu.memref_slice %arg11[%add3A_50, %dma_wait3A] : memref<10240x128xf32, #tpu.memory_space<vmem_shared>> -> memref<128x128xf32, #tpu.memory_space<vmem_shared>>
      %dma_wait3A_59 = arith.constant 0 : i32
      %dma_wait3A_60 = tpu.memref_slice %arg11[%add3A_50, %dma_wait3A_59] : memref<10240x128xf32, #tpu.memory_space<vmem_shared>> -> memref<128x128xf32, #tpu.memory_space<vmem_shared>>
      tpu.wait_dma2 semaphore(%run_scoped3A : memref<!tpu.dma_semaphore, #tpu.memory_space<semaphore_mem>>) src(%dma_wait3A_60 : memref<128x128xf32, #tpu.memory_space<vmem_shared>>) dst(%arg9 : memref<128x128xf32, #tpu.memory_space<vmem>>)
      tpu.yield
    }) : () -> ()
    "tpu.region"() ({
      %run_scoped3A = tpu.sem_alloc : memref<!tpu.dma_semaphore, #tpu.memory_space<semaphore_mem>>
      %dma_start3A = arith.constant 0 : i32
      %dma_start3A_55 = arith.constant 0 : i32
      %dma_start3A_56 = tpu.memref_slice %arg5[%arg0, %dma_start3A, %dma_start3A_55] : memref<2x10240x128xf32, #tpu.memory_space<hbm>> -> memref<1x10240x128xf32, #tpu.memory_space<hbm>>
      %dma_start3A_57 = tpu.memref_squeeze %dma_start3A_56 : memref<1x10240x128xf32, #tpu.memory_space<hbm>> -> memref<10240x128xf32, #tpu.memory_space<hbm>>
      %dma_start3A_58 = arith.constant 0 : i32
      %dma_start3A_59 = tpu.memref_slice %dma_start3A_57[%add3A_50, %dma_start3A_58] : memref<10240x128xf32, #tpu.memory_space<hbm>> -> memref<128x128xf32, #tpu.memory_space<hbm>>
      %dma_start3A_60 = arith.constant 0 : i32
      %dma_start3A_61 = arith.constant 0 : i32
      %dma_start3A_62 = tpu.memref_slice %arg5[%arg0, %dma_start3A_60, %dma_start3A_61] : memref<2x10240x128xf32, #tpu.memory_space<hbm>> -> memref<1x10240x128xf32, #tpu.memory_space<hbm>>
      %dma_start3A_63 = tpu.memref_squeeze %dma_start3A_62 : memref<1x10240x128xf32, #tpu.memory_space<hbm>> -> memref<10240x128xf32, #tpu.memory_space<hbm>>
      %dma_start3A_64 = arith.constant 0 : i32
      %dma_start3A_65 = tpu.memref_slice %dma_start3A_63[%add3A_50, %dma_start3A_64] : memref<10240x128xf32, #tpu.memory_space<hbm>> -> memref<128x128xf32, #tpu.memory_space<hbm>>
      tpu.enqueue_dma source(%arg9 : memref<128x128xf32, #tpu.memory_space<vmem>>) target(%dma_start3A_65 : memref<128x128xf32, #tpu.memory_space<hbm>>) target_semaphore(%run_scoped3A : memref<!tpu.dma_semaphore, #tpu.memory_space<semaphore_mem>>)
      %dma_wait3A = arith.constant 0 : i32
      %dma_wait3A_66 = arith.constant 0 : i32
      %dma_wait3A_67 = tpu.memref_slice %arg5[%arg0, %dma_wait3A, %dma_wait3A_66] : memref<2x10240x128xf32, #tpu.memory_space<hbm>> -> memref<1x10240x128xf32, #tpu.memory_space<hbm>>
      %dma_wait3A_68 = tpu.memref_squeeze %dma_wait3A_67 : memref<1x10240x128xf32, #tpu.memory_space<hbm>> -> memref<10240x128xf32, #tpu.memory_space<hbm>>
      %dma_wait3A_69 = arith.constant 0 : i32
      %dma_wait3A_70 = tpu.memref_slice %dma_wait3A_68[%add3A_50, %dma_wait3A_69] : memref<10240x128xf32, #tpu.memory_space<hbm>> -> memref<128x128xf32, #tpu.memory_space<hbm>>
      %dma_wait3A_71 = arith.constant 0 : i32
      %dma_wait3A_72 = arith.constant 0 : i32
      %dma_wait3A_73 = tpu.memref_slice %arg5[%arg0, %dma_wait3A_71, %dma_wait3A_72] : memref<2x10240x128xf32, #tpu.memory_space<hbm>> -> memref<1x10240x128xf32, #tpu.memory_space<hbm>>
      %dma_wait3A_74 = tpu.memref_squeeze %dma_wait3A_73 : memref<1x10240x128xf32, #tpu.memory_space<hbm>> -> memref<10240x128xf32, #tpu.memory_space<hbm>>
      %dma_wait3A_75 = arith.constant 0 : i32
      %dma_wait3A_76 = tpu.memref_slice %dma_wait3A_74[%add3A_50, %dma_wait3A_75] : memref<10240x128xf32, #tpu.memory_space<hbm>> -> memref<128x128xf32, #tpu.memory_space<hbm>>
      tpu.wait_dma2 semaphore(%run_scoped3A : memref<!tpu.dma_semaphore, #tpu.memory_space<semaphore_mem>>) src(%arg9 : memref<128x128xf32, #tpu.memory_space<vmem>>) dst(%dma_wait3A_76 : memref<128x128xf32, #tpu.memory_space<hbm>>)
      tpu.yield
    }) : () -> ()
    %mul3A_51 = arith.constant 640 : i32
    %mul3A_52 = arith.muli %arg1, %mul3A_51 : i32
    %add3A_53 = arith.constant 512 : i32
    %add3A_54 = arith.addi %mul3A_52, %add3A_53 : i32
    "tpu.region"() ({
      %run_scoped3A = tpu.sem_alloc : memref<!tpu.dma_semaphore, #tpu.memory_space<semaphore_mem>>
      %dma_start3A = arith.constant 0 : i32
      %dma_start3A_55 = tpu.memref_slice %arg11[%add3A_54, %dma_start3A] : memref<10240x128xf32, #tpu.memory_space<vmem_shared>> -> memref<128x128xf32, #tpu.memory_space<vmem_shared>>
      %dma_start3A_56 = arith.constant 0 : i32
      %dma_start3A_57 = tpu.memref_slice %arg11[%add3A_54, %dma_start3A_56] : memref<10240x128xf32, #tpu.memory_space<vmem_shared>> -> memref<128x128xf32, #tpu.memory_space<vmem_shared>>
      tpu.enqueue_dma source(%dma_start3A_57 : memref<128x128xf32, #tpu.memory_space<vmem_shared>>) target(%arg9 : memref<128x128xf32, #tpu.memory_space<vmem>>) target_semaphore(%run_scoped3A : memref<!tpu.dma_semaphore, #tpu.memory_space<semaphore_mem>>)
      %dma_wait3A = arith.constant 0 : i32
      %dma_wait3A_58 = tpu.memref_slice %arg11[%add3A_54, %dma_wait3A] : memref<10240x128xf32, #tpu.memory_space<vmem_shared>> -> memref<128x128xf32, #tpu.memory_space<vmem_shared>>
      %dma_wait3A_59 = arith.constant 0 : i32
      %dma_wait3A_60 = tpu.memref_slice %arg11[%add3A_54, %dma_wait3A_59] : memref<10240x128xf32, #tpu.memory_space<vmem_shared>> -> memref<128x128xf32, #tpu.memory_space<vmem_shared>>
      tpu.wait_dma2 semaphore(%run_scoped3A : memref<!tpu.dma_semaphore, #tpu.memory_space<semaphore_mem>>) src(%dma_wait3A_60 : memref<128x128xf32, #tpu.memory_space<vmem_shared>>) dst(%arg9 : memref<128x128xf32, #tpu.memory_space<vmem>>)
      tpu.yield
    }) : () -> ()
    "tpu.region"() ({
      %run_scoped3A = tpu.sem_alloc : memref<!tpu.dma_semaphore, #tpu.memory_space<semaphore_mem>>
      %dma_start3A = arith.constant 0 : i32
      %dma_start3A_55 = arith.constant 0 : i32
      %dma_start3A_56 = tpu.memref_slice %arg5[%arg0, %dma_start3A, %dma_start3A_55] : memref<2x10240x128xf32, #tpu.memory_space<hbm>> -> memref<1x10240x128xf32, #tpu.memory_space<hbm>>
      %dma_start3A_57 = tpu.memref_squeeze %dma_start3A_56 : memref<1x10240x128xf32, #tpu.memory_space<hbm>> -> memref<10240x128xf32, #tpu.memory_space<hbm>>
      %dma_start3A_58 = arith.constant 0 : i32
      %dma_start3A_59 = tpu.memref_slice %dma_start3A_57[%add3A_54, %dma_start3A_58] : memref<10240x128xf32, #tpu.memory_space<hbm>> -> memref<128x128xf32, #tpu.memory_space<hbm>>
      %dma_start3A_60 = arith.constant 0 : i32
      %dma_start3A_61 = arith.constant 0 : i32
      %dma_start3A_62 = tpu.memref_slice %arg5[%arg0, %dma_start3A_60, %dma_start3A_61] : memref<2x10240x128xf32, #tpu.memory_space<hbm>> -> memref<1x10240x128xf32, #tpu.memory_space<hbm>>
      %dma_start3A_63 = tpu.memref_squeeze %dma_start3A_62 : memref<1x10240x128xf32, #tpu.memory_space<hbm>> -> memref<10240x128xf32, #tpu.memory_space<hbm>>
      %dma_start3A_64 = arith.constant 0 : i32
      %dma_start3A_65 = tpu.memref_slice %dma_start3A_63[%add3A_54, %dma_start3A_64] : memref<10240x128xf32, #tpu.memory_space<hbm>> -> memref<128x128xf32, #tpu.memory_space<hbm>>
      tpu.enqueue_dma source(%arg9 : memref<128x128xf32, #tpu.memory_space<vmem>>) target(%dma_start3A_65 : memref<128x128xf32, #tpu.memory_space<hbm>>) target_semaphore(%run_scoped3A : memref<!tpu.dma_semaphore, #tpu.memory_space<semaphore_mem>>)
      %dma_wait3A = arith.constant 0 : i32
      %dma_wait3A_66 = arith.constant 0 : i32
      %dma_wait3A_67 = tpu.memref_slice %arg5[%arg0, %dma_wait3A, %dma_wait3A_66] : memref<2x10240x128xf32, #tpu.memory_space<hbm>> -> memref<1x10240x128xf32, #tpu.memory_space<hbm>>
      %dma_wait3A_68 = tpu.memref_squeeze %dma_wait3A_67 : memref<1x10240x128xf32, #tpu.memory_space<hbm>> -> memref<10240x128xf32, #tpu.memory_space<hbm>>
      %dma_wait3A_69 = arith.constant 0 : i32
      %dma_wait3A_70 = tpu.memref_slice %dma_wait3A_68[%add3A_54, %dma_wait3A_69] : memref<10240x128xf32, #tpu.memory_space<hbm>> -> memref<128x128xf32, #tpu.memory_space<hbm>>
      %dma_wait3A_71 = arith.constant 0 : i32
      %dma_wait3A_72 = arith.constant 0 : i32
      %dma_wait3A_73 = tpu.memref_slice %arg5[%arg0, %dma_wait3A_71, %dma_wait3A_72] : memref<2x10240x128xf32, #tpu.memory_space<hbm>> -> memref<1x10240x128xf32, #tpu.memory_space<hbm>>
      %dma_wait3A_74 = tpu.memref_squeeze %dma_wait3A_73 : memref<1x10240x128xf32, #tpu.memory_space<hbm>> -> memref<10240x128xf32, #tpu.memory_space<hbm>>
      %dma_wait3A_75 = arith.constant 0 : i32
      %dma_wait3A_76 = tpu.memref_slice %dma_wait3A_74[%add3A_54, %dma_wait3A_75] : memref<10240x128xf32, #tpu.memory_space<hbm>> -> memref<128x128xf32, #tpu.memory_space<hbm>>
      tpu.wait_dma2 semaphore(%run_scoped3A : memref<!tpu.dma_semaphore, #tpu.memory_space<semaphore_mem>>) src(%arg9 : memref<128x128xf32, #tpu.memory_space<vmem>>) dst(%dma_wait3A_76 : memref<128x128xf32, #tpu.memory_space<hbm>>)
      tpu.yield
    }) : () -> ()
    return
  }
}

#map = affine_map<(d0, d1) -> (0, 0)>
#map1 = affine_map<(d0, d1) -> (0)>
#map2 = affine_map<(d0, d1) -> (0, 0, 0)>
module attributes {stable_mosaic.version = 14 : i64} {
  func.func @_agg_kernel_body(%arg0: i32, %arg1: i32, %arg2: memref<10000x128xf32, #tpu.memory_space<hbm>>, %arg3: memref<320000xi32, #tpu.memory_space<hbm>>, %arg4: memref<320000xi32, #tpu.memory_space<hbm>>, %arg5: memref<2x10240x128xf32, #tpu.memory_space<hbm>>, %arg6: memref<80xi32, #tpu.memory_space<vmem>>, %arg7: memref<80xi32, #tpu.memory_space<vmem>>, %arg8: memref<80x128xf32, #tpu.memory_space<vmem>>, %arg9: memref<128x128xf32, #tpu.memory_space<vmem>>, %arg10: memref<!tpu.dma_semaphore, #tpu.memory_space<semaphore_mem>>, %arg11: memref<10240x128xf32, #tpu.memory_space<vmem_shared>>) attributes {dimension_semantics = [#tpu.dimension_semantics<core_parallel>, #tpu.dimension_semantics<subcore_parallel>], iteration_bounds = array<i64: 2, 16>, scalar_prefetch = 0 : i64, scratch_operands = 6 : i64, tpu.core_type = #tpu.core_type<sc_vector_subcore>, window_params = [{transform_indices = #map}, {transform_indices = #map1}, {transform_indices = #map1}, {transform_indices = #map2}]} {
    %mul3A = arith.constant 2 : i32
    %mul3A_0 = arith.muli %arg1, %mul3A : i32
    %add3A = arith.addi %mul3A_0, %arg0 : i32
    %scan3A = arith.constant 0 : i32
    %scan3A_1 = arith.constant 0 : i32
    %scan3A_2 = arith.constant 128 : i32
    %scan3A_3 = arith.addi %scan3A_1, %scan3A_2 : i32
    %scan3A_4 = arith.constant 1 : i32
    %scan3A_5 = scf.for %scan3A_55 = %scan3A_1 to %scan3A_3 step %scan3A_4 iter_args(%scan3A_56 = %scan3A) -> (i32)  : i32 {
      %broadcast_in_dim3A = arith.constant 0.000000e+00 : f32
      %broadcast_in_dim3A_57 = vector.broadcast %broadcast_in_dim3A : f32 to vector<16xf32>
      %swap3A = arith.index_cast %scan3A_55 : i32 to index
      %swap3A_58 = arith.constant 0 : index
      %swap3A_59 = tpu.vector_load %arg9[%swap3A, %swap3A_58] {strides = array<i32>} : memref<128x128xf32, #tpu.memory_space<vmem>>, vector<1x16xf32>,
      %swap3A_60 = vector.shape_cast %swap3A_59 : vector<1x16xf32> to vector<16xf32>
      %swap3A_61 = vector.shape_cast %broadcast_in_dim3A_57 : vector<16xf32> to vector<1x16xf32>
      tpu.vector_store %arg9[%swap3A, %swap3A_58], %swap3A_61 {strides = array<i32>} : memref<128x128xf32, #tpu.memory_space<vmem>>, vector<1x16xf32>,
      %broadcast_in_dim3A_62 = arith.constant 0.000000e+00 : f32
      %broadcast_in_dim3A_63 = vector.broadcast %broadcast_in_dim3A_62 : f32 to vector<16xf32>
      %swap3A_64 = arith.index_cast %scan3A_55 : i32 to index
      %swap3A_65 = arith.constant 16 : index
      %swap3A_66 = tpu.vector_load %arg9[%swap3A_64, %swap3A_65] {strides = array<i32>} : memref<128x128xf32, #tpu.memory_space<vmem>>, vector<1x16xf32>,
      %swap3A_67 = vector.shape_cast %swap3A_66 : vector<1x16xf32> to vector<16xf32>
      %swap3A_68 = vector.shape_cast %broadcast_in_dim3A_63 : vector<16xf32> to vector<1x16xf32>
      tpu.vector_store %arg9[%swap3A_64, %swap3A_65], %swap3A_68 {strides = array<i32>} : memref<128x128xf32, #tpu.memory_space<vmem>>, vector<1x16xf32>,
      %broadcast_in_dim3A_69 = arith.constant 0.000000e+00 : f32
      %broadcast_in_dim3A_70 = vector.broadcast %broadcast_in_dim3A_69 : f32 to vector<16xf32>
      %swap3A_71 = arith.index_cast %scan3A_55 : i32 to index
      %swap3A_72 = arith.constant 32 : index
      %swap3A_73 = tpu.vector_load %arg9[%swap3A_71, %swap3A_72] {strides = array<i32>} : memref<128x128xf32, #tpu.memory_space<vmem>>, vector<1x16xf32>,
      %swap3A_74 = vector.shape_cast %swap3A_73 : vector<1x16xf32> to vector<16xf32>
      %swap3A_75 = vector.shape_cast %broadcast_in_dim3A_70 : vector<16xf32> to vector<1x16xf32>
      tpu.vector_store %arg9[%swap3A_71, %swap3A_72], %swap3A_75 {strides = array<i32>} : memref<128x128xf32, #tpu.memory_space<vmem>>, vector<1x16xf32>,
      %broadcast_in_dim3A_76 = arith.constant 0.000000e+00 : f32
      %broadcast_in_dim3A_77 = vector.broadcast %broadcast_in_dim3A_76 : f32 to vector<16xf32>
      %swap3A_78 = arith.index_cast %scan3A_55 : i32 to index
      %swap3A_79 = arith.constant 48 : index
      %swap3A_80 = tpu.vector_load %arg9[%swap3A_78, %swap3A_79] {strides = array<i32>} : memref<128x128xf32, #tpu.memory_space<vmem>>, vector<1x16xf32>,
      %swap3A_81 = vector.shape_cast %swap3A_80 : vector<1x16xf32> to vector<16xf32>
      %swap3A_82 = vector.shape_cast %broadcast_in_dim3A_77 : vector<16xf32> to vector<1x16xf32>
      tpu.vector_store %arg9[%swap3A_78, %swap3A_79], %swap3A_82 {strides = array<i32>} : memref<128x128xf32, #tpu.memory_space<vmem>>, vector<1x16xf32>,
      %broadcast_in_dim3A_83 = arith.constant 0.000000e+00 : f32
      %broadcast_in_dim3A_84 = vector.broadcast %broadcast_in_dim3A_83 : f32 to vector<16xf32>
      %swap3A_85 = arith.index_cast %scan3A_55 : i32 to index
      %swap3A_86 = arith.constant 64 : index
      %swap3A_87 = tpu.vector_load %arg9[%swap3A_85, %swap3A_86] {strides = array<i32>} : memref<128x128xf32, #tpu.memory_space<vmem>>, vector<1x16xf32>,
      %swap3A_88 = vector.shape_cast %swap3A_87 : vector<1x16xf32> to vector<16xf32>
      %swap3A_89 = vector.shape_cast %broadcast_in_dim3A_84 : vector<16xf32> to vector<1x16xf32>
      tpu.vector_store %arg9[%swap3A_85, %swap3A_86], %swap3A_89 {strides = array<i32>} : memref<128x128xf32, #tpu.memory_space<vmem>>, vector<1x16xf32>,
      %broadcast_in_dim3A_90 = arith.constant 0.000000e+00 : f32
      %broadcast_in_dim3A_91 = vector.broadcast %broadcast_in_dim3A_90 : f32 to vector<16xf32>
      %swap3A_92 = arith.index_cast %scan3A_55 : i32 to index
      %swap3A_93 = arith.constant 80 : index
      %swap3A_94 = tpu.vector_load %arg9[%swap3A_92, %swap3A_93] {strides = array<i32>} : memref<128x128xf32, #tpu.memory_space<vmem>>, vector<1x16xf32>,
      %swap3A_95 = vector.shape_cast %swap3A_94 : vector<1x16xf32> to vector<16xf32>
      %swap3A_96 = vector.shape_cast %broadcast_in_dim3A_91 : vector<16xf32> to vector<1x16xf32>
      tpu.vector_store %arg9[%swap3A_92, %swap3A_93], %swap3A_96 {strides = array<i32>} : memref<128x128xf32, #tpu.memory_space<vmem>>, vector<1x16xf32>,
      %broadcast_in_dim3A_97 = arith.constant 0.000000e+00 : f32
      %broadcast_in_dim3A_98 = vector.broadcast %broadcast_in_dim3A_97 : f32 to vector<16xf32>
      %swap3A_99 = arith.index_cast %scan3A_55 : i32 to index
      %swap3A_100 = arith.constant 96 : index
      %swap3A_101 = tpu.vector_load %arg9[%swap3A_99, %swap3A_100] {strides = array<i32>} : memref<128x128xf32, #tpu.memory_space<vmem>>, vector<1x16xf32>,
      %swap3A_102 = vector.shape_cast %swap3A_101 : vector<1x16xf32> to vector<16xf32>
      %swap3A_103 = vector.shape_cast %broadcast_in_dim3A_98 : vector<16xf32> to vector<1x16xf32>
      tpu.vector_store %arg9[%swap3A_99, %swap3A_100], %swap3A_103 {strides = array<i32>} : memref<128x128xf32, #tpu.memory_space<vmem>>, vector<1x16xf32>,
      %broadcast_in_dim3A_104 = arith.constant 0.000000e+00 : f32
      %broadcast_in_dim3A_105 = vector.broadcast %broadcast_in_dim3A_104 : f32 to vector<16xf32>
      %swap3A_106 = arith.index_cast %scan3A_55 : i32 to index
      %swap3A_107 = arith.constant 112 : index
      %swap3A_108 = tpu.vector_load %arg9[%swap3A_106, %swap3A_107] {strides = array<i32>} : memref<128x128xf32, #tpu.memory_space<vmem>>, vector<1x16xf32>,
      %swap3A_109 = vector.shape_cast %swap3A_108 : vector<1x16xf32> to vector<16xf32>
      %swap3A_110 = vector.shape_cast %broadcast_in_dim3A_105 : vector<16xf32> to vector<1x16xf32>
      tpu.vector_store %arg9[%swap3A_106, %swap3A_107], %swap3A_110 {strides = array<i32>} : memref<128x128xf32, #tpu.memory_space<vmem>>, vector<1x16xf32>,
      %scan3A_111 = arith.constant 0 : i32
      scf.yield %scan3A_111 : i32
    }
    %scan3A_6 = arith.constant 128 : i32
    %mul3A_7 = arith.constant 640 : i32
    %mul3A_8 = arith.muli %arg1, %mul3A_7 : i32
    %add3A_9 = arith.constant 0 : i32
    %add3A_10 = arith.addi %mul3A_8, %add3A_9 : i32
    "tpu.region"() ({
      %run_scoped3A = tpu.sem_alloc : memref<!tpu.dma_semaphore, #tpu.memory_space<semaphore_mem>>
      %dma_start3A = arith.constant 0 : i32
      %dma_start3A_55 = tpu.memref_slice %arg11[%add3A_10, %dma_start3A] : memref<10240x128xf32, #tpu.memory_space<vmem_shared>> -> memref<128x128xf32, #tpu.memory_space<vmem_shared>>
      %dma_start3A_56 = arith.constant 0 : i32
      %dma_start3A_57 = tpu.memref_slice %arg11[%add3A_10, %dma_start3A_56] : memref<10240x128xf32, #tpu.memory_space<vmem_shared>> -> memref<128x128xf32, #tpu.memory_space<vmem_shared>>
      tpu.enqueue_dma source(%arg9 : memref<128x128xf32, #tpu.memory_space<vmem>>) target(%dma_start3A_57 : memref<128x128xf32, #tpu.memory_space<vmem_shared>>) target_semaphore(%run_scoped3A : memref<!tpu.dma_semaphore, #tpu.memory_space<semaphore_mem>>)
      %dma_wait3A = arith.constant 0 : i32
      %dma_wait3A_58 = tpu.memref_slice %arg11[%add3A_10, %dma_wait3A] : memref<10240x128xf32, #tpu.memory_space<vmem_shared>> -> memref<128x128xf32, #tpu.memory_space<vmem_shared>>
      %dma_wait3A_59 = arith.constant 0 : i32
      %dma_wait3A_60 = tpu.memref_slice %arg11[%add3A_10, %dma_wait3A_59] : memref<10240x128xf32, #tpu.memory_space<vmem_shared>> -> memref<128x128xf32, #tpu.memory_space<vmem_shared>>
      tpu.wait_dma2 semaphore(%run_scoped3A : memref<!tpu.dma_semaphore, #tpu.memory_space<semaphore_mem>>) src(%arg9 : memref<128x128xf32, #tpu.memory_space<vmem>>) dst(%dma_wait3A_60 : memref<128x128xf32, #tpu.memory_space<vmem_shared>>)
      tpu.yield
    }) : () -> ()
    %mul3A_11 = arith.constant 640 : i32
    %mul3A_12 = arith.muli %arg1, %mul3A_11 : i32
    %add3A_13 = arith.constant 128 : i32
    %add3A_14 = arith.addi %mul3A_12, %add3A_13 : i32
    "tpu.region"() ({
      %run_scoped3A = tpu.sem_alloc : memref<!tpu.dma_semaphore, #tpu.memory_space<semaphore_mem>>
      %dma_start3A = arith.constant 0 : i32
      %dma_start3A_55 = tpu.memref_slice %arg11[%add3A_14, %dma_start3A] : memref<10240x128xf32, #tpu.memory_space<vmem_shared>> -> memref<128x128xf32, #tpu.memory_space<vmem_shared>>
      %dma_start3A_56 = arith.constant 0 : i32
      %dma_start3A_57 = tpu.memref_slice %arg11[%add3A_14, %dma_start3A_56] : memref<10240x128xf32, #tpu.memory_space<vmem_shared>> -> memref<128x128xf32, #tpu.memory_space<vmem_shared>>
      tpu.enqueue_dma source(%arg9 : memref<128x128xf32, #tpu.memory_space<vmem>>) target(%dma_start3A_57 : memref<128x128xf32, #tpu.memory_space<vmem_shared>>) target_semaphore(%run_scoped3A : memref<!tpu.dma_semaphore, #tpu.memory_space<semaphore_mem>>)
      %dma_wait3A = arith.constant 0 : i32
      %dma_wait3A_58 = tpu.memref_slice %arg11[%add3A_14, %dma_wait3A] : memref<10240x128xf32, #tpu.memory_space<vmem_shared>> -> memref<128x128xf32, #tpu.memory_space<vmem_shared>>
      %dma_wait3A_59 = arith.constant 0 : i32
      %dma_wait3A_60 = tpu.memref_slice %arg11[%add3A_14, %dma_wait3A_59] : memref<10240x128xf32, #tpu.memory_space<vmem_shared>> -> memref<128x128xf32, #tpu.memory_space<vmem_shared>>
      tpu.wait_dma2 semaphore(%run_scoped3A : memref<!tpu.dma_semaphore, #tpu.memory_space<semaphore_mem>>) src(%arg9 : memref<128x128xf32, #tpu.memory_space<vmem>>) dst(%dma_wait3A_60 : memref<128x128xf32, #tpu.memory_space<vmem_shared>>)
      tpu.yield
    }) : () -> ()
    %mul3A_15 = arith.constant 640 : i32
    %mul3A_16 = arith.muli %arg1, %mul3A_15 : i32
    %add3A_17 = arith.constant 256 : i32
    %add3A_18 = arith.addi %mul3A_16, %add3A_17 : i32
    "tpu.region"() ({
      %run_scoped3A = tpu.sem_alloc : memref<!tpu.dma_semaphore, #tpu.memory_space<semaphore_mem>>
      %dma_start3A = arith.constant 0 : i32
      %dma_start3A_55 = tpu.memref_slice %arg11[%add3A_18, %dma_start3A] : memref<10240x128xf32, #tpu.memory_space<vmem_shared>> -> memref<128x128xf32, #tpu.memory_space<vmem_shared>>
      %dma_start3A_56 = arith.constant 0 : i32
      %dma_start3A_57 = tpu.memref_slice %arg11[%add3A_18, %dma_start3A_56] : memref<10240x128xf32, #tpu.memory_space<vmem_shared>> -> memref<128x128xf32, #tpu.memory_space<vmem_shared>>
      tpu.enqueue_dma source(%arg9 : memref<128x128xf32, #tpu.memory_space<vmem>>) target(%dma_start3A_57 : memref<128x128xf32, #tpu.memory_space<vmem_shared>>) target_semaphore(%run_scoped3A : memref<!tpu.dma_semaphore, #tpu.memory_space<semaphore_mem>>)
      %dma_wait3A = arith.constant 0 : i32
      %dma_wait3A_58 = tpu.memref_slice %arg11[%add3A_18, %dma_wait3A] : memref<10240x128xf32, #tpu.memory_space<vmem_shared>> -> memref<128x128xf32, #tpu.memory_space<vmem_shared>>
      %dma_wait3A_59 = arith.constant 0 : i32
      %dma_wait3A_60 = tpu.memref_slice %arg11[%add3A_18, %dma_wait3A_59] : memref<10240x128xf32, #tpu.memory_space<vmem_shared>> -> memref<128x128xf32, #tpu.memory_space<vmem_shared>>
      tpu.wait_dma2 semaphore(%run_scoped3A : memref<!tpu.dma_semaphore, #tpu.memory_space<semaphore_mem>>) src(%arg9 : memref<128x128xf32, #tpu.memory_space<vmem>>) dst(%dma_wait3A_60 : memref<128x128xf32, #tpu.memory_space<vmem_shared>>)
      tpu.yield
    }) : () -> ()
    %mul3A_19 = arith.constant 640 : i32
    %mul3A_20 = arith.muli %arg1, %mul3A_19 : i32
    %add3A_21 = arith.constant 384 : i32
    %add3A_22 = arith.addi %mul3A_20, %add3A_21 : i32
    "tpu.region"() ({
      %run_scoped3A = tpu.sem_alloc : memref<!tpu.dma_semaphore, #tpu.memory_space<semaphore_mem>>
      %dma_start3A = arith.constant 0 : i32
      %dma_start3A_55 = tpu.memref_slice %arg11[%add3A_22, %dma_start3A] : memref<10240x128xf32, #tpu.memory_space<vmem_shared>> -> memref<128x128xf32, #tpu.memory_space<vmem_shared>>
      %dma_start3A_56 = arith.constant 0 : i32
      %dma_start3A_57 = tpu.memref_slice %arg11[%add3A_22, %dma_start3A_56] : memref<10240x128xf32, #tpu.memory_space<vmem_shared>> -> memref<128x128xf32, #tpu.memory_space<vmem_shared>>
      tpu.enqueue_dma source(%arg9 : memref<128x128xf32, #tpu.memory_space<vmem>>) target(%dma_start3A_57 : memref<128x128xf32, #tpu.memory_space<vmem_shared>>) target_semaphore(%run_scoped3A : memref<!tpu.dma_semaphore, #tpu.memory_space<semaphore_mem>>)
      %dma_wait3A = arith.constant 0 : i32
      %dma_wait3A_58 = tpu.memref_slice %arg11[%add3A_22, %dma_wait3A] : memref<10240x128xf32, #tpu.memory_space<vmem_shared>> -> memref<128x128xf32, #tpu.memory_space<vmem_shared>>
      %dma_wait3A_59 = arith.constant 0 : i32
      %dma_wait3A_60 = tpu.memref_slice %arg11[%add3A_22, %dma_wait3A_59] : memref<10240x128xf32, #tpu.memory_space<vmem_shared>> -> memref<128x128xf32, #tpu.memory_space<vmem_shared>>
      tpu.wait_dma2 semaphore(%run_scoped3A : memref<!tpu.dma_semaphore, #tpu.memory_space<semaphore_mem>>) src(%arg9 : memref<128x128xf32, #tpu.memory_space<vmem>>) dst(%dma_wait3A_60 : memref<128x128xf32, #tpu.memory_space<vmem_shared>>)
      tpu.yield
    }) : () -> ()
    %mul3A_23 = arith.constant 640 : i32
    %mul3A_24 = arith.muli %arg1, %mul3A_23 : i32
    %add3A_25 = arith.constant 512 : i32
    %add3A_26 = arith.addi %mul3A_24, %add3A_25 : i32
    "tpu.region"() ({
      %run_scoped3A = tpu.sem_alloc : memref<!tpu.dma_semaphore, #tpu.memory_space<semaphore_mem>>
      %dma_start3A = arith.constant 0 : i32
      %dma_start3A_55 = tpu.memref_slice %arg11[%add3A_26, %dma_start3A] : memref<10240x128xf32, #tpu.memory_space<vmem_shared>> -> memref<128x128xf32, #tpu.memory_space<vmem_shared>>
      %dma_start3A_56 = arith.constant 0 : i32
      %dma_start3A_57 = tpu.memref_slice %arg11[%add3A_26, %dma_start3A_56] : memref<10240x128xf32, #tpu.memory_space<vmem_shared>> -> memref<128x128xf32, #tpu.memory_space<vmem_shared>>
      tpu.enqueue_dma source(%arg9 : memref<128x128xf32, #tpu.memory_space<vmem>>) target(%dma_start3A_57 : memref<128x128xf32, #tpu.memory_space<vmem_shared>>) target_semaphore(%run_scoped3A : memref<!tpu.dma_semaphore, #tpu.memory_space<semaphore_mem>>)
      %dma_wait3A = arith.constant 0 : i32
      %dma_wait3A_58 = tpu.memref_slice %arg11[%add3A_26, %dma_wait3A] : memref<10240x128xf32, #tpu.memory_space<vmem_shared>> -> memref<128x128xf32, #tpu.memory_space<vmem_shared>>
      %dma_wait3A_59 = arith.constant 0 : i32
      %dma_wait3A_60 = tpu.memref_slice %arg11[%add3A_26, %dma_wait3A_59] : memref<10240x128xf32, #tpu.memory_space<vmem_shared>> -> memref<128x128xf32, #tpu.memory_space<vmem_shared>>
      tpu.wait_dma2 semaphore(%run_scoped3A : memref<!tpu.dma_semaphore, #tpu.memory_space<semaphore_mem>>) src(%arg9 : memref<128x128xf32, #tpu.memory_space<vmem>>) dst(%dma_wait3A_60 : memref<128x128xf32, #tpu.memory_space<vmem_shared>>)
      tpu.yield
    }) : () -> ()
    %barrier3A = arith.constant 0 : index
    tpu.barrier barrier_id(%barrier3A)
    %scan3A_27 = arith.constant 0 : i32
    %scan3A_28 = arith.constant 0 : i32
    %scan3A_29 = arith.constant 125 : i32
    %scan3A_30 = arith.addi %scan3A_28, %scan3A_29 : i32
    %scan3A_31 = arith.constant 1 : i32
    %scan3A_32 = scf.for %scan3A_55 = %scan3A_28 to %scan3A_30 step %scan3A_31 iter_args(%scan3A_56 = %scan3A_27) -> (i32)  : i32 {
      %mul3A_57 = arith.constant 10000 : i32
      %mul3A_58 = arith.muli %add3A, %mul3A_57 : i32
      %mul3A_59 = arith.constant 80 : i32
      %mul3A_60 = arith.muli %scan3A_55, %mul3A_59 : i32
      %add3A_61 = arith.addi %mul3A_58, %mul3A_60 : i32
      "tpu.region"() ({
        %run_scoped3A = tpu.sem_alloc : memref<!tpu.dma_semaphore, #tpu.memory_space<semaphore_mem>>
        %dma_start3A_67 = tpu.memref_slice %arg3[%add3A_61] : memref<320000xi32, #tpu.memory_space<hbm>> -> memref<80xi32, #tpu.memory_space<hbm>>
        %dma_start3A_68 = tpu.memref_slice %arg3[%add3A_61] : memref<320000xi32, #tpu.memory_space<hbm>> -> memref<80xi32, #tpu.memory_space<hbm>>
        tpu.enqueue_dma source(%dma_start3A_68 : memref<80xi32, #tpu.memory_space<hbm>>) target(%arg6 : memref<80xi32, #tpu.memory_space<vmem>>) target_semaphore(%run_scoped3A : memref<!tpu.dma_semaphore, #tpu.memory_space<semaphore_mem>>)
        %dma_wait3A_69 = tpu.memref_slice %arg3[%add3A_61] : memref<320000xi32, #tpu.memory_space<hbm>> -> memref<80xi32, #tpu.memory_space<hbm>>
        %dma_wait3A_70 = tpu.memref_slice %arg3[%add3A_61] : memref<320000xi32, #tpu.memory_space<hbm>> -> memref<80xi32, #tpu.memory_space<hbm>>
        tpu.wait_dma2 semaphore(%run_scoped3A : memref<!tpu.dma_semaphore, #tpu.memory_space<semaphore_mem>>) src(%dma_wait3A_70 : memref<80xi32, #tpu.memory_space<hbm>>) dst(%arg6 : memref<80xi32, #tpu.memory_space<vmem>>)
        tpu.yield
      }) : () -> ()
      "tpu.region"() ({
        %run_scoped3A = tpu.sem_alloc : memref<!tpu.dma_semaphore, #tpu.memory_space<semaphore_mem>>
        %dma_start3A_67 = tpu.memref_slice %arg4[%add3A_61] : memref<320000xi32, #tpu.memory_space<hbm>> -> memref<80xi32, #tpu.memory_space<hbm>>
        %dma_start3A_68 = tpu.memref_slice %arg4[%add3A_61] : memref<320000xi32, #tpu.memory_space<hbm>> -> memref<80xi32, #tpu.memory_space<hbm>>
        tpu.enqueue_dma source(%dma_start3A_68 : memref<80xi32, #tpu.memory_space<hbm>>) target(%arg7 : memref<80xi32, #tpu.memory_space<vmem>>) target_semaphore(%run_scoped3A : memref<!tpu.dma_semaphore, #tpu.memory_space<semaphore_mem>>)
        %dma_wait3A_69 = tpu.memref_slice %arg4[%add3A_61] : memref<320000xi32, #tpu.memory_space<hbm>> -> memref<80xi32, #tpu.memory_space<hbm>>
        %dma_wait3A_70 = tpu.memref_slice %arg4[%add3A_61] : memref<320000xi32, #tpu.memory_space<hbm>> -> memref<80xi32, #tpu.memory_space<hbm>>
        tpu.wait_dma2 semaphore(%run_scoped3A : memref<!tpu.dma_semaphore, #tpu.memory_space<semaphore_mem>>) src(%dma_wait3A_70 : memref<80xi32, #tpu.memory_space<hbm>>) dst(%arg7 : memref<80xi32, #tpu.memory_space<vmem>>)
        tpu.yield
      }) : () -> ()
      %dma_start3A = arith.constant 0 : i32
      %dma_start3A_62 = arith.constant 0 : i32
      %dma_start3A_63 = tpu.memref_slice %arg2[%dma_start3A, %dma_start3A_62] : memref<10000x128xf32, #tpu.memory_space<hbm>> -> memref<10000x128xf32, #tpu.memory_space<hbm>>
      tpu.enqueue_indirect_dma source(%dma_start3A_63 : memref<10000x128xf32, #tpu.memory_space<hbm>>) target(%arg8 : memref<80x128xf32, #tpu.memory_space<vmem>>) offsets(%arg6 : memref<80xi32, #tpu.memory_space<vmem>>) semaphore(%arg10 : memref<!tpu.dma_semaphore, #tpu.memory_space<semaphore_mem>>)
      %dma_wait3A = arith.constant 0 : i32
      %dma_wait3A_64 = arith.constant 0 : i32
      %dma_wait3A_65 = tpu.memref_slice %arg2[%dma_wait3A, %dma_wait3A_64] : memref<10000x128xf32, #tpu.memory_space<hbm>> -> memref<10000x128xf32, #tpu.memory_space<hbm>>
      tpu.wait_indirect_dma semaphore(%arg10 : memref<!tpu.dma_semaphore, #tpu.memory_space<semaphore_mem>>) src(%dma_wait3A_65 : memref<10000x128xf32, #tpu.memory_space<hbm>>) dst(%arg8 : memref<80x128xf32, #tpu.memory_space<vmem>>)
      "tpu.region"() ({
        %run_scoped3A = tpu.sem_alloc : memref<!tpu.dma_semaphore, #tpu.memory_space<semaphore_mem>>
        %dma_start3A_67 = arith.constant 0 : i32
        %dma_start3A_68 = arith.constant 0 : i32
        %dma_start3A_69 = tpu.memref_slice %arg11[%dma_start3A_67, %dma_start3A_68] : memref<10240x128xf32, #tpu.memory_space<vmem_shared>> -> memref<10240x128xf32, #tpu.memory_space<vmem_shared>>
        tpu.enqueue_indirect_dma source(%arg8 : memref<80x128xf32, #tpu.memory_space<vmem>>) target(%dma_start3A_69 : memref<10240x128xf32, #tpu.memory_space<vmem_shared>>) offsets(%arg7 : memref<80xi32, #tpu.memory_space<vmem>>) semaphore(%run_scoped3A : memref<!tpu.dma_semaphore, #tpu.memory_space<semaphore_mem>>) {add = true}
        %dma_wait3A_70 = arith.constant 0 : i32
        %dma_wait3A_71 = arith.constant 0 : i32
        %dma_wait3A_72 = tpu.memref_slice %arg11[%dma_wait3A_70, %dma_wait3A_71] : memref<10240x128xf32, #tpu.memory_space<vmem_shared>> -> memref<10240x128xf32, #tpu.memory_space<vmem_shared>>
        tpu.wait_indirect_dma semaphore(%run_scoped3A : memref<!tpu.dma_semaphore, #tpu.memory_space<semaphore_mem>>) src(%arg8 : memref<80x128xf32, #tpu.memory_space<vmem>>) dst(%dma_wait3A_72 : memref<10240x128xf32, #tpu.memory_space<vmem_shared>>)
        tpu.yield
      }) : () -> ()
      %scan3A_66 = arith.constant 0 : i32
      scf.yield %scan3A_66 : i32
    }
    %scan3A_33 = arith.constant 125 : i32
    %barrier3A_34 = arith.constant 0 : index
    tpu.barrier barrier_id(%barrier3A_34)
    %mul3A_35 = arith.constant 640 : i32
    %mul3A_36 = arith.muli %arg1, %mul3A_35 : i32
    %add3A_37 = arith.constant 0 : i32
    %add3A_38 = arith.addi %mul3A_36, %add3A_37 : i32
    "tpu.region"() ({
      %run_scoped3A = tpu.sem_alloc : memref<!tpu.dma_semaphore, #tpu.memory_space<semaphore_mem>>
      %dma_start3A = arith.constant 0 : i32
      %dma_start3A_55 = tpu.memref_slice %arg11[%add3A_38, %dma_start3A] : memref<10240x128xf32, #tpu.memory_space<vmem_shared>> -> memref<128x128xf32, #tpu.memory_space<vmem_shared>>
      %dma_start3A_56 = arith.constant 0 : i32
      %dma_start3A_57 = tpu.memref_slice %arg11[%add3A_38, %dma_start3A_56] : memref<10240x128xf32, #tpu.memory_space<vmem_shared>> -> memref<128x128xf32, #tpu.memory_space<vmem_shared>>
      tpu.enqueue_dma source(%dma_start3A_57 : memref<128x128xf32, #tpu.memory_space<vmem_shared>>) target(%arg9 : memref<128x128xf32, #tpu.memory_space<vmem>>) target_semaphore(%run_scoped3A : memref<!tpu.dma_semaphore, #tpu.memory_space<semaphore_mem>>)
      %dma_wait3A = arith.constant 0 : i32
      %dma_wait3A_58 = tpu.memref_slice %arg11[%add3A_38, %dma_wait3A] : memref<10240x128xf32, #tpu.memory_space<vmem_shared>> -> memref<128x128xf32, #tpu.memory_space<vmem_shared>>
      %dma_wait3A_59 = arith.constant 0 : i32
      %dma_wait3A_60 = tpu.memref_slice %arg11[%add3A_38, %dma_wait3A_59] : memref<10240x128xf32, #tpu.memory_space<vmem_shared>> -> memref<128x128xf32, #tpu.memory_space<vmem_shared>>
      tpu.wait_dma2 semaphore(%run_scoped3A : memref<!tpu.dma_semaphore, #tpu.memory_space<semaphore_mem>>) src(%dma_wait3A_60 : memref<128x128xf32, #tpu.memory_space<vmem_shared>>) dst(%arg9 : memref<128x128xf32, #tpu.memory_space<vmem>>)
      tpu.yield
    }) : () -> ()
    "tpu.region"() ({
      %run_scoped3A = tpu.sem_alloc : memref<!tpu.dma_semaphore, #tpu.memory_space<semaphore_mem>>
      %dma_start3A = arith.constant 0 : i32
      %dma_start3A_55 = arith.constant 0 : i32
      %dma_start3A_56 = tpu.memref_slice %arg5[%arg0, %dma_start3A, %dma_start3A_55] : memref<2x10240x128xf32, #tpu.memory_space<hbm>> -> memref<1x10240x128xf32, #tpu.memory_space<hbm>>
      %dma_start3A_57 = tpu.memref_squeeze %dma_start3A_56 : memref<1x10240x128xf32, #tpu.memory_space<hbm>> -> memref<10240x128xf32, #tpu.memory_space<hbm>>
      %dma_start3A_58 = arith.constant 0 : i32
      %dma_start3A_59 = tpu.memref_slice %dma_start3A_57[%add3A_38, %dma_start3A_58] : memref<10240x128xf32, #tpu.memory_space<hbm>> -> memref<128x128xf32, #tpu.memory_space<hbm>>
      %dma_start3A_60 = arith.constant 0 : i32
      %dma_start3A_61 = arith.constant 0 : i32
      %dma_start3A_62 = tpu.memref_slice %arg5[%arg0, %dma_start3A_60, %dma_start3A_61] : memref<2x10240x128xf32, #tpu.memory_space<hbm>> -> memref<1x10240x128xf32, #tpu.memory_space<hbm>>
      %dma_start3A_63 = tpu.memref_squeeze %dma_start3A_62 : memref<1x10240x128xf32, #tpu.memory_space<hbm>> -> memref<10240x128xf32, #tpu.memory_space<hbm>>
      %dma_start3A_64 = arith.constant 0 : i32
      %dma_start3A_65 = tpu.memref_slice %dma_start3A_63[%add3A_38, %dma_start3A_64] : memref<10240x128xf32, #tpu.memory_space<hbm>> -> memref<128x128xf32, #tpu.memory_space<hbm>>
      tpu.enqueue_dma source(%arg9 : memref<128x128xf32, #tpu.memory_space<vmem>>) target(%dma_start3A_65 : memref<128x128xf32, #tpu.memory_space<hbm>>) target_semaphore(%run_scoped3A : memref<!tpu.dma_semaphore, #tpu.memory_space<semaphore_mem>>)
      %dma_wait3A = arith.constant 0 : i32
      %dma_wait3A_66 = arith.constant 0 : i32
      %dma_wait3A_67 = tpu.memref_slice %arg5[%arg0, %dma_wait3A, %dma_wait3A_66] : memref<2x10240x128xf32, #tpu.memory_space<hbm>> -> memref<1x10240x128xf32, #tpu.memory_space<hbm>>
      %dma_wait3A_68 = tpu.memref_squeeze %dma_wait3A_67 : memref<1x10240x128xf32, #tpu.memory_space<hbm>> -> memref<10240x128xf32, #tpu.memory_space<hbm>>
      %dma_wait3A_69 = arith.constant 0 : i32
      %dma_wait3A_70 = tpu.memref_slice %dma_wait3A_68[%add3A_38, %dma_wait3A_69] : memref<10240x128xf32, #tpu.memory_space<hbm>> -> memref<128x128xf32, #tpu.memory_space<hbm>>
      %dma_wait3A_71 = arith.constant 0 : i32
      %dma_wait3A_72 = arith.constant 0 : i32
      %dma_wait3A_73 = tpu.memref_slice %arg5[%arg0, %dma_wait3A_71, %dma_wait3A_72] : memref<2x10240x128xf32, #tpu.memory_space<hbm>> -> memref<1x10240x128xf32, #tpu.memory_space<hbm>>
      %dma_wait3A_74 = tpu.memref_squeeze %dma_wait3A_73 : memref<1x10240x128xf32, #tpu.memory_space<hbm>> -> memref<10240x128xf32, #tpu.memory_space<hbm>>
      %dma_wait3A_75 = arith.constant 0 : i32
      %dma_wait3A_76 = tpu.memref_slice %dma_wait3A_74[%add3A_38, %dma_wait3A_75] : memref<10240x128xf32, #tpu.memory_space<hbm>> -> memref<128x128xf32, #tpu.memory_space<hbm>>
      tpu.wait_dma2 semaphore(%run_scoped3A : memref<!tpu.dma_semaphore, #tpu.memory_space<semaphore_mem>>) src(%arg9 : memref<128x128xf32, #tpu.memory_space<vmem>>) dst(%dma_wait3A_76 : memref<128x128xf32, #tpu.memory_space<hbm>>)
      tpu.yield
    }) : () -> ()
    %mul3A_39 = arith.constant 640 : i32
    %mul3A_40 = arith.muli %arg1, %mul3A_39 : i32
    %add3A_41 = arith.constant 128 : i32
    %add3A_42 = arith.addi %mul3A_40, %add3A_41 : i32
    "tpu.region"() ({
      %run_scoped3A = tpu.sem_alloc : memref<!tpu.dma_semaphore, #tpu.memory_space<semaphore_mem>>
      %dma_start3A = arith.constant 0 : i32
      %dma_start3A_55 = tpu.memref_slice %arg11[%add3A_42, %dma_start3A] : memref<10240x128xf32, #tpu.memory_space<vmem_shared>> -> memref<128x128xf32, #tpu.memory_space<vmem_shared>>
      %dma_start3A_56 = arith.constant 0 : i32
      %dma_start3A_57 = tpu.memref_slice %arg11[%add3A_42, %dma_start3A_56] : memref<10240x128xf32, #tpu.memory_space<vmem_shared>> -> memref<128x128xf32, #tpu.memory_space<vmem_shared>>
      tpu.enqueue_dma source(%dma_start3A_57 : memref<128x128xf32, #tpu.memory_space<vmem_shared>>) target(%arg9 : memref<128x128xf32, #tpu.memory_space<vmem>>) target_semaphore(%run_scoped3A : memref<!tpu.dma_semaphore, #tpu.memory_space<semaphore_mem>>)
      %dma_wait3A = arith.constant 0 : i32
      %dma_wait3A_58 = tpu.memref_slice %arg11[%add3A_42, %dma_wait3A] : memref<10240x128xf32, #tpu.memory_space<vmem_shared>> -> memref<128x128xf32, #tpu.memory_space<vmem_shared>>
      %dma_wait3A_59 = arith.constant 0 : i32
      %dma_wait3A_60 = tpu.memref_slice %arg11[%add3A_42, %dma_wait3A_59] : memref<10240x128xf32, #tpu.memory_space<vmem_shared>> -> memref<128x128xf32, #tpu.memory_space<vmem_shared>>
      tpu.wait_dma2 semaphore(%run_scoped3A : memref<!tpu.dma_semaphore, #tpu.memory_space<semaphore_mem>>) src(%dma_wait3A_60 : memref<128x128xf32, #tpu.memory_space<vmem_shared>>) dst(%arg9 : memref<128x128xf32, #tpu.memory_space<vmem>>)
      tpu.yield
    }) : () -> ()
    "tpu.region"() ({
      %run_scoped3A = tpu.sem_alloc : memref<!tpu.dma_semaphore, #tpu.memory_space<semaphore_mem>>
      %dma_start3A = arith.constant 0 : i32
      %dma_start3A_55 = arith.constant 0 : i32
      %dma_start3A_56 = tpu.memref_slice %arg5[%arg0, %dma_start3A, %dma_start3A_55] : memref<2x10240x128xf32, #tpu.memory_space<hbm>> -> memref<1x10240x128xf32, #tpu.memory_space<hbm>>
      %dma_start3A_57 = tpu.memref_squeeze %dma_start3A_56 : memref<1x10240x128xf32, #tpu.memory_space<hbm>> -> memref<10240x128xf32, #tpu.memory_space<hbm>>
      %dma_start3A_58 = arith.constant 0 : i32
      %dma_start3A_59 = tpu.memref_slice %dma_start3A_57[%add3A_42, %dma_start3A_58] : memref<10240x128xf32, #tpu.memory_space<hbm>> -> memref<128x128xf32, #tpu.memory_space<hbm>>
      %dma_start3A_60 = arith.constant 0 : i32
      %dma_start3A_61 = arith.constant 0 : i32
      %dma_start3A_62 = tpu.memref_slice %arg5[%arg0, %dma_start3A_60, %dma_start3A_61] : memref<2x10240x128xf32, #tpu.memory_space<hbm>> -> memref<1x10240x128xf32, #tpu.memory_space<hbm>>
      %dma_start3A_63 = tpu.memref_squeeze %dma_start3A_62 : memref<1x10240x128xf32, #tpu.memory_space<hbm>> -> memref<10240x128xf32, #tpu.memory_space<hbm>>
      %dma_start3A_64 = arith.constant 0 : i32
      %dma_start3A_65 = tpu.memref_slice %dma_start3A_63[%add3A_42, %dma_start3A_64] : memref<10240x128xf32, #tpu.memory_space<hbm>> -> memref<128x128xf32, #tpu.memory_space<hbm>>
      tpu.enqueue_dma source(%arg9 : memref<128x128xf32, #tpu.memory_space<vmem>>) target(%dma_start3A_65 : memref<128x128xf32, #tpu.memory_space<hbm>>) target_semaphore(%run_scoped3A : memref<!tpu.dma_semaphore, #tpu.memory_space<semaphore_mem>>)
      %dma_wait3A = arith.constant 0 : i32
      %dma_wait3A_66 = arith.constant 0 : i32
      %dma_wait3A_67 = tpu.memref_slice %arg5[%arg0, %dma_wait3A, %dma_wait3A_66] : memref<2x10240x128xf32, #tpu.memory_space<hbm>> -> memref<1x10240x128xf32, #tpu.memory_space<hbm>>
      %dma_wait3A_68 = tpu.memref_squeeze %dma_wait3A_67 : memref<1x10240x128xf32, #tpu.memory_space<hbm>> -> memref<10240x128xf32, #tpu.memory_space<hbm>>
      %dma_wait3A_69 = arith.constant 0 : i32
      %dma_wait3A_70 = tpu.memref_slice %dma_wait3A_68[%add3A_42, %dma_wait3A_69] : memref<10240x128xf32, #tpu.memory_space<hbm>> -> memref<128x128xf32, #tpu.memory_space<hbm>>
      %dma_wait3A_71 = arith.constant 0 : i32
      %dma_wait3A_72 = arith.constant 0 : i32
      %dma_wait3A_73 = tpu.memref_slice %arg5[%arg0, %dma_wait3A_71, %dma_wait3A_72] : memref<2x10240x128xf32, #tpu.memory_space<hbm>> -> memref<1x10240x128xf32, #tpu.memory_space<hbm>>
      %dma_wait3A_74 = tpu.memref_squeeze %dma_wait3A_73 : memref<1x10240x128xf32, #tpu.memory_space<hbm>> -> memref<10240x128xf32, #tpu.memory_space<hbm>>
      %dma_wait3A_75 = arith.constant 0 : i32
      %dma_wait3A_76 = tpu.memref_slice %dma_wait3A_74[%add3A_42, %dma_wait3A_75] : memref<10240x128xf32, #tpu.memory_space<hbm>> -> memref<128x128xf32, #tpu.memory_space<hbm>>
      tpu.wait_dma2 semaphore(%run_scoped3A : memref<!tpu.dma_semaphore, #tpu.memory_space<semaphore_mem>>) src(%arg9 : memref<128x128xf32, #tpu.memory_space<vmem>>) dst(%dma_wait3A_76 : memref<128x128xf32, #tpu.memory_space<hbm>>)
      tpu.yield
    }) : () -> ()
    %mul3A_43 = arith.constant 640 : i32
    %mul3A_44 = arith.muli %arg1, %mul3A_43 : i32
    %add3A_45 = arith.constant 256 : i32
    %add3A_46 = arith.addi %mul3A_44, %add3A_45 : i32
    "tpu.region"() ({
      %run_scoped3A = tpu.sem_alloc : memref<!tpu.dma_semaphore, #tpu.memory_space<semaphore_mem>>
      %dma_start3A = arith.constant 0 : i32
      %dma_start3A_55 = tpu.memref_slice %arg11[%add3A_46, %dma_start3A] : memref<10240x128xf32, #tpu.memory_space<vmem_shared>> -> memref<128x128xf32, #tpu.memory_space<vmem_shared>>
      %dma_start3A_56 = arith.constant 0 : i32
      %dma_start3A_57 = tpu.memref_slice %arg11[%add3A_46, %dma_start3A_56] : memref<10240x128xf32, #tpu.memory_space<vmem_shared>> -> memref<128x128xf32, #tpu.memory_space<vmem_shared>>
      tpu.enqueue_dma source(%dma_start3A_57 : memref<128x128xf32, #tpu.memory_space<vmem_shared>>) target(%arg9 : memref<128x128xf32, #tpu.memory_space<vmem>>) target_semaphore(%run_scoped3A : memref<!tpu.dma_semaphore, #tpu.memory_space<semaphore_mem>>)
      %dma_wait3A = arith.constant 0 : i32
      %dma_wait3A_58 = tpu.memref_slice %arg11[%add3A_46, %dma_wait3A] : memref<10240x128xf32, #tpu.memory_space<vmem_shared>> -> memref<128x128xf32, #tpu.memory_space<vmem_shared>>
      %dma_wait3A_59 = arith.constant 0 : i32
      %dma_wait3A_60 = tpu.memref_slice %arg11[%add3A_46, %dma_wait3A_59] : memref<10240x128xf32, #tpu.memory_space<vmem_shared>> -> memref<128x128xf32, #tpu.memory_space<vmem_shared>>
      tpu.wait_dma2 semaphore(%run_scoped3A : memref<!tpu.dma_semaphore, #tpu.memory_space<semaphore_mem>>) src(%dma_wait3A_60 : memref<128x128xf32, #tpu.memory_space<vmem_shared>>) dst(%arg9 : memref<128x128xf32, #tpu.memory_space<vmem>>)
      tpu.yield
    }) : () -> ()
    "tpu.region"() ({
      %run_scoped3A = tpu.sem_alloc : memref<!tpu.dma_semaphore, #tpu.memory_space<semaphore_mem>>
      %dma_start3A = arith.constant 0 : i32
      %dma_start3A_55 = arith.constant 0 : i32
      %dma_start3A_56 = tpu.memref_slice %arg5[%arg0, %dma_start3A, %dma_start3A_55] : memref<2x10240x128xf32, #tpu.memory_space<hbm>> -> memref<1x10240x128xf32, #tpu.memory_space<hbm>>
      %dma_start3A_57 = tpu.memref_squeeze %dma_start3A_56 : memref<1x10240x128xf32, #tpu.memory_space<hbm>> -> memref<10240x128xf32, #tpu.memory_space<hbm>>
      %dma_start3A_58 = arith.constant 0 : i32
      %dma_start3A_59 = tpu.memref_slice %dma_start3A_57[%add3A_46, %dma_start3A_58] : memref<10240x128xf32, #tpu.memory_space<hbm>> -> memref<128x128xf32, #tpu.memory_space<hbm>>
      %dma_start3A_60 = arith.constant 0 : i32
      %dma_start3A_61 = arith.constant 0 : i32
      %dma_start3A_62 = tpu.memref_slice %arg5[%arg0, %dma_start3A_60, %dma_start3A_61] : memref<2x10240x128xf32, #tpu.memory_space<hbm>> -> memref<1x10240x128xf32, #tpu.memory_space<hbm>>
      %dma_start3A_63 = tpu.memref_squeeze %dma_start3A_62 : memref<1x10240x128xf32, #tpu.memory_space<hbm>> -> memref<10240x128xf32, #tpu.memory_space<hbm>>
      %dma_start3A_64 = arith.constant 0 : i32
      %dma_start3A_65 = tpu.memref_slice %dma_start3A_63[%add3A_46, %dma_start3A_64] : memref<10240x128xf32, #tpu.memory_space<hbm>> -> memref<128x128xf32, #tpu.memory_space<hbm>>
      tpu.enqueue_dma source(%arg9 : memref<128x128xf32, #tpu.memory_space<vmem>>) target(%dma_start3A_65 : memref<128x128xf32, #tpu.memory_space<hbm>>) target_semaphore(%run_scoped3A : memref<!tpu.dma_semaphore, #tpu.memory_space<semaphore_mem>>)
      %dma_wait3A = arith.constant 0 : i32
      %dma_wait3A_66 = arith.constant 0 : i32
      %dma_wait3A_67 = tpu.memref_slice %arg5[%arg0, %dma_wait3A, %dma_wait3A_66] : memref<2x10240x128xf32, #tpu.memory_space<hbm>> -> memref<1x10240x128xf32, #tpu.memory_space<hbm>>
      %dma_wait3A_68 = tpu.memref_squeeze %dma_wait3A_67 : memref<1x10240x128xf32, #tpu.memory_space<hbm>> -> memref<10240x128xf32, #tpu.memory_space<hbm>>
      %dma_wait3A_69 = arith.constant 0 : i32
      %dma_wait3A_70 = tpu.memref_slice %dma_wait3A_68[%add3A_46, %dma_wait3A_69] : memref<10240x128xf32, #tpu.memory_space<hbm>> -> memref<128x128xf32, #tpu.memory_space<hbm>>
      %dma_wait3A_71 = arith.constant 0 : i32
      %dma_wait3A_72 = arith.constant 0 : i32
      %dma_wait3A_73 = tpu.memref_slice %arg5[%arg0, %dma_wait3A_71, %dma_wait3A_72] : memref<2x10240x128xf32, #tpu.memory_space<hbm>> -> memref<1x10240x128xf32, #tpu.memory_space<hbm>>
      %dma_wait3A_74 = tpu.memref_squeeze %dma_wait3A_73 : memref<1x10240x128xf32, #tpu.memory_space<hbm>> -> memref<10240x128xf32, #tpu.memory_space<hbm>>
      %dma_wait3A_75 = arith.constant 0 : i32
      %dma_wait3A_76 = tpu.memref_slice %dma_wait3A_74[%add3A_46, %dma_wait3A_75] : memref<10240x128xf32, #tpu.memory_space<hbm>> -> memref<128x128xf32, #tpu.memory_space<hbm>>
      tpu.wait_dma2 semaphore(%run_scoped3A : memref<!tpu.dma_semaphore, #tpu.memory_space<semaphore_mem>>) src(%arg9 : memref<128x128xf32, #tpu.memory_space<vmem>>) dst(%dma_wait3A_76 : memref<128x128xf32, #tpu.memory_space<hbm>>)
      tpu.yield
    }) : () -> ()
    %mul3A_47 = arith.constant 640 : i32
    %mul3A_48 = arith.muli %arg1, %mul3A_47 : i32
    %add3A_49 = arith.constant 384 : i32
    %add3A_50 = arith.addi %mul3A_48, %add3A_49 : i32
    "tpu.region"() ({
      %run_scoped3A = tpu.sem_alloc : memref<!tpu.dma_semaphore, #tpu.memory_space<semaphore_mem>>
      %dma_start3A = arith.constant 0 : i32
      %dma_start3A_55 = tpu.memref_slice %arg11[%add3A_50, %dma_start3A] : memref<10240x128xf32, #tpu.memory_space<vmem_shared>> -> memref<128x128xf32, #tpu.memory_space<vmem_shared>>
      %dma_start3A_56 = arith.constant 0 : i32
      %dma_start3A_57 = tpu.memref_slice %arg11[%add3A_50, %dma_start3A_56] : memref<10240x128xf32, #tpu.memory_space<vmem_shared>> -> memref<128x128xf32, #tpu.memory_space<vmem_shared>>
      tpu.enqueue_dma source(%dma_start3A_57 : memref<128x128xf32, #tpu.memory_space<vmem_shared>>) target(%arg9 : memref<128x128xf32, #tpu.memory_space<vmem>>) target_semaphore(%run_scoped3A : memref<!tpu.dma_semaphore, #tpu.memory_space<semaphore_mem>>)
      %dma_wait3A = arith.constant 0 : i32
      %dma_wait3A_58 = tpu.memref_slice %arg11[%add3A_50, %dma_wait3A] : memref<10240x128xf32, #tpu.memory_space<vmem_shared>> -> memref<128x128xf32, #tpu.memory_space<vmem_shared>>
      %dma_wait3A_59 = arith.constant 0 : i32
      %dma_wait3A_60 = tpu.memref_slice %arg11[%add3A_50, %dma_wait3A_59] : memref<10240x128xf32, #tpu.memory_space<vmem_shared>> -> memref<128x128xf32, #tpu.memory_space<vmem_shared>>
      tpu.wait_dma2 semaphore(%run_scoped3A : memref<!tpu.dma_semaphore, #tpu.memory_space<semaphore_mem>>) src(%dma_wait3A_60 : memref<128x128xf32, #tpu.memory_space<vmem_shared>>) dst(%arg9 : memref<128x128xf32, #tpu.memory_space<vmem>>)
      tpu.yield
    }) : () -> ()
    "tpu.region"() ({
      %run_scoped3A = tpu.sem_alloc : memref<!tpu.dma_semaphore, #tpu.memory_space<semaphore_mem>>
      %dma_start3A = arith.constant 0 : i32
      %dma_start3A_55 = arith.constant 0 : i32
      %dma_start3A_56 = tpu.memref_slice %arg5[%arg0, %dma_start3A, %dma_start3A_55] : memref<2x10240x128xf32, #tpu.memory_space<hbm>> -> memref<1x10240x128xf32, #tpu.memory_space<hbm>>
      %dma_start3A_57 = tpu.memref_squeeze %dma_start3A_56 : memref<1x10240x128xf32, #tpu.memory_space<hbm>> -> memref<10240x128xf32, #tpu.memory_space<hbm>>
      %dma_start3A_58 = arith.constant 0 : i32
      %dma_start3A_59 = tpu.memref_slice %dma_start3A_57[%add3A_50, %dma_start3A_58] : memref<10240x128xf32, #tpu.memory_space<hbm>> -> memref<128x128xf32, #tpu.memory_space<hbm>>
      %dma_start3A_60 = arith.constant 0 : i32
      %dma_start3A_61 = arith.constant 0 : i32
      %dma_start3A_62 = tpu.memref_slice %arg5[%arg0, %dma_start3A_60, %dma_start3A_61] : memref<2x10240x128xf32, #tpu.memory_space<hbm>> -> memref<1x10240x128xf32, #tpu.memory_space<hbm>>
      %dma_start3A_63 = tpu.memref_squeeze %dma_start3A_62 : memref<1x10240x128xf32, #tpu.memory_space<hbm>> -> memref<10240x128xf32, #tpu.memory_space<hbm>>
      %dma_start3A_64 = arith.constant 0 : i32
      %dma_start3A_65 = tpu.memref_slice %dma_start3A_63[%add3A_50, %dma_start3A_64] : memref<10240x128xf32, #tpu.memory_space<hbm>> -> memref<128x128xf32, #tpu.memory_space<hbm>>
      tpu.enqueue_dma source(%arg9 : memref<128x128xf32, #tpu.memory_space<vmem>>) target(%dma_start3A_65 : memref<128x128xf32, #tpu.memory_space<hbm>>) target_semaphore(%run_scoped3A : memref<!tpu.dma_semaphore, #tpu.memory_space<semaphore_mem>>)
      %dma_wait3A = arith.constant 0 : i32
      %dma_wait3A_66 = arith.constant 0 : i32
      %dma_wait3A_67 = tpu.memref_slice %arg5[%arg0, %dma_wait3A, %dma_wait3A_66] : memref<2x10240x128xf32, #tpu.memory_space<hbm>> -> memref<1x10240x128xf32, #tpu.memory_space<hbm>>
      %dma_wait3A_68 = tpu.memref_squeeze %dma_wait3A_67 : memref<1x10240x128xf32, #tpu.memory_space<hbm>> -> memref<10240x128xf32, #tpu.memory_space<hbm>>
      %dma_wait3A_69 = arith.constant 0 : i32
      %dma_wait3A_70 = tpu.memref_slice %dma_wait3A_68[%add3A_50, %dma_wait3A_69] : memref<10240x128xf32, #tpu.memory_space<hbm>> -> memref<128x128xf32, #tpu.memory_space<hbm>>
      %dma_wait3A_71 = arith.constant 0 : i32
      %dma_wait3A_72 = arith.constant 0 : i32
      %dma_wait3A_73 = tpu.memref_slice %arg5[%arg0, %dma_wait3A_71, %dma_wait3A_72] : memref<2x10240x128xf32, #tpu.memory_space<hbm>> -> memref<1x10240x128xf32, #tpu.memory_space<hbm>>
      %dma_wait3A_74 = tpu.memref_squeeze %dma_wait3A_73 : memref<1x10240x128xf32, #tpu.memory_space<hbm>> -> memref<10240x128xf32, #tpu.memory_space<hbm>>
      %dma_wait3A_75 = arith.constant 0 : i32
      %dma_wait3A_76 = tpu.memref_slice %dma_wait3A_74[%add3A_50, %dma_wait3A_75] : memref<10240x128xf32, #tpu.memory_space<hbm>> -> memref<128x128xf32, #tpu.memory_space<hbm>>
      tpu.wait_dma2 semaphore(%run_scoped3A : memref<!tpu.dma_semaphore, #tpu.memory_space<semaphore_mem>>) src(%arg9 : memref<128x128xf32, #tpu.memory_space<vmem>>) dst(%dma_wait3A_76 : memref<128x128xf32, #tpu.memory_space<hbm>>)
      tpu.yield
    }) : () -> ()
    %mul3A_51 = arith.constant 640 : i32
    %mul3A_52 = arith.muli %arg1, %mul3A_51 : i32
    %add3A_53 = arith.constant 512 : i32
    %add3A_54 = arith.addi %mul3A_52, %add3A_53 : i32
    "tpu.region"() ({
      %run_scoped3A = tpu.sem_alloc : memref<!tpu.dma_semaphore, #tpu.memory_space<semaphore_mem>>
      %dma_start3A = arith.constant 0 : i32
      %dma_start3A_55 = tpu.memref_slice %arg11[%add3A_54, %dma_start3A] : memref<10240x128xf32, #tpu.memory_space<vmem_shared>> -> memref<128x128xf32, #tpu.memory_space<vmem_shared>>
      %dma_start3A_56 = arith.constant 0 : i32
      %dma_start3A_57 = tpu.memref_slice %arg11[%add3A_54, %dma_start3A_56] : memref<10240x128xf32, #tpu.memory_space<vmem_shared>> -> memref<128x128xf32, #tpu.memory_space<vmem_shared>>
      tpu.enqueue_dma source(%dma_start3A_57 : memref<128x128xf32, #tpu.memory_space<vmem_shared>>) target(%arg9 : memref<128x128xf32, #tpu.memory_space<vmem>>) target_semaphore(%run_scoped3A : memref<!tpu.dma_semaphore, #tpu.memory_space<semaphore_mem>>)
      %dma_wait3A = arith.constant 0 : i32
      %dma_wait3A_58 = tpu.memref_slice %arg11[%add3A_54, %dma_wait3A] : memref<10240x128xf32, #tpu.memory_space<vmem_shared>> -> memref<128x128xf32, #tpu.memory_space<vmem_shared>>
      %dma_wait3A_59 = arith.constant 0 : i32
      %dma_wait3A_60 = tpu.memref_slice %arg11[%add3A_54, %dma_wait3A_59] : memref<10240x128xf32, #tpu.memory_space<vmem_shared>> -> memref<128x128xf32, #tpu.memory_space<vmem_shared>>
      tpu.wait_dma2 semaphore(%run_scoped3A : memref<!tpu.dma_semaphore, #tpu.memory_space<semaphore_mem>>) src(%dma_wait3A_60 : memref<128x128xf32, #tpu.memory_space<vmem_shared>>) dst(%arg9 : memref<128x128xf32, #tpu.memory_space<vmem>>)
      tpu.yield
    }) : () -> ()
    "tpu.region"() ({
      %run_scoped3A = tpu.sem_alloc : memref<!tpu.dma_semaphore, #tpu.memory_space<semaphore_mem>>
      %dma_start3A = arith.constant 0 : i32
      %dma_start3A_55 = arith.constant 0 : i32
      %dma_start3A_56 = tpu.memref_slice %arg5[%arg0, %dma_start3A, %dma_start3A_55] : memref<2x10240x128xf32, #tpu.memory_space<hbm>> -> memref<1x10240x128xf32, #tpu.memory_space<hbm>>
      %dma_start3A_57 = tpu.memref_squeeze %dma_start3A_56 : memref<1x10240x128xf32, #tpu.memory_space<hbm>> -> memref<10240x128xf32, #tpu.memory_space<hbm>>
      %dma_start3A_58 = arith.constant 0 : i32
      %dma_start3A_59 = tpu.memref_slice %dma_start3A_57[%add3A_54, %dma_start3A_58] : memref<10240x128xf32, #tpu.memory_space<hbm>> -> memref<128x128xf32, #tpu.memory_space<hbm>>
      %dma_start3A_60 = arith.constant 0 : i32
      %dma_start3A_61 = arith.constant 0 : i32
      %dma_start3A_62 = tpu.memref_slice %arg5[%arg0, %dma_start3A_60, %dma_start3A_61] : memref<2x10240x128xf32, #tpu.memory_space<hbm>> -> memref<1x10240x128xf32, #tpu.memory_space<hbm>>
      %dma_start3A_63 = tpu.memref_squeeze %dma_start3A_62 : memref<1x10240x128xf32, #tpu.memory_space<hbm>> -> memref<10240x128xf32, #tpu.memory_space<hbm>>
      %dma_start3A_64 = arith.constant 0 : i32
      %dma_start3A_65 = tpu.memref_slice %dma_start3A_63[%add3A_54, %dma_start3A_64] : memref<10240x128xf32, #tpu.memory_space<hbm>> -> memref<128x128xf32, #tpu.memory_space<hbm>>
      tpu.enqueue_dma source(%arg9 : memref<128x128xf32, #tpu.memory_space<vmem>>) target(%dma_start3A_65 : memref<128x128xf32, #tpu.memory_space<hbm>>) target_semaphore(%run_scoped3A : memref<!tpu.dma_semaphore, #tpu.memory_space<semaphore_mem>>)
      %dma_wait3A = arith.constant 0 : i32
      %dma_wait3A_66 = arith.constant 0 : i32
      %dma_wait3A_67 = tpu.memref_slice %arg5[%arg0, %dma_wait3A, %dma_wait3A_66] : memref<2x10240x128xf32, #tpu.memory_space<hbm>> -> memref<1x10240x128xf32, #tpu.memory_space<hbm>>
      %dma_wait3A_68 = tpu.memref_squeeze %dma_wait3A_67 : memref<1x10240x128xf32, #tpu.memory_space<hbm>> -> memref<10240x128xf32, #tpu.memory_space<hbm>>
      %dma_wait3A_69 = arith.constant 0 : i32
      %dma_wait3A_70 = tpu.memref_slice %dma_wait3A_68[%add3A_54, %dma_wait3A_69] : memref<10240x128xf32, #tpu.memory_space<hbm>> -> memref<128x128xf32, #tpu.memory_space<hbm>>
      %dma_wait3A_71 = arith.constant 0 : i32
      %dma_wait3A_72 = arith.constant 0 : i32
      %dma_wait3A_73 = tpu.memref_slice %arg5[%arg0, %dma_wait3A_71, %dma_wait3A_72] : memref<2x10240x128xf32, #tpu.memory_space<hbm>> -> memref<1x10240x128xf32, #tpu.memory_space<hbm>>
      %dma_wait3A_74 = tpu.memref_squeeze %dma_wait3A_73 : memref<1x10240x128xf32, #tpu.memory_space<hbm>> -> memref<10240x128xf32, #tpu.memory_space<hbm>>
      %dma_wait3A_75 = arith.constant 0 : i32
      %dma_wait3A_76 = tpu.memref_slice %dma_wait3A_74[%add3A_54, %dma_wait3A_75] : memref<10240x128xf32, #tpu.memory_space<hbm>> -> memref<128x128xf32, #tpu.memory_space<hbm>>
      tpu.wait_dma2 semaphore(%run_scoped3A : memref<!tpu.dma_semaphore, #tpu.memory_space<semaphore_mem>>) src(%arg9 : memref<128x128xf32, #tpu.memory_space<vmem>>) dst(%dma_wait3A_76 : memref<128x128xf32, #tpu.memory_space<hbm>>)
      tpu.yield
    }) : () -> ()
    return
  }
}

#map = affine_map<(d0, d1) -> (0, 0)>
#map1 = affine_map<(d0, d1) -> (0)>
#map2 = affine_map<(d0, d1) -> (0, 0, 0)>
module attributes {stable_mosaic.version = 14 : i64} {
  func.func @_agg_kernel_body(%arg0: i32, %arg1: i32, %arg2: memref<10000x128xf32, #tpu.memory_space<hbm>>, %arg3: memref<320000xi32, #tpu.memory_space<hbm>>, %arg4: memref<320000xi32, #tpu.memory_space<hbm>>, %arg5: memref<2x10240x128xf32, #tpu.memory_space<hbm>>, %arg6: memref<80xi32, #tpu.memory_space<vmem>>, %arg7: memref<80xi32, #tpu.memory_space<vmem>>, %arg8: memref<80x128xf32, #tpu.memory_space<vmem>>, %arg9: memref<128x128xf32, #tpu.memory_space<vmem>>, %arg10: memref<!tpu.dma_semaphore, #tpu.memory_space<semaphore_mem>>, %arg11: memref<10240x128xf32, #tpu.memory_space<vmem_shared>>) attributes {dimension_semantics = [#tpu.dimension_semantics<core_parallel>, #tpu.dimension_semantics<subcore_parallel>], iteration_bounds = array<i64: 2, 16>, scalar_prefetch = 0 : i64, scratch_operands = 6 : i64, tpu.core_type = #tpu.core_type<sc_vector_subcore>, window_params = [{transform_indices = #map}, {transform_indices = #map1}, {transform_indices = #map1}, {transform_indices = #map2}]} {
    %mul3A = arith.constant 2 : i32
    %mul3A_0 = arith.muli %arg1, %mul3A : i32
    %add3A = arith.addi %mul3A_0, %arg0 : i32
    %scan3A = arith.constant 0 : i32
    %scan3A_1 = arith.constant 0 : i32
    %scan3A_2 = arith.constant 128 : i32
    %scan3A_3 = arith.addi %scan3A_1, %scan3A_2 : i32
    %scan3A_4 = arith.constant 1 : i32
    %scan3A_5 = scf.for %scan3A_55 = %scan3A_1 to %scan3A_3 step %scan3A_4 iter_args(%scan3A_56 = %scan3A) -> (i32)  : i32 {
      %broadcast_in_dim3A = arith.constant 0.000000e+00 : f32
      %broadcast_in_dim3A_57 = vector.broadcast %broadcast_in_dim3A : f32 to vector<16xf32>
      %swap3A = arith.index_cast %scan3A_55 : i32 to index
      %swap3A_58 = arith.constant 0 : index
      %swap3A_59 = tpu.vector_load %arg9[%swap3A, %swap3A_58] {strides = array<i32>} : memref<128x128xf32, #tpu.memory_space<vmem>>, vector<1x16xf32>,
      %swap3A_60 = vector.shape_cast %swap3A_59 : vector<1x16xf32> to vector<16xf32>
      %swap3A_61 = vector.shape_cast %broadcast_in_dim3A_57 : vector<16xf32> to vector<1x16xf32>
      tpu.vector_store %arg9[%swap3A, %swap3A_58], %swap3A_61 {strides = array<i32>} : memref<128x128xf32, #tpu.memory_space<vmem>>, vector<1x16xf32>,
      %broadcast_in_dim3A_62 = arith.constant 0.000000e+00 : f32
      %broadcast_in_dim3A_63 = vector.broadcast %broadcast_in_dim3A_62 : f32 to vector<16xf32>
      %swap3A_64 = arith.index_cast %scan3A_55 : i32 to index
      %swap3A_65 = arith.constant 16 : index
      %swap3A_66 = tpu.vector_load %arg9[%swap3A_64, %swap3A_65] {strides = array<i32>} : memref<128x128xf32, #tpu.memory_space<vmem>>, vector<1x16xf32>,
      %swap3A_67 = vector.shape_cast %swap3A_66 : vector<1x16xf32> to vector<16xf32>
      %swap3A_68 = vector.shape_cast %broadcast_in_dim3A_63 : vector<16xf32> to vector<1x16xf32>
      tpu.vector_store %arg9[%swap3A_64, %swap3A_65], %swap3A_68 {strides = array<i32>} : memref<128x128xf32, #tpu.memory_space<vmem>>, vector<1x16xf32>,
      %broadcast_in_dim3A_69 = arith.constant 0.000000e+00 : f32
      %broadcast_in_dim3A_70 = vector.broadcast %broadcast_in_dim3A_69 : f32 to vector<16xf32>
      %swap3A_71 = arith.index_cast %scan3A_55 : i32 to index
      %swap3A_72 = arith.constant 32 : index
      %swap3A_73 = tpu.vector_load %arg9[%swap3A_71, %swap3A_72] {strides = array<i32>} : memref<128x128xf32, #tpu.memory_space<vmem>>, vector<1x16xf32>,
      %swap3A_74 = vector.shape_cast %swap3A_73 : vector<1x16xf32> to vector<16xf32>
      %swap3A_75 = vector.shape_cast %broadcast_in_dim3A_70 : vector<16xf32> to vector<1x16xf32>
      tpu.vector_store %arg9[%swap3A_71, %swap3A_72], %swap3A_75 {strides = array<i32>} : memref<128x128xf32, #tpu.memory_space<vmem>>, vector<1x16xf32>,
      %broadcast_in_dim3A_76 = arith.constant 0.000000e+00 : f32
      %broadcast_in_dim3A_77 = vector.broadcast %broadcast_in_dim3A_76 : f32 to vector<16xf32>
      %swap3A_78 = arith.index_cast %scan3A_55 : i32 to index
      %swap3A_79 = arith.constant 48 : index
      %swap3A_80 = tpu.vector_load %arg9[%swap3A_78, %swap3A_79] {strides = array<i32>} : memref<128x128xf32, #tpu.memory_space<vmem>>, vector<1x16xf32>,
      %swap3A_81 = vector.shape_cast %swap3A_80 : vector<1x16xf32> to vector<16xf32>
      %swap3A_82 = vector.shape_cast %broadcast_in_dim3A_77 : vector<16xf32> to vector<1x16xf32>
      tpu.vector_store %arg9[%swap3A_78, %swap3A_79], %swap3A_82 {strides = array<i32>} : memref<128x128xf32, #tpu.memory_space<vmem>>, vector<1x16xf32>,
      %broadcast_in_dim3A_83 = arith.constant 0.000000e+00 : f32
      %broadcast_in_dim3A_84 = vector.broadcast %broadcast_in_dim3A_83 : f32 to vector<16xf32>
      %swap3A_85 = arith.index_cast %scan3A_55 : i32 to index
      %swap3A_86 = arith.constant 64 : index
      %swap3A_87 = tpu.vector_load %arg9[%swap3A_85, %swap3A_86] {strides = array<i32>} : memref<128x128xf32, #tpu.memory_space<vmem>>, vector<1x16xf32>,
      %swap3A_88 = vector.shape_cast %swap3A_87 : vector<1x16xf32> to vector<16xf32>
      %swap3A_89 = vector.shape_cast %broadcast_in_dim3A_84 : vector<16xf32> to vector<1x16xf32>
      tpu.vector_store %arg9[%swap3A_85, %swap3A_86], %swap3A_89 {strides = array<i32>} : memref<128x128xf32, #tpu.memory_space<vmem>>, vector<1x16xf32>,
      %broadcast_in_dim3A_90 = arith.constant 0.000000e+00 : f32
      %broadcast_in_dim3A_91 = vector.broadcast %broadcast_in_dim3A_90 : f32 to vector<16xf32>
      %swap3A_92 = arith.index_cast %scan3A_55 : i32 to index
      %swap3A_93 = arith.constant 80 : index
      %swap3A_94 = tpu.vector_load %arg9[%swap3A_92, %swap3A_93] {strides = array<i32>} : memref<128x128xf32, #tpu.memory_space<vmem>>, vector<1x16xf32>,
      %swap3A_95 = vector.shape_cast %swap3A_94 : vector<1x16xf32> to vector<16xf32>
      %swap3A_96 = vector.shape_cast %broadcast_in_dim3A_91 : vector<16xf32> to vector<1x16xf32>
      tpu.vector_store %arg9[%swap3A_92, %swap3A_93], %swap3A_96 {strides = array<i32>} : memref<128x128xf32, #tpu.memory_space<vmem>>, vector<1x16xf32>,
      %broadcast_in_dim3A_97 = arith.constant 0.000000e+00 : f32
      %broadcast_in_dim3A_98 = vector.broadcast %broadcast_in_dim3A_97 : f32 to vector<16xf32>
      %swap3A_99 = arith.index_cast %scan3A_55 : i32 to index
      %swap3A_100 = arith.constant 96 : index
      %swap3A_101 = tpu.vector_load %arg9[%swap3A_99, %swap3A_100] {strides = array<i32>} : memref<128x128xf32, #tpu.memory_space<vmem>>, vector<1x16xf32>,
      %swap3A_102 = vector.shape_cast %swap3A_101 : vector<1x16xf32> to vector<16xf32>
      %swap3A_103 = vector.shape_cast %broadcast_in_dim3A_98 : vector<16xf32> to vector<1x16xf32>
      tpu.vector_store %arg9[%swap3A_99, %swap3A_100], %swap3A_103 {strides = array<i32>} : memref<128x128xf32, #tpu.memory_space<vmem>>, vector<1x16xf32>,
      %broadcast_in_dim3A_104 = arith.constant 0.000000e+00 : f32
      %broadcast_in_dim3A_105 = vector.broadcast %broadcast_in_dim3A_104 : f32 to vector<16xf32>
      %swap3A_106 = arith.index_cast %scan3A_55 : i32 to index
      %swap3A_107 = arith.constant 112 : index
      %swap3A_108 = tpu.vector_load %arg9[%swap3A_106, %swap3A_107] {strides = array<i32>} : memref<128x128xf32, #tpu.memory_space<vmem>>, vector<1x16xf32>,
      %swap3A_109 = vector.shape_cast %swap3A_108 : vector<1x16xf32> to vector<16xf32>
      %swap3A_110 = vector.shape_cast %broadcast_in_dim3A_105 : vector<16xf32> to vector<1x16xf32>
      tpu.vector_store %arg9[%swap3A_106, %swap3A_107], %swap3A_110 {strides = array<i32>} : memref<128x128xf32, #tpu.memory_space<vmem>>, vector<1x16xf32>,
      %scan3A_111 = arith.constant 0 : i32
      scf.yield %scan3A_111 : i32
    }
    %scan3A_6 = arith.constant 128 : i32
    %mul3A_7 = arith.constant 640 : i32
    %mul3A_8 = arith.muli %arg1, %mul3A_7 : i32
    %add3A_9 = arith.constant 0 : i32
    %add3A_10 = arith.addi %mul3A_8, %add3A_9 : i32
    "tpu.region"() ({
      %run_scoped3A = tpu.sem_alloc : memref<!tpu.dma_semaphore, #tpu.memory_space<semaphore_mem>>
      %dma_start3A = arith.constant 0 : i32
      %dma_start3A_55 = tpu.memref_slice %arg11[%add3A_10, %dma_start3A] : memref<10240x128xf32, #tpu.memory_space<vmem_shared>> -> memref<128x128xf32, #tpu.memory_space<vmem_shared>>
      %dma_start3A_56 = arith.constant 0 : i32
      %dma_start3A_57 = tpu.memref_slice %arg11[%add3A_10, %dma_start3A_56] : memref<10240x128xf32, #tpu.memory_space<vmem_shared>> -> memref<128x128xf32, #tpu.memory_space<vmem_shared>>
      tpu.enqueue_dma source(%arg9 : memref<128x128xf32, #tpu.memory_space<vmem>>) target(%dma_start3A_57 : memref<128x128xf32, #tpu.memory_space<vmem_shared>>) target_semaphore(%run_scoped3A : memref<!tpu.dma_semaphore, #tpu.memory_space<semaphore_mem>>)
      %dma_wait3A = arith.constant 0 : i32
      %dma_wait3A_58 = tpu.memref_slice %arg11[%add3A_10, %dma_wait3A] : memref<10240x128xf32, #tpu.memory_space<vmem_shared>> -> memref<128x128xf32, #tpu.memory_space<vmem_shared>>
      %dma_wait3A_59 = arith.constant 0 : i32
      %dma_wait3A_60 = tpu.memref_slice %arg11[%add3A_10, %dma_wait3A_59] : memref<10240x128xf32, #tpu.memory_space<vmem_shared>> -> memref<128x128xf32, #tpu.memory_space<vmem_shared>>
      tpu.wait_dma2 semaphore(%run_scoped3A : memref<!tpu.dma_semaphore, #tpu.memory_space<semaphore_mem>>) src(%arg9 : memref<128x128xf32, #tpu.memory_space<vmem>>) dst(%dma_wait3A_60 : memref<128x128xf32, #tpu.memory_space<vmem_shared>>)
      tpu.yield
    }) : () -> ()
    %mul3A_11 = arith.constant 640 : i32
    %mul3A_12 = arith.muli %arg1, %mul3A_11 : i32
    %add3A_13 = arith.constant 128 : i32
    %add3A_14 = arith.addi %mul3A_12, %add3A_13 : i32
    "tpu.region"() ({
      %run_scoped3A = tpu.sem_alloc : memref<!tpu.dma_semaphore, #tpu.memory_space<semaphore_mem>>
      %dma_start3A = arith.constant 0 : i32
      %dma_start3A_55 = tpu.memref_slice %arg11[%add3A_14, %dma_start3A] : memref<10240x128xf32, #tpu.memory_space<vmem_shared>> -> memref<128x128xf32, #tpu.memory_space<vmem_shared>>
      %dma_start3A_56 = arith.constant 0 : i32
      %dma_start3A_57 = tpu.memref_slice %arg11[%add3A_14, %dma_start3A_56] : memref<10240x128xf32, #tpu.memory_space<vmem_shared>> -> memref<128x128xf32, #tpu.memory_space<vmem_shared>>
      tpu.enqueue_dma source(%arg9 : memref<128x128xf32, #tpu.memory_space<vmem>>) target(%dma_start3A_57 : memref<128x128xf32, #tpu.memory_space<vmem_shared>>) target_semaphore(%run_scoped3A : memref<!tpu.dma_semaphore, #tpu.memory_space<semaphore_mem>>)
      %dma_wait3A = arith.constant 0 : i32
      %dma_wait3A_58 = tpu.memref_slice %arg11[%add3A_14, %dma_wait3A] : memref<10240x128xf32, #tpu.memory_space<vmem_shared>> -> memref<128x128xf32, #tpu.memory_space<vmem_shared>>
      %dma_wait3A_59 = arith.constant 0 : i32
      %dma_wait3A_60 = tpu.memref_slice %arg11[%add3A_14, %dma_wait3A_59] : memref<10240x128xf32, #tpu.memory_space<vmem_shared>> -> memref<128x128xf32, #tpu.memory_space<vmem_shared>>
      tpu.wait_dma2 semaphore(%run_scoped3A : memref<!tpu.dma_semaphore, #tpu.memory_space<semaphore_mem>>) src(%arg9 : memref<128x128xf32, #tpu.memory_space<vmem>>) dst(%dma_wait3A_60 : memref<128x128xf32, #tpu.memory_space<vmem_shared>>)
      tpu.yield
    }) : () -> ()
    %mul3A_15 = arith.constant 640 : i32
    %mul3A_16 = arith.muli %arg1, %mul3A_15 : i32
    %add3A_17 = arith.constant 256 : i32
    %add3A_18 = arith.addi %mul3A_16, %add3A_17 : i32
    "tpu.region"() ({
      %run_scoped3A = tpu.sem_alloc : memref<!tpu.dma_semaphore, #tpu.memory_space<semaphore_mem>>
      %dma_start3A = arith.constant 0 : i32
      %dma_start3A_55 = tpu.memref_slice %arg11[%add3A_18, %dma_start3A] : memref<10240x128xf32, #tpu.memory_space<vmem_shared>> -> memref<128x128xf32, #tpu.memory_space<vmem_shared>>
      %dma_start3A_56 = arith.constant 0 : i32
      %dma_start3A_57 = tpu.memref_slice %arg11[%add3A_18, %dma_start3A_56] : memref<10240x128xf32, #tpu.memory_space<vmem_shared>> -> memref<128x128xf32, #tpu.memory_space<vmem_shared>>
      tpu.enqueue_dma source(%arg9 : memref<128x128xf32, #tpu.memory_space<vmem>>) target(%dma_start3A_57 : memref<128x128xf32, #tpu.memory_space<vmem_shared>>) target_semaphore(%run_scoped3A : memref<!tpu.dma_semaphore, #tpu.memory_space<semaphore_mem>>)
      %dma_wait3A = arith.constant 0 : i32
      %dma_wait3A_58 = tpu.memref_slice %arg11[%add3A_18, %dma_wait3A] : memref<10240x128xf32, #tpu.memory_space<vmem_shared>> -> memref<128x128xf32, #tpu.memory_space<vmem_shared>>
      %dma_wait3A_59 = arith.constant 0 : i32
      %dma_wait3A_60 = tpu.memref_slice %arg11[%add3A_18, %dma_wait3A_59] : memref<10240x128xf32, #tpu.memory_space<vmem_shared>> -> memref<128x128xf32, #tpu.memory_space<vmem_shared>>
      tpu.wait_dma2 semaphore(%run_scoped3A : memref<!tpu.dma_semaphore, #tpu.memory_space<semaphore_mem>>) src(%arg9 : memref<128x128xf32, #tpu.memory_space<vmem>>) dst(%dma_wait3A_60 : memref<128x128xf32, #tpu.memory_space<vmem_shared>>)
      tpu.yield
    }) : () -> ()
    %mul3A_19 = arith.constant 640 : i32
    %mul3A_20 = arith.muli %arg1, %mul3A_19 : i32
    %add3A_21 = arith.constant 384 : i32
    %add3A_22 = arith.addi %mul3A_20, %add3A_21 : i32
    "tpu.region"() ({
      %run_scoped3A = tpu.sem_alloc : memref<!tpu.dma_semaphore, #tpu.memory_space<semaphore_mem>>
      %dma_start3A = arith.constant 0 : i32
      %dma_start3A_55 = tpu.memref_slice %arg11[%add3A_22, %dma_start3A] : memref<10240x128xf32, #tpu.memory_space<vmem_shared>> -> memref<128x128xf32, #tpu.memory_space<vmem_shared>>
      %dma_start3A_56 = arith.constant 0 : i32
      %dma_start3A_57 = tpu.memref_slice %arg11[%add3A_22, %dma_start3A_56] : memref<10240x128xf32, #tpu.memory_space<vmem_shared>> -> memref<128x128xf32, #tpu.memory_space<vmem_shared>>
      tpu.enqueue_dma source(%arg9 : memref<128x128xf32, #tpu.memory_space<vmem>>) target(%dma_start3A_57 : memref<128x128xf32, #tpu.memory_space<vmem_shared>>) target_semaphore(%run_scoped3A : memref<!tpu.dma_semaphore, #tpu.memory_space<semaphore_mem>>)
      %dma_wait3A = arith.constant 0 : i32
      %dma_wait3A_58 = tpu.memref_slice %arg11[%add3A_22, %dma_wait3A] : memref<10240x128xf32, #tpu.memory_space<vmem_shared>> -> memref<128x128xf32, #tpu.memory_space<vmem_shared>>
      %dma_wait3A_59 = arith.constant 0 : i32
      %dma_wait3A_60 = tpu.memref_slice %arg11[%add3A_22, %dma_wait3A_59] : memref<10240x128xf32, #tpu.memory_space<vmem_shared>> -> memref<128x128xf32, #tpu.memory_space<vmem_shared>>
      tpu.wait_dma2 semaphore(%run_scoped3A : memref<!tpu.dma_semaphore, #tpu.memory_space<semaphore_mem>>) src(%arg9 : memref<128x128xf32, #tpu.memory_space<vmem>>) dst(%dma_wait3A_60 : memref<128x128xf32, #tpu.memory_space<vmem_shared>>)
      tpu.yield
    }) : () -> ()
    %mul3A_23 = arith.constant 640 : i32
    %mul3A_24 = arith.muli %arg1, %mul3A_23 : i32
    %add3A_25 = arith.constant 512 : i32
    %add3A_26 = arith.addi %mul3A_24, %add3A_25 : i32
    "tpu.region"() ({
      %run_scoped3A = tpu.sem_alloc : memref<!tpu.dma_semaphore, #tpu.memory_space<semaphore_mem>>
      %dma_start3A = arith.constant 0 : i32
      %dma_start3A_55 = tpu.memref_slice %arg11[%add3A_26, %dma_start3A] : memref<10240x128xf32, #tpu.memory_space<vmem_shared>> -> memref<128x128xf32, #tpu.memory_space<vmem_shared>>
      %dma_start3A_56 = arith.constant 0 : i32
      %dma_start3A_57 = tpu.memref_slice %arg11[%add3A_26, %dma_start3A_56] : memref<10240x128xf32, #tpu.memory_space<vmem_shared>> -> memref<128x128xf32, #tpu.memory_space<vmem_shared>>
      tpu.enqueue_dma source(%arg9 : memref<128x128xf32, #tpu.memory_space<vmem>>) target(%dma_start3A_57 : memref<128x128xf32, #tpu.memory_space<vmem_shared>>) target_semaphore(%run_scoped3A : memref<!tpu.dma_semaphore, #tpu.memory_space<semaphore_mem>>)
      %dma_wait3A = arith.constant 0 : i32
      %dma_wait3A_58 = tpu.memref_slice %arg11[%add3A_26, %dma_wait3A] : memref<10240x128xf32, #tpu.memory_space<vmem_shared>> -> memref<128x128xf32, #tpu.memory_space<vmem_shared>>
      %dma_wait3A_59 = arith.constant 0 : i32
      %dma_wait3A_60 = tpu.memref_slice %arg11[%add3A_26, %dma_wait3A_59] : memref<10240x128xf32, #tpu.memory_space<vmem_shared>> -> memref<128x128xf32, #tpu.memory_space<vmem_shared>>
      tpu.wait_dma2 semaphore(%run_scoped3A : memref<!tpu.dma_semaphore, #tpu.memory_space<semaphore_mem>>) src(%arg9 : memref<128x128xf32, #tpu.memory_space<vmem>>) dst(%dma_wait3A_60 : memref<128x128xf32, #tpu.memory_space<vmem_shared>>)
      tpu.yield
    }) : () -> ()
    %barrier3A = arith.constant 0 : index
    tpu.barrier barrier_id(%barrier3A)
    %scan3A_27 = arith.constant 0 : i32
    %scan3A_28 = arith.constant 0 : i32
    %scan3A_29 = arith.constant 125 : i32
    %scan3A_30 = arith.addi %scan3A_28, %scan3A_29 : i32
    %scan3A_31 = arith.constant 1 : i32
    %scan3A_32 = scf.for %scan3A_55 = %scan3A_28 to %scan3A_30 step %scan3A_31 iter_args(%scan3A_56 = %scan3A_27) -> (i32)  : i32 {
      %mul3A_57 = arith.constant 10000 : i32
      %mul3A_58 = arith.muli %add3A, %mul3A_57 : i32
      %mul3A_59 = arith.constant 80 : i32
      %mul3A_60 = arith.muli %scan3A_55, %mul3A_59 : i32
      %add3A_61 = arith.addi %mul3A_58, %mul3A_60 : i32
      "tpu.region"() ({
        %run_scoped3A = tpu.sem_alloc : memref<!tpu.dma_semaphore, #tpu.memory_space<semaphore_mem>>
        %dma_start3A_67 = tpu.memref_slice %arg3[%add3A_61] : memref<320000xi32, #tpu.memory_space<hbm>> -> memref<80xi32, #tpu.memory_space<hbm>>
        %dma_start3A_68 = tpu.memref_slice %arg3[%add3A_61] : memref<320000xi32, #tpu.memory_space<hbm>> -> memref<80xi32, #tpu.memory_space<hbm>>
        tpu.enqueue_dma source(%dma_start3A_68 : memref<80xi32, #tpu.memory_space<hbm>>) target(%arg6 : memref<80xi32, #tpu.memory_space<vmem>>) target_semaphore(%run_scoped3A : memref<!tpu.dma_semaphore, #tpu.memory_space<semaphore_mem>>)
        %dma_wait3A_69 = tpu.memref_slice %arg3[%add3A_61] : memref<320000xi32, #tpu.memory_space<hbm>> -> memref<80xi32, #tpu.memory_space<hbm>>
        %dma_wait3A_70 = tpu.memref_slice %arg3[%add3A_61] : memref<320000xi32, #tpu.memory_space<hbm>> -> memref<80xi32, #tpu.memory_space<hbm>>
        tpu.wait_dma2 semaphore(%run_scoped3A : memref<!tpu.dma_semaphore, #tpu.memory_space<semaphore_mem>>) src(%dma_wait3A_70 : memref<80xi32, #tpu.memory_space<hbm>>) dst(%arg6 : memref<80xi32, #tpu.memory_space<vmem>>)
        tpu.yield
      }) : () -> ()
      "tpu.region"() ({
        %run_scoped3A = tpu.sem_alloc : memref<!tpu.dma_semaphore, #tpu.memory_space<semaphore_mem>>
        %dma_start3A_67 = tpu.memref_slice %arg4[%add3A_61] : memref<320000xi32, #tpu.memory_space<hbm>> -> memref<80xi32, #tpu.memory_space<hbm>>
        %dma_start3A_68 = tpu.memref_slice %arg4[%add3A_61] : memref<320000xi32, #tpu.memory_space<hbm>> -> memref<80xi32, #tpu.memory_space<hbm>>
        tpu.enqueue_dma source(%dma_start3A_68 : memref<80xi32, #tpu.memory_space<hbm>>) target(%arg7 : memref<80xi32, #tpu.memory_space<vmem>>) target_semaphore(%run_scoped3A : memref<!tpu.dma_semaphore, #tpu.memory_space<semaphore_mem>>)
        %dma_wait3A_69 = tpu.memref_slice %arg4[%add3A_61] : memref<320000xi32, #tpu.memory_space<hbm>> -> memref<80xi32, #tpu.memory_space<hbm>>
        %dma_wait3A_70 = tpu.memref_slice %arg4[%add3A_61] : memref<320000xi32, #tpu.memory_space<hbm>> -> memref<80xi32, #tpu.memory_space<hbm>>
        tpu.wait_dma2 semaphore(%run_scoped3A : memref<!tpu.dma_semaphore, #tpu.memory_space<semaphore_mem>>) src(%dma_wait3A_70 : memref<80xi32, #tpu.memory_space<hbm>>) dst(%arg7 : memref<80xi32, #tpu.memory_space<vmem>>)
        tpu.yield
      }) : () -> ()
      %dma_start3A = arith.constant 0 : i32
      %dma_start3A_62 = arith.constant 0 : i32
      %dma_start3A_63 = tpu.memref_slice %arg2[%dma_start3A, %dma_start3A_62] : memref<10000x128xf32, #tpu.memory_space<hbm>> -> memref<10000x128xf32, #tpu.memory_space<hbm>>
      tpu.enqueue_indirect_dma source(%dma_start3A_63 : memref<10000x128xf32, #tpu.memory_space<hbm>>) target(%arg8 : memref<80x128xf32, #tpu.memory_space<vmem>>) offsets(%arg6 : memref<80xi32, #tpu.memory_space<vmem>>) semaphore(%arg10 : memref<!tpu.dma_semaphore, #tpu.memory_space<semaphore_mem>>)
      %dma_wait3A = arith.constant 0 : i32
      %dma_wait3A_64 = arith.constant 0 : i32
      %dma_wait3A_65 = tpu.memref_slice %arg2[%dma_wait3A, %dma_wait3A_64] : memref<10000x128xf32, #tpu.memory_space<hbm>> -> memref<10000x128xf32, #tpu.memory_space<hbm>>
      tpu.wait_indirect_dma semaphore(%arg10 : memref<!tpu.dma_semaphore, #tpu.memory_space<semaphore_mem>>) src(%dma_wait3A_65 : memref<10000x128xf32, #tpu.memory_space<hbm>>) dst(%arg8 : memref<80x128xf32, #tpu.memory_space<vmem>>)
      "tpu.region"() ({
        %run_scoped3A = tpu.sem_alloc : memref<!tpu.dma_semaphore, #tpu.memory_space<semaphore_mem>>
        %dma_start3A_67 = arith.constant 0 : i32
        %dma_start3A_68 = arith.constant 0 : i32
        %dma_start3A_69 = tpu.memref_slice %arg11[%dma_start3A_67, %dma_start3A_68] : memref<10240x128xf32, #tpu.memory_space<vmem_shared>> -> memref<10240x128xf32, #tpu.memory_space<vmem_shared>>
        tpu.enqueue_indirect_dma source(%arg8 : memref<80x128xf32, #tpu.memory_space<vmem>>) target(%dma_start3A_69 : memref<10240x128xf32, #tpu.memory_space<vmem_shared>>) offsets(%arg7 : memref<80xi32, #tpu.memory_space<vmem>>) semaphore(%run_scoped3A : memref<!tpu.dma_semaphore, #tpu.memory_space<semaphore_mem>>) {add = true}
        %dma_wait3A_70 = arith.constant 0 : i32
        %dma_wait3A_71 = arith.constant 0 : i32
        %dma_wait3A_72 = tpu.memref_slice %arg11[%dma_wait3A_70, %dma_wait3A_71] : memref<10240x128xf32, #tpu.memory_space<vmem_shared>> -> memref<10240x128xf32, #tpu.memory_space<vmem_shared>>
        tpu.wait_indirect_dma semaphore(%run_scoped3A : memref<!tpu.dma_semaphore, #tpu.memory_space<semaphore_mem>>) src(%arg8 : memref<80x128xf32, #tpu.memory_space<vmem>>) dst(%dma_wait3A_72 : memref<10240x128xf32, #tpu.memory_space<vmem_shared>>)
        tpu.yield
      }) : () -> ()
      %scan3A_66 = arith.constant 0 : i32
      scf.yield %scan3A_66 : i32
    }
    %scan3A_33 = arith.constant 125 : i32
    %barrier3A_34 = arith.constant 0 : index
    tpu.barrier barrier_id(%barrier3A_34)
    %mul3A_35 = arith.constant 640 : i32
    %mul3A_36 = arith.muli %arg1, %mul3A_35 : i32
    %add3A_37 = arith.constant 0 : i32
    %add3A_38 = arith.addi %mul3A_36, %add3A_37 : i32
    "tpu.region"() ({
      %run_scoped3A = tpu.sem_alloc : memref<!tpu.dma_semaphore, #tpu.memory_space<semaphore_mem>>
      %dma_start3A = arith.constant 0 : i32
      %dma_start3A_55 = tpu.memref_slice %arg11[%add3A_38, %dma_start3A] : memref<10240x128xf32, #tpu.memory_space<vmem_shared>> -> memref<128x128xf32, #tpu.memory_space<vmem_shared>>
      %dma_start3A_56 = arith.constant 0 : i32
      %dma_start3A_57 = tpu.memref_slice %arg11[%add3A_38, %dma_start3A_56] : memref<10240x128xf32, #tpu.memory_space<vmem_shared>> -> memref<128x128xf32, #tpu.memory_space<vmem_shared>>
      tpu.enqueue_dma source(%dma_start3A_57 : memref<128x128xf32, #tpu.memory_space<vmem_shared>>) target(%arg9 : memref<128x128xf32, #tpu.memory_space<vmem>>) target_semaphore(%run_scoped3A : memref<!tpu.dma_semaphore, #tpu.memory_space<semaphore_mem>>)
      %dma_wait3A = arith.constant 0 : i32
      %dma_wait3A_58 = tpu.memref_slice %arg11[%add3A_38, %dma_wait3A] : memref<10240x128xf32, #tpu.memory_space<vmem_shared>> -> memref<128x128xf32, #tpu.memory_space<vmem_shared>>
      %dma_wait3A_59 = arith.constant 0 : i32
      %dma_wait3A_60 = tpu.memref_slice %arg11[%add3A_38, %dma_wait3A_59] : memref<10240x128xf32, #tpu.memory_space<vmem_shared>> -> memref<128x128xf32, #tpu.memory_space<vmem_shared>>
      tpu.wait_dma2 semaphore(%run_scoped3A : memref<!tpu.dma_semaphore, #tpu.memory_space<semaphore_mem>>) src(%dma_wait3A_60 : memref<128x128xf32, #tpu.memory_space<vmem_shared>>) dst(%arg9 : memref<128x128xf32, #tpu.memory_space<vmem>>)
      tpu.yield
    }) : () -> ()
    "tpu.region"() ({
      %run_scoped3A = tpu.sem_alloc : memref<!tpu.dma_semaphore, #tpu.memory_space<semaphore_mem>>
      %dma_start3A = arith.constant 0 : i32
      %dma_start3A_55 = arith.constant 0 : i32
      %dma_start3A_56 = tpu.memref_slice %arg5[%arg0, %dma_start3A, %dma_start3A_55] : memref<2x10240x128xf32, #tpu.memory_space<hbm>> -> memref<1x10240x128xf32, #tpu.memory_space<hbm>>
      %dma_start3A_57 = tpu.memref_squeeze %dma_start3A_56 : memref<1x10240x128xf32, #tpu.memory_space<hbm>> -> memref<10240x128xf32, #tpu.memory_space<hbm>>
      %dma_start3A_58 = arith.constant 0 : i32
      %dma_start3A_59 = tpu.memref_slice %dma_start3A_57[%add3A_38, %dma_start3A_58] : memref<10240x128xf32, #tpu.memory_space<hbm>> -> memref<128x128xf32, #tpu.memory_space<hbm>>
      %dma_start3A_60 = arith.constant 0 : i32
      %dma_start3A_61 = arith.constant 0 : i32
      %dma_start3A_62 = tpu.memref_slice %arg5[%arg0, %dma_start3A_60, %dma_start3A_61] : memref<2x10240x128xf32, #tpu.memory_space<hbm>> -> memref<1x10240x128xf32, #tpu.memory_space<hbm>>
      %dma_start3A_63 = tpu.memref_squeeze %dma_start3A_62 : memref<1x10240x128xf32, #tpu.memory_space<hbm>> -> memref<10240x128xf32, #tpu.memory_space<hbm>>
      %dma_start3A_64 = arith.constant 0 : i32
      %dma_start3A_65 = tpu.memref_slice %dma_start3A_63[%add3A_38, %dma_start3A_64] : memref<10240x128xf32, #tpu.memory_space<hbm>> -> memref<128x128xf32, #tpu.memory_space<hbm>>
      tpu.enqueue_dma source(%arg9 : memref<128x128xf32, #tpu.memory_space<vmem>>) target(%dma_start3A_65 : memref<128x128xf32, #tpu.memory_space<hbm>>) target_semaphore(%run_scoped3A : memref<!tpu.dma_semaphore, #tpu.memory_space<semaphore_mem>>)
      %dma_wait3A = arith.constant 0 : i32
      %dma_wait3A_66 = arith.constant 0 : i32
      %dma_wait3A_67 = tpu.memref_slice %arg5[%arg0, %dma_wait3A, %dma_wait3A_66] : memref<2x10240x128xf32, #tpu.memory_space<hbm>> -> memref<1x10240x128xf32, #tpu.memory_space<hbm>>
      %dma_wait3A_68 = tpu.memref_squeeze %dma_wait3A_67 : memref<1x10240x128xf32, #tpu.memory_space<hbm>> -> memref<10240x128xf32, #tpu.memory_space<hbm>>
      %dma_wait3A_69 = arith.constant 0 : i32
      %dma_wait3A_70 = tpu.memref_slice %dma_wait3A_68[%add3A_38, %dma_wait3A_69] : memref<10240x128xf32, #tpu.memory_space<hbm>> -> memref<128x128xf32, #tpu.memory_space<hbm>>
      %dma_wait3A_71 = arith.constant 0 : i32
      %dma_wait3A_72 = arith.constant 0 : i32
      %dma_wait3A_73 = tpu.memref_slice %arg5[%arg0, %dma_wait3A_71, %dma_wait3A_72] : memref<2x10240x128xf32, #tpu.memory_space<hbm>> -> memref<1x10240x128xf32, #tpu.memory_space<hbm>>
      %dma_wait3A_74 = tpu.memref_squeeze %dma_wait3A_73 : memref<1x10240x128xf32, #tpu.memory_space<hbm>> -> memref<10240x128xf32, #tpu.memory_space<hbm>>
      %dma_wait3A_75 = arith.constant 0 : i32
      %dma_wait3A_76 = tpu.memref_slice %dma_wait3A_74[%add3A_38, %dma_wait3A_75] : memref<10240x128xf32, #tpu.memory_space<hbm>> -> memref<128x128xf32, #tpu.memory_space<hbm>>
      tpu.wait_dma2 semaphore(%run_scoped3A : memref<!tpu.dma_semaphore, #tpu.memory_space<semaphore_mem>>) src(%arg9 : memref<128x128xf32, #tpu.memory_space<vmem>>) dst(%dma_wait3A_76 : memref<128x128xf32, #tpu.memory_space<hbm>>)
      tpu.yield
    }) : () -> ()
    %mul3A_39 = arith.constant 640 : i32
    %mul3A_40 = arith.muli %arg1, %mul3A_39 : i32
    %add3A_41 = arith.constant 128 : i32
    %add3A_42 = arith.addi %mul3A_40, %add3A_41 : i32
    "tpu.region"() ({
      %run_scoped3A = tpu.sem_alloc : memref<!tpu.dma_semaphore, #tpu.memory_space<semaphore_mem>>
      %dma_start3A = arith.constant 0 : i32
      %dma_start3A_55 = tpu.memref_slice %arg11[%add3A_42, %dma_start3A] : memref<10240x128xf32, #tpu.memory_space<vmem_shared>> -> memref<128x128xf32, #tpu.memory_space<vmem_shared>>
      %dma_start3A_56 = arith.constant 0 : i32
      %dma_start3A_57 = tpu.memref_slice %arg11[%add3A_42, %dma_start3A_56] : memref<10240x128xf32, #tpu.memory_space<vmem_shared>> -> memref<128x128xf32, #tpu.memory_space<vmem_shared>>
      tpu.enqueue_dma source(%dma_start3A_57 : memref<128x128xf32, #tpu.memory_space<vmem_shared>>) target(%arg9 : memref<128x128xf32, #tpu.memory_space<vmem>>) target_semaphore(%run_scoped3A : memref<!tpu.dma_semaphore, #tpu.memory_space<semaphore_mem>>)
      %dma_wait3A = arith.constant 0 : i32
      %dma_wait3A_58 = tpu.memref_slice %arg11[%add3A_42, %dma_wait3A] : memref<10240x128xf32, #tpu.memory_space<vmem_shared>> -> memref<128x128xf32, #tpu.memory_space<vmem_shared>>
      %dma_wait3A_59 = arith.constant 0 : i32
      %dma_wait3A_60 = tpu.memref_slice %arg11[%add3A_42, %dma_wait3A_59] : memref<10240x128xf32, #tpu.memory_space<vmem_shared>> -> memref<128x128xf32, #tpu.memory_space<vmem_shared>>
      tpu.wait_dma2 semaphore(%run_scoped3A : memref<!tpu.dma_semaphore, #tpu.memory_space<semaphore_mem>>) src(%dma_wait3A_60 : memref<128x128xf32, #tpu.memory_space<vmem_shared>>) dst(%arg9 : memref<128x128xf32, #tpu.memory_space<vmem>>)
      tpu.yield
    }) : () -> ()
    "tpu.region"() ({
      %run_scoped3A = tpu.sem_alloc : memref<!tpu.dma_semaphore, #tpu.memory_space<semaphore_mem>>
      %dma_start3A = arith.constant 0 : i32
      %dma_start3A_55 = arith.constant 0 : i32
      %dma_start3A_56 = tpu.memref_slice %arg5[%arg0, %dma_start3A, %dma_start3A_55] : memref<2x10240x128xf32, #tpu.memory_space<hbm>> -> memref<1x10240x128xf32, #tpu.memory_space<hbm>>
      %dma_start3A_57 = tpu.memref_squeeze %dma_start3A_56 : memref<1x10240x128xf32, #tpu.memory_space<hbm>> -> memref<10240x128xf32, #tpu.memory_space<hbm>>
      %dma_start3A_58 = arith.constant 0 : i32
      %dma_start3A_59 = tpu.memref_slice %dma_start3A_57[%add3A_42, %dma_start3A_58] : memref<10240x128xf32, #tpu.memory_space<hbm>> -> memref<128x128xf32, #tpu.memory_space<hbm>>
      %dma_start3A_60 = arith.constant 0 : i32
      %dma_start3A_61 = arith.constant 0 : i32
      %dma_start3A_62 = tpu.memref_slice %arg5[%arg0, %dma_start3A_60, %dma_start3A_61] : memref<2x10240x128xf32, #tpu.memory_space<hbm>> -> memref<1x10240x128xf32, #tpu.memory_space<hbm>>
      %dma_start3A_63 = tpu.memref_squeeze %dma_start3A_62 : memref<1x10240x128xf32, #tpu.memory_space<hbm>> -> memref<10240x128xf32, #tpu.memory_space<hbm>>
      %dma_start3A_64 = arith.constant 0 : i32
      %dma_start3A_65 = tpu.memref_slice %dma_start3A_63[%add3A_42, %dma_start3A_64] : memref<10240x128xf32, #tpu.memory_space<hbm>> -> memref<128x128xf32, #tpu.memory_space<hbm>>
      tpu.enqueue_dma source(%arg9 : memref<128x128xf32, #tpu.memory_space<vmem>>) target(%dma_start3A_65 : memref<128x128xf32, #tpu.memory_space<hbm>>) target_semaphore(%run_scoped3A : memref<!tpu.dma_semaphore, #tpu.memory_space<semaphore_mem>>)
      %dma_wait3A = arith.constant 0 : i32
      %dma_wait3A_66 = arith.constant 0 : i32
      %dma_wait3A_67 = tpu.memref_slice %arg5[%arg0, %dma_wait3A, %dma_wait3A_66] : memref<2x10240x128xf32, #tpu.memory_space<hbm>> -> memref<1x10240x128xf32, #tpu.memory_space<hbm>>
      %dma_wait3A_68 = tpu.memref_squeeze %dma_wait3A_67 : memref<1x10240x128xf32, #tpu.memory_space<hbm>> -> memref<10240x128xf32, #tpu.memory_space<hbm>>
      %dma_wait3A_69 = arith.constant 0 : i32
      %dma_wait3A_70 = tpu.memref_slice %dma_wait3A_68[%add3A_42, %dma_wait3A_69] : memref<10240x128xf32, #tpu.memory_space<hbm>> -> memref<128x128xf32, #tpu.memory_space<hbm>>
      %dma_wait3A_71 = arith.constant 0 : i32
      %dma_wait3A_72 = arith.constant 0 : i32
      %dma_wait3A_73 = tpu.memref_slice %arg5[%arg0, %dma_wait3A_71, %dma_wait3A_72] : memref<2x10240x128xf32, #tpu.memory_space<hbm>> -> memref<1x10240x128xf32, #tpu.memory_space<hbm>>
      %dma_wait3A_74 = tpu.memref_squeeze %dma_wait3A_73 : memref<1x10240x128xf32, #tpu.memory_space<hbm>> -> memref<10240x128xf32, #tpu.memory_space<hbm>>
      %dma_wait3A_75 = arith.constant 0 : i32
      %dma_wait3A_76 = tpu.memref_slice %dma_wait3A_74[%add3A_42, %dma_wait3A_75] : memref<10240x128xf32, #tpu.memory_space<hbm>> -> memref<128x128xf32, #tpu.memory_space<hbm>>
      tpu.wait_dma2 semaphore(%run_scoped3A : memref<!tpu.dma_semaphore, #tpu.memory_space<semaphore_mem>>) src(%arg9 : memref<128x128xf32, #tpu.memory_space<vmem>>) dst(%dma_wait3A_76 : memref<128x128xf32, #tpu.memory_space<hbm>>)
      tpu.yield
    }) : () -> ()
    %mul3A_43 = arith.constant 640 : i32
    %mul3A_44 = arith.muli %arg1, %mul3A_43 : i32
    %add3A_45 = arith.constant 256 : i32
    %add3A_46 = arith.addi %mul3A_44, %add3A_45 : i32
    "tpu.region"() ({
      %run_scoped3A = tpu.sem_alloc : memref<!tpu.dma_semaphore, #tpu.memory_space<semaphore_mem>>
      %dma_start3A = arith.constant 0 : i32
      %dma_start3A_55 = tpu.memref_slice %arg11[%add3A_46, %dma_start3A] : memref<10240x128xf32, #tpu.memory_space<vmem_shared>> -> memref<128x128xf32, #tpu.memory_space<vmem_shared>>
      %dma_start3A_56 = arith.constant 0 : i32
      %dma_start3A_57 = tpu.memref_slice %arg11[%add3A_46, %dma_start3A_56] : memref<10240x128xf32, #tpu.memory_space<vmem_shared>> -> memref<128x128xf32, #tpu.memory_space<vmem_shared>>
      tpu.enqueue_dma source(%dma_start3A_57 : memref<128x128xf32, #tpu.memory_space<vmem_shared>>) target(%arg9 : memref<128x128xf32, #tpu.memory_space<vmem>>) target_semaphore(%run_scoped3A : memref<!tpu.dma_semaphore, #tpu.memory_space<semaphore_mem>>)
      %dma_wait3A = arith.constant 0 : i32
      %dma_wait3A_58 = tpu.memref_slice %arg11[%add3A_46, %dma_wait3A] : memref<10240x128xf32, #tpu.memory_space<vmem_shared>> -> memref<128x128xf32, #tpu.memory_space<vmem_shared>>
      %dma_wait3A_59 = arith.constant 0 : i32
      %dma_wait3A_60 = tpu.memref_slice %arg11[%add3A_46, %dma_wait3A_59] : memref<10240x128xf32, #tpu.memory_space<vmem_shared>> -> memref<128x128xf32, #tpu.memory_space<vmem_shared>>
      tpu.wait_dma2 semaphore(%run_scoped3A : memref<!tpu.dma_semaphore, #tpu.memory_space<semaphore_mem>>) src(%dma_wait3A_60 : memref<128x128xf32, #tpu.memory_space<vmem_shared>>) dst(%arg9 : memref<128x128xf32, #tpu.memory_space<vmem>>)
      tpu.yield
    }) : () -> ()
    "tpu.region"() ({
      %run_scoped3A = tpu.sem_alloc : memref<!tpu.dma_semaphore, #tpu.memory_space<semaphore_mem>>
      %dma_start3A = arith.constant 0 : i32
      %dma_start3A_55 = arith.constant 0 : i32
      %dma_start3A_56 = tpu.memref_slice %arg5[%arg0, %dma_start3A, %dma_start3A_55] : memref<2x10240x128xf32, #tpu.memory_space<hbm>> -> memref<1x10240x128xf32, #tpu.memory_space<hbm>>
      %dma_start3A_57 = tpu.memref_squeeze %dma_start3A_56 : memref<1x10240x128xf32, #tpu.memory_space<hbm>> -> memref<10240x128xf32, #tpu.memory_space<hbm>>
      %dma_start3A_58 = arith.constant 0 : i32
      %dma_start3A_59 = tpu.memref_slice %dma_start3A_57[%add3A_46, %dma_start3A_58] : memref<10240x128xf32, #tpu.memory_space<hbm>> -> memref<128x128xf32, #tpu.memory_space<hbm>>
      %dma_start3A_60 = arith.constant 0 : i32
      %dma_start3A_61 = arith.constant 0 : i32
      %dma_start3A_62 = tpu.memref_slice %arg5[%arg0, %dma_start3A_60, %dma_start3A_61] : memref<2x10240x128xf32, #tpu.memory_space<hbm>> -> memref<1x10240x128xf32, #tpu.memory_space<hbm>>
      %dma_start3A_63 = tpu.memref_squeeze %dma_start3A_62 : memref<1x10240x128xf32, #tpu.memory_space<hbm>> -> memref<10240x128xf32, #tpu.memory_space<hbm>>
      %dma_start3A_64 = arith.constant 0 : i32
      %dma_start3A_65 = tpu.memref_slice %dma_start3A_63[%add3A_46, %dma_start3A_64] : memref<10240x128xf32, #tpu.memory_space<hbm>> -> memref<128x128xf32, #tpu.memory_space<hbm>>
      tpu.enqueue_dma source(%arg9 : memref<128x128xf32, #tpu.memory_space<vmem>>) target(%dma_start3A_65 : memref<128x128xf32, #tpu.memory_space<hbm>>) target_semaphore(%run_scoped3A : memref<!tpu.dma_semaphore, #tpu.memory_space<semaphore_mem>>)
      %dma_wait3A = arith.constant 0 : i32
      %dma_wait3A_66 = arith.constant 0 : i32
      %dma_wait3A_67 = tpu.memref_slice %arg5[%arg0, %dma_wait3A, %dma_wait3A_66] : memref<2x10240x128xf32, #tpu.memory_space<hbm>> -> memref<1x10240x128xf32, #tpu.memory_space<hbm>>
      %dma_wait3A_68 = tpu.memref_squeeze %dma_wait3A_67 : memref<1x10240x128xf32, #tpu.memory_space<hbm>> -> memref<10240x128xf32, #tpu.memory_space<hbm>>
      %dma_wait3A_69 = arith.constant 0 : i32
      %dma_wait3A_70 = tpu.memref_slice %dma_wait3A_68[%add3A_46, %dma_wait3A_69] : memref<10240x128xf32, #tpu.memory_space<hbm>> -> memref<128x128xf32, #tpu.memory_space<hbm>>
      %dma_wait3A_71 = arith.constant 0 : i32
      %dma_wait3A_72 = arith.constant 0 : i32
      %dma_wait3A_73 = tpu.memref_slice %arg5[%arg0, %dma_wait3A_71, %dma_wait3A_72] : memref<2x10240x128xf32, #tpu.memory_space<hbm>> -> memref<1x10240x128xf32, #tpu.memory_space<hbm>>
      %dma_wait3A_74 = tpu.memref_squeeze %dma_wait3A_73 : memref<1x10240x128xf32, #tpu.memory_space<hbm>> -> memref<10240x128xf32, #tpu.memory_space<hbm>>
      %dma_wait3A_75 = arith.constant 0 : i32
      %dma_wait3A_76 = tpu.memref_slice %dma_wait3A_74[%add3A_46, %dma_wait3A_75] : memref<10240x128xf32, #tpu.memory_space<hbm>> -> memref<128x128xf32, #tpu.memory_space<hbm>>
      tpu.wait_dma2 semaphore(%run_scoped3A : memref<!tpu.dma_semaphore, #tpu.memory_space<semaphore_mem>>) src(%arg9 : memref<128x128xf32, #tpu.memory_space<vmem>>) dst(%dma_wait3A_76 : memref<128x128xf32, #tpu.memory_space<hbm>>)
      tpu.yield
    }) : () -> ()
    %mul3A_47 = arith.constant 640 : i32
    %mul3A_48 = arith.muli %arg1, %mul3A_47 : i32
    %add3A_49 = arith.constant 384 : i32
    %add3A_50 = arith.addi %mul3A_48, %add3A_49 : i32
    "tpu.region"() ({
      %run_scoped3A = tpu.sem_alloc : memref<!tpu.dma_semaphore, #tpu.memory_space<semaphore_mem>>
      %dma_start3A = arith.constant 0 : i32
      %dma_start3A_55 = tpu.memref_slice %arg11[%add3A_50, %dma_start3A] : memref<10240x128xf32, #tpu.memory_space<vmem_shared>> -> memref<128x128xf32, #tpu.memory_space<vmem_shared>>
      %dma_start3A_56 = arith.constant 0 : i32
      %dma_start3A_57 = tpu.memref_slice %arg11[%add3A_50, %dma_start3A_56] : memref<10240x128xf32, #tpu.memory_space<vmem_shared>> -> memref<128x128xf32, #tpu.memory_space<vmem_shared>>
      tpu.enqueue_dma source(%dma_start3A_57 : memref<128x128xf32, #tpu.memory_space<vmem_shared>>) target(%arg9 : memref<128x128xf32, #tpu.memory_space<vmem>>) target_semaphore(%run_scoped3A : memref<!tpu.dma_semaphore, #tpu.memory_space<semaphore_mem>>)
      %dma_wait3A = arith.constant 0 : i32
      %dma_wait3A_58 = tpu.memref_slice %arg11[%add3A_50, %dma_wait3A] : memref<10240x128xf32, #tpu.memory_space<vmem_shared>> -> memref<128x128xf32, #tpu.memory_space<vmem_shared>>
      %dma_wait3A_59 = arith.constant 0 : i32
      %dma_wait3A_60 = tpu.memref_slice %arg11[%add3A_50, %dma_wait3A_59] : memref<10240x128xf32, #tpu.memory_space<vmem_shared>> -> memref<128x128xf32, #tpu.memory_space<vmem_shared>>
      tpu.wait_dma2 semaphore(%run_scoped3A : memref<!tpu.dma_semaphore, #tpu.memory_space<semaphore_mem>>) src(%dma_wait3A_60 : memref<128x128xf32, #tpu.memory_space<vmem_shared>>) dst(%arg9 : memref<128x128xf32, #tpu.memory_space<vmem>>)
      tpu.yield
    }) : () -> ()
    "tpu.region"() ({
      %run_scoped3A = tpu.sem_alloc : memref<!tpu.dma_semaphore, #tpu.memory_space<semaphore_mem>>
      %dma_start3A = arith.constant 0 : i32
      %dma_start3A_55 = arith.constant 0 : i32
      %dma_start3A_56 = tpu.memref_slice %arg5[%arg0, %dma_start3A, %dma_start3A_55] : memref<2x10240x128xf32, #tpu.memory_space<hbm>> -> memref<1x10240x128xf32, #tpu.memory_space<hbm>>
      %dma_start3A_57 = tpu.memref_squeeze %dma_start3A_56 : memref<1x10240x128xf32, #tpu.memory_space<hbm>> -> memref<10240x128xf32, #tpu.memory_space<hbm>>
      %dma_start3A_58 = arith.constant 0 : i32
      %dma_start3A_59 = tpu.memref_slice %dma_start3A_57[%add3A_50, %dma_start3A_58] : memref<10240x128xf32, #tpu.memory_space<hbm>> -> memref<128x128xf32, #tpu.memory_space<hbm>>
      %dma_start3A_60 = arith.constant 0 : i32
      %dma_start3A_61 = arith.constant 0 : i32
      %dma_start3A_62 = tpu.memref_slice %arg5[%arg0, %dma_start3A_60, %dma_start3A_61] : memref<2x10240x128xf32, #tpu.memory_space<hbm>> -> memref<1x10240x128xf32, #tpu.memory_space<hbm>>
      %dma_start3A_63 = tpu.memref_squeeze %dma_start3A_62 : memref<1x10240x128xf32, #tpu.memory_space<hbm>> -> memref<10240x128xf32, #tpu.memory_space<hbm>>
      %dma_start3A_64 = arith.constant 0 : i32
      %dma_start3A_65 = tpu.memref_slice %dma_start3A_63[%add3A_50, %dma_start3A_64] : memref<10240x128xf32, #tpu.memory_space<hbm>> -> memref<128x128xf32, #tpu.memory_space<hbm>>
      tpu.enqueue_dma source(%arg9 : memref<128x128xf32, #tpu.memory_space<vmem>>) target(%dma_start3A_65 : memref<128x128xf32, #tpu.memory_space<hbm>>) target_semaphore(%run_scoped3A : memref<!tpu.dma_semaphore, #tpu.memory_space<semaphore_mem>>)
      %dma_wait3A = arith.constant 0 : i32
      %dma_wait3A_66 = arith.constant 0 : i32
      %dma_wait3A_67 = tpu.memref_slice %arg5[%arg0, %dma_wait3A, %dma_wait3A_66] : memref<2x10240x128xf32, #tpu.memory_space<hbm>> -> memref<1x10240x128xf32, #tpu.memory_space<hbm>>
      %dma_wait3A_68 = tpu.memref_squeeze %dma_wait3A_67 : memref<1x10240x128xf32, #tpu.memory_space<hbm>> -> memref<10240x128xf32, #tpu.memory_space<hbm>>
      %dma_wait3A_69 = arith.constant 0 : i32
      %dma_wait3A_70 = tpu.memref_slice %dma_wait3A_68[%add3A_50, %dma_wait3A_69] : memref<10240x128xf32, #tpu.memory_space<hbm>> -> memref<128x128xf32, #tpu.memory_space<hbm>>
      %dma_wait3A_71 = arith.constant 0 : i32
      %dma_wait3A_72 = arith.constant 0 : i32
      %dma_wait3A_73 = tpu.memref_slice %arg5[%arg0, %dma_wait3A_71, %dma_wait3A_72] : memref<2x10240x128xf32, #tpu.memory_space<hbm>> -> memref<1x10240x128xf32, #tpu.memory_space<hbm>>
      %dma_wait3A_74 = tpu.memref_squeeze %dma_wait3A_73 : memref<1x10240x128xf32, #tpu.memory_space<hbm>> -> memref<10240x128xf32, #tpu.memory_space<hbm>>
      %dma_wait3A_75 = arith.constant 0 : i32
      %dma_wait3A_76 = tpu.memref_slice %dma_wait3A_74[%add3A_50, %dma_wait3A_75] : memref<10240x128xf32, #tpu.memory_space<hbm>> -> memref<128x128xf32, #tpu.memory_space<hbm>>
      tpu.wait_dma2 semaphore(%run_scoped3A : memref<!tpu.dma_semaphore, #tpu.memory_space<semaphore_mem>>) src(%arg9 : memref<128x128xf32, #tpu.memory_space<vmem>>) dst(%dma_wait3A_76 : memref<128x128xf32, #tpu.memory_space<hbm>>)
      tpu.yield
    }) : () -> ()
    %mul3A_51 = arith.constant 640 : i32
    %mul3A_52 = arith.muli %arg1, %mul3A_51 : i32
    %add3A_53 = arith.constant 512 : i32
    %add3A_54 = arith.addi %mul3A_52, %add3A_53 : i32
    "tpu.region"() ({
      %run_scoped3A = tpu.sem_alloc : memref<!tpu.dma_semaphore, #tpu.memory_space<semaphore_mem>>
      %dma_start3A = arith.constant 0 : i32
      %dma_start3A_55 = tpu.memref_slice %arg11[%add3A_54, %dma_start3A] : memref<10240x128xf32, #tpu.memory_space<vmem_shared>> -> memref<128x128xf32, #tpu.memory_space<vmem_shared>>
      %dma_start3A_56 = arith.constant 0 : i32
      %dma_start3A_57 = tpu.memref_slice %arg11[%add3A_54, %dma_start3A_56] : memref<10240x128xf32, #tpu.memory_space<vmem_shared>> -> memref<128x128xf32, #tpu.memory_space<vmem_shared>>
      tpu.enqueue_dma source(%dma_start3A_57 : memref<128x128xf32, #tpu.memory_space<vmem_shared>>) target(%arg9 : memref<128x128xf32, #tpu.memory_space<vmem>>) target_semaphore(%run_scoped3A : memref<!tpu.dma_semaphore, #tpu.memory_space<semaphore_mem>>)
      %dma_wait3A = arith.constant 0 : i32
      %dma_wait3A_58 = tpu.memref_slice %arg11[%add3A_54, %dma_wait3A] : memref<10240x128xf32, #tpu.memory_space<vmem_shared>> -> memref<128x128xf32, #tpu.memory_space<vmem_shared>>
      %dma_wait3A_59 = arith.constant 0 : i32
      %dma_wait3A_60 = tpu.memref_slice %arg11[%add3A_54, %dma_wait3A_59] : memref<10240x128xf32, #tpu.memory_space<vmem_shared>> -> memref<128x128xf32, #tpu.memory_space<vmem_shared>>
      tpu.wait_dma2 semaphore(%run_scoped3A : memref<!tpu.dma_semaphore, #tpu.memory_space<semaphore_mem>>) src(%dma_wait3A_60 : memref<128x128xf32, #tpu.memory_space<vmem_shared>>) dst(%arg9 : memref<128x128xf32, #tpu.memory_space<vmem>>)
      tpu.yield
    }) : () -> ()
    "tpu.region"() ({
      %run_scoped3A = tpu.sem_alloc : memref<!tpu.dma_semaphore, #tpu.memory_space<semaphore_mem>>
      %dma_start3A = arith.constant 0 : i32
      %dma_start3A_55 = arith.constant 0 : i32
      %dma_start3A_56 = tpu.memref_slice %arg5[%arg0, %dma_start3A, %dma_start3A_55] : memref<2x10240x128xf32, #tpu.memory_space<hbm>> -> memref<1x10240x128xf32, #tpu.memory_space<hbm>>
      %dma_start3A_57 = tpu.memref_squeeze %dma_start3A_56 : memref<1x10240x128xf32, #tpu.memory_space<hbm>> -> memref<10240x128xf32, #tpu.memory_space<hbm>>
      %dma_start3A_58 = arith.constant 0 : i32
      %dma_start3A_59 = tpu.memref_slice %dma_start3A_57[%add3A_54, %dma_start3A_58] : memref<10240x128xf32, #tpu.memory_space<hbm>> -> memref<128x128xf32, #tpu.memory_space<hbm>>
      %dma_start3A_60 = arith.constant 0 : i32
      %dma_start3A_61 = arith.constant 0 : i32
      %dma_start3A_62 = tpu.memref_slice %arg5[%arg0, %dma_start3A_60, %dma_start3A_61] : memref<2x10240x128xf32, #tpu.memory_space<hbm>> -> memref<1x10240x128xf32, #tpu.memory_space<hbm>>
      %dma_start3A_63 = tpu.memref_squeeze %dma_start3A_62 : memref<1x10240x128xf32, #tpu.memory_space<hbm>> -> memref<10240x128xf32, #tpu.memory_space<hbm>>
      %dma_start3A_64 = arith.constant 0 : i32
      %dma_start3A_65 = tpu.memref_slice %dma_start3A_63[%add3A_54, %dma_start3A_64] : memref<10240x128xf32, #tpu.memory_space<hbm>> -> memref<128x128xf32, #tpu.memory_space<hbm>>
      tpu.enqueue_dma source(%arg9 : memref<128x128xf32, #tpu.memory_space<vmem>>) target(%dma_start3A_65 : memref<128x128xf32, #tpu.memory_space<hbm>>) target_semaphore(%run_scoped3A : memref<!tpu.dma_semaphore, #tpu.memory_space<semaphore_mem>>)
      %dma_wait3A = arith.constant 0 : i32
      %dma_wait3A_66 = arith.constant 0 : i32
      %dma_wait3A_67 = tpu.memref_slice %arg5[%arg0, %dma_wait3A, %dma_wait3A_66] : memref<2x10240x128xf32, #tpu.memory_space<hbm>> -> memref<1x10240x128xf32, #tpu.memory_space<hbm>>
      %dma_wait3A_68 = tpu.memref_squeeze %dma_wait3A_67 : memref<1x10240x128xf32, #tpu.memory_space<hbm>> -> memref<10240x128xf32, #tpu.memory_space<hbm>>
      %dma_wait3A_69 = arith.constant 0 : i32
      %dma_wait3A_70 = tpu.memref_slice %dma_wait3A_68[%add3A_54, %dma_wait3A_69] : memref<10240x128xf32, #tpu.memory_space<hbm>> -> memref<128x128xf32, #tpu.memory_space<hbm>>
      %dma_wait3A_71 = arith.constant 0 : i32
      %dma_wait3A_72 = arith.constant 0 : i32
      %dma_wait3A_73 = tpu.memref_slice %arg5[%arg0, %dma_wait3A_71, %dma_wait3A_72] : memref<2x10240x128xf32, #tpu.memory_space<hbm>> -> memref<1x10240x128xf32, #tpu.memory_space<hbm>>
      %dma_wait3A_74 = tpu.memref_squeeze %dma_wait3A_73 : memref<1x10240x128xf32, #tpu.memory_space<hbm>> -> memref<10240x128xf32, #tpu.memory_space<hbm>>
      %dma_wait3A_75 = arith.constant 0 : i32
      %dma_wait3A_76 = tpu.memref_slice %dma_wait3A_74[%add3A_54, %dma_wait3A_75] : memref<10240x128xf32, #tpu.memory_space<hbm>> -> memref<128x128xf32, #tpu.memory_space<hbm>>
      tpu.wait_dma2 semaphore(%run_scoped3A : memref<!tpu.dma_semaphore, #tpu.memory_space<semaphore_mem>>) src(%arg9 : memref<128x128xf32, #tpu.memory_space<vmem>>) dst(%dma_wait3A_76 : memref<128x128xf32, #tpu.memory_space<hbm>>)
      tpu.yield
    }) : () -> ()
    return
  }
}

#map = affine_map<(d0, d1) -> (0, 0)>
#map1 = affine_map<(d0, d1) -> (0)>
module attributes {stable_mosaic.version = 14 : i64} {
  func.func @_dec_gather_body(%arg0: i32, %arg1: i32, %arg2: memref<10000x128xf32, #tpu.memory_space<hbm>>, %arg3: memref<10000x128xf32, #tpu.memory_space<hbm>>, %arg4: memref<100000xi32, #tpu.memory_space<hbm>>, %arg5: memref<100000xi32, #tpu.memory_space<hbm>>, %arg6: memref<100000x128xf32, #tpu.memory_space<hbm>>, %arg7: memref<80xi32, #tpu.memory_space<vmem>>, %arg8: memref<80xi32, #tpu.memory_space<vmem>>, %arg9: memref<80x128xf32, #tpu.memory_space<vmem>>, %arg10: memref<80x128xf32, #tpu.memory_space<vmem>>, %arg11: memref<80x128xf32, #tpu.memory_space<vmem>>, %arg12: memref<!tpu.dma_semaphore, #tpu.memory_space<semaphore_mem>>) attributes {dimension_semantics = [#tpu.dimension_semantics<core_parallel>, #tpu.dimension_semantics<subcore_parallel>], iteration_bounds = array<i64: 2, 16>, scalar_prefetch = 0 : i64, scratch_operands = 6 : i64, tpu.core_type = #tpu.core_type<sc_vector_subcore>, window_params = [{transform_indices = #map}, {transform_indices = #map}, {transform_indices = #map1}, {transform_indices = #map1}, {transform_indices = #map}]} {
    %mul3A = arith.constant 2 : i32
    %mul3A_0 = arith.muli %arg1, %mul3A : i32
    %add3A = arith.addi %mul3A_0, %arg0 : i32
    %scan3A = arith.constant 0 : i32
    %scan3A_1 = arith.constant 0 : i32
    %scan3A_2 = arith.constant 40 : i32
    %scan3A_3 = arith.addi %scan3A_1, %scan3A_2 : i32
    %scan3A_4 = arith.constant 1 : i32
    %scan3A_5 = scf.for %scan3A_7 = %scan3A_1 to %scan3A_3 step %scan3A_4 iter_args(%scan3A_8 = %scan3A) -> (i32)  : i32 {
      %mul3A_9 = arith.constant 32 : i32
      %mul3A_10 = arith.muli %scan3A_7, %mul3A_9 : i32
      %add3A_11 = arith.addi %mul3A_10, %add3A : i32
      %lt3A = arith.constant 1250 : i32
      %lt3A_12 = arith.cmpi slt, %add3A_11, %lt3A : i32
      %convert_element_type3A = arith.extui %lt3A_12 : i1 to i32
      %cond3A = arith.constant 0 : i32
      %cond3A_13 = arith.cmpi ne, %convert_element_type3A, %cond3A : i32
      scf.if %cond3A_13 {
        %mul3A_15 = arith.constant 80 : i32
        %mul3A_16 = arith.muli %add3A_11, %mul3A_15 : i32
        "tpu.region"() ({
          %run_scoped3A = tpu.sem_alloc : memref<!tpu.dma_semaphore, #tpu.memory_space<semaphore_mem>>
          %dma_start3A_34 = tpu.memref_slice %arg4[%mul3A_16] : memref<100000xi32, #tpu.memory_space<hbm>> -> memref<80xi32, #tpu.memory_space<hbm>>
          %dma_start3A_35 = tpu.memref_slice %arg4[%mul3A_16] : memref<100000xi32, #tpu.memory_space<hbm>> -> memref<80xi32, #tpu.memory_space<hbm>>
          tpu.enqueue_dma source(%dma_start3A_35 : memref<80xi32, #tpu.memory_space<hbm>>) target(%arg7 : memref<80xi32, #tpu.memory_space<vmem>>) target_semaphore(%run_scoped3A : memref<!tpu.dma_semaphore, #tpu.memory_space<semaphore_mem>>)
          %dma_wait3A_36 = tpu.memref_slice %arg4[%mul3A_16] : memref<100000xi32, #tpu.memory_space<hbm>> -> memref<80xi32, #tpu.memory_space<hbm>>
          %dma_wait3A_37 = tpu.memref_slice %arg4[%mul3A_16] : memref<100000xi32, #tpu.memory_space<hbm>> -> memref<80xi32, #tpu.memory_space<hbm>>
          tpu.wait_dma2 semaphore(%run_scoped3A : memref<!tpu.dma_semaphore, #tpu.memory_space<semaphore_mem>>) src(%dma_wait3A_37 : memref<80xi32, #tpu.memory_space<hbm>>) dst(%arg7 : memref<80xi32, #tpu.memory_space<vmem>>)
          tpu.yield
        }) : () -> ()
        "tpu.region"() ({
          %run_scoped3A = tpu.sem_alloc : memref<!tpu.dma_semaphore, #tpu.memory_space<semaphore_mem>>
          %dma_start3A_34 = tpu.memref_slice %arg5[%mul3A_16] : memref<100000xi32, #tpu.memory_space<hbm>> -> memref<80xi32, #tpu.memory_space<hbm>>
          %dma_start3A_35 = tpu.memref_slice %arg5[%mul3A_16] : memref<100000xi32, #tpu.memory_space<hbm>> -> memref<80xi32, #tpu.memory_space<hbm>>
          tpu.enqueue_dma source(%dma_start3A_35 : memref<80xi32, #tpu.memory_space<hbm>>) target(%arg8 : memref<80xi32, #tpu.memory_space<vmem>>) target_semaphore(%run_scoped3A : memref<!tpu.dma_semaphore, #tpu.memory_space<semaphore_mem>>)
          %dma_wait3A_36 = tpu.memref_slice %arg5[%mul3A_16] : memref<100000xi32, #tpu.memory_space<hbm>> -> memref<80xi32, #tpu.memory_space<hbm>>
          %dma_wait3A_37 = tpu.memref_slice %arg5[%mul3A_16] : memref<100000xi32, #tpu.memory_space<hbm>> -> memref<80xi32, #tpu.memory_space<hbm>>
          tpu.wait_dma2 semaphore(%run_scoped3A : memref<!tpu.dma_semaphore, #tpu.memory_space<semaphore_mem>>) src(%dma_wait3A_37 : memref<80xi32, #tpu.memory_space<hbm>>) dst(%arg8 : memref<80xi32, #tpu.memory_space<vmem>>)
          tpu.yield
        }) : () -> ()
        %dma_start3A = arith.constant 0 : i32
        %dma_start3A_17 = arith.constant 0 : i32
        %dma_start3A_18 = tpu.memref_slice %arg2[%dma_start3A, %dma_start3A_17] : memref<10000x128xf32, #tpu.memory_space<hbm>> -> memref<10000x128xf32, #tpu.memory_space<hbm>>
        tpu.enqueue_indirect_dma source(%dma_start3A_18 : memref<10000x128xf32, #tpu.memory_space<hbm>>) target(%arg9 : memref<80x128xf32, #tpu.memory_space<vmem>>) offsets(%arg7 : memref<80xi32, #tpu.memory_space<vmem>>) semaphore(%arg12 : memref<!tpu.dma_semaphore, #tpu.memory_space<semaphore_mem>>)
        %dma_wait3A = arith.constant 0 : i32
        %dma_wait3A_19 = arith.constant 0 : i32
        %dma_wait3A_20 = tpu.memref_slice %arg2[%dma_wait3A, %dma_wait3A_19] : memref<10000x128xf32, #tpu.memory_space<hbm>> -> memref<10000x128xf32, #tpu.memory_space<hbm>>
        tpu.wait_indirect_dma semaphore(%arg12 : memref<!tpu.dma_semaphore, #tpu.memory_space<semaphore_mem>>) src(%dma_wait3A_20 : memref<10000x128xf32, #tpu.memory_space<hbm>>) dst(%arg9 : memref<80x128xf32, #tpu.memory_space<vmem>>)
        %dma_start3A_21 = arith.constant 0 : i32
        %dma_start3A_22 = arith.constant 0 : i32
        %dma_start3A_23 = tpu.memref_slice %arg3[%dma_start3A_21, %dma_start3A_22] : memref<10000x128xf32, #tpu.memory_space<hbm>> -> memref<10000x128xf32, #tpu.memory_space<hbm>>
        tpu.enqueue_indirect_dma source(%dma_start3A_23 : memref<10000x128xf32, #tpu.memory_space<hbm>>) target(%arg10 : memref<80x128xf32, #tpu.memory_space<vmem>>) offsets(%arg8 : memref<80xi32, #tpu.memory_space<vmem>>) semaphore(%arg12 : memref<!tpu.dma_semaphore, #tpu.memory_space<semaphore_mem>>)
        %dma_wait3A_24 = arith.constant 0 : i32
        %dma_wait3A_25 = arith.constant 0 : i32
        %dma_wait3A_26 = tpu.memref_slice %arg3[%dma_wait3A_24, %dma_wait3A_25] : memref<10000x128xf32, #tpu.memory_space<hbm>> -> memref<10000x128xf32, #tpu.memory_space<hbm>>
        tpu.wait_indirect_dma semaphore(%arg12 : memref<!tpu.dma_semaphore, #tpu.memory_space<semaphore_mem>>) src(%dma_wait3A_26 : memref<10000x128xf32, #tpu.memory_space<hbm>>) dst(%arg10 : memref<80x128xf32, #tpu.memory_space<vmem>>)
        %scan3A_27 = arith.constant 0 : i32
        %scan3A_28 = arith.constant 0 : i32
        %scan3A_29 = arith.constant 80 : i32
        %scan3A_30 = arith.addi %scan3A_28, %scan3A_29 : i32
        %scan3A_31 = arith.constant 1 : i32
        %scan3A_32 = scf.for %scan3A_34 = %scan3A_28 to %scan3A_30 step %scan3A_31 iter_args(%scan3A_35 = %scan3A_27) -> (i32)  : i32 {
          %get3A = arith.index_cast %scan3A_34 : i32 to index
          %get3A_36 = arith.constant 0 : index
          %get3A_37 = tpu.vector_load %arg9[%get3A, %get3A_36] {strides = array<i32>} : memref<80x128xf32, #tpu.memory_space<vmem>>, vector<1x16xf32>,
          %get3A_38 = vector.shape_cast %get3A_37 : vector<1x16xf32> to vector<16xf32>
          %get3A_39 = arith.index_cast %scan3A_34 : i32 to index
          %get3A_40 = arith.constant 0 : index
          %get3A_41 = tpu.vector_load %arg10[%get3A_39, %get3A_40] {strides = array<i32>} : memref<80x128xf32, #tpu.memory_space<vmem>>, vector<1x16xf32>,
          %get3A_42 = vector.shape_cast %get3A_41 : vector<1x16xf32> to vector<16xf32>
          %add3A_43 = arith.addf %get3A_38, %get3A_42 : vector<16xf32>
          %swap3A = arith.index_cast %scan3A_34 : i32 to index
          %swap3A_44 = arith.constant 0 : index
          %swap3A_45 = tpu.vector_load %arg11[%swap3A, %swap3A_44] {strides = array<i32>} : memref<80x128xf32, #tpu.memory_space<vmem>>, vector<1x16xf32>,
          %swap3A_46 = vector.shape_cast %swap3A_45 : vector<1x16xf32> to vector<16xf32>
          %swap3A_47 = vector.shape_cast %add3A_43 : vector<16xf32> to vector<1x16xf32>
          tpu.vector_store %arg11[%swap3A, %swap3A_44], %swap3A_47 {strides = array<i32>} : memref<80x128xf32, #tpu.memory_space<vmem>>, vector<1x16xf32>,
          %get3A_48 = arith.index_cast %scan3A_34 : i32 to index
          %get3A_49 = arith.constant 16 : index
          %get3A_50 = tpu.vector_load %arg9[%get3A_48, %get3A_49] {strides = array<i32>} : memref<80x128xf32, #tpu.memory_space<vmem>>, vector<1x16xf32>,
          %get3A_51 = vector.shape_cast %get3A_50 : vector<1x16xf32> to vector<16xf32>
          %get3A_52 = arith.index_cast %scan3A_34 : i32 to index
          %get3A_53 = arith.constant 16 : index
          %get3A_54 = tpu.vector_load %arg10[%get3A_52, %get3A_53] {strides = array<i32>} : memref<80x128xf32, #tpu.memory_space<vmem>>, vector<1x16xf32>,
          %get3A_55 = vector.shape_cast %get3A_54 : vector<1x16xf32> to vector<16xf32>
          %add3A_56 = arith.addf %get3A_51, %get3A_55 : vector<16xf32>
          %swap3A_57 = arith.index_cast %scan3A_34 : i32 to index
          %swap3A_58 = arith.constant 16 : index
          %swap3A_59 = tpu.vector_load %arg11[%swap3A_57, %swap3A_58] {strides = array<i32>} : memref<80x128xf32, #tpu.memory_space<vmem>>, vector<1x16xf32>,
          %swap3A_60 = vector.shape_cast %swap3A_59 : vector<1x16xf32> to vector<16xf32>
          %swap3A_61 = vector.shape_cast %add3A_56 : vector<16xf32> to vector<1x16xf32>
          tpu.vector_store %arg11[%swap3A_57, %swap3A_58], %swap3A_61 {strides = array<i32>} : memref<80x128xf32, #tpu.memory_space<vmem>>, vector<1x16xf32>,
          %get3A_62 = arith.index_cast %scan3A_34 : i32 to index
          %get3A_63 = arith.constant 32 : index
          %get3A_64 = tpu.vector_load %arg9[%get3A_62, %get3A_63] {strides = array<i32>} : memref<80x128xf32, #tpu.memory_space<vmem>>, vector<1x16xf32>,
          %get3A_65 = vector.shape_cast %get3A_64 : vector<1x16xf32> to vector<16xf32>
          %get3A_66 = arith.index_cast %scan3A_34 : i32 to index
          %get3A_67 = arith.constant 32 : index
          %get3A_68 = tpu.vector_load %arg10[%get3A_66, %get3A_67] {strides = array<i32>} : memref<80x128xf32, #tpu.memory_space<vmem>>, vector<1x16xf32>,
          %get3A_69 = vector.shape_cast %get3A_68 : vector<1x16xf32> to vector<16xf32>
          %add3A_70 = arith.addf %get3A_65, %get3A_69 : vector<16xf32>
          %swap3A_71 = arith.index_cast %scan3A_34 : i32 to index
          %swap3A_72 = arith.constant 32 : index
          %swap3A_73 = tpu.vector_load %arg11[%swap3A_71, %swap3A_72] {strides = array<i32>} : memref<80x128xf32, #tpu.memory_space<vmem>>, vector<1x16xf32>,
          %swap3A_74 = vector.shape_cast %swap3A_73 : vector<1x16xf32> to vector<16xf32>
          %swap3A_75 = vector.shape_cast %add3A_70 : vector<16xf32> to vector<1x16xf32>
          tpu.vector_store %arg11[%swap3A_71, %swap3A_72], %swap3A_75 {strides = array<i32>} : memref<80x128xf32, #tpu.memory_space<vmem>>, vector<1x16xf32>,
          %get3A_76 = arith.index_cast %scan3A_34 : i32 to index
          %get3A_77 = arith.constant 48 : index
          %get3A_78 = tpu.vector_load %arg9[%get3A_76, %get3A_77] {strides = array<i32>} : memref<80x128xf32, #tpu.memory_space<vmem>>, vector<1x16xf32>,
          %get3A_79 = vector.shape_cast %get3A_78 : vector<1x16xf32> to vector<16xf32>
          %get3A_80 = arith.index_cast %scan3A_34 : i32 to index
          %get3A_81 = arith.constant 48 : index
          %get3A_82 = tpu.vector_load %arg10[%get3A_80, %get3A_81] {strides = array<i32>} : memref<80x128xf32, #tpu.memory_space<vmem>>, vector<1x16xf32>,
          %get3A_83 = vector.shape_cast %get3A_82 : vector<1x16xf32> to vector<16xf32>
          %add3A_84 = arith.addf %get3A_79, %get3A_83 : vector<16xf32>
          %swap3A_85 = arith.index_cast %scan3A_34 : i32 to index
          %swap3A_86 = arith.constant 48 : index
          %swap3A_87 = tpu.vector_load %arg11[%swap3A_85, %swap3A_86] {strides = array<i32>} : memref<80x128xf32, #tpu.memory_space<vmem>>, vector<1x16xf32>,
          %swap3A_88 = vector.shape_cast %swap3A_87 : vector<1x16xf32> to vector<16xf32>
          %swap3A_89 = vector.shape_cast %add3A_84 : vector<16xf32> to vector<1x16xf32>
          tpu.vector_store %arg11[%swap3A_85, %swap3A_86], %swap3A_89 {strides = array<i32>} : memref<80x128xf32, #tpu.memory_space<vmem>>, vector<1x16xf32>,
          %get3A_90 = arith.index_cast %scan3A_34 : i32 to index
          %get3A_91 = arith.constant 64 : index
          %get3A_92 = tpu.vector_load %arg9[%get3A_90, %get3A_91] {strides = array<i32>} : memref<80x128xf32, #tpu.memory_space<vmem>>, vector<1x16xf32>,
          %get3A_93 = vector.shape_cast %get3A_92 : vector<1x16xf32> to vector<16xf32>
          %get3A_94 = arith.index_cast %scan3A_34 : i32 to index
          %get3A_95 = arith.constant 64 : index
          %get3A_96 = tpu.vector_load %arg10[%get3A_94, %get3A_95] {strides = array<i32>} : memref<80x128xf32, #tpu.memory_space<vmem>>, vector<1x16xf32>,
          %get3A_97 = vector.shape_cast %get3A_96 : vector<1x16xf32> to vector<16xf32>
          %add3A_98 = arith.addf %get3A_93, %get3A_97 : vector<16xf32>
          %swap3A_99 = arith.index_cast %scan3A_34 : i32 to index
          %swap3A_100 = arith.constant 64 : index
          %swap3A_101 = tpu.vector_load %arg11[%swap3A_99, %swap3A_100] {strides = array<i32>} : memref<80x128xf32, #tpu.memory_space<vmem>>, vector<1x16xf32>,
          %swap3A_102 = vector.shape_cast %swap3A_101 : vector<1x16xf32> to vector<16xf32>
          %swap3A_103 = vector.shape_cast %add3A_98 : vector<16xf32> to vector<1x16xf32>
          tpu.vector_store %arg11[%swap3A_99, %swap3A_100], %swap3A_103 {strides = array<i32>} : memref<80x128xf32, #tpu.memory_space<vmem>>, vector<1x16xf32>,
          %get3A_104 = arith.index_cast %scan3A_34 : i32 to index
          %get3A_105 = arith.constant 80 : index
          %get3A_106 = tpu.vector_load %arg9[%get3A_104, %get3A_105] {strides = array<i32>} : memref<80x128xf32, #tpu.memory_space<vmem>>, vector<1x16xf32>,
          %get3A_107 = vector.shape_cast %get3A_106 : vector<1x16xf32> to vector<16xf32>
          %get3A_108 = arith.index_cast %scan3A_34 : i32 to index
          %get3A_109 = arith.constant 80 : index
          %get3A_110 = tpu.vector_load %arg10[%get3A_108, %get3A_109] {strides = array<i32>} : memref<80x128xf32, #tpu.memory_space<vmem>>, vector<1x16xf32>,
          %get3A_111 = vector.shape_cast %get3A_110 : vector<1x16xf32> to vector<16xf32>
          %add3A_112 = arith.addf %get3A_107, %get3A_111 : vector<16xf32>
          %swap3A_113 = arith.index_cast %scan3A_34 : i32 to index
          %swap3A_114 = arith.constant 80 : index
          %swap3A_115 = tpu.vector_load %arg11[%swap3A_113, %swap3A_114] {strides = array<i32>} : memref<80x128xf32, #tpu.memory_space<vmem>>, vector<1x16xf32>,
          %swap3A_116 = vector.shape_cast %swap3A_115 : vector<1x16xf32> to vector<16xf32>
          %swap3A_117 = vector.shape_cast %add3A_112 : vector<16xf32> to vector<1x16xf32>
          tpu.vector_store %arg11[%swap3A_113, %swap3A_114], %swap3A_117 {strides = array<i32>} : memref<80x128xf32, #tpu.memory_space<vmem>>, vector<1x16xf32>,
          %get3A_118 = arith.index_cast %scan3A_34 : i32 to index
          %get3A_119 = arith.constant 96 : index
          %get3A_120 = tpu.vector_load %arg9[%get3A_118, %get3A_119] {strides = array<i32>} : memref<80x128xf32, #tpu.memory_space<vmem>>, vector<1x16xf32>,
          %get3A_121 = vector.shape_cast %get3A_120 : vector<1x16xf32> to vector<16xf32>
          %get3A_122 = arith.index_cast %scan3A_34 : i32 to index
          %get3A_123 = arith.constant 96 : index
          %get3A_124 = tpu.vector_load %arg10[%get3A_122, %get3A_123] {strides = array<i32>} : memref<80x128xf32, #tpu.memory_space<vmem>>, vector<1x16xf32>,
          %get3A_125 = vector.shape_cast %get3A_124 : vector<1x16xf32> to vector<16xf32>
          %add3A_126 = arith.addf %get3A_121, %get3A_125 : vector<16xf32>
          %swap3A_127 = arith.index_cast %scan3A_34 : i32 to index
          %swap3A_128 = arith.constant 96 : index
          %swap3A_129 = tpu.vector_load %arg11[%swap3A_127, %swap3A_128] {strides = array<i32>} : memref<80x128xf32, #tpu.memory_space<vmem>>, vector<1x16xf32>,
          %swap3A_130 = vector.shape_cast %swap3A_129 : vector<1x16xf32> to vector<16xf32>
          %swap3A_131 = vector.shape_cast %add3A_126 : vector<16xf32> to vector<1x16xf32>
          tpu.vector_store %arg11[%swap3A_127, %swap3A_128], %swap3A_131 {strides = array<i32>} : memref<80x128xf32, #tpu.memory_space<vmem>>, vector<1x16xf32>,
          %get3A_132 = arith.index_cast %scan3A_34 : i32 to index
          %get3A_133 = arith.constant 112 : index
          %get3A_134 = tpu.vector_load %arg9[%get3A_132, %get3A_133] {strides = array<i32>} : memref<80x128xf32, #tpu.memory_space<vmem>>, vector<1x16xf32>,
          %get3A_135 = vector.shape_cast %get3A_134 : vector<1x16xf32> to vector<16xf32>
          %get3A_136 = arith.index_cast %scan3A_34 : i32 to index
          %get3A_137 = arith.constant 112 : index
          %get3A_138 = tpu.vector_load %arg10[%get3A_136, %get3A_137] {strides = array<i32>} : memref<80x128xf32, #tpu.memory_space<vmem>>, vector<1x16xf32>,
          %get3A_139 = vector.shape_cast %get3A_138 : vector<1x16xf32> to vector<16xf32>
          %add3A_140 = arith.addf %get3A_135, %get3A_139 : vector<16xf32>
          %swap3A_141 = arith.index_cast %scan3A_34 : i32 to index
          %swap3A_142 = arith.constant 112 : index
          %swap3A_143 = tpu.vector_load %arg11[%swap3A_141, %swap3A_142] {strides = array<i32>} : memref<80x128xf32, #tpu.memory_space<vmem>>, vector<1x16xf32>,
          %swap3A_144 = vector.shape_cast %swap3A_143 : vector<1x16xf32> to vector<16xf32>
          %swap3A_145 = vector.shape_cast %add3A_140 : vector<16xf32> to vector<1x16xf32>
          tpu.vector_store %arg11[%swap3A_141, %swap3A_142], %swap3A_145 {strides = array<i32>} : memref<80x128xf32, #tpu.memory_space<vmem>>, vector<1x16xf32>,
          %scan3A_146 = arith.constant 0 : i32
          scf.yield %scan3A_146 : i32
        }
        %scan3A_33 = arith.constant 80 : i32
        "tpu.region"() ({
          %run_scoped3A = tpu.sem_alloc : memref<!tpu.dma_semaphore, #tpu.memory_space<semaphore_mem>>
          %dma_start3A_34 = arith.constant 0 : i32
          %dma_start3A_35 = tpu.memref_slice %arg6[%mul3A_16, %dma_start3A_34] : memref<100000x128xf32, #tpu.memory_space<hbm>> -> memref<80x128xf32, #tpu.memory_space<hbm>>
          %dma_start3A_36 = arith.constant 0 : i32
          %dma_start3A_37 = tpu.memref_slice %arg6[%mul3A_16, %dma_start3A_36] : memref<100000x128xf32, #tpu.memory_space<hbm>> -> memref<80x128xf32, #tpu.memory_space<hbm>>
          tpu.enqueue_dma source(%arg11 : memref<80x128xf32, #tpu.memory_space<vmem>>) target(%dma_start3A_37 : memref<80x128xf32, #tpu.memory_space<hbm>>) target_semaphore(%run_scoped3A : memref<!tpu.dma_semaphore, #tpu.memory_space<semaphore_mem>>)
          %dma_wait3A_38 = arith.constant 0 : i32
          %dma_wait3A_39 = tpu.memref_slice %arg6[%mul3A_16, %dma_wait3A_38] : memref<100000x128xf32, #tpu.memory_space<hbm>> -> memref<80x128xf32, #tpu.memory_space<hbm>>
          %dma_wait3A_40 = arith.constant 0 : i32
          %dma_wait3A_41 = tpu.memref_slice %arg6[%mul3A_16, %dma_wait3A_40] : memref<100000x128xf32, #tpu.memory_space<hbm>> -> memref<80x128xf32, #tpu.memory_space<hbm>>
          tpu.wait_dma2 semaphore(%run_scoped3A : memref<!tpu.dma_semaphore, #tpu.memory_space<semaphore_mem>>) src(%arg11 : memref<80x128xf32, #tpu.memory_space<vmem>>) dst(%dma_wait3A_41 : memref<80x128xf32, #tpu.memory_space<hbm>>)
          tpu.yield
        }) : () -> ()
      } else {
      }
      %scan3A_14 = arith.constant 0 : i32
      scf.yield %scan3A_14 : i32
    }
    %scan3A_6 = arith.constant 40 : i32
    return
  }
}

module attributes {stable_mosaic.version = 14 : i64} {
  func.func @_tc_layer_body(%arg0: i32, %arg1: memref<2x2000x128xf32, #tpu.memory_space<vmem>>, %arg2: memref<2x2000x128xf32, #tpu.memory_space<vmem>>, %arg3: memref<2000x128xf32, #tpu.memory_space<vmem>>, %arg4: memref<128xf32, #tpu.memory_space<vmem>>, %arg5: memref<128x128xf32, #tpu.memory_space<vmem>>, %arg6: memref<128x128xf32, #tpu.memory_space<vmem>>, %arg7: memref<2000x128xf32, #tpu.memory_space<vmem>>) attributes {dimension_semantics = [#tpu.dimension_semantics<arbitrary>], iteration_bounds = array<i64: 5>, scalar_prefetch = 0 : i64, scratch_operands = 0 : i64, tpu.core_type = #tpu.core_type<tc>, window_params = [{transform_indices = @transform_0, window_bounds = array<i64: 2, 2000, 128>}, {transform_indices = @transform_1, window_bounds = array<i64: 2, 2000, 128>}, {transform_indices = @transform_2, window_bounds = array<i64: 2000, 128>}, {pipeline_mode = #tpu.pipeline_mode<synchronous>, transform_indices = @transform_3, window_bounds = array<i64: 128>}, {pipeline_mode = #tpu.pipeline_mode<synchronous>, transform_indices = @transform_4, window_bounds = array<i64: 128, 128>}, {pipeline_mode = #tpu.pipeline_mode<synchronous>, transform_indices = @transform_5, window_bounds = array<i64: 128, 128>}, {transform_indices = @transform_6, window_bounds = array<i64: 2000, 128>}]} {
    %get3A = arith.constant 0 : index
    %get3A_0 = arith.constant 0 : index
    %get3A_1 = arith.constant 0 : index
    %get3A_2 = vector.load %arg2[%get3A, %get3A_0, %get3A_1] : memref<2x2000x128xf32, #tpu.memory_space<vmem>>, vector<1x2000x1xf32>
    %get3A_3 = vector.shape_cast %get3A_2 : vector<1x2000x1xf32> to vector<2000x1xf32>
    %get3A_4 = arith.constant 1 : index
    %get3A_5 = arith.constant 0 : index
    %get3A_6 = arith.constant 0 : index
    %get3A_7 = vector.load %arg2[%get3A_4, %get3A_5, %get3A_6] : memref<2x2000x128xf32, #tpu.memory_space<vmem>>, vector<1x2000x1xf32>
    %get3A_8 = vector.shape_cast %get3A_7 : vector<1x2000x1xf32> to vector<2000x1xf32>
    %add3A = arith.addf %get3A_3, %get3A_8 : vector<2000x1xf32>
    %get3A_9 = arith.constant 0 : index
    %get3A_10 = arith.constant 0 : index
    %get3A_11 = arith.constant 0 : index
    %get3A_12 = vector.load %arg1[%get3A_9, %get3A_10, %get3A_11] : memref<2x2000x128xf32, #tpu.memory_space<vmem>>, vector<1x2000x128xf32>
    %get3A_13 = vector.shape_cast %get3A_12 : vector<1x2000x128xf32> to vector<2000x128xf32>
    %get3A_14 = arith.constant 1 : index
    %get3A_15 = arith.constant 0 : index
    %get3A_16 = arith.constant 0 : index
    %get3A_17 = vector.load %arg1[%get3A_14, %get3A_15, %get3A_16] : memref<2x2000x128xf32, #tpu.memory_space<vmem>>, vector<1x2000x128xf32>
    %get3A_18 = vector.shape_cast %get3A_17 : vector<1x2000x128xf32> to vector<2000x128xf32>
    %add3A_19 = arith.addf %get3A_13, %get3A_18 : vector<2000x128xf32>
    %max3A = arith.constant 1.000000e+00 : f32
    %max3A_20 = vector.broadcast %max3A : f32 to vector<2000x1xf32>
    %max3A_21 = arith.maximumf %add3A, %max3A_20 : vector<2000x1xf32>
    %div3A = vector.broadcast %max3A_21 : vector<2000x1xf32> to vector<2000x128xf32>
    %div3A_22 = arith.divf %add3A_19, %div3A : vector<2000x128xf32>
    %get3A_23 = arith.constant 0 : index
    %get3A_24 = arith.constant 0 : index
    %get3A_25 = vector.load %arg5[%get3A_23, %get3A_24] : memref<128x128xf32, #tpu.memory_space<vmem>>, vector<128x128xf32>
    %dot_general3A = arith.constant dense<0.000000e+00> : vector<2000x128xf32>
    %dot_general3A_26 = tpu.matmul %div3A_22, %get3A_25, %dot_general3A {dimension_numbers = #tpu.dot_dimension_numbers<[1], [0], [0], [1], [0, 0, 1, 1], [], []>, transpose_lhs_hint = false} : vector<2000x128xf32>, vector<128x128xf32>, vector<2000x128xf32> -> vector<2000x128xf32>
    %get3A_27 = arith.constant 0 : index
    %get3A_28 = vector.load %arg4[%get3A_27] : memref<128xf32, #tpu.memory_space<vmem>>, vector<128xf32>
    %broadcast_in_dim3A = vector.shape_cast %get3A_28 : vector<128xf32> to vector<1x128xf32>
    %add3A_29 = vector.broadcast %broadcast_in_dim3A : vector<1x128xf32> to vector<2000x128xf32>
    %add3A_30 = arith.addf %dot_general3A_26, %add3A_29 : vector<2000x128xf32>
    %get3A_31 = arith.constant 0 : index
    %get3A_32 = arith.constant 0 : index
    %get3A_33 = vector.load %arg3[%get3A_31, %get3A_32] : memref<2000x128xf32, #tpu.memory_space<vmem>>, vector<2000x128xf32>
    %get3A_34 = arith.constant 0 : index
    %get3A_35 = arith.constant 0 : index
    %get3A_36 = vector.load %arg6[%get3A_34, %get3A_35] : memref<128x128xf32, #tpu.memory_space<vmem>>, vector<128x128xf32>
    %dot_general3A_37 = arith.constant dense<0.000000e+00> : vector<2000x128xf32>
    %dot_general3A_38 = tpu.matmul %get3A_33, %get3A_36, %dot_general3A_37 {dimension_numbers = #tpu.dot_dimension_numbers<[1], [0], [0], [1], [0, 0, 1, 1], [], []>, transpose_lhs_hint = false} : vector<2000x128xf32>, vector<128x128xf32>, vector<2000x128xf32> -> vector<2000x128xf32>
    %add3A_39 = arith.addf %add3A_30, %dot_general3A_38 : vector<2000x128xf32>
    %max3A_40 = arith.constant 0.000000e+00 : f32
    %max3A_41 = vector.broadcast %max3A_40 : f32 to vector<2000x128xf32>
    %max3A_42 = arith.maximumf %add3A_39, %max3A_41 : vector<2000x128xf32>
    %swap3A = arith.constant 0 : index
    %swap3A_43 = arith.constant 0 : index
    %swap3A_44 = vector.load %arg7[%swap3A, %swap3A_43] : memref<2000x128xf32, #tpu.memory_space<vmem>>, vector<2000x128xf32>
    tpu.vector_store %arg7[%swap3A, %swap3A_43], %max3A_42 {strides = array<i32>} : memref<2000x128xf32, #tpu.memory_space<vmem>>, vector<2000x128xf32>,
    return
  }
  func.func @transform_0(%arg0: i32) -> (i32, i32, i32) {
    %c0_i32 = arith.constant 0 : i32
    %c0_i32_0 = arith.constant 0 : i32
    %c0_i32_1 = arith.constant 0 : i32
    return %c0_i32, %arg0, %c0_i32_0 : i32, i32, i32
  }
  func.func @transform_1(%arg0: i32) -> (i32, i32, i32) {
    %c0_i32 = arith.constant 0 : i32
    %c0_i32_0 = arith.constant 0 : i32
    %c0_i32_1 = arith.constant 0 : i32
    return %c0_i32, %arg0, %c0_i32_0 : i32, i32, i32
  }
  func.func @transform_2(%arg0: i32) -> (i32, i32) {
    %c0_i32 = arith.constant 0 : i32
    %c0_i32_0 = arith.constant 0 : i32
    return %arg0, %c0_i32 : i32, i32
  }
  func.func @transform_3(%arg0: i32) -> i32 {
    %c0_i32 = arith.constant 0 : i32
    %c0_i32_0 = arith.constant 0 : i32
    return %c0_i32 : i32
  }
  func.func @transform_4(%arg0: i32) -> (i32, i32) {
    %c0_i32 = arith.constant 0 : i32
    %c0_i32_0 = arith.constant 0 : i32
    %c0_i32_1 = arith.constant 0 : i32
    return %c0_i32, %c0_i32_0 : i32, i32
  }
  func.func @transform_5(%arg0: i32) -> (i32, i32) {
    %c0_i32 = arith.constant 0 : i32
    %c0_i32_0 = arith.constant 0 : i32
    %c0_i32_1 = arith.constant 0 : i32
    return %c0_i32, %c0_i32_0 : i32, i32
  }
  func.func @transform_6(%arg0: i32) -> (i32, i32) {
    %c0_i32 = arith.constant 0 : i32
    %c0_i32_0 = arith.constant 0 : i32
    return %arg0, %c0_i32 : i32, i32
  }
}

module attributes {stable_mosaic.version = 14 : i64} {
  func.func @_tc_last_body(%arg0: i32, %arg1: memref<2x2000x128xf32, #tpu.memory_space<vmem>>, %arg2: memref<2x2000x128xf32, #tpu.memory_space<vmem>>, %arg3: memref<2000x128xf32, #tpu.memory_space<vmem>>, %arg4: memref<128xf32, #tpu.memory_space<vmem>>, %arg5: memref<128x128xf32, #tpu.memory_space<vmem>>, %arg6: memref<128x128xf32, #tpu.memory_space<vmem>>, %arg7: memref<128x128xf32, #tpu.memory_space<vmem>>, %arg8: memref<128x128xf32, #tpu.memory_space<vmem>>, %arg9: memref<128xf32, #tpu.memory_space<vmem>>, %arg10: memref<2000x128xf32, #tpu.memory_space<vmem>>, %arg11: memref<2000x128xf32, #tpu.memory_space<vmem>>) attributes {dimension_semantics = [#tpu.dimension_semantics<arbitrary>], iteration_bounds = array<i64: 5>, scalar_prefetch = 0 : i64, scratch_operands = 0 : i64, tpu.core_type = #tpu.core_type<tc>, window_params = [{transform_indices = @transform_0, window_bounds = array<i64: 2, 2000, 128>}, {transform_indices = @transform_1, window_bounds = array<i64: 2, 2000, 128>}, {transform_indices = @transform_2, window_bounds = array<i64: 2000, 128>}, {pipeline_mode = #tpu.pipeline_mode<synchronous>, transform_indices = @transform_3, window_bounds = array<i64: 128>}, {pipeline_mode = #tpu.pipeline_mode<synchronous>, transform_indices = @transform_4, window_bounds = array<i64: 128, 128>}, {pipeline_mode = #tpu.pipeline_mode<synchronous>, transform_indices = @transform_5, window_bounds = array<i64: 128, 128>}, {pipeline_mode = #tpu.pipeline_mode<synchronous>, transform_indices = @transform_6, window_bounds = array<i64: 128, 128>}, {pipeline_mode = #tpu.pipeline_mode<synchronous>, transform_indices = @transform_7, window_bounds = array<i64: 128, 128>}, {pipeline_mode = #tpu.pipeline_mode<synchronous>, transform_indices = @transform_8, window_bounds = array<i64: 128>}, {transform_indices = @transform_9, window_bounds = array<i64: 2000, 128>}, {transform_indices = @transform_10, window_bounds = array<i64: 2000, 128>}]} {
    %get3A = arith.constant 0 : index
    %get3A_0 = arith.constant 0 : index
    %get3A_1 = arith.constant 0 : index
    %get3A_2 = vector.load %arg2[%get3A, %get3A_0, %get3A_1] : memref<2x2000x128xf32, #tpu.memory_space<vmem>>, vector<1x2000x1xf32>
    %get3A_3 = vector.shape_cast %get3A_2 : vector<1x2000x1xf32> to vector<2000x1xf32>
    %get3A_4 = arith.constant 1 : index
    %get3A_5 = arith.constant 0 : index
    %get3A_6 = arith.constant 0 : index
    %get3A_7 = vector.load %arg2[%get3A_4, %get3A_5, %get3A_6] : memref<2x2000x128xf32, #tpu.memory_space<vmem>>, vector<1x2000x1xf32>
    %get3A_8 = vector.shape_cast %get3A_7 : vector<1x2000x1xf32> to vector<2000x1xf32>
    %add3A = arith.addf %get3A_3, %get3A_8 : vector<2000x1xf32>
    %get3A_9 = arith.constant 0 : index
    %get3A_10 = arith.constant 0 : index
    %get3A_11 = arith.constant 0 : index
    %get3A_12 = vector.load %arg1[%get3A_9, %get3A_10, %get3A_11] : memref<2x2000x128xf32, #tpu.memory_space<vmem>>, vector<1x2000x128xf32>
    %get3A_13 = vector.shape_cast %get3A_12 : vector<1x2000x128xf32> to vector<2000x128xf32>
    %get3A_14 = arith.constant 1 : index
    %get3A_15 = arith.constant 0 : index
    %get3A_16 = arith.constant 0 : index
    %get3A_17 = vector.load %arg1[%get3A_14, %get3A_15, %get3A_16] : memref<2x2000x128xf32, #tpu.memory_space<vmem>>, vector<1x2000x128xf32>
    %get3A_18 = vector.shape_cast %get3A_17 : vector<1x2000x128xf32> to vector<2000x128xf32>
    %add3A_19 = arith.addf %get3A_13, %get3A_18 : vector<2000x128xf32>
    %max3A = arith.constant 1.000000e+00 : f32
    %max3A_20 = vector.broadcast %max3A : f32 to vector<2000x1xf32>
    %max3A_21 = arith.maximumf %add3A, %max3A_20 : vector<2000x1xf32>
    %div3A = vector.broadcast %max3A_21 : vector<2000x1xf32> to vector<2000x128xf32>
    %div3A_22 = arith.divf %add3A_19, %div3A : vector<2000x128xf32>
    %get3A_23 = arith.constant 0 : index
    %get3A_24 = arith.constant 0 : index
    %get3A_25 = vector.load %arg5[%get3A_23, %get3A_24] : memref<128x128xf32, #tpu.memory_space<vmem>>, vector<128x128xf32>
    %dot_general3A = arith.constant dense<0.000000e+00> : vector<2000x128xf32>
    %dot_general3A_26 = tpu.matmul %div3A_22, %get3A_25, %dot_general3A {dimension_numbers = #tpu.dot_dimension_numbers<[1], [0], [0], [1], [0, 0, 1, 1], [], []>, transpose_lhs_hint = false} : vector<2000x128xf32>, vector<128x128xf32>, vector<2000x128xf32> -> vector<2000x128xf32>
    %get3A_27 = arith.constant 0 : index
    %get3A_28 = vector.load %arg4[%get3A_27] : memref<128xf32, #tpu.memory_space<vmem>>, vector<128xf32>
    %broadcast_in_dim3A = vector.shape_cast %get3A_28 : vector<128xf32> to vector<1x128xf32>
    %add3A_29 = vector.broadcast %broadcast_in_dim3A : vector<1x128xf32> to vector<2000x128xf32>
    %add3A_30 = arith.addf %dot_general3A_26, %add3A_29 : vector<2000x128xf32>
    %get3A_31 = arith.constant 0 : index
    %get3A_32 = arith.constant 0 : index
    %get3A_33 = vector.load %arg3[%get3A_31, %get3A_32] : memref<2000x128xf32, #tpu.memory_space<vmem>>, vector<2000x128xf32>
    %get3A_34 = arith.constant 0 : index
    %get3A_35 = arith.constant 0 : index
    %get3A_36 = vector.load %arg6[%get3A_34, %get3A_35] : memref<128x128xf32, #tpu.memory_space<vmem>>, vector<128x128xf32>
    %dot_general3A_37 = arith.constant dense<0.000000e+00> : vector<2000x128xf32>
    %dot_general3A_38 = tpu.matmul %get3A_33, %get3A_36, %dot_general3A_37 {dimension_numbers = #tpu.dot_dimension_numbers<[1], [0], [0], [1], [0, 0, 1, 1], [], []>, transpose_lhs_hint = false} : vector<2000x128xf32>, vector<128x128xf32>, vector<2000x128xf32> -> vector<2000x128xf32>
    %add3A_39 = arith.addf %add3A_30, %dot_general3A_38 : vector<2000x128xf32>
    %get3A_40 = arith.constant 0 : index
    %get3A_41 = arith.constant 0 : index
    %get3A_42 = vector.load %arg7[%get3A_40, %get3A_41] : memref<128x128xf32, #tpu.memory_space<vmem>>, vector<128x128xf32>
    %dot_general3A_43 = arith.constant dense<0.000000e+00> : vector<2000x128xf32>
    %dot_general3A_44 = tpu.matmul %add3A_39, %get3A_42, %dot_general3A_43 {dimension_numbers = #tpu.dot_dimension_numbers<[1], [0], [0], [1], [0, 0, 1, 1], [], []>, transpose_lhs_hint = false} : vector<2000x128xf32>, vector<128x128xf32>, vector<2000x128xf32> -> vector<2000x128xf32>
    %get3A_45 = arith.constant 0 : index
    %get3A_46 = vector.load %arg9[%get3A_45] : memref<128xf32, #tpu.memory_space<vmem>>, vector<128xf32>
    %broadcast_in_dim3A_47 = vector.shape_cast %get3A_46 : vector<128xf32> to vector<1x128xf32>
    %add3A_48 = vector.broadcast %broadcast_in_dim3A_47 : vector<1x128xf32> to vector<2000x128xf32>
    %add3A_49 = arith.addf %dot_general3A_44, %add3A_48 : vector<2000x128xf32>
    %swap3A = arith.constant 0 : index
    %swap3A_50 = arith.constant 0 : index
    %swap3A_51 = vector.load %arg10[%swap3A, %swap3A_50] : memref<2000x128xf32, #tpu.memory_space<vmem>>, vector<2000x128xf32>
    tpu.vector_store %arg10[%swap3A, %swap3A_50], %add3A_49 {strides = array<i32>} : memref<2000x128xf32, #tpu.memory_space<vmem>>, vector<2000x128xf32>,
    %get3A_52 = arith.constant 0 : index
    %get3A_53 = arith.constant 0 : index
    %get3A_54 = vector.load %arg8[%get3A_52, %get3A_53] : memref<128x128xf32, #tpu.memory_space<vmem>>, vector<128x128xf32>
    %dot_general3A_55 = arith.constant dense<0.000000e+00> : vector<2000x128xf32>
    %dot_general3A_56 = tpu.matmul %add3A_39, %get3A_54, %dot_general3A_55 {dimension_numbers = #tpu.dot_dimension_numbers<[1], [0], [0], [1], [0, 0, 1, 1], [], []>, transpose_lhs_hint = false} : vector<2000x128xf32>, vector<128x128xf32>, vector<2000x128xf32> -> vector<2000x128xf32>
    %swap3A_57 = arith.constant 0 : index
    %swap3A_58 = arith.constant 0 : index
    %swap3A_59 = vector.load %arg11[%swap3A_57, %swap3A_58] : memref<2000x128xf32, #tpu.memory_space<vmem>>, vector<2000x128xf32>
    tpu.vector_store %arg11[%swap3A_57, %swap3A_58], %dot_general3A_56 {strides = array<i32>} : memref<2000x128xf32, #tpu.memory_space<vmem>>, vector<2000x128xf32>,
    return
  }
  func.func @transform_0(%arg0: i32) -> (i32, i32, i32) {
    %c0_i32 = arith.constant 0 : i32
    %c0_i32_0 = arith.constant 0 : i32
    %c0_i32_1 = arith.constant 0 : i32
    return %c0_i32, %arg0, %c0_i32_0 : i32, i32, i32
  }
  func.func @transform_1(%arg0: i32) -> (i32, i32, i32) {
    %c0_i32 = arith.constant 0 : i32
    %c0_i32_0 = arith.constant 0 : i32
    %c0_i32_1 = arith.constant 0 : i32
    return %c0_i32, %arg0, %c0_i32_0 : i32, i32, i32
  }
  func.func @transform_2(%arg0: i32) -> (i32, i32) {
    %c0_i32 = arith.constant 0 : i32
    %c0_i32_0 = arith.constant 0 : i32
    return %arg0, %c0_i32 : i32, i32
  }
  func.func @transform_3(%arg0: i32) -> i32 {
    %c0_i32 = arith.constant 0 : i32
    %c0_i32_0 = arith.constant 0 : i32
    return %c0_i32 : i32
  }
  func.func @transform_4(%arg0: i32) -> (i32, i32) {
    %c0_i32 = arith.constant 0 : i32
    %c0_i32_0 = arith.constant 0 : i32
    %c0_i32_1 = arith.constant 0 : i32
    return %c0_i32, %c0_i32_0 : i32, i32
  }
  func.func @transform_5(%arg0: i32) -> (i32, i32) {
    %c0_i32 = arith.constant 0 : i32
    %c0_i32_0 = arith.constant 0 : i32
    %c0_i32_1 = arith.constant 0 : i32
    return %c0_i32, %c0_i32_0 : i32, i32
  }
  func.func @transform_6(%arg0: i32) -> (i32, i32) {
    %c0_i32 = arith.constant 0 : i32
    %c0_i32_0 = arith.constant 0 : i32
    %c0_i32_1 = arith.constant 0 : i32
    return %c0_i32, %c0_i32_0 : i32, i32
  }
  func.func @transform_7(%arg0: i32) -> (i32, i32) {
    %c0_i32 = arith.constant 0 : i32
    %c0_i32_0 = arith.constant 0 : i32
    %c0_i32_1 = arith.constant 0 : i32
    return %c0_i32, %c0_i32_0 : i32, i32
  }
  func.func @transform_8(%arg0: i32) -> i32 {
    %c0_i32 = arith.constant 0 : i32
    %c0_i32_0 = arith.constant 0 : i32
    return %c0_i32 : i32
  }
  func.func @transform_9(%arg0: i32) -> (i32, i32) {
    %c0_i32 = arith.constant 0 : i32
    %c0_i32_0 = arith.constant 0 : i32
    return %arg0, %c0_i32 : i32, i32
  }
  func.func @transform_10(%arg0: i32) -> (i32, i32) {
    %c0_i32 = arith.constant 0 : i32
    %c0_i32_0 = arith.constant 0 : i32
    return %arg0, %c0_i32 : i32, i32
  }
}

module attributes {stable_mosaic.version = 14 : i64} {
  func.func @_tc_dec_body(%arg0: i32, %arg1: memref<8x1250x128xf32, #tpu.memory_space<vmem>>, %arg2: memref<128xf32, #tpu.memory_space<vmem>>, %arg3: memref<8x1250xf32, #tpu.memory_space<vmem>>, %arg4: memref<8x1250xf32, #tpu.memory_space<vmem>>) attributes {dimension_semantics = [#tpu.dimension_semantics<arbitrary>], iteration_bounds = array<i64: 10>, scalar_prefetch = 0 : i64, scratch_operands = 0 : i64, tpu.core_type = #tpu.core_type<tc>, window_params = [{transform_indices = @transform_0, window_bounds = array<i64: 8, 1250, 128>}, {pipeline_mode = #tpu.pipeline_mode<synchronous>, transform_indices = @transform_1, window_bounds = array<i64: 128>}, {transform_indices = @transform_2, window_bounds = array<i64: 8, 1250>}, {transform_indices = @transform_3, window_bounds = array<i64: 8, 1250>}]} {
    %get3A = arith.constant 0 : index
    %get3A_0 = arith.constant 0 : index
    %get3A_1 = arith.constant 0 : index
    %get3A_2 = vector.load %arg1[%get3A, %get3A_0, %get3A_1] : memref<8x1250x128xf32, #tpu.memory_space<vmem>>, vector<8x1250x128xf32>
    %max3A = arith.constant 0.000000e+00 : f32
    %max3A_3 = vector.broadcast %max3A : f32 to vector<8x1250x128xf32>
    %max3A_4 = arith.maximumf %get3A_2, %max3A_3 : vector<8x1250x128xf32>
    %get3A_5 = arith.constant 0 : index
    %get3A_6 = vector.load %arg2[%get3A_5] : memref<128xf32, #tpu.memory_space<vmem>>, vector<128xf32>
    %broadcast_in_dim3A = vector.shape_cast %get3A_6 : vector<128xf32> to vector<1x1x128xf32>
    %mul3A = vector.broadcast %broadcast_in_dim3A : vector<1x1x128xf32> to vector<8x1250x128xf32>
    %mul3A_7 = arith.mulf %max3A_4, %mul3A : vector<8x1250x128xf32>
    %reduce_sum3A = arith.constant dense<0.000000e+00> : vector<8x1250xf32>
    %reduce_sum3A_8 = vector.multi_reduction <add>, %mul3A_7, %reduce_sum3A [2] : vector<8x1250x128xf32> to vector<8x1250xf32>
    %get3A_9 = arith.constant 0 : index
    %get3A_10 = arith.constant 0 : index
    %get3A_11 = vector.load %arg3[%get3A_9, %get3A_10] : memref<8x1250xf32, #tpu.memory_space<vmem>>, vector<8x1250xf32>
    %add3A = arith.addf %reduce_sum3A_8, %get3A_11 : vector<8x1250xf32>
    %swap3A = arith.constant 0 : index
    %swap3A_12 = arith.constant 0 : index
    %swap3A_13 = vector.load %arg4[%swap3A, %swap3A_12] : memref<8x1250xf32, #tpu.memory_space<vmem>>, vector<8x1250xf32>
    tpu.vector_store %arg4[%swap3A, %swap3A_12], %add3A {strides = array<i32>} : memref<8x1250xf32, #tpu.memory_space<vmem>>, vector<8x1250xf32>,
    return
  }
  func.func @transform_0(%arg0: i32) -> (i32, i32, i32) {
    %c0_i32 = arith.constant 0 : i32
    %c0_i32_0 = arith.constant 0 : i32
    %c0_i32_1 = arith.constant 0 : i32
    return %arg0, %c0_i32, %c0_i32_0 : i32, i32, i32
  }
  func.func @transform_1(%arg0: i32) -> i32 {
    %c0_i32 = arith.constant 0 : i32
    %c0_i32_0 = arith.constant 0 : i32
    return %c0_i32 : i32
  }
  func.func @transform_2(%arg0: i32) -> (i32, i32) {
    %c0_i32 = arith.constant 0 : i32
    %c0_i32_0 = arith.constant 0 : i32
    return %arg0, %c0_i32 : i32, i32
  }
  func.func @transform_3(%arg0: i32) -> (i32, i32) {
    %c0_i32 = arith.constant 0 : i32
    %c0_i32_0 = arith.constant 0 : i32
    return %arg0, %c0_i32 : i32, i32
  }
}

</mosaic_0001>

<sc_bundles>
// kernel: kernel.13.cloned.1.call-start
scs
__scs_entry_jumppad:
0x0: {  	(pc) =	sbr.rel $0x88, $3  }
0x1: {  	(tag) =	ssettag $0x0;
	lr =	simm.s32 $0x1  }
0x2: {  	[smem:$0x3F8E] =	sst lr;
	_ =	strace $0xD0000000  }
0x3: {  	_ = 	snop  }
0x4: {  	_ = 	snop  }
0x5: {  	_ = 	snop  }
0x6: {  	_ = 	snop  }
0x7: {  	_ = 	snop  }
__scs_overlays_trampoline_lowered:
0x8: {  	[smem:$0x3F9D] =	sst s0  }
0x9: {  	[smem:$0x3F9E] =	sst s1  }
0xa: {  	[smem:$0x3F9F] =	sst s2  }
0xb: {  	[smem:$0x3FA0] =	sst s3  }
0xc: {  	[smem:$0x3FA1] =	sst s4  }
0xd: {  	[smem:$0x3FA2] =	sst s5  }
0xe: {  	[smem:$0x3FA3] =	sst s6  }
0xf: {  	[smem:$0x3FA4] =	sst s7  }
0x10: {  	[smem:$0x3FA5] =	sst s8  }
0x11: {  	[smem:$0x3FA6] =	sst s9;
	s0 =	simm.s32 @!p0 $0x0  }
0x12: {  	s1 =	sld [smem:$0x3F8C];
	s0 =	simm.s32 @p0 $0x1  }
0x13: {  	[smem:$0x3FA7] =	sst s0;
	s0 =	simm.s32 @!p1 $0x0  }
0x14: {  	s2 =	sld [smem:$0x3F8B];
	s0 =	simm.s32 @p1 $0x1  }
0x15: {  	[smem:$0x3FA8] =	sst s0;
	s0 =	simm.s32 @!p2 $0x0  }
0x16: {  	s3 =	sld [smem:$0x3FDB];
	s0 =	simm.s32 @p2 $0x1  }
0x17: {  	s4 =	simm.s32 $0x1BF5;
	[smem:$0x3FAA] =	sst s0  }
0x18: {  	s0 =	sld [smem:$0x3F8D];
	_ =	swait.ge [sflag:s4], $0x0  }
0x19: {  	s7 =	sld [smem:$0x3F8E]  }
0x1a: {  	s8 =	sadd.s32 $0xFFFFE003, lr  }
0x1b: {  	s9 =	sadd.s32 $0xFFFFFEF7, lr;
	s5 =	simm.s32 $0xFFFFFFFF;
	p2 =	slt.u32 s8, $0xFFFFF086  }
0x1c: {  	p1 =	slt.u32 s9, $0xF7A;
	s5 =	simm.s32 @!p2 $0x0  }
0x1d: {  	s5 =	simm.s32 @p1 $0x1;
	p0 =	seq.s32 s7, s2  }
0x1e: {  	s7 =	smul.u32 @!p0 $0xF7A, s2;
	p2 =	seq.s32 @!p0 s5, $0x0  }
0x1f: {  	s9 =	smul.u32 $0xF7A, s1;
	s8 =	simm.s32 @!p0 $0x1BF5;
	p2 =	por !p2, p0  }
0x20: {  	[sflag:s8] =	ssyncset.s32 @!p0 $0xFFFFF086;
	s6 =	sadd.s32 @!p0 s3, s7;
	s7 =	simm.s32 @!p0 $0x108  }
0x21: {  	s3 =	sadd.s32 s3, s9;
	s6 =	sadd.s32 @!p0 $0x88, s6;
	s7 =	simm.s32 @p2 $0x1082  }
0x22: {  	[simem:s7], [sflag:s8] =	dma.local @!p0 [hbm:s6], $0xF7A  }
0x23: {  	s9 =	sor.u32 $0xD0000000, s2;
	s6 =	simm.s32 $0x108;
	_ =	swait.ge @!p0 [sflag:s8], $0x0  }
0x24: {  	s3 =	sadd.s32 $0x88, s3;
	s6 =	simm.s32 @!p1 $0x1082;
	[sflag:s4] =	ssyncset.s32 $0xFFFFF086  }
0x25: {  	[simem:s6], [sflag:s4] =	dma.local [hbm:s3], $0xF7A  }
0x26: {  	[smem:$0x3F8E] =	sst s1;
	(tag) =	ssettag s2;
	_ =	strace s9  }
0x27: {  	s1 =	sld [smem:$0x3F9E]  }
0x28: {  	s2 =	sld [smem:$0x3F9F]  }
0x29: {  	s4 =	sld [smem:$0x3FA1]  }
0x2a: {  	p0 =	seq.s32 s5, $0x0;
	s5 =	sld [smem:$0x3FA2]  }
0x2b: {  	s6 =	sld [smem:$0x3FA3]  }
0x2c: {  	s7 =	sld [smem:$0x3FA4]  }
0x2d: {  	s3 =	simm.s32 $0x108;
	s8 =	sld [smem:$0x3FA5]  }
0x2e: {  	s3 =	simm.s32 @!p0 $0x1082;
	s9 =	sld [smem:$0x3FA6]  }
0x2f: {  	lr =	sadd.s32 s0, s3;
	s0 =	sld [smem:$0x3F9D]  }
0x30: {  	s3 =	sld [smem:$0x3FA0]  }
0x31: {  	[smem:$0x3FA9] =	sst s10  }
0x32: {  	s10 =	sld [smem:$0x3FA7];
	_ =	sdelay $0x3  }
0x33: {  	p0 =	seq.s32 s10, $0x1;
	s10 =	sld [smem:$0x3FA9];
	_ =	sdelay $0x3  }
0x34: {  	[smem:$0x3FA9] =	sst s10  }
0x35: {  	s10 =	sld [smem:$0x3FA8];
	_ =	sdelay $0x3  }
0x36: {  	p1 =	seq.s32 s10, $0x1;
	s10 =	sld [smem:$0x3FA9];
	_ =	sdelay $0x3  }
0x37: {  	[smem:$0x3FA9] =	sst s10  }
0x38: {  	s10 =	sld [smem:$0x3FAA]  }
0x39: {  	_ = 	snop;
	(pc) =	sbr.ind lr, $3  }
0x3a: {  	_ = 	snop  }
0x3b: {  	_ = 	snop  }
0x3c: {  	p2 =	seq.s32 s10, $0x1;
	s10 =	sld [smem:$0x3FA9]  }
0x3d: {  	_ =	shalt  }
0x3e: {  	_ =	shalt  }
0x3f: {  	_ =	shalt  }
0x40: {  	_ =	shalt  }
0x41: {  	_ =	shalt  }
0x42: {  	_ =	shalt  }
0x43: {  	_ =	shalt  }
0x44: {  	_ =	shalt  }
0x45: {  	_ =	shalt  }
0x46: {  	_ =	shalt  }
0x47: {  	_ =	shalt  }
0x48: {  	_ =	shalt  }
0x49: {  	_ =	shalt  }
0x4a: {  	_ =	shalt  }
0x4b: {  	_ =	shalt  }
0x4c: {  	_ =	shalt  }
0x4d: {  	_ =	shalt  }
0x4e: {  	_ =	shalt  }
0x4f: {  	_ =	shalt  }
0x50: {  	_ =	shalt  }
0x51: {  	_ =	shalt  }
0x52: {  	_ =	shalt  }
0x53: {  	_ =	shalt  }
0x54: {  	_ =	shalt  }
0x55: {  	_ =	shalt  }
0x56: {  	_ =	shalt  }
0x57: {  	_ =	shalt  }
0x58: {  	_ =	shalt  }
0x59: {  	_ =	shalt  }
0x5a: {  	_ =	shalt  }
0x5b: {  	_ =	shalt  }
0x5c: {  	_ =	shalt  }
0x5d: {  	_ =	shalt  }
0x5e: {  	_ =	shalt  }
0x5f: {  	_ =	shalt  }
0x60: {  	_ =	shalt  }
0x61: {  	_ =	shalt  }
0x62: {  	_ =	shalt  }
0x63: {  	_ =	shalt  }
0x64: {  	_ =	shalt  }
0x65: {  	_ =	shalt  }
0x66: {  	_ =	shalt  }
0x67: {  	_ =	shalt  }
0x68: {  	_ =	shalt  }
0x69: {  	_ =	shalt  }
0x6a: {  	_ =	shalt  }
0x6b: {  	_ =	shalt  }
0x6c: {  	_ =	shalt  }
0x6d: {  	_ =	shalt  }
0x6e: {  	_ =	shalt  }
0x6f: {  	_ =	shalt  }
0x70: {  	_ =	shalt  }
0x71: {  	_ =	shalt  }
0x72: {  	_ =	shalt  }
0x73: {  	_ =	shalt  }
0x74: {  	_ =	shalt  }
0x75: {  	_ =	shalt  }
0x76: {  	_ =	shalt  }
0x77: {  	_ =	shalt  }
0x78: {  	_ =	shalt  }
0x79: {  	_ =	shalt  }
0x7a: {  	_ =	shalt  }
0x7b: {  	_ =	shalt  }
0x7c: {  	_ =	shalt  }
0x7d: {  	_ =	shalt  }
0x7e: {  	_ =	shalt  }
0x7f: {  	_ =	shalt  }
0x80: {  	_ =	shalt  }
0x81: {  	_ =	shalt  }
0x82: {  	_ =	shalt  }
0x83: {  	_ =	shalt  }
0x84: {  	_ =	shalt  }
0x85: {  	_ =	shalt  }
0x86: {  	_ =	shalt  }
0x87: {  	_ =	shalt  }
.Lfunc_end0:
.L_simem_size_0:
called_computation_lowered:
.L_overlay_start_0:
0x88: {  	s2 =	sld [smem:$0x3FD9]  }
0x89: {  	s3 =	sld [smem:$0x3FFE];
	_ =	sdelay $0x1  }
0x8a: {  	s1 =	srdreg.scid  }
0x8b: {  	s0 =	sand.u32 $0x1, s1  }
0x8c: {  	s17 =	sshll.u32 s0, $0xA;
	s2 =	sadd.s32 s3, s2  }
0x8d: {  	s2 =	sadd.s32 s2, s17  }
0x8e: {  	[smem:$0x3FB5] =	sst s2  }
0x8f: {  	_ = 	snop  }
0x90: {  	(tm) =	ssettm $0x1  }
0x91: {  	s18 =	sld [smem:$0x3FFB];
	_ =	sdelay $0x3  }
0x92: {  	_ =	strace s18  }
0x93: {  	s2 =	sld [smem:$0x3FFC];
	_ =	sdelay $0x3  }
0x94: {  	_ =	strace s2  }
0x95: {  	s2 =	sld [smem:$0x3FFD];
	_ =	sdelay $0x3  }
0x96: {  	_ =	strace s2  }
0x97: {  	_ =	strace $0x8FFFFFFF  }
0x98: {  	s19 =	sld [smem:$0x3FDB];
	_ =	sdelay $0x1  }
0x99: {  	s20 =	simm.s32 $_scs_section_size  }
0x9a: {  	s4 =	simm.s32 $_size__tile_overlayer_lowered;
	s5 =	simm.s32 $_tile_overlayer_lowered  }
0x9b: {  	s6 =	simm.s32 $0x1BFF;
	s21 =	sshll.u32 s5, $0x1;
	s3 =	sadd.s32 s20, s19  }
0x9c: {  	s22 =	simm.s32 $0x0;
	s4 =	sshll.u32 s4, $0x1;
	s5 =	sadd.s32 s21, s3  }
0x9d: {  	[timem:s22], [sflag:s6] =	dma.local [hbm:s5], s4  }
0x9e: {  	_ =	swait.ge [sflag:s6], s4  }
0x9f: {  	s4 =	ssub.s32 $0x0, s4;
	[sflag:s6] =	ssyncset.done $0x0  }
0xa0: {  	[sflag:s6] =	ssyncadd.s32 s4;
	_ =	sdelay $0x1  }
0xa1: {  	s23 =	simm.s32 $0x1B8B  }
0xa2: {  	_ =	swait.ge [sflag:s23], $0x1  }
0xa3: {  	[sflag:s23] =	ssyncset.done $0x0  }
0xa4: {  	[sflag:s23] =	ssyncadd.s32 $0xFFFFFFFF  }
0xa5: {  	s4 =	sld [smem:$0x0]  }
0xa6: {  	s5 =	sand.u32 $0xFFFFFFFE, s1  }
0xa7: {  	p0 =	sne.s32 s1, s5  }
0xa8: {  	s5 =	sshll.u32 @p0 s5, $0xE  }
0xa9: {  	s5 =	sadd.s32 @p0 $0x11B8D, s5;
	s6 =	sshll.u32 @p0 s4, $0x11  }
0xaa: {  	s5 =	sor.u32 @p0 s6, s5  }
0xab: {  	[sflag:s5] =	ssyncadd.remote.s32 @p0 $0x1;
	_ =	sdelay $0x1  }
0xac: {  	s5 =	simm.s32 @p0 $0x1B8D  }
0xad: {  	_ =	swait.eq @p0 [sflag:s5], $0x1  }
0xae: {  	[sflag:s5] =	ssyncadd.s32 @p0 $0xFFFFFFFF  }
0xaf: {  	s6 =	sshll.u32 @!p0 s1, $0xE  }
0xb0: {  	s6 =	sor.u32 @!p0 $0x4000, s6;
	s5 =	simm.s32 @!p0 $0x1B8D  }
0xb1: {  	s4 =	sshll.u32 @!p0 s4, $0x11;
	s6 =	sadd.s32 @!p0 $0x11B8D, s6;
	_ =	swait.eq @!p0 [sflag:s5], $0x1  }
0xb2: {  	s4 =	sor.u32 @!p0 s4, s6;
	[sflag:s5] =	ssyncadd.s32 @!p0 $0xFFFFFFFF  }
0xb3: {  	s25 =	simm.s32 $0x1B8E;
	s24 =	sld [smem:$0x3FFE];
	[sflag:s4] =	ssyncadd.remote.s32 @!p0 $0x1  }
0xb4: {  	s26 =	simm.s32 $execute0_lowered;
	[smem:$0x3FD2] =	sst s25  }
0xb5: {  	s5 =	sshll.u32 s26, $0x1;
	_ =	strace $0x80000049;
	[dreg:$0x1] =	wrdreg $0xFFFFFFFF  }
0xb6: {  	s28 =	simm.s32 $_size_execute0_lowered;
	s3 =	sadd.s32 s3, s5;
	[dreg:$0x0] =	wrdreg $0x0  }
0xb7: {  	s5 =	sshll.u32 s28, $0x1;
	[dreg:$0x2] =	wrdreg s3  }
0xb8: {  	[dreg:$0x3] =	wrdreg s5  }
0xb9: {  	[dreg:$0x4] =	wrdreg $0xC0  }
0xba: {  	_ =	task [dreg:s22], $0x5FFFF  }
0xbb: {  	[dreg:$0x1] =	wrdreg $0xFFFFFFFF  }
0xbc: {  	[dreg:$0x0] =	wrdreg $0x60  }
0xbd: {  	[dreg:$0x2] =	wrdreg s24  }
0xbe: {  	[dreg:$0x3] =	wrdreg $0x68800  }
0xbf: {  	[dreg:$0x4] =	wrdreg $0x9  }
0xc0: {  	_ =	task.clear_ibuf [dreg:s22], $0x5FFFF;
	_ =	strace $0x90000049  }
0xc1: {  	s29 =	simm.s32 $0x9;
	_ =	strace $0x8000004B  }
0xc2: {  	_ =	swait.ge [sflag:s29], $0x1  }
0xc3: {  	[sflag:s29] =	ssyncadd.s32 $0xFFFFFFFF  }
0xc4: {  	_ =	strace $0x9000004B  }
0xc5: {  	_ =	sfence  }
0xc6: {  	s30 =	sld [smem:$0x0];
	_ =	sdelay $0x2  }
0xc7: {  	s31 =	sshll.u32 s1, $0xD;
	s1 =	sshrl.u32 s1, $0x2  }
0xc8: {  	s4 =	sand.u32 $0x4000, s31;
	s1 =	sadd.s32 s1, s30  }
0xc9: {  	s0 =	sor.u32 s4, s0;
	s1 =	sshll.u32 s1, $0x11  }
0xca: {  	s0 =	sor.u32 s1, s0  }
0xcb: {  	s0 =	sadd.s32 $0x8F2B, s0  }
0xcc: {  	[sflag:s0] =	ssyncadd.remote.s32 $0x1  }
0xcd: {  	_ =	sfence.sel $0xFFFF  }
0xce: {  	[dreg:$0x0] =	wrdreg $0xFFFFFFFF;
	(pc) =	sbr.abs _section_cstart, $3  }
0xcf: {  	[dreg:$0x1] =	wrdreg $0xFFFFFFFF  }
0xd0: {  	_ =	task.clear_ibuf [dreg:s22], $0x2FFFF;
	_ =	strace $0x9FFFFFFF  }
0xd1: {  	(tm) =	ssettm $0x7FFFFFFF  }
tec
execute0_lowered:
.L_overlay_start_1:
0x0: {  	(tag) =	ssettag $0x1  }
0x1: {  	s0 =	stileid.u32  }
0x2: {  	s6 =	smul.u32 $0x4E20, s0  }
0x3: {  	s1 =	srdreg.scid;
	s8 =	smul.u32 $0x280, s0  }
0x4: {  	s4 =	rddreg [dreg:$0x0];
	s26 =	smul.u32 $0x50000, s0  }
0x5: {  	s2 =	rddreg [dreg:$0x1];
	s5 =	sand.u32 $0x1, s1;
	s16 =	smul.u32 $0x2800, s0  }
0x6: {  	s3 =	simm.s32 $0x0;
	s1 =	rddreg [dreg:$0x2];
	s7 =	smul.u32 $0x2710, s5  }
0x7: {  	[smem:$0x7FF] =	sst s3;
	s25 =	smul.u32 $0x28000, s5  }
0x8: {  	_ =	strace $0x8000004A;
	s28 =	ssub.s32 $0x2, s5;
	s11 =	sadd.s32 $0x80, s8  }
0x9: {  	s5 =	sshrl.u32 s28, $0x1;
	s13 =	sadd.s32 $0x100, s8;
	s14 =	sadd.s32 $0x180, s8  }
0xa: {  	s15 =	sadd.s32 $0x200, s8;
	s6 =	sadd.s32 s7, s6;
	s9 =	sadd.s32 s25, s4  }
0xb: {  	s29 =	sshll.u32 s11, $0x7;
	s12 =	ssub.s32 s28, s5;
	s30 =	sshll.u32 s13, $0x7  }
0xc: {  	s31 =	sshll.u32 s14, $0x7;
	s8 =	sshll.u32 s15, $0x7;
	s17 =	sshll.u32 s11, $0x4  }
0xd: {  	s18 =	sshll.u32 s13, $0x4;
	s20 =	sshll.u32 s14, $0x4;
	s21 =	sshll.u32 s15, $0x4  }
0xe: {  	s11 =	simm.s32 $0x2880;
	s13 =	simm.s32 $0x50;
	s14 =	simm.s32 $0x80  }
0xf: {  	s6 =	sshrl.u32 s6, $0x3;
	s5 =	sadd.s32 s29, s2;
	s7 =	sadd.s32 s31, s2  }
0x10: {  	s8 =	sadd.s32 s8, s2;
	s19 =	sadd.s32 $0x68400, s9;
	s9 =	smax.u32 s12, $0x1  }
0x11: {  	s12 =	simm.s32 $0x1;
	s10 =	sadd.s32 s6, s4;
	s6 =	sshrl.u32 s26, $0x2  }
0x12: {  	s15 =	sadd.s32 s16, s19;
	s16 =	sadd.s32 s17, s19;
	s17 =	sadd.s32 s18, s19  }
0x13: {  	s18 =	sadd.s32 s20, s19;
	s19 =	sadd.s32 s21, s19;
	s20 =	simm.s32 $0x0  }
0x14: {  	v0 =	vimm.f32 $0.0e+00;
	v1 =	vimm.f32 $1.000000000e+00;
	s4 =	sadd.s32 s6, s2;
	s6 =	sadd.s32 s30, s2;
	s10 =	sadd.s32 $0x4800, s10  }
.LBB2_1:
0x15: {  	s21 =	simm.s32 $0x0;
	s22 =	simm.s32 $0x200  }
.LBB2_2:
0x16: {  	p0 =	sne.s32 s22, $0xFE00;
	[tilespmem:s21+$0x28F0] =	vst v0  }
0x17: {  	[tilespmem:s21+$0x2880] =	vst v0  }
0x18: {  	[tilespmem:s21+$0x2890] =	vst v0  }
.Ltmp0:
0x19: {  	[tilespmem:s21+$0x28A0] =	vst v0;
	(pc) =	sbr.rel @p0 .LBB2_2-.Ltmp0, $4  }
0x1a: {  	[tilespmem:s21+$0x28B0] =	vst v0  }
0x1b: {  	[tilespmem:s21+$0x28C0] =	vst v0  }
0x1c: {  	[tilespmem:s21+$0x28D0] =	vst v0  }
0x1d: {  	[tilespmem:s21+$0x28E0] =	vst v0;
	s21 =	sshra.s32 s22, $0x2;
	s22 =	sadd.s32 $0x200, s22  }
0x1e: {  	[tilespmem:s21+$0x28F0] =	vst v0  }
0x1f: {  	[tilespmem:s21+$0x2880] =	vst v0  }
0x20: {  	[tilespmem:s21+$0x2890] =	vst v0  }
0x21: {  	[tilespmem:s21+$0x28A0] =	vst v0  }
0x22: {  	[tilespmem:s21+$0x28B0] =	vst v0  }
0x23: {  	[tilespmem:s21+$0x28C0] =	vst v0  }
0x24: {  	[tilespmem:s21+$0x28D0] =	vst v0  }
0x25: {  	[tilespmem:s21+$0x28E0] =	vst v0  }
0x26: {  	[spmem:s4] =	stream.linear.scatter [tilespmem:s11], [sflag:$0x1], $0x4000, $0x38;
	[tilespmem:$0x1A880] =	vst v63  }
0x27: {  	_ =	swait.ge [sflag:s12], $0x4000  }
0x28: {  	[sflag:s12] =	ssyncset.done $0x0  }
0x29: {  	[sflag:s12] =	ssyncadd.s32 $0xFFFFC000  }
0x2a: {  	[spmem:s5] =	stream.linear.scatter [tilespmem:s11], [sflag:$0x1], $0x4000, $0x38;
	[tilespmem:$0x1A880] =	vst v63  }
0x2b: {  	_ =	swait.ge [sflag:s12], $0x4000  }
0x2c: {  	[sflag:s12] =	ssyncset.done $0x0  }
0x2d: {  	[sflag:s12] =	ssyncadd.s32 $0xFFFFC000  }
0x2e: {  	[spmem:s6] =	stream.linear.scatter [tilespmem:s11], [sflag:$0x1], $0x4000, $0x38;
	[tilespmem:$0x1A880] =	vst v63  }
0x2f: {  	_ =	swait.ge [sflag:s12], $0x4000  }
0x30: {  	[sflag:s12] =	ssyncset.done $0x0  }
0x31: {  	[sflag:s12] =	ssyncadd.s32 $0xFFFFC000  }
0x32: {  	[spmem:s7] =	stream.linear.scatter [tilespmem:s11], [sflag:$0x1], $0x4000, $0x38;
	[tilespmem:$0x1A880] =	vst v63  }
0x33: {  	_ =	swait.ge [sflag:s12], $0x4000  }
0x34: {  	[sflag:s12] =	ssyncset.done $0x0  }
0x35: {  	[sflag:s12] =	ssyncadd.s32 $0xFFFFC000  }
0x36: {  	[spmem:s8] =	stream.linear.scatter [tilespmem:s11], [sflag:$0x1], $0x4000, $0x38;
	[tilespmem:$0x1A880] =	vst v63  }
0x37: {  	_ =	swait.ge [sflag:s12], $0x4000  }
0x38: {  	[sflag:s12] =	ssyncset.done $0x0  }
0x39: {  	s21 =	simm.s32 $0x0;
	s22 =	simm.s32 $0x200;
	[sflag:s12] =	ssyncadd.s32 $0xFFFFC000  }
.LBB2_4:
0x3a: {  	p0 =	sne.s32 s22, $0x9E00;
	[tilespmem:s21+$0xF0] =	vst v1  }
0x3b: {  	[tilespmem:s21+$0x80] =	vst v1  }
0x3c: {  	[tilespmem:s21+$0x90] =	vst v1  }
.Ltmp1:
0x3d: {  	[tilespmem:s21+$0xA0] =	vst v1;
	(pc) =	sbr.rel @p0 .LBB2_4-.Ltmp1, $4  }
0x3e: {  	[tilespmem:s21+$0xB0] =	vst v1  }
0x3f: {  	[tilespmem:s21+$0xC0] =	vst v1  }
0x40: {  	[tilespmem:s21+$0xD0] =	vst v1  }
0x41: {  	[tilespmem:s21+$0xE0] =	vst v1;
	s21 =	sshra.s32 s22, $0x2;
	s22 =	sadd.s32 $0x200, s22  }
0x42: {  	[tilespmem:s21+$0xF0] =	vst v1  }
0x43: {  	[tilespmem:s21+$0x80] =	vst v1  }
0x44: {  	[tilespmem:s21+$0x90] =	vst v1  }
0x45: {  	[tilespmem:s21+$0xA0] =	vst v1  }
0x46: {  	[tilespmem:s21+$0xB0] =	vst v1  }
0x47: {  	[tilespmem:s21+$0xC0] =	vst v1  }
0x48: {  	[tilespmem:s21+$0xD0] =	vst v1  }
0x49: {  	[tilespmem:s21+$0xE0] =	vst v1  }
0x4a: {  	s31 =	sadd.s32 $0x0, s10;
	[bflag:$0x0] =	sbarrier.arrive $0xFFFF  }
0x4b: {  	[tilespmem:s3], [sflag:$0x1] =	stream.linear.gather [hbm4b:s31+s3], $0x50, $0x38;
	[tilespmem:$0x1A880] =	vst v63  }
0x4c: {  	_ =	swait.ge [sflag:s12], $0x50  }
0x4d: {  	[sflag:s12] =	ssyncset.done $0x0  }
0x4e: {  	[sflag:s12] =	ssyncadd.s32 $0xFFFFFFB0  }
0x4f: {  	[spmem:s2] =	stream.indirect.scatter.add.f32 [tilespmem:s14], [sflag:$0x1], $0x80, s3, s13, $0xb8;
	[tilespmem:$0x1A880] =	vst v63  }
0x50: {  	_ =	swait.ge [sflag:s12], $0x2800  }
0x51: {  	s21 =	simm.s32 $0xA;
	s22 =	simm.s32 $0x14;
	[sflag:s12] =	ssyncset.done $0x0  }
.LBB2_6:
0x52: {  	s23 =	sadd.s32 s21, s10  }
0x53: {  	[sflag:s12] =	ssyncadd.s32 $0xFFFFD800;
	s21 =	smov.u32 s22;
	s24 =	sadd.s32 $0xA, s22  }
0x54: {  	[tilespmem:s3], [sflag:$0x1] =	stream.linear.gather [hbm4b:s23+s3], $0x50, $0x38;
	[tilespmem:$0x1A880] =	vst v63  }
0x55: {  	p0 =	sne.s32 s22, $0x4D8;
	_ =	swait.ge [sflag:s12], $0x50  }
.Ltmp2:
0x56: {  	[sflag:s12] =	ssyncset.done $0x0;
	(pc) =	sbr.rel @p0 .LBB2_6-.Ltmp2, $4  }
0x57: {  	[sflag:s12] =	ssyncadd.s32 $0xFFFFFFB0  }
0x58: {  	[spmem:s2] =	stream.indirect.scatter.add.f32 [tilespmem:s14], [sflag:$0x1], $0x80, s3, s13, $0xb8;
	[tilespmem:$0x1A880] =	vst v63  }
0x59: {  	_ =	swait.ge [sflag:s12], $0x2800  }
0x5a: {  	s22 =	smov.u32 s24;
	[sflag:s12] =	ssyncset.done $0x0  }
0x5b: {  	s21 =	sadd.s32 s21, s10;
	[sflag:s12] =	ssyncadd.s32 $0xFFFFD800  }
0x5c: {  	[tilespmem:s3], [sflag:$0x1] =	stream.linear.gather [hbm4b:s21+s3], $0x50, $0x38;
	[tilespmem:$0x1A880] =	vst v63  }
0x5d: {  	_ =	swait.ge [sflag:s12], $0x50  }
0x5e: {  	[sflag:s12] =	ssyncset.done $0x0  }
0x5f: {  	[sflag:s12] =	ssyncadd.s32 $0xFFFFFFB0  }
0x60: {  	[spmem:s2] =	stream.indirect.scatter.add.f32 [tilespmem:s14], [sflag:$0x1], $0x80, s3, s13, $0xb8;
	[tilespmem:$0x1A880] =	vst v63  }
0x61: {  	_ =	swait.ge [sflag:s12], $0x2800  }
0x62: {  	[sflag:s12] =	ssyncset.done $0x0  }
0x63: {  	[sflag:s12] =	ssyncadd.s32 $0xFFFFD800  }
0x64: {  	[bflag:$0x0] =	sbarrier.arrive $0xFFFF  }
0x65: {  	[tilespmem:s11], [sflag:$0x1] =	stream.linear.gather [spmem:s4], $0x4000, $0x38;
	[tilespmem:$0x1A880] =	vst v63  }
0x66: {  	_ =	swait.ge [sflag:s12], $0x4000  }
0x67: {  	[sflag:s12] =	ssyncset.done $0x0  }
0x68: {  	[sflag:s12] =	ssyncadd.s32 $0xFFFFC000  }
0x69: {  	[hbm4b:s15+s3] =	stream.linear.scatter [tilespmem:s11], [sflag:$0x1], $0x4000, $0x38;
	[tilespmem:$0x1A880] =	vst v63  }
0x6a: {  	_ =	swait.ge [sflag:s12], $0x4000  }
0x6b: {  	[sflag:s12] =	ssyncset.done $0x0  }
0x6c: {  	[sflag:s12] =	ssyncadd.s32 $0xFFFFC000  }
0x6d: {  	[tilespmem:s11], [sflag:$0x1] =	stream.linear.gather [spmem:s5], $0x4000, $0x38;
	[tilespmem:$0x1A880] =	vst v63  }
0x6e: {  	_ =	swait.ge [sflag:s12], $0x4000  }
0x6f: {  	[sflag:s12] =	ssyncset.done $0x0  }
0x70: {  	[sflag:s12] =	ssyncadd.s32 $0xFFFFC000  }
0x71: {  	[hbm4b:s16+s3] =	stream.linear.scatter [tilespmem:s11], [sflag:$0x1], $0x4000, $0x38;
	[tilespmem:$0x1A880] =	vst v63  }
0x72: {  	_ =	swait.ge [sflag:s12], $0x4000  }
0x73: {  	[sflag:s12] =	ssyncset.done $0x0  }
0x74: {  	[sflag:s12] =	ssyncadd.s32 $0xFFFFC000  }
0x75: {  	[tilespmem:s11], [sflag:$0x1] =	stream.linear.gather [spmem:s6], $0x4000, $0x38;
	[tilespmem:$0x1A880] =	vst v63  }
0x76: {  	_ =	swait.ge [sflag:s12], $0x4000  }
0x77: {  	[sflag:s12] =	ssyncset.done $0x0  }
0x78: {  	[sflag:s12] =	ssyncadd.s32 $0xFFFFC000  }
0x79: {  	[hbm4b:s17+s3] =	stream.linear.scatter [tilespmem:s11], [sflag:$0x1], $0x4000, $0x38;
	[tilespmem:$0x1A880] =	vst v63  }
0x7a: {  	_ =	swait.ge [sflag:s12], $0x4000  }
0x7b: {  	[sflag:s12] =	ssyncset.done $0x0  }
0x7c: {  	[sflag:s12] =	ssyncadd.s32 $0xFFFFC000  }
0x7d: {  	[tilespmem:s11], [sflag:$0x1] =	stream.linear.gather [spmem:s7], $0x4000, $0x38;
	[tilespmem:$0x1A880] =	vst v63  }
0x7e: {  	_ =	swait.ge [sflag:s12], $0x4000  }
0x7f: {  	[sflag:s12] =	ssyncset.done $0x0  }
0x80: {  	[sflag:s12] =	ssyncadd.s32 $0xFFFFC000  }
0x81: {  	[hbm4b:s18+s3] =	stream.linear.scatter [tilespmem:s11], [sflag:$0x1], $0x4000, $0x38;
	[tilespmem:$0x1A880] =	vst v63  }
0x82: {  	_ =	swait.ge [sflag:s12], $0x4000  }
0x83: {  	[sflag:s12] =	ssyncset.done $0x0  }
0x84: {  	[sflag:s12] =	ssyncadd.s32 $0xFFFFC000  }
0x85: {  	[tilespmem:s11], [sflag:$0x1] =	stream.linear.gather [spmem:s8], $0x4000, $0x38;
	[tilespmem:$0x1A880] =	vst v63  }
0x86: {  	s20 =	sadd.s32 $0x1, s20;
	_ =	swait.ge [sflag:s12], $0x4000  }
0x87: {  	p0 =	sne.s32 s20, s9;
	[sflag:s12] =	ssyncset.done $0x0  }
.Ltmp3:
0x88: {  	[sflag:s12] =	ssyncadd.s32 $0xFFFFC000;
	(pc) =	sbr.rel @p0 .LBB2_1-.Ltmp3, $4  }
0x89: {  	[hbm4b:s19+s3] =	stream.linear.scatter [tilespmem:s11], [sflag:$0x1], $0x4000, $0x38;
	[tilespmem:$0x1A880] =	vst v63  }
0x8a: {  	_ =	swait.ge [sflag:s12], $0x4000  }
0x8b: {  	[sflag:s12] =	ssyncset.done $0x0  }
0x8c: {  	[sflag:s12] =	ssyncadd.s32 $0xFFFFC000  }
0x8d: {  	_ =	sfence.sel $0x180000  }
0x8e: {  	[bflag:$0x0] =	sbarrier.arrive $0xFFFF  }
0x8f: {  	p0 =	sne.s32 s0, $0x0;
	_ =	strace $0x9000004A  }
0x90: {  	s0 =	sadd.s32 @!p0 $0x100000, s1;
	[bflag:$0x2] =	sbarrier.arrive $0xFFFF  }
0x91: {  	[sflag:s0] =	ssyncadd.tile.s32 @!p0 $0x1;
	_ =	shalt  }
.Lfunc_end2:
_tile_overlayer_lowered:
.L_overlay_start_2:
0x92: {  	(tag) =	ssettag $0x2  }
0x93: {  	s0 =	rddreg [dreg:$0x0];
	s2 =	stileid.u32  }
0x94: {  	s1 =	rddreg [dreg:$0x1];
	p0 =	sne.s32 s2, $0x0  }
0x95: {  	s3 =	rddreg [dreg:$0x2];
	[bflag:$0x3] =	sbarrier.arrive $0xFFFF;
	s2 =	simm.s32 @!p0 $0x1C01  }
0x96: {  	[timem:s3], [sflag:s2] =	dma.local @!p0 [hbm:s0], s1  }
0x97: {  	s0 =	simm.s32 @!p0 $0x1  }
0x98: {  	_ =	swait.ge @!p0 [sflag:s0], s1  }
0x99: {  	s1 =	ssub.s32 @!p0 $0x0, s1;
	[sflag:s0] =	ssyncset.done @!p0 $0x0  }
0x9a: {  	[sflag:s0] =	ssyncadd.s32 @!p0 s1  }
0x9b: {  	[bflag:$0x3] =	sbarrier.arrive $0xFFFF  }
0x9c: {  	_ =	shalt  }

// kernel: kernel.16.cloned.1.call-start
scs
__scs_entry_jumppad:
0x0: {  	(pc) =	sbr.rel $0x88, $3  }
0x1: {  	(tag) =	ssettag $0x0;
	lr =	simm.s32 $0x1  }
0x2: {  	[smem:$0x3F8E] =	sst lr;
	_ =	strace $0xD0000000  }
0x3: {  	_ = 	snop  }
0x4: {  	_ = 	snop  }
0x5: {  	_ = 	snop  }
0x6: {  	_ = 	snop  }
0x7: {  	_ = 	snop  }
__scs_overlays_trampoline_lowered:
0x8: {  	[smem:$0x3F9D] =	sst s0  }
0x9: {  	[smem:$0x3F9E] =	sst s1  }
0xa: {  	[smem:$0x3F9F] =	sst s2  }
0xb: {  	[smem:$0x3FA0] =	sst s3  }
0xc: {  	[smem:$0x3FA1] =	sst s4  }
0xd: {  	[smem:$0x3FA2] =	sst s5  }
0xe: {  	[smem:$0x3FA3] =	sst s6  }
0xf: {  	[smem:$0x3FA4] =	sst s7  }
0x10: {  	[smem:$0x3FA5] =	sst s8  }
0x11: {  	[smem:$0x3FA6] =	sst s9;
	s0 =	simm.s32 @!p0 $0x0  }
0x12: {  	s1 =	sld [smem:$0x3F8C];
	s0 =	simm.s32 @p0 $0x1  }
0x13: {  	[smem:$0x3FA7] =	sst s0;
	s0 =	simm.s32 @!p1 $0x0  }
0x14: {  	s2 =	sld [smem:$0x3F8B];
	s0 =	simm.s32 @p1 $0x1  }
0x15: {  	[smem:$0x3FA8] =	sst s0;
	s0 =	simm.s32 @!p2 $0x0  }
0x16: {  	s3 =	sld [smem:$0x3FDB];
	s0 =	simm.s32 @p2 $0x1  }
0x17: {  	s4 =	simm.s32 $0x1BF5;
	[smem:$0x3FAA] =	sst s0  }
0x18: {  	s0 =	sld [smem:$0x3F8D];
	_ =	swait.ge [sflag:s4], $0x0  }
0x19: {  	s7 =	sld [smem:$0x3F8E]  }
0x1a: {  	s8 =	sadd.s32 $0xFFFFE003, lr  }
0x1b: {  	s9 =	sadd.s32 $0xFFFFFEF7, lr;
	s5 =	simm.s32 $0xFFFFFFFF;
	p2 =	slt.u32 s8, $0xFFFFF086  }
0x1c: {  	p1 =	slt.u32 s9, $0xF7A;
	s5 =	simm.s32 @!p2 $0x0  }
0x1d: {  	s5 =	simm.s32 @p1 $0x1;
	p0 =	seq.s32 s7, s2  }
0x1e: {  	s7 =	smul.u32 @!p0 $0xF7A, s2;
	p2 =	seq.s32 @!p0 s5, $0x0  }
0x1f: {  	s9 =	smul.u32 $0xF7A, s1;
	s8 =	simm.s32 @!p0 $0x1BF5;
	p2 =	por !p2, p0  }
0x20: {  	[sflag:s8] =	ssyncset.s32 @!p0 $0xFFFFF086;
	s6 =	sadd.s32 @!p0 s3, s7;
	s7 =	simm.s32 @!p0 $0x108  }
0x21: {  	s3 =	sadd.s32 s3, s9;
	s6 =	sadd.s32 @!p0 $0x88, s6;
	s7 =	simm.s32 @p2 $0x1082  }
0x22: {  	[simem:s7], [sflag:s8] =	dma.local @!p0 [hbm:s6], $0xF7A  }
0x23: {  	s9 =	sor.u32 $0xD0000000, s2;
	s6 =	simm.s32 $0x108;
	_ =	swait.ge @!p0 [sflag:s8], $0x0  }
0x24: {  	s3 =	sadd.s32 $0x88, s3;
	s6 =	simm.s32 @!p1 $0x1082;
	[sflag:s4] =	ssyncset.s32 $0xFFFFF086  }
0x25: {  	[simem:s6], [sflag:s4] =	dma.local [hbm:s3], $0xF7A  }
0x26: {  	[smem:$0x3F8E] =	sst s1;
	(tag) =	ssettag s2;
	_ =	strace s9  }
0x27: {  	s1 =	sld [smem:$0x3F9E]  }
0x28: {  	s2 =	sld [smem:$0x3F9F]  }
0x29: {  	s4 =	sld [smem:$0x3FA1]  }
0x2a: {  	p0 =	seq.s32 s5, $0x0;
	s5 =	sld [smem:$0x3FA2]  }
0x2b: {  	s6 =	sld [smem:$0x3FA3]  }
0x2c: {  	s7 =	sld [smem:$0x3FA4]  }
0x2d: {  	s3 =	simm.s32 $0x108;
	s8 =	sld [smem:$0x3FA5]  }
0x2e: {  	s3 =	simm.s32 @!p0 $0x1082;
	s9 =	sld [smem:$0x3FA6]  }
0x2f: {  	lr =	sadd.s32 s0, s3;
	s0 =	sld [smem:$0x3F9D]  }
0x30: {  	s3 =	sld [smem:$0x3FA0]  }
0x31: {  	[smem:$0x3FA9] =	sst s10  }
0x32: {  	s10 =	sld [smem:$0x3FA7];
	_ =	sdelay $0x3  }
0x33: {  	p0 =	seq.s32 s10, $0x1;
	s10 =	sld [smem:$0x3FA9];
	_ =	sdelay $0x3  }
0x34: {  	[smem:$0x3FA9] =	sst s10  }
0x35: {  	s10 =	sld [smem:$0x3FA8];
	_ =	sdelay $0x3  }
0x36: {  	p1 =	seq.s32 s10, $0x1;
	s10 =	sld [smem:$0x3FA9];
	_ =	sdelay $0x3  }
0x37: {  	[smem:$0x3FA9] =	sst s10  }
0x38: {  	s10 =	sld [smem:$0x3FAA]  }
0x39: {  	_ = 	snop;
	(pc) =	sbr.ind lr, $3  }
0x3a: {  	_ = 	snop  }
0x3b: {  	_ = 	snop  }
0x3c: {  	p2 =	seq.s32 s10, $0x1;
	s10 =	sld [smem:$0x3FA9]  }
0x3d: {  	_ =	shalt  }
0x3e: {  	_ =	shalt  }
0x3f: {  	_ =	shalt  }
0x40: {  	_ =	shalt  }
0x41: {  	_ =	shalt  }
0x42: {  	_ =	shalt  }
0x43: {  	_ =	shalt  }
0x44: {  	_ =	shalt  }
0x45: {  	_ =	shalt  }
0x46: {  	_ =	shalt  }
0x47: {  	_ =	shalt  }
0x48: {  	_ =	shalt  }
0x49: {  	_ =	shalt  }
0x4a: {  	_ =	shalt  }
0x4b: {  	_ =	shalt  }
0x4c: {  	_ =	shalt  }
0x4d: {  	_ =	shalt  }
0x4e: {  	_ =	shalt  }
0x4f: {  	_ =	shalt  }
0x50: {  	_ =	shalt  }
0x51: {  	_ =	shalt  }
0x52: {  	_ =	shalt  }
0x53: {  	_ =	shalt  }
0x54: {  	_ =	shalt  }
0x55: {  	_ =	shalt  }
0x56: {  	_ =	shalt  }
0x57: {  	_ =	shalt  }
0x58: {  	_ =	shalt  }
0x59: {  	_ =	shalt  }
0x5a: {  	_ =	shalt  }
0x5b: {  	_ =	shalt  }
0x5c: {  	_ =	shalt  }
0x5d: {  	_ =	shalt  }
0x5e: {  	_ =	shalt  }
0x5f: {  	_ =	shalt  }
0x60: {  	_ =	shalt  }
0x61: {  	_ =	shalt  }
0x62: {  	_ =	shalt  }
0x63: {  	_ =	shalt  }
0x64: {  	_ =	shalt  }
0x65: {  	_ =	shalt  }
0x66: {  	_ =	shalt  }
0x67: {  	_ =	shalt  }
0x68: {  	_ =	shalt  }
0x69: {  	_ =	shalt  }
0x6a: {  	_ =	shalt  }
0x6b: {  	_ =	shalt  }
0x6c: {  	_ =	shalt  }
0x6d: {  	_ =	shalt  }
0x6e: {  	_ =	shalt  }
0x6f: {  	_ =	shalt  }
0x70: {  	_ =	shalt  }
0x71: {  	_ =	shalt  }
0x72: {  	_ =	shalt  }
0x73: {  	_ =	shalt  }
0x74: {  	_ =	shalt  }
0x75: {  	_ =	shalt  }
0x76: {  	_ =	shalt  }
0x77: {  	_ =	shalt  }
0x78: {  	_ =	shalt  }
0x79: {  	_ =	shalt  }
0x7a: {  	_ =	shalt  }
0x7b: {  	_ =	shalt  }
0x7c: {  	_ =	shalt  }
0x7d: {  	_ =	shalt  }
0x7e: {  	_ =	shalt  }
0x7f: {  	_ =	shalt  }
0x80: {  	_ =	shalt  }
0x81: {  	_ =	shalt  }
0x82: {  	_ =	shalt  }
0x83: {  	_ =	shalt  }
0x84: {  	_ =	shalt  }
0x85: {  	_ =	shalt  }
0x86: {  	_ =	shalt  }
0x87: {  	_ =	shalt  }
.Lfunc_end0:
.L_simem_size_0:
called_computation.1_lowered:
.L_overlay_start_0:
0x88: {  	s2 =	sld [smem:$0x3FD9]  }
0x89: {  	s3 =	sld [smem:$0x3FFE];
	_ =	sdelay $0x1  }
0x8a: {  	s1 =	srdreg.scid  }
0x8b: {  	s0 =	sand.u32 $0x1, s1  }
0x8c: {  	s17 =	sshll.u32 s0, $0xA;
	s2 =	sadd.s32 s3, s2  }
0x8d: {  	s2 =	sadd.s32 s2, s17  }
0x8e: {  	[smem:$0x3FB5] =	sst s2  }
0x8f: {  	_ = 	snop  }
0x90: {  	s2 =	sld [smem:$0x3FC9];
	(tm) =	ssettm $0x1  }
0x91: {  	s18 =	sld [smem:$0x3FFB];
	_ =	sdelay $0x3  }
0x92: {  	_ =	strace s18  }
0x93: {  	s3 =	sld [smem:$0x3FFC];
	_ =	sdelay $0x3  }
0x94: {  	_ =	strace s3  }
0x95: {  	s3 =	sld [smem:$0x3FFD];
	_ =	sdelay $0x3  }
0x96: {  	_ =	strace s3  }
0x97: {  	_ =	strace $0x8FFFFFFF  }
0x98: {  	s19 =	sld [smem:$0x3FDB];
	_ =	sdelay $0x1  }
0x99: {  	s4 =	simm.s32 $_scs_section_size  }
0x9a: {  	s5 =	simm.s32 $_size__tile_overlayer_lowered;
	s6 =	simm.s32 $_tile_overlayer_lowered  }
0x9b: {  	s22 =	simm.s32 $0x1BFF;
	s21 =	sshll.u32 s6, $0x1;
	s3 =	sadd.s32 s4, s19  }
0x9c: {  	s7 =	simm.s32 $0x0;
	s20 =	sshll.u32 s5, $0x1;
	s5 =	sadd.s32 s21, s3  }
0x9d: {  	[timem:s7], [sflag:s22] =	dma.local [hbm:s5], s20  }
0x9e: {  	_ =	swait.ge [sflag:s22], s20  }
0x9f: {  	s4 =	ssub.s32 $0x0, s20;
	[sflag:s22] =	ssyncset.done $0x0  }
0xa0: {  	[sflag:s22] =	ssyncadd.s32 s4;
	_ =	sdelay $0x1  }
0xa1: {  	s23 =	simm.s32 $0x1B8B  }
0xa2: {  	_ =	swait.ge [sflag:s23], $0x1  }
0xa3: {  	[sflag:s23] =	ssyncset.done $0x0  }
0xa4: {  	s25 =	simm.s32 $0x1B8E;
	s24 =	sld [smem:$0x3FFE];
	[sflag:s23] =	ssyncadd.s32 $0xFFFFFFFF  }
0xa5: {  	s26 =	simm.s32 $execute0_lowered;
	[smem:$0x3FD2] =	sst s25  }
0xa6: {  	s5 =	sshll.u32 s26, $0x1;
	_ =	strace $0x80000046;
	[dreg:$0x1] =	wrdreg $0xFFFFFFFF  }
0xa7: {  	s28 =	simm.s32 $_size_execute0_lowered;
	s3 =	sadd.s32 s3, s5;
	[dreg:$0x0] =	wrdreg $0x0  }
0xa8: {  	s5 =	sshll.u32 s28, $0x1;
	[dreg:$0x2] =	wrdreg s3  }
0xa9: {  	[dreg:$0x3] =	wrdreg s5  }
0xaa: {  	[dreg:$0x4] =	wrdreg $0xC0  }
0xab: {  	_ =	task [dreg:s7], $0x5FFFF  }
0xac: {  	[dreg:$0x1] =	wrdreg $0xFFFFFFFF  }
0xad: {  	[dreg:$0x0] =	wrdreg $0x60  }
0xae: {  	[dreg:$0x2] =	wrdreg s2  }
0xaf: {  	[dreg:$0x3] =	wrdreg s24  }
0xb0: {  	[dreg:$0x4] =	wrdreg $0x69000  }
0xb1: {  	[dreg:$0x5] =	wrdreg $0xA  }
0xb2: {  	_ =	task.clear_ibuf [dreg:s7], $0x6FFFF;
	_ =	strace $0x90000046  }
0xb3: {  	s29 =	simm.s32 $0xA;
	_ =	strace $0x80000048  }
0xb4: {  	_ =	swait.ge [sflag:s29], $0x1  }
0xb5: {  	[sflag:s29] =	ssyncadd.s32 $0xFFFFFFFF  }
0xb6: {  	_ =	strace $0x90000048  }
0xb7: {  	_ =	sfence  }
0xb8: {  	s30 =	sld [smem:$0x0];
	_ =	sdelay $0x2  }
0xb9: {  	s31 =	sshll.u32 s1, $0xD;
	s1 =	sshrl.u32 s1, $0x2  }
0xba: {  	s3 =	sand.u32 $0x4000, s31;
	s1 =	sadd.s32 s1, s30  }
0xbb: {  	s0 =	sor.u32 s3, s0;
	s1 =	sshll.u32 s1, $0x11  }
0xbc: {  	s0 =	sor.u32 s1, s0  }
0xbd: {  	s0 =	sadd.s32 $0x8F2B, s0  }
0xbe: {  	[sflag:s0] =	ssyncadd.remote.s32 $0x1  }
0xbf: {  	_ =	sfence.sel $0xFFFF  }
0xc0: {  	[dreg:$0x0] =	wrdreg $0xFFFFFFFF;
	(pc) =	sbr.abs _section_cstart, $3  }
0xc1: {  	[dreg:$0x1] =	wrdreg $0xFFFFFFFF  }
0xc2: {  	_ =	task.clear_ibuf [dreg:s7], $0x2FFFF;
	_ =	strace $0x9FFFFFFF  }
0xc3: {  	(tm) =	ssettm $0x7FFFFFFF  }
tec
execute0_lowered:
.L_overlay_start_1:
0x0: {  	(tag) =	ssettag $0x1  }
0x1: {  	s1 =	rddreg [dreg:$0x0];
	s0 =	stileid.u32  }
0x2: {  	s2 =	srdreg.scid;
	s7 =	smul.u32 $0x4E20, s0  }
0x3: {  	s5 =	rddreg [dreg:$0x1];
	s9 =	smul.u32 $0x280, s0  }
0x4: {  	s3 =	rddreg [dreg:$0x2];
	s4 =	simm.s32 $0x0;
	s26 =	smul.u32 $0x50000, s0  }
0x5: {  	s17 =	simm.s32 $0x100;
	s6 =	sand.u32 $0x1, s2;
	s19 =	smul.u32 $0x2800, s0  }
0x6: {  	s18 =	simm.s32 $0x1;
	s2 =	rddreg [dreg:$0x3];
	s8 =	smul.u32 $0x2710, s6  }
0x7: {  	[smem:$0x7FF] =	sst s4;
	s25 =	smul.u32 $0x28000, s6;
	s28 =	ssub.s32 $0x2, s6  }
0x8: {  	_ =	strace $0x80000047;
	s11 =	sadd.s32 $0x80, s9;
	s6 =	sshrl.u32 s28, $0x1  }
0x9: {  	s14 =	sadd.s32 $0x100, s9;
	s15 =	sadd.s32 $0x180, s9;
	s16 =	sadd.s32 $0x200, s9  }
0xa: {  	s7 =	sadd.s32 s8, s7;
	s10 =	sadd.s32 s25, s5;
	s29 =	sshll.u32 s11, $0x7  }
0xb: {  	s13 =	ssub.s32 s28, s6;
	s30 =	sshll.u32 s14, $0x7;
	s31 =	sshll.u32 s15, $0x7  }
0xc: {  	s9 =	sshll.u32 s16, $0x7;
	s20 =	sshll.u32 s11, $0x4;
	s21 =	sshll.u32 s14, $0x4  }
0xd: {  	s22 =	sshll.u32 s15, $0x4;
	s24 =	sshll.u32 s16, $0x4;
	s14 =	simm.s32 $0x2  }
0xe: {  	s15 =	simm.s32 $0x80;
	s16 =	simm.s32 $0x50;
	s7 =	sshrl.u32 s7, $0x3  }
0xf: {  	s6 =	sadd.s32 s29, s3;
	s8 =	sadd.s32 s31, s3;
	s9 =	sadd.s32 s9, s3  }
0x10: {  	s23 =	sadd.s32 $0x18400, s10;
	s10 =	smax.u32 s13, $0x1;
	s13 =	simm.s32 $0x2900  }
0x11: {  	s12 =	sadd.s32 s7, s5;
	s7 =	sshrl.u32 s26, $0x2;
	s19 =	sadd.s32 s19, s23  }
0x12: {  	s20 =	sadd.s32 s20, s23;
	s21 =	sadd.s32 s21, s23;
	s22 =	sadd.s32 s22, s23  }
0x13: {  	s23 =	sadd.s32 s24, s23;
	s24 =	simm.s32 $0x0;
	s5 =	sadd.s32 s7, s3  }
0x14: {  	v0 =	vimm.f32 $0.0e+00;
	s7 =	sadd.s32 s30, s3;
	s11 =	sadd.s32 $0x4800, s12;
	s12 =	sadd.s32 $0xE600, s12  }
.LBB2_1:
0x15: {  	s25 =	simm.s32 $0x0;
	s26 =	simm.s32 $0x200  }
.LBB2_2:
0x16: {  	p0 =	sne.s32 s26, $0xFE00;
	[tilespmem:s25+$0x2970] =	vst v0  }
0x17: {  	[tilespmem:s25+$0x2900] =	vst v0  }
0x18: {  	[tilespmem:s25+$0x2910] =	vst v0  }
.Ltmp0:
0x19: {  	[tilespmem:s25+$0x2920] =	vst v0;
	(pc) =	sbr.rel @p0 .LBB2_2-.Ltmp0, $4  }
0x1a: {  	[tilespmem:s25+$0x2930] =	vst v0  }
0x1b: {  	[tilespmem:s25+$0x2940] =	vst v0  }
0x1c: {  	[tilespmem:s25+$0x2950] =	vst v0  }
0x1d: {  	[tilespmem:s25+$0x2960] =	vst v0;
	s25 =	sshra.s32 s26, $0x2;
	s26 =	sadd.s32 $0x200, s26  }
0x1e: {  	[tilespmem:s25+$0x2970] =	vst v0  }
0x1f: {  	[tilespmem:s25+$0x2900] =	vst v0  }
0x20: {  	[tilespmem:s25+$0x2910] =	vst v0  }
0x21: {  	[tilespmem:s25+$0x2920] =	vst v0  }
0x22: {  	[tilespmem:s25+$0x2930] =	vst v0  }
0x23: {  	[tilespmem:s25+$0x2940] =	vst v0  }
0x24: {  	[tilespmem:s25+$0x2950] =	vst v0  }
0x25: {  	[tilespmem:s25+$0x2960] =	vst v0  }
0x26: {  	[spmem:s5] =	stream.linear.scatter [tilespmem:s13], [sflag:$0x2], $0x4000, $0x38;
	[tilespmem:$0x1A900] =	vst v63  }
0x27: {  	_ =	swait.ge [sflag:s14], $0x4000  }
0x28: {  	[sflag:s14] =	ssyncset.done $0x0  }
0x29: {  	[sflag:s14] =	ssyncadd.s32 $0xFFFFC000  }
0x2a: {  	[spmem:s6] =	stream.linear.scatter [tilespmem:s13], [sflag:$0x2], $0x4000, $0x38;
	[tilespmem:$0x1A900] =	vst v63  }
0x2b: {  	_ =	swait.ge [sflag:s14], $0x4000  }
0x2c: {  	[sflag:s14] =	ssyncset.done $0x0  }
0x2d: {  	[sflag:s14] =	ssyncadd.s32 $0xFFFFC000  }
0x2e: {  	[spmem:s7] =	stream.linear.scatter [tilespmem:s13], [sflag:$0x2], $0x4000, $0x38;
	[tilespmem:$0x1A900] =	vst v63  }
0x2f: {  	_ =	swait.ge [sflag:s14], $0x4000  }
0x30: {  	[sflag:s14] =	ssyncset.done $0x0  }
0x31: {  	[sflag:s14] =	ssyncadd.s32 $0xFFFFC000  }
0x32: {  	[spmem:s8] =	stream.linear.scatter [tilespmem:s13], [sflag:$0x2], $0x4000, $0x38;
	[tilespmem:$0x1A900] =	vst v63  }
0x33: {  	_ =	swait.ge [sflag:s14], $0x4000  }
0x34: {  	[sflag:s14] =	ssyncset.done $0x0  }
0x35: {  	[sflag:s14] =	ssyncadd.s32 $0xFFFFC000  }
0x36: {  	[spmem:s9] =	stream.linear.scatter [tilespmem:s13], [sflag:$0x2], $0x4000, $0x38;
	[tilespmem:$0x1A900] =	vst v63  }
0x37: {  	_ =	swait.ge [sflag:s14], $0x4000  }
0x38: {  	[sflag:s14] =	ssyncset.done $0x0  }
0x39: {  	[sflag:s14] =	ssyncadd.s32 $0xFFFFC000  }
0x3a: {  	s30 =	sadd.s32 $0x0, s12;
	[bflag:$0x0] =	sbarrier.arrive $0xFFFF  }
0x3b: {  	[tilespmem:s4], [sflag:$0x2] =	stream.linear.gather [hbm4b:s30+s4], $0x50, $0x38;
	[tilespmem:$0x1A900] =	vst v63  }
0x3c: {  	_ =	swait.ge [sflag:s14], $0x50  }
0x3d: {  	[sflag:s14] =	ssyncset.done $0x0  }
0x3e: {  	s31 =	sadd.s32 $0x0, s11;
	[sflag:s14] =	ssyncadd.s32 $0xFFFFFFB0  }
0x3f: {  	[tilespmem:s15], [sflag:$0x2] =	stream.linear.gather [hbm4b:s31+s4], $0x50, $0x38;
	[tilespmem:$0x1A900] =	vst v63  }
0x40: {  	_ =	swait.ge [sflag:s14], $0x50  }
0x41: {  	[sflag:s14] =	ssyncset.done $0x0  }
0x42: {  	[sflag:s14] =	ssyncadd.s32 $0xFFFFFFB0  }
0x43: {  	[tilespmem:s17], [sflag:$0x1] =	stream.indirect.gather [hbm4b:s1+s16], $0x80, s4, s16, $0xb8;
	[tilespmem:$0x1A900] =	vst v63  }
0x44: {  	_ =	swait.ge [sflag:s18], $0x2800  }
0x45: {  	[sflag:s18] =	ssyncset.done $0x0  }
0x46: {  	[sflag:s18] =	ssyncadd.s32 $0xFFFFD800  }
0x47: {  	[spmem:s3] =	stream.indirect.scatter.add.f32 [tilespmem:s17], [sflag:$0x2], $0x80, s15, s16, $0xb8;
	[tilespmem:$0x1A900] =	vst v63  }
0x48: {  	_ =	swait.ge [sflag:s14], $0x2800  }
0x49: {  	s25 =	simm.s32 $0xA;
	s26 =	simm.s32 $0x14;
	[sflag:s14] =	ssyncset.done $0x0  }
.LBB2_4:
0x4a: {  	s28 =	sadd.s32 s25, s12  }
0x4b: {  	[sflag:s14] =	ssyncadd.s32 $0xFFFFD800;
	s29 =	smov.u32 s26;
	s30 =	sadd.s32 $0xA, s26  }
0x4c: {  	[tilespmem:s4], [sflag:$0x2] =	stream.linear.gather [hbm4b:s28+s4], $0x50, $0x38;
	[tilespmem:$0x1A900] =	vst v63  }
0x4d: {  	p0 =	sne.s32 s26, $0x4D8;
	_ =	swait.ge [sflag:s14], $0x50  }
0x4e: {  	[sflag:s14] =	ssyncset.done $0x0  }
0x4f: {  	s26 =	sadd.s32 s25, s11;
	s25 =	smov.u32 s29;
	[sflag:s14] =	ssyncadd.s32 $0xFFFFFFB0  }
0x50: {  	[tilespmem:s15], [sflag:$0x2] =	stream.linear.gather [hbm4b:s26+s4], $0x50, $0x38;
	[tilespmem:$0x1A900] =	vst v63  }
0x51: {  	_ =	swait.ge [sflag:s14], $0x50  }
0x52: {  	[sflag:s14] =	ssyncset.done $0x0  }
0x53: {  	[sflag:s14] =	ssyncadd.s32 $0xFFFFFFB0  }
0x54: {  	[tilespmem:s17], [sflag:$0x1] =	stream.indirect.gather [hbm4b:s1+s16], $0x80, s4, s16, $0xb8;
	[tilespmem:$0x1A900] =	vst v63  }
0x55: {  	_ =	swait.ge [sflag:s18], $0x2800  }
.Ltmp1:
0x56: {  	[sflag:s18] =	ssyncset.done $0x0;
	(pc) =	sbr.rel @p0 .LBB2_4-.Ltmp1, $4  }
0x57: {  	[sflag:s18] =	ssyncadd.s32 $0xFFFFD800  }
0x58: {  	[spmem:s3] =	stream.indirect.scatter.add.f32 [tilespmem:s17], [sflag:$0x2], $0x80, s15, s16, $0xb8;
	[tilespmem:$0x1A900] =	vst v63  }
0x59: {  	_ =	swait.ge [sflag:s14], $0x2800  }
0x5a: {  	s26 =	smov.u32 s30;
	[sflag:s14] =	ssyncset.done $0x0  }
0x5b: {  	s26 =	sadd.s32 s25, s12;
	[sflag:s14] =	ssyncadd.s32 $0xFFFFD800  }
0x5c: {  	[tilespmem:s4], [sflag:$0x2] =	stream.linear.gather [hbm4b:s26+s4], $0x50, $0x38;
	[tilespmem:$0x1A900] =	vst v63  }
0x5d: {  	_ =	swait.ge [sflag:s14], $0x50  }
0x5e: {  	[sflag:s14] =	ssyncset.done $0x0  }
0x5f: {  	s31 =	sadd.s32 s25, s11;
	[sflag:s14] =	ssyncadd.s32 $0xFFFFFFB0  }
0x60: {  	[tilespmem:s15], [sflag:$0x2] =	stream.linear.gather [hbm4b:s31+s4], $0x50, $0x38;
	[tilespmem:$0x1A900] =	vst v63  }
0x61: {  	_ =	swait.ge [sflag:s14], $0x50  }
0x62: {  	[sflag:s14] =	ssyncset.done $0x0  }
0x63: {  	[sflag:s14] =	ssyncadd.s32 $0xFFFFFFB0  }
0x64: {  	[tilespmem:s17], [sflag:$0x1] =	stream.indirect.gather [hbm4b:s1+s16], $0x80, s4, s16, $0xb8;
	[tilespmem:$0x1A900] =	vst v63  }
0x65: {  	_ =	swait.ge [sflag:s18], $0x2800  }
0x66: {  	[sflag:s18] =	ssyncset.done $0x0  }
0x67: {  	[sflag:s18] =	ssyncadd.s32 $0xFFFFD800  }
0x68: {  	[spmem:s3] =	stream.indirect.scatter.add.f32 [tilespmem:s17], [sflag:$0x2], $0x80, s15, s16, $0xb8;
	[tilespmem:$0x1A900] =	vst v63  }
0x69: {  	_ =	swait.ge [sflag:s14], $0x2800  }
0x6a: {  	[sflag:s14] =	ssyncset.done $0x0  }
0x6b: {  	[sflag:s14] =	ssyncadd.s32 $0xFFFFD800  }
0x6c: {  	[bflag:$0x0] =	sbarrier.arrive $0xFFFF  }
0x6d: {  	[tilespmem:s13], [sflag:$0x2] =	stream.linear.gather [spmem:s5], $0x4000, $0x38;
	[tilespmem:$0x1A900] =	vst v63  }
0x6e: {  	_ =	swait.ge [sflag:s14], $0x4000  }
0x6f: {  	[sflag:s14] =	ssyncset.done $0x0  }
0x70: {  	[sflag:s14] =	ssyncadd.s32 $0xFFFFC000  }
0x71: {  	[hbm4b:s19+s4] =	stream.linear.scatter [tilespmem:s13], [sflag:$0x2], $0x4000, $0x38;
	[tilespmem:$0x1A900] =	vst v63  }
0x72: {  	_ =	swait.ge [sflag:s14], $0x4000  }
0x73: {  	[sflag:s14] =	ssyncset.done $0x0  }
0x74: {  	[sflag:s14] =	ssyncadd.s32 $0xFFFFC000  }
0x75: {  	[tilespmem:s13], [sflag:$0x2] =	stream.linear.gather [spmem:s6], $0x4000, $0x38;
	[tilespmem:$0x1A900] =	vst v63  }
0x76: {  	_ =	swait.ge [sflag:s14], $0x4000  }
0x77: {  	[sflag:s14] =	ssyncset.done $0x0  }
0x78: {  	[sflag:s14] =	ssyncadd.s32 $0xFFFFC000  }
0x79: {  	[hbm4b:s20+s4] =	stream.linear.scatter [tilespmem:s13], [sflag:$0x2], $0x4000, $0x38;
	[tilespmem:$0x1A900] =	vst v63  }
0x7a: {  	_ =	swait.ge [sflag:s14], $0x4000  }
0x7b: {  	[sflag:s14] =	ssyncset.done $0x0  }
0x7c: {  	[sflag:s14] =	ssyncadd.s32 $0xFFFFC000  }
0x7d: {  	[tilespmem:s13], [sflag:$0x2] =	stream.linear.gather [spmem:s7], $0x4000, $0x38;
	[tilespmem:$0x1A900] =	vst v63  }
0x7e: {  	_ =	swait.ge [sflag:s14], $0x4000  }
0x7f: {  	[sflag:s14] =	ssyncset.done $0x0  }
0x80: {  	[sflag:s14] =	ssyncadd.s32 $0xFFFFC000  }
0x81: {  	[hbm4b:s21+s4] =	stream.linear.scatter [tilespmem:s13], [sflag:$0x2], $0x4000, $0x38;
	[tilespmem:$0x1A900] =	vst v63  }
0x82: {  	_ =	swait.ge [sflag:s14], $0x4000  }
0x83: {  	[sflag:s14] =	ssyncset.done $0x0  }
0x84: {  	[sflag:s14] =	ssyncadd.s32 $0xFFFFC000  }
0x85: {  	[tilespmem:s13], [sflag:$0x2] =	stream.linear.gather [spmem:s8], $0x4000, $0x38;
	[tilespmem:$0x1A900] =	vst v63  }
0x86: {  	_ =	swait.ge [sflag:s14], $0x4000  }
0x87: {  	[sflag:s14] =	ssyncset.done $0x0  }
0x88: {  	[sflag:s14] =	ssyncadd.s32 $0xFFFFC000  }
0x89: {  	[hbm4b:s22+s4] =	stream.linear.scatter [tilespmem:s13], [sflag:$0x2], $0x4000, $0x38;
	[tilespmem:$0x1A900] =	vst v63  }
0x8a: {  	_ =	swait.ge [sflag:s14], $0x4000  }
0x8b: {  	[sflag:s14] =	ssyncset.done $0x0  }
0x8c: {  	[sflag:s14] =	ssyncadd.s32 $0xFFFFC000  }
0x8d: {  	[tilespmem:s13], [sflag:$0x2] =	stream.linear.gather [spmem:s9], $0x4000, $0x38;
	[tilespmem:$0x1A900] =	vst v63  }
0x8e: {  	s24 =	sadd.s32 $0x1, s24;
	_ =	swait.ge [sflag:s14], $0x4000  }
0x8f: {  	p0 =	sne.s32 s24, s10;
	[sflag:s14] =	ssyncset.done $0x0  }
.Ltmp2:
0x90: {  	[sflag:s14] =	ssyncadd.s32 $0xFFFFC000;
	(pc) =	sbr.rel @p0 .LBB2_1-.Ltmp2, $4  }
0x91: {  	[hbm4b:s23+s4] =	stream.linear.scatter [tilespmem:s13], [sflag:$0x2], $0x4000, $0x38;
	[tilespmem:$0x1A900] =	vst v63  }
0x92: {  	_ =	swait.ge [sflag:s14], $0x4000  }
0x93: {  	[sflag:s14] =	ssyncset.done $0x0  }
0x94: {  	[sflag:s14] =	ssyncadd.s32 $0xFFFFC000  }
0x95: {  	_ =	sfence.sel $0x180000  }
0x96: {  	[bflag:$0x0] =	sbarrier.arrive $0xFFFF  }
0x97: {  	p0 =	sne.s32 s0, $0x0;
	_ =	strace $0x90000047  }
0x98: {  	s0 =	sadd.s32 @!p0 $0x100000, s2;
	[bflag:$0x2] =	sbarrier.arrive $0xFFFF  }
0x99: {  	[sflag:s0] =	ssyncadd.tile.s32 @!p0 $0x1;
	_ =	shalt  }
.Lfunc_end2:
_tile_overlayer_lowered:
.L_overlay_start_2:
0x9a: {  	(tag) =	ssettag $0x2  }
0x9b: {  	s0 =	rddreg [dreg:$0x0];
	s2 =	stileid.u32  }
0x9c: {  	s1 =	rddreg [dreg:$0x1];
	p0 =	sne.s32 s2, $0x0  }
0x9d: {  	s3 =	rddreg [dreg:$0x2];
	[bflag:$0x3] =	sbarrier.arrive $0xFFFF;
	s2 =	simm.s32 @!p0 $0x1C02  }
0x9e: {  	[timem:s3], [sflag:s2] =	dma.local @!p0 [hbm:s0], s1  }
0x9f: {  	s0 =	simm.s32 @!p0 $0x2  }
0xa0: {  	_ =	swait.ge @!p0 [sflag:s0], s1  }
0xa1: {  	s1 =	ssub.s32 @!p0 $0x0, s1;
	[sflag:s0] =	ssyncset.done @!p0 $0x0  }
0xa2: {  	[sflag:s0] =	ssyncadd.s32 @!p0 s1  }
0xa3: {  	[bflag:$0x3] =	sbarrier.arrive $0xFFFF  }
0xa4: {  	_ =	shalt  }

// kernel: kernel.19.cloned.1.call-start
scs
__scs_entry_jumppad:
0x0: {  	(pc) =	sbr.rel $0x88, $3  }
0x1: {  	(tag) =	ssettag $0x0;
	lr =	simm.s32 $0x1  }
0x2: {  	[smem:$0x3F8E] =	sst lr;
	_ =	strace $0xD0000000  }
0x3: {  	_ = 	snop  }
0x4: {  	_ = 	snop  }
0x5: {  	_ = 	snop  }
0x6: {  	_ = 	snop  }
0x7: {  	_ = 	snop  }
__scs_overlays_trampoline_lowered:
0x8: {  	[smem:$0x3F9D] =	sst s0  }
0x9: {  	[smem:$0x3F9E] =	sst s1  }
0xa: {  	[smem:$0x3F9F] =	sst s2  }
0xb: {  	[smem:$0x3FA0] =	sst s3  }
0xc: {  	[smem:$0x3FA1] =	sst s4  }
0xd: {  	[smem:$0x3FA2] =	sst s5  }
0xe: {  	[smem:$0x3FA3] =	sst s6  }
0xf: {  	[smem:$0x3FA4] =	sst s7  }
0x10: {  	[smem:$0x3FA5] =	sst s8  }
0x11: {  	[smem:$0x3FA6] =	sst s9;
	s0 =	simm.s32 @!p0 $0x0  }
0x12: {  	s1 =	sld [smem:$0x3F8C];
	s0 =	simm.s32 @p0 $0x1  }
0x13: {  	[smem:$0x3FA7] =	sst s0;
	s0 =	simm.s32 @!p1 $0x0  }
0x14: {  	s2 =	sld [smem:$0x3F8B];
	s0 =	simm.s32 @p1 $0x1  }
0x15: {  	[smem:$0x3FA8] =	sst s0;
	s0 =	simm.s32 @!p2 $0x0  }
0x16: {  	s3 =	sld [smem:$0x3FDB];
	s0 =	simm.s32 @p2 $0x1  }
0x17: {  	s4 =	simm.s32 $0x1BF5;
	[smem:$0x3FAA] =	sst s0  }
0x18: {  	s0 =	sld [smem:$0x3F8D];
	_ =	swait.ge [sflag:s4], $0x0  }
0x19: {  	s7 =	sld [smem:$0x3F8E]  }
0x1a: {  	s8 =	sadd.s32 $0xFFFFE003, lr  }
0x1b: {  	s9 =	sadd.s32 $0xFFFFFEF7, lr;
	s5 =	simm.s32 $0xFFFFFFFF;
	p2 =	slt.u32 s8, $0xFFFFF086  }
0x1c: {  	p1 =	slt.u32 s9, $0xF7A;
	s5 =	simm.s32 @!p2 $0x0  }
0x1d: {  	s5 =	simm.s32 @p1 $0x1;
	p0 =	seq.s32 s7, s2  }
0x1e: {  	s7 =	smul.u32 @!p0 $0xF7A, s2;
	p2 =	seq.s32 @!p0 s5, $0x0  }
0x1f: {  	s9 =	smul.u32 $0xF7A, s1;
	s8 =	simm.s32 @!p0 $0x1BF5;
	p2 =	por !p2, p0  }
0x20: {  	[sflag:s8] =	ssyncset.s32 @!p0 $0xFFFFF086;
	s6 =	sadd.s32 @!p0 s3, s7;
	s7 =	simm.s32 @!p0 $0x108  }
0x21: {  	s3 =	sadd.s32 s3, s9;
	s6 =	sadd.s32 @!p0 $0x88, s6;
	s7 =	simm.s32 @p2 $0x1082  }
0x22: {  	[simem:s7], [sflag:s8] =	dma.local @!p0 [hbm:s6], $0xF7A  }
0x23: {  	s9 =	sor.u32 $0xD0000000, s2;
	s6 =	simm.s32 $0x108;
	_ =	swait.ge @!p0 [sflag:s8], $0x0  }
0x24: {  	s3 =	sadd.s32 $0x88, s3;
	s6 =	simm.s32 @!p1 $0x1082;
	[sflag:s4] =	ssyncset.s32 $0xFFFFF086  }
0x25: {  	[simem:s6], [sflag:s4] =	dma.local [hbm:s3], $0xF7A  }
0x26: {  	[smem:$0x3F8E] =	sst s1;
	(tag) =	ssettag s2;
	_ =	strace s9  }
0x27: {  	s1 =	sld [smem:$0x3F9E]  }
0x28: {  	s2 =	sld [smem:$0x3F9F]  }
0x29: {  	s4 =	sld [smem:$0x3FA1]  }
0x2a: {  	p0 =	seq.s32 s5, $0x0;
	s5 =	sld [smem:$0x3FA2]  }
0x2b: {  	s6 =	sld [smem:$0x3FA3]  }
0x2c: {  	s7 =	sld [smem:$0x3FA4]  }
0x2d: {  	s3 =	simm.s32 $0x108;
	s8 =	sld [smem:$0x3FA5]  }
0x2e: {  	s3 =	simm.s32 @!p0 $0x1082;
	s9 =	sld [smem:$0x3FA6]  }
0x2f: {  	lr =	sadd.s32 s0, s3;
	s0 =	sld [smem:$0x3F9D]  }
0x30: {  	s3 =	sld [smem:$0x3FA0]  }
0x31: {  	[smem:$0x3FA9] =	sst s10  }
0x32: {  	s10 =	sld [smem:$0x3FA7];
	_ =	sdelay $0x3  }
0x33: {  	p0 =	seq.s32 s10, $0x1;
	s10 =	sld [smem:$0x3FA9];
	_ =	sdelay $0x3  }
0x34: {  	[smem:$0x3FA9] =	sst s10  }
0x35: {  	s10 =	sld [smem:$0x3FA8];
	_ =	sdelay $0x3  }
0x36: {  	p1 =	seq.s32 s10, $0x1;
	s10 =	sld [smem:$0x3FA9];
	_ =	sdelay $0x3  }
0x37: {  	[smem:$0x3FA9] =	sst s10  }
0x38: {  	s10 =	sld [smem:$0x3FAA]  }
0x39: {  	_ = 	snop;
	(pc) =	sbr.ind lr, $3  }
0x3a: {  	_ = 	snop  }
0x3b: {  	_ = 	snop  }
0x3c: {  	p2 =	seq.s32 s10, $0x1;
	s10 =	sld [smem:$0x3FA9]  }
0x3d: {  	_ =	shalt  }
0x3e: {  	_ =	shalt  }
0x3f: {  	_ =	shalt  }
0x40: {  	_ =	shalt  }
0x41: {  	_ =	shalt  }
0x42: {  	_ =	shalt  }
0x43: {  	_ =	shalt  }
0x44: {  	_ =	shalt  }
0x45: {  	_ =	shalt  }
0x46: {  	_ =	shalt  }
0x47: {  	_ =	shalt  }
0x48: {  	_ =	shalt  }
0x49: {  	_ =	shalt  }
0x4a: {  	_ =	shalt  }
0x4b: {  	_ =	shalt  }
0x4c: {  	_ =	shalt  }
0x4d: {  	_ =	shalt  }
0x4e: {  	_ =	shalt  }
0x4f: {  	_ =	shalt  }
0x50: {  	_ =	shalt  }
0x51: {  	_ =	shalt  }
0x52: {  	_ =	shalt  }
0x53: {  	_ =	shalt  }
0x54: {  	_ =	shalt  }
0x55: {  	_ =	shalt  }
0x56: {  	_ =	shalt  }
0x57: {  	_ =	shalt  }
0x58: {  	_ =	shalt  }
0x59: {  	_ =	shalt  }
0x5a: {  	_ =	shalt  }
0x5b: {  	_ =	shalt  }
0x5c: {  	_ =	shalt  }
0x5d: {  	_ =	shalt  }
0x5e: {  	_ =	shalt  }
0x5f: {  	_ =	shalt  }
0x60: {  	_ =	shalt  }
0x61: {  	_ =	shalt  }
0x62: {  	_ =	shalt  }
0x63: {  	_ =	shalt  }
0x64: {  	_ =	shalt  }
0x65: {  	_ =	shalt  }
0x66: {  	_ =	shalt  }
0x67: {  	_ =	shalt  }
0x68: {  	_ =	shalt  }
0x69: {  	_ =	shalt  }
0x6a: {  	_ =	shalt  }
0x6b: {  	_ =	shalt  }
0x6c: {  	_ =	shalt  }
0x6d: {  	_ =	shalt  }
0x6e: {  	_ =	shalt  }
0x6f: {  	_ =	shalt  }
0x70: {  	_ =	shalt  }
0x71: {  	_ =	shalt  }
0x72: {  	_ =	shalt  }
0x73: {  	_ =	shalt  }
0x74: {  	_ =	shalt  }
0x75: {  	_ =	shalt  }
0x76: {  	_ =	shalt  }
0x77: {  	_ =	shalt  }
0x78: {  	_ =	shalt  }
0x79: {  	_ =	shalt  }
0x7a: {  	_ =	shalt  }
0x7b: {  	_ =	shalt  }
0x7c: {  	_ =	shalt  }
0x7d: {  	_ =	shalt  }
0x7e: {  	_ =	shalt  }
0x7f: {  	_ =	shalt  }
0x80: {  	_ =	shalt  }
0x81: {  	_ =	shalt  }
0x82: {  	_ =	shalt  }
0x83: {  	_ =	shalt  }
0x84: {  	_ =	shalt  }
0x85: {  	_ =	shalt  }
0x86: {  	_ =	shalt  }
0x87: {  	_ =	shalt  }
.Lfunc_end0:
.L_simem_size_0:
called_computation.2_lowered:
.L_overlay_start_0:
0x88: {  	s2 =	sld [smem:$0x3FD9]  }
0x89: {  	s3 =	sld [smem:$0x3FFE];
	_ =	sdelay $0x1  }
0x8a: {  	s1 =	srdreg.scid  }
0x8b: {  	s0 =	sand.u32 $0x1, s1  }
0x8c: {  	s16 =	sshll.u32 s0, $0xA;
	s2 =	sadd.s32 s3, s2  }
0x8d: {  	s2 =	sadd.s32 s2, s16  }
0x8e: {  	[smem:$0x3FB5] =	sst s2  }
0x8f: {  	_ = 	snop  }
0x90: {  	(tm) =	ssettm $0x1  }
0x91: {  	s17 =	sld [smem:$0x3FFB];
	_ =	sdelay $0x3  }
0x92: {  	_ =	strace s17  }
0x93: {  	s2 =	sld [smem:$0x3FFC];
	_ =	sdelay $0x3  }
0x94: {  	_ =	strace s2  }
0x95: {  	s2 =	sld [smem:$0x3FFD];
	_ =	sdelay $0x3  }
0x96: {  	_ =	strace s2  }
0x97: {  	_ =	strace $0x8FFFFFFF  }
0x98: {  	s18 =	sld [smem:$0x3FDB];
	_ =	sdelay $0x1  }
0x99: {  	s19 =	simm.s32 $_scs_section_size  }
0x9a: {  	s4 =	simm.s32 $_size__tile_overlayer_lowered;
	s5 =	simm.s32 $_tile_overlayer_lowered  }
0x9b: {  	s22 =	simm.s32 $0x1BFF;
	s21 =	sshll.u32 s5, $0x1;
	s2 =	sadd.s32 s19, s18  }
0x9c: {  	s6 =	simm.s32 $0x0;
	s20 =	sshll.u32 s4, $0x1;
	s4 =	sadd.s32 s21, s2  }
0x9d: {  	[timem:s6], [sflag:s22] =	dma.local [hbm:s4], s20  }
0x9e: {  	_ =	swait.ge [sflag:s22], s20  }
0x9f: {  	s3 =	ssub.s32 $0x0, s20;
	[sflag:s22] =	ssyncset.done $0x0  }
0xa0: {  	[sflag:s22] =	ssyncadd.s32 s3;
	_ =	sdelay $0x1  }
0xa1: {  	s23 =	simm.s32 $0x1B8B  }
0xa2: {  	_ =	swait.ge [sflag:s23], $0x1  }
0xa3: {  	[sflag:s23] =	ssyncset.done $0x0  }
0xa4: {  	s25 =	simm.s32 $0x1B8E;
	s24 =	sld [smem:$0x3FFE];
	[sflag:s23] =	ssyncadd.s32 $0xFFFFFFFF  }
0xa5: {  	s26 =	simm.s32 $execute0_lowered;
	[smem:$0x3FD2] =	sst s25  }
0xa6: {  	s4 =	sshll.u32 s26, $0x1;
	_ =	strace $0x8000004C;
	[dreg:$0x1] =	wrdreg $0xFFFFFFFF  }
0xa7: {  	s28 =	simm.s32 $_size_execute0_lowered;
	s2 =	sadd.s32 s2, s4;
	[dreg:$0x0] =	wrdreg $0x0  }
0xa8: {  	s4 =	sshll.u32 s28, $0x1;
	[dreg:$0x2] =	wrdreg s2  }
0xa9: {  	[dreg:$0x3] =	wrdreg s4  }
0xaa: {  	[dreg:$0x4] =	wrdreg $0xC0  }
0xab: {  	_ =	task [dreg:s6], $0x5FFFF  }
0xac: {  	[dreg:$0x1] =	wrdreg $0xFFFFFFFF  }
0xad: {  	[dreg:$0x0] =	wrdreg $0x60  }
0xae: {  	[dreg:$0x2] =	wrdreg s24  }
0xaf: {  	[dreg:$0x3] =	wrdreg $0x69000  }
0xb0: {  	[dreg:$0x4] =	wrdreg $0x9  }
0xb1: {  	_ =	task.clear_ibuf [dreg:s6], $0x5FFFF;
	_ =	strace $0x9000004C  }
0xb2: {  	s29 =	simm.s32 $0x9;
	_ =	strace $0x8000004E  }
0xb3: {  	_ =	swait.ge [sflag:s29], $0x1  }
0xb4: {  	[sflag:s29] =	ssyncadd.s32 $0xFFFFFFFF  }
0xb5: {  	_ =	strace $0x9000004E  }
0xb6: {  	_ =	sfence  }
0xb7: {  	s30 =	sld [smem:$0x0];
	_ =	sdelay $0x2  }
0xb8: {  	s31 =	sshll.u32 s1, $0xD;
	s1 =	sshrl.u32 s1, $0x2  }
0xb9: {  	s3 =	sand.u32 $0x4000, s31;
	s1 =	sadd.s32 s1, s30  }
0xba: {  	s0 =	sor.u32 s3, s0;
	s1 =	sshll.u32 s1, $0x11  }
0xbb: {  	s0 =	sor.u32 s1, s0  }
0xbc: {  	s0 =	sadd.s32 $0x8F2B, s0  }
0xbd: {  	[sflag:s0] =	ssyncadd.remote.s32 $0x1  }
0xbe: {  	_ =	sfence.sel $0xFFFF  }
0xbf: {  	[dreg:$0x0] =	wrdreg $0xFFFFFFFF;
	(pc) =	sbr.abs _section_cstart, $3  }
0xc0: {  	[dreg:$0x1] =	wrdreg $0xFFFFFFFF  }
0xc1: {  	_ =	task.clear_ibuf [dreg:s6], $0x2FFFF;
	_ =	strace $0x9FFFFFFF  }
0xc2: {  	(tm) =	ssettm $0x7FFFFFFF  }
0xc3: {  	_ =	shalt  }
tec
execute0_lowered:
.L_overlay_start_1:
0x0: {  	(tag) =	ssettag $0x1  }
0x1: {  	s1 =	srdreg.scid;
	s0 =	stileid.u32  }
0x2: {  	s5 =	rddreg [dreg:$0x0];
	s4 =	smul.u32 $0x4E20, s0  }
0x3: {  	s2 =	rddreg [dreg:$0x1];
	s9 =	smul.u32 $0x280, s0  }
0x4: {  	s3 =	simm.s32 $0x0;
	s17 =	simm.s32 $0x100;
	s25 =	smul.u32 $0x50000, s0  }
0x5: {  	s6 =	sand.u32 $0x1, s1;
	s1 =	rddreg [dreg:$0x2];
	s19 =	smul.u32 $0x2800, s0  }
0x6: {  	s18 =	simm.s32 $0x1;
	[smem:$0x7FF] =	sst s3;
	s7 =	smul.u32 $0x2710, s6  }
0x7: {  	s24 =	smul.u32 $0x28000, s6;
	_ =	strace $0x8000004D;
	s26 =	ssub.s32 $0x2, s6  }
0x8: {  	s11 =	sadd.s32 $0x80, s9;
	s6 =	sshrl.u32 s26, $0x1;
	s28 =	sshrl.u32 s25, $0x2  }
0x9: {  	s14 =	sadd.s32 $0x100, s9;
	s15 =	sadd.s32 $0x180, s9;
	s16 =	sadd.s32 $0x200, s9  }
0xa: {  	s4 =	sadd.s32 s7, s4;
	s10 =	sadd.s32 s24, s5;
	s29 =	sshll.u32 s11, $0x7  }
0xb: {  	s13 =	ssub.s32 s26, s6;
	s30 =	sshll.u32 s14, $0x7;
	s31 =	sshll.u32 s15, $0x7  }
0xc: {  	s9 =	sshll.u32 s16, $0x7;
	s20 =	sshll.u32 s11, $0x4;
	s21 =	sshll.u32 s14, $0x4  }
0xd: {  	s22 =	sshll.u32 s15, $0x4;
	s24 =	sshll.u32 s16, $0x4;
	s14 =	simm.s32 $0x2  }
0xe: {  	s15 =	simm.s32 $0x80;
	s16 =	simm.s32 $0x50;
	s8 =	sshrl.u32 s4, $0x3  }
0xf: {  	s4 =	sadd.s32 $0x18400, s5;
	s6 =	sadd.s32 s29, s2;
	s7 =	sadd.s32 s30, s2  }
0x10: {  	s9 =	sadd.s32 s9, s2;
	s23 =	sadd.s32 $0xB8400, s10;
	s10 =	smax.u32 s13, $0x1  }
0x11: {  	s13 =	simm.s32 $0x2900;
	s12 =	sadd.s32 s8, s5;
	s5 =	sadd.s32 s28, s2  }
0x12: {  	s8 =	sadd.s32 s31, s2;
	s19 =	sadd.s32 s19, s23;
	s20 =	sadd.s32 s20, s23  }
0x13: {  	s21 =	sadd.s32 s21, s23;
	s22 =	sadd.s32 s22, s23;
	s23 =	sadd.s32 s24, s23  }
0x14: {  	v0 =	vimm.f32 $0.0e+00;
	s24 =	simm.s32 $0x0;
	s11 =	sadd.s32 $0x4800, s12;
	s12 =	sadd.s32 $0xE600, s12  }
.LBB2_1:
0x15: {  	s25 =	simm.s32 $0x0;
	s26 =	simm.s32 $0x200  }
.LBB2_2:
0x16: {  	p0 =	sne.s32 s26, $0xFE00;
	[tilespmem:s25+$0x2970] =	vst v0  }
0x17: {  	[tilespmem:s25+$0x2900] =	vst v0  }
0x18: {  	[tilespmem:s25+$0x2910] =	vst v0  }
.Ltmp0:
0x19: {  	[tilespmem:s25+$0x2920] =	vst v0;
	(pc) =	sbr.rel @p0 .LBB2_2-.Ltmp0, $4  }
0x1a: {  	[tilespmem:s25+$0x2930] =	vst v0  }
0x1b: {  	[tilespmem:s25+$0x2940] =	vst v0  }
0x1c: {  	[tilespmem:s25+$0x2950] =	vst v0  }
0x1d: {  	[tilespmem:s25+$0x2960] =	vst v0;
	s25 =	sshra.s32 s26, $0x2;
	s26 =	sadd.s32 $0x200, s26  }
0x1e: {  	[tilespmem:s25+$0x2970] =	vst v0  }
0x1f: {  	[tilespmem:s25+$0x2900] =	vst v0  }
0x20: {  	[tilespmem:s25+$0x2910] =	vst v0  }
0x21: {  	[tilespmem:s25+$0x2920] =	vst v0  }
0x22: {  	[tilespmem:s25+$0x2930] =	vst v0  }
0x23: {  	[tilespmem:s25+$0x2940] =	vst v0  }
0x24: {  	[tilespmem:s25+$0x2950] =	vst v0  }
0x25: {  	[tilespmem:s25+$0x2960] =	vst v0  }
0x26: {  	[spmem:s5] =	stream.linear.scatter [tilespmem:s13], [sflag:$0x2], $0x4000, $0x38;
	[tilespmem:$0x1A900] =	vst v63  }
0x27: {  	_ =	swait.ge [sflag:s14], $0x4000  }
0x28: {  	[sflag:s14] =	ssyncset.done $0x0  }
0x29: {  	[sflag:s14] =	ssyncadd.s32 $0xFFFFC000  }
0x2a: {  	[spmem:s6] =	stream.linear.scatter [tilespmem:s13], [sflag:$0x2], $0x4000, $0x38;
	[tilespmem:$0x1A900] =	vst v63  }
0x2b: {  	_ =	swait.ge [sflag:s14], $0x4000  }
0x2c: {  	[sflag:s14] =	ssyncset.done $0x0  }
0x2d: {  	[sflag:s14] =	ssyncadd.s32 $0xFFFFC000  }
0x2e: {  	[spmem:s7] =	stream.linear.scatter [tilespmem:s13], [sflag:$0x2], $0x4000, $0x38;
	[tilespmem:$0x1A900] =	vst v63  }
0x2f: {  	_ =	swait.ge [sflag:s14], $0x4000  }
0x30: {  	[sflag:s14] =	ssyncset.done $0x0  }
0x31: {  	[sflag:s14] =	ssyncadd.s32 $0xFFFFC000  }
0x32: {  	[spmem:s8] =	stream.linear.scatter [tilespmem:s13], [sflag:$0x2], $0x4000, $0x38;
	[tilespmem:$0x1A900] =	vst v63  }
0x33: {  	_ =	swait.ge [sflag:s14], $0x4000  }
0x34: {  	[sflag:s14] =	ssyncset.done $0x0  }
0x35: {  	[sflag:s14] =	ssyncadd.s32 $0xFFFFC000  }
0x36: {  	[spmem:s9] =	stream.linear.scatter [tilespmem:s13], [sflag:$0x2], $0x4000, $0x38;
	[tilespmem:$0x1A900] =	vst v63  }
0x37: {  	_ =	swait.ge [sflag:s14], $0x4000  }
0x38: {  	[sflag:s14] =	ssyncset.done $0x0  }
0x39: {  	[sflag:s14] =	ssyncadd.s32 $0xFFFFC000  }
0x3a: {  	s30 =	sadd.s32 $0x0, s12;
	[bflag:$0x0] =	sbarrier.arrive $0xFFFF  }
0x3b: {  	[tilespmem:s3], [sflag:$0x2] =	stream.linear.gather [hbm4b:s30+s3], $0x50, $0x38;
	[tilespmem:$0x1A900] =	vst v63  }
0x3c: {  	_ =	swait.ge [sflag:s14], $0x50  }
0x3d: {  	[sflag:s14] =	ssyncset.done $0x0  }
0x3e: {  	s31 =	sadd.s32 $0x0, s11;
	[sflag:s14] =	ssyncadd.s32 $0xFFFFFFB0  }
0x3f: {  	[tilespmem:s15], [sflag:$0x2] =	stream.linear.gather [hbm4b:s31+s3], $0x50, $0x38;
	[tilespmem:$0x1A900] =	vst v63  }
0x40: {  	_ =	swait.ge [sflag:s14], $0x50  }
0x41: {  	[sflag:s14] =	ssyncset.done $0x0  }
0x42: {  	[sflag:s14] =	ssyncadd.s32 $0xFFFFFFB0  }
0x43: {  	[tilespmem:s17], [sflag:$0x1] =	stream.indirect.gather [hbm4b:s4+s16], $0x80, s3, s16, $0xb8;
	[tilespmem:$0x1A900] =	vst v63  }
0x44: {  	_ =	swait.ge [sflag:s18], $0x2800  }
0x45: {  	[sflag:s18] =	ssyncset.done $0x0  }
0x46: {  	[sflag:s18] =	ssyncadd.s32 $0xFFFFD800  }
0x47: {  	[spmem:s2] =	stream.indirect.scatter.add.f32 [tilespmem:s17], [sflag:$0x2], $0x80, s15, s16, $0xb8;
	[tilespmem:$0x1A900] =	vst v63  }
0x48: {  	_ =	swait.ge [sflag:s14], $0x2800  }
0x49: {  	s25 =	simm.s32 $0xA;
	s26 =	simm.s32 $0x14;
	[sflag:s14] =	ssyncset.done $0x0  }
.LBB2_4:
0x4a: {  	s28 =	sadd.s32 s25, s12  }
0x4b: {  	[sflag:s14] =	ssyncadd.s32 $0xFFFFD800;
	s29 =	smov.u32 s26;
	s30 =	sadd.s32 $0xA, s26  }
0x4c: {  	[tilespmem:s3], [sflag:$0x2] =	stream.linear.gather [hbm4b:s28+s3], $0x50, $0x38;
	[tilespmem:$0x1A900] =	vst v63  }
0x4d: {  	p0 =	sne.s32 s26, $0x4D8;
	_ =	swait.ge [sflag:s14], $0x50  }
0x4e: {  	[sflag:s14] =	ssyncset.done $0x0  }
0x4f: {  	s26 =	sadd.s32 s25, s11;
	s25 =	smov.u32 s29;
	[sflag:s14] =	ssyncadd.s32 $0xFFFFFFB0  }
0x50: {  	[tilespmem:s15], [sflag:$0x2] =	stream.linear.gather [hbm4b:s26+s3], $0x50, $0x38;
	[tilespmem:$0x1A900] =	vst v63  }
0x51: {  	_ =	swait.ge [sflag:s14], $0x50  }
0x52: {  	[sflag:s14] =	ssyncset.done $0x0  }
0x53: {  	[sflag:s14] =	ssyncadd.s32 $0xFFFFFFB0  }
0x54: {  	[tilespmem:s17], [sflag:$0x1] =	stream.indirect.gather [hbm4b:s4+s16], $0x80, s3, s16, $0xb8;
	[tilespmem:$0x1A900] =	vst v63  }
0x55: {  	_ =	swait.ge [sflag:s18], $0x2800  }
.Ltmp1:
0x56: {  	[sflag:s18] =	ssyncset.done $0x0;
	(pc) =	sbr.rel @p0 .LBB2_4-.Ltmp1, $4  }
0x57: {  	[sflag:s18] =	ssyncadd.s32 $0xFFFFD800  }
0x58: {  	[spmem:s2] =	stream.indirect.scatter.add.f32 [tilespmem:s17], [sflag:$0x2], $0x80, s15, s16, $0xb8;
	[tilespmem:$0x1A900] =	vst v63  }
0x59: {  	_ =	swait.ge [sflag:s14], $0x2800  }
0x5a: {  	s26 =	smov.u32 s30;
	[sflag:s14] =	ssyncset.done $0x0  }
0x5b: {  	s26 =	sadd.s32 s25, s12;
	[sflag:s14] =	ssyncadd.s32 $0xFFFFD800  }
0x5c: {  	[tilespmem:s3], [sflag:$0x2] =	stream.linear.gather [hbm4b:s26+s3], $0x50, $0x38;
	[tilespmem:$0x1A900] =	vst v63  }
0x5d: {  	_ =	swait.ge [sflag:s14], $0x50  }
0x5e: {  	[sflag:s14] =	ssyncset.done $0x0  }
0x5f: {  	s31 =	sadd.s32 s25, s11;
	[sflag:s14] =	ssyncadd.s32 $0xFFFFFFB0  }
0x60: {  	[tilespmem:s15], [sflag:$0x2] =	stream.linear.gather [hbm4b:s31+s3], $0x50, $0x38;
	[tilespmem:$0x1A900] =	vst v63  }
0x61: {  	_ =	swait.ge [sflag:s14], $0x50  }
0x62: {  	[sflag:s14] =	ssyncset.done $0x0  }
0x63: {  	[sflag:s14] =	ssyncadd.s32 $0xFFFFFFB0  }
0x64: {  	[tilespmem:s17], [sflag:$0x1] =	stream.indirect.gather [hbm4b:s4+s16], $0x80, s3, s16, $0xb8;
	[tilespmem:$0x1A900] =	vst v63  }
0x65: {  	_ =	swait.ge [sflag:s18], $0x2800  }
0x66: {  	[sflag:s18] =	ssyncset.done $0x0  }
0x67: {  	[sflag:s18] =	ssyncadd.s32 $0xFFFFD800  }
0x68: {  	[spmem:s2] =	stream.indirect.scatter.add.f32 [tilespmem:s17], [sflag:$0x2], $0x80, s15, s16, $0xb8;
	[tilespmem:$0x1A900] =	vst v63  }
0x69: {  	_ =	swait.ge [sflag:s14], $0x2800  }
0x6a: {  	[sflag:s14] =	ssyncset.done $0x0  }
0x6b: {  	[sflag:s14] =	ssyncadd.s32 $0xFFFFD800  }
0x6c: {  	[bflag:$0x0] =	sbarrier.arrive $0xFFFF  }
0x6d: {  	[tilespmem:s13], [sflag:$0x2] =	stream.linear.gather [spmem:s5], $0x4000, $0x38;
	[tilespmem:$0x1A900] =	vst v63  }
0x6e: {  	_ =	swait.ge [sflag:s14], $0x4000  }
0x6f: {  	[sflag:s14] =	ssyncset.done $0x0  }
0x70: {  	[sflag:s14] =	ssyncadd.s32 $0xFFFFC000  }
0x71: {  	[hbm4b:s19+s3] =	stream.linear.scatter [tilespmem:s13], [sflag:$0x2], $0x4000, $0x38;
	[tilespmem:$0x1A900] =	vst v63  }
0x72: {  	_ =	swait.ge [sflag:s14], $0x4000  }
0x73: {  	[sflag:s14] =	ssyncset.done $0x0  }
0x74: {  	[sflag:s14] =	ssyncadd.s32 $0xFFFFC000  }
0x75: {  	[tilespmem:s13], [sflag:$0x2] =	stream.linear.gather [spmem:s6], $0x4000, $0x38;
	[tilespmem:$0x1A900] =	vst v63  }
0x76: {  	_ =	swait.ge [sflag:s14], $0x4000  }
0x77: {  	[sflag:s14] =	ssyncset.done $0x0  }
0x78: {  	[sflag:s14] =	ssyncadd.s32 $0xFFFFC000  }
0x79: {  	[hbm4b:s20+s3] =	stream.linear.scatter [tilespmem:s13], [sflag:$0x2], $0x4000, $0x38;
	[tilespmem:$0x1A900] =	vst v63  }
0x7a: {  	_ =	swait.ge [sflag:s14], $0x4000  }
0x7b: {  	[sflag:s14] =	ssyncset.done $0x0  }
0x7c: {  	[sflag:s14] =	ssyncadd.s32 $0xFFFFC000  }
0x7d: {  	[tilespmem:s13], [sflag:$0x2] =	stream.linear.gather [spmem:s7], $0x4000, $0x38;
	[tilespmem:$0x1A900] =	vst v63  }
0x7e: {  	_ =	swait.ge [sflag:s14], $0x4000  }
0x7f: {  	[sflag:s14] =	ssyncset.done $0x0  }
0x80: {  	[sflag:s14] =	ssyncadd.s32 $0xFFFFC000  }
0x81: {  	[hbm4b:s21+s3] =	stream.linear.scatter [tilespmem:s13], [sflag:$0x2], $0x4000, $0x38;
	[tilespmem:$0x1A900] =	vst v63  }
0x82: {  	_ =	swait.ge [sflag:s14], $0x4000  }
0x83: {  	[sflag:s14] =	ssyncset.done $0x0  }
0x84: {  	[sflag:s14] =	ssyncadd.s32 $0xFFFFC000  }
0x85: {  	[tilespmem:s13], [sflag:$0x2] =	stream.linear.gather [spmem:s8], $0x4000, $0x38;
	[tilespmem:$0x1A900] =	vst v63  }
0x86: {  	_ =	swait.ge [sflag:s14], $0x4000  }
0x87: {  	[sflag:s14] =	ssyncset.done $0x0  }
0x88: {  	[sflag:s14] =	ssyncadd.s32 $0xFFFFC000  }
0x89: {  	[hbm4b:s22+s3] =	stream.linear.scatter [tilespmem:s13], [sflag:$0x2], $0x4000, $0x38;
	[tilespmem:$0x1A900] =	vst v63  }
0x8a: {  	_ =	swait.ge [sflag:s14], $0x4000  }
0x8b: {  	[sflag:s14] =	ssyncset.done $0x0  }
0x8c: {  	[sflag:s14] =	ssyncadd.s32 $0xFFFFC000  }
0x8d: {  	[tilespmem:s13], [sflag:$0x2] =	stream.linear.gather [spmem:s9], $0x4000, $0x38;
	[tilespmem:$0x1A900] =	vst v63  }
0x8e: {  	s24 =	sadd.s32 $0x1, s24;
	_ =	swait.ge [sflag:s14], $0x4000  }
0x8f: {  	p0 =	sne.s32 s24, s10;
	[sflag:s14] =	ssyncset.done $0x0  }
.Ltmp2:
0x90: {  	[sflag:s14] =	ssyncadd.s32 $0xFFFFC000;
	(pc) =	sbr.rel @p0 .LBB2_1-.Ltmp2, $4  }
0x91: {  	[hbm4b:s23+s3] =	stream.linear.scatter [tilespmem:s13], [sflag:$0x2], $0x4000, $0x38;
	[tilespmem:$0x1A900] =	vst v63  }
0x92: {  	_ =	swait.ge [sflag:s14], $0x4000  }
0x93: {  	[sflag:s14] =	ssyncset.done $0x0  }
0x94: {  	[sflag:s14] =	ssyncadd.s32 $0xFFFFC000  }
0x95: {  	_ =	sfence.sel $0x180000  }
0x96: {  	[bflag:$0x0] =	sbarrier.arrive $0xFFFF  }
0x97: {  	p0 =	sne.s32 s0, $0x0;
	_ =	strace $0x9000004D  }
0x98: {  	s0 =	sadd.s32 @!p0 $0x100000, s1;
	[bflag:$0x2] =	sbarrier.arrive $0xFFFF  }
0x99: {  	[sflag:s0] =	ssyncadd.tile.s32 @!p0 $0x1;
	_ =	shalt  }
.Lfunc_end2:
_tile_overlayer_lowered:
.L_overlay_start_2:
0x9a: {  	(tag) =	ssettag $0x2  }
0x9b: {  	s0 =	rddreg [dreg:$0x0];
	s2 =	stileid.u32  }
0x9c: {  	s1 =	rddreg [dreg:$0x1];
	p0 =	sne.s32 s2, $0x0  }
0x9d: {  	s3 =	rddreg [dreg:$0x2];
	[bflag:$0x3] =	sbarrier.arrive $0xFFFF;
	s2 =	simm.s32 @!p0 $0x1C02  }
0x9e: {  	[timem:s3], [sflag:s2] =	dma.local @!p0 [hbm:s0], s1  }
0x9f: {  	s0 =	simm.s32 @!p0 $0x2  }
0xa0: {  	_ =	swait.ge @!p0 [sflag:s0], s1  }
0xa1: {  	s1 =	ssub.s32 @!p0 $0x0, s1;
	[sflag:s0] =	ssyncset.done @!p0 $0x0  }
0xa2: {  	[sflag:s0] =	ssyncadd.s32 @!p0 s1  }
0xa3: {  	[bflag:$0x3] =	sbarrier.arrive $0xFFFF  }
0xa4: {  	_ =	shalt  }

// kernel: kernel.22.cloned.1.call-start
scs
__scs_entry_jumppad:
0x0: {  	(pc) =	sbr.rel $0x88, $3  }
0x1: {  	(tag) =	ssettag $0x0;
	lr =	simm.s32 $0x1  }
0x2: {  	[smem:$0x3F8E] =	sst lr;
	_ =	strace $0xD0000000  }
0x3: {  	_ = 	snop  }
0x4: {  	_ = 	snop  }
0x5: {  	_ = 	snop  }
0x6: {  	_ = 	snop  }
0x7: {  	_ = 	snop  }
__scs_overlays_trampoline_lowered:
0x8: {  	[smem:$0x3F9D] =	sst s0  }
0x9: {  	[smem:$0x3F9E] =	sst s1  }
0xa: {  	[smem:$0x3F9F] =	sst s2  }
0xb: {  	[smem:$0x3FA0] =	sst s3  }
0xc: {  	[smem:$0x3FA1] =	sst s4  }
0xd: {  	[smem:$0x3FA2] =	sst s5  }
0xe: {  	[smem:$0x3FA3] =	sst s6  }
0xf: {  	[smem:$0x3FA4] =	sst s7  }
0x10: {  	[smem:$0x3FA5] =	sst s8  }
0x11: {  	[smem:$0x3FA6] =	sst s9;
	s0 =	simm.s32 @!p0 $0x0  }
0x12: {  	s1 =	sld [smem:$0x3F8C];
	s0 =	simm.s32 @p0 $0x1  }
0x13: {  	[smem:$0x3FA7] =	sst s0;
	s0 =	simm.s32 @!p1 $0x0  }
0x14: {  	s2 =	sld [smem:$0x3F8B];
	s0 =	simm.s32 @p1 $0x1  }
0x15: {  	[smem:$0x3FA8] =	sst s0;
	s0 =	simm.s32 @!p2 $0x0  }
0x16: {  	s3 =	sld [smem:$0x3FDB];
	s0 =	simm.s32 @p2 $0x1  }
0x17: {  	s4 =	simm.s32 $0x1BF5;
	[smem:$0x3FAA] =	sst s0  }
0x18: {  	s0 =	sld [smem:$0x3F8D];
	_ =	swait.ge [sflag:s4], $0x0  }
0x19: {  	s7 =	sld [smem:$0x3F8E]  }
0x1a: {  	s8 =	sadd.s32 $0xFFFFE003, lr  }
0x1b: {  	s9 =	sadd.s32 $0xFFFFFEF7, lr;
	s5 =	simm.s32 $0xFFFFFFFF;
	p2 =	slt.u32 s8, $0xFFFFF086  }
0x1c: {  	p1 =	slt.u32 s9, $0xF7A;
	s5 =	simm.s32 @!p2 $0x0  }
0x1d: {  	s5 =	simm.s32 @p1 $0x1;
	p0 =	seq.s32 s7, s2  }
0x1e: {  	s7 =	smul.u32 @!p0 $0xF7A, s2;
	p2 =	seq.s32 @!p0 s5, $0x0  }
0x1f: {  	s9 =	smul.u32 $0xF7A, s1;
	s8 =	simm.s32 @!p0 $0x1BF5;
	p2 =	por !p2, p0  }
0x20: {  	[sflag:s8] =	ssyncset.s32 @!p0 $0xFFFFF086;
	s6 =	sadd.s32 @!p0 s3, s7;
	s7 =	simm.s32 @!p0 $0x108  }
0x21: {  	s3 =	sadd.s32 s3, s9;
	s6 =	sadd.s32 @!p0 $0x88, s6;
	s7 =	simm.s32 @p2 $0x1082  }
0x22: {  	[simem:s7], [sflag:s8] =	dma.local @!p0 [hbm:s6], $0xF7A  }
0x23: {  	s9 =	sor.u32 $0xD0000000, s2;
	s6 =	simm.s32 $0x108;
	_ =	swait.ge @!p0 [sflag:s8], $0x0  }
0x24: {  	s3 =	sadd.s32 $0x88, s3;
	s6 =	simm.s32 @!p1 $0x1082;
	[sflag:s4] =	ssyncset.s32 $0xFFFFF086  }
0x25: {  	[simem:s6], [sflag:s4] =	dma.local [hbm:s3], $0xF7A  }
0x26: {  	[smem:$0x3F8E] =	sst s1;
	(tag) =	ssettag s2;
	_ =	strace s9  }
0x27: {  	s1 =	sld [smem:$0x3F9E]  }
0x28: {  	s2 =	sld [smem:$0x3F9F]  }
0x29: {  	s4 =	sld [smem:$0x3FA1]  }
0x2a: {  	p0 =	seq.s32 s5, $0x0;
	s5 =	sld [smem:$0x3FA2]  }
0x2b: {  	s6 =	sld [smem:$0x3FA3]  }
0x2c: {  	s7 =	sld [smem:$0x3FA4]  }
0x2d: {  	s3 =	simm.s32 $0x108;
	s8 =	sld [smem:$0x3FA5]  }
0x2e: {  	s3 =	simm.s32 @!p0 $0x1082;
	s9 =	sld [smem:$0x3FA6]  }
0x2f: {  	lr =	sadd.s32 s0, s3;
	s0 =	sld [smem:$0x3F9D]  }
0x30: {  	s3 =	sld [smem:$0x3FA0]  }
0x31: {  	[smem:$0x3FA9] =	sst s10  }
0x32: {  	s10 =	sld [smem:$0x3FA7];
	_ =	sdelay $0x3  }
0x33: {  	p0 =	seq.s32 s10, $0x1;
	s10 =	sld [smem:$0x3FA9];
	_ =	sdelay $0x3  }
0x34: {  	[smem:$0x3FA9] =	sst s10  }
0x35: {  	s10 =	sld [smem:$0x3FA8];
	_ =	sdelay $0x3  }
0x36: {  	p1 =	seq.s32 s10, $0x1;
	s10 =	sld [smem:$0x3FA9];
	_ =	sdelay $0x3  }
0x37: {  	[smem:$0x3FA9] =	sst s10  }
0x38: {  	s10 =	sld [smem:$0x3FAA]  }
0x39: {  	_ = 	snop;
	(pc) =	sbr.ind lr, $3  }
0x3a: {  	_ = 	snop  }
0x3b: {  	_ = 	snop  }
0x3c: {  	p2 =	seq.s32 s10, $0x1;
	s10 =	sld [smem:$0x3FA9]  }
0x3d: {  	_ =	shalt  }
0x3e: {  	_ =	shalt  }
0x3f: {  	_ =	shalt  }
0x40: {  	_ =	shalt  }
0x41: {  	_ =	shalt  }
0x42: {  	_ =	shalt  }
0x43: {  	_ =	shalt  }
0x44: {  	_ =	shalt  }
0x45: {  	_ =	shalt  }
0x46: {  	_ =	shalt  }
0x47: {  	_ =	shalt  }
0x48: {  	_ =	shalt  }
0x49: {  	_ =	shalt  }
0x4a: {  	_ =	shalt  }
0x4b: {  	_ =	shalt  }
0x4c: {  	_ =	shalt  }
0x4d: {  	_ =	shalt  }
0x4e: {  	_ =	shalt  }
0x4f: {  	_ =	shalt  }
0x50: {  	_ =	shalt  }
0x51: {  	_ =	shalt  }
0x52: {  	_ =	shalt  }
0x53: {  	_ =	shalt  }
0x54: {  	_ =	shalt  }
0x55: {  	_ =	shalt  }
0x56: {  	_ =	shalt  }
0x57: {  	_ =	shalt  }
0x58: {  	_ =	shalt  }
0x59: {  	_ =	shalt  }
0x5a: {  	_ =	shalt  }
0x5b: {  	_ =	shalt  }
0x5c: {  	_ =	shalt  }
0x5d: {  	_ =	shalt  }
0x5e: {  	_ =	shalt  }
0x5f: {  	_ =	shalt  }
0x60: {  	_ =	shalt  }
0x61: {  	_ =	shalt  }
0x62: {  	_ =	shalt  }
0x63: {  	_ =	shalt  }
0x64: {  	_ =	shalt  }
0x65: {  	_ =	shalt  }
0x66: {  	_ =	shalt  }
0x67: {  	_ =	shalt  }
0x68: {  	_ =	shalt  }
0x69: {  	_ =	shalt  }
0x6a: {  	_ =	shalt  }
0x6b: {  	_ =	shalt  }
0x6c: {  	_ =	shalt  }
0x6d: {  	_ =	shalt  }
0x6e: {  	_ =	shalt  }
0x6f: {  	_ =	shalt  }
0x70: {  	_ =	shalt  }
0x71: {  	_ =	shalt  }
0x72: {  	_ =	shalt  }
0x73: {  	_ =	shalt  }
0x74: {  	_ =	shalt  }
0x75: {  	_ =	shalt  }
0x76: {  	_ =	shalt  }
0x77: {  	_ =	shalt  }
0x78: {  	_ =	shalt  }
0x79: {  	_ =	shalt  }
0x7a: {  	_ =	shalt  }
0x7b: {  	_ =	shalt  }
0x7c: {  	_ =	shalt  }
0x7d: {  	_ =	shalt  }
0x7e: {  	_ =	shalt  }
0x7f: {  	_ =	shalt  }
0x80: {  	_ =	shalt  }
0x81: {  	_ =	shalt  }
0x82: {  	_ =	shalt  }
0x83: {  	_ =	shalt  }
0x84: {  	_ =	shalt  }
0x85: {  	_ =	shalt  }
0x86: {  	_ =	shalt  }
0x87: {  	_ =	shalt  }
.Lfunc_end0:
.L_simem_size_0:
called_computation.3_lowered:
.L_overlay_start_0:
0x88: {  	s2 =	sld [smem:$0x3FD9]  }
0x89: {  	s3 =	sld [smem:$0x3FFE];
	_ =	sdelay $0x1  }
0x8a: {  	s1 =	srdreg.scid  }
0x8b: {  	s0 =	sand.u32 $0x1, s1  }
0x8c: {  	s16 =	sshll.u32 s0, $0xA;
	s2 =	sadd.s32 s3, s2  }
0x8d: {  	s2 =	sadd.s32 s2, s16  }
0x8e: {  	[smem:$0x3FB5] =	sst s2  }
0x8f: {  	_ = 	snop  }
0x90: {  	(tm) =	ssettm $0x1  }
0x91: {  	s17 =	sld [smem:$0x3FFB];
	_ =	sdelay $0x3  }
0x92: {  	_ =	strace s17  }
0x93: {  	s2 =	sld [smem:$0x3FFC];
	_ =	sdelay $0x3  }
0x94: {  	_ =	strace s2  }
0x95: {  	s2 =	sld [smem:$0x3FFD];
	_ =	sdelay $0x3  }
0x96: {  	_ =	strace s2  }
0x97: {  	_ =	strace $0x8FFFFFFF  }
0x98: {  	s18 =	sld [smem:$0x3FDB];
	_ =	sdelay $0x1  }
0x99: {  	s19 =	simm.s32 $_scs_section_size  }
0x9a: {  	s4 =	simm.s32 $_size__tile_overlayer_lowered;
	s5 =	simm.s32 $_tile_overlayer_lowered  }
0x9b: {  	s22 =	simm.s32 $0x1BFF;
	s21 =	sshll.u32 s5, $0x1;
	s2 =	sadd.s32 s19, s18  }
0x9c: {  	s6 =	simm.s32 $0x0;
	s20 =	sshll.u32 s4, $0x1;
	s4 =	sadd.s32 s21, s2  }
0x9d: {  	[timem:s6], [sflag:s22] =	dma.local [hbm:s4], s20  }
0x9e: {  	_ =	swait.ge [sflag:s22], s20  }
0x9f: {  	s3 =	ssub.s32 $0x0, s20;
	[sflag:s22] =	ssyncset.done $0x0  }
0xa0: {  	[sflag:s22] =	ssyncadd.s32 s3;
	_ =	sdelay $0x1  }
0xa1: {  	s23 =	simm.s32 $0x1B8B  }
0xa2: {  	_ =	swait.ge [sflag:s23], $0x1  }
0xa3: {  	[sflag:s23] =	ssyncset.done $0x0  }
0xa4: {  	s25 =	simm.s32 $0x1B8E;
	s24 =	sld [smem:$0x3FFE];
	[sflag:s23] =	ssyncadd.s32 $0xFFFFFFFF  }
0xa5: {  	s26 =	simm.s32 $execute0_lowered;
	[smem:$0x3FD2] =	sst s25  }
0xa6: {  	s4 =	sshll.u32 s26, $0x1;
	_ =	strace $0x8000004F;
	[dreg:$0x1] =	wrdreg $0xFFFFFFFF  }
0xa7: {  	s28 =	simm.s32 $_size_execute0_lowered;
	s2 =	sadd.s32 s2, s4;
	[dreg:$0x0] =	wrdreg $0x0  }
0xa8: {  	s4 =	sshll.u32 s28, $0x1;
	[dreg:$0x2] =	wrdreg s2  }
0xa9: {  	[dreg:$0x3] =	wrdreg s4  }
0xaa: {  	[dreg:$0x4] =	wrdreg $0xC0  }
0xab: {  	_ =	task [dreg:s6], $0x5FFFF  }
0xac: {  	[dreg:$0x1] =	wrdreg $0xFFFFFFFF  }
0xad: {  	[dreg:$0x0] =	wrdreg $0x60  }
0xae: {  	[dreg:$0x2] =	wrdreg s24  }
0xaf: {  	[dreg:$0x3] =	wrdreg $0x69000  }
0xb0: {  	[dreg:$0x4] =	wrdreg $0x9  }
0xb1: {  	_ =	task.clear_ibuf [dreg:s6], $0x5FFFF;
	_ =	strace $0x9000004F  }
0xb2: {  	s29 =	simm.s32 $0x9;
	_ =	strace $0x80000051  }
0xb3: {  	_ =	swait.ge [sflag:s29], $0x1  }
0xb4: {  	[sflag:s29] =	ssyncadd.s32 $0xFFFFFFFF  }
0xb5: {  	_ =	strace $0x90000051  }
0xb6: {  	_ =	sfence  }
0xb7: {  	s30 =	sld [smem:$0x0];
	_ =	sdelay $0x2  }
0xb8: {  	s31 =	sshll.u32 s1, $0xD;
	s1 =	sshrl.u32 s1, $0x2  }
0xb9: {  	s3 =	sand.u32 $0x4000, s31;
	s1 =	sadd.s32 s1, s30  }
0xba: {  	s0 =	sor.u32 s3, s0;
	s1 =	sshll.u32 s1, $0x11  }
0xbb: {  	s0 =	sor.u32 s1, s0  }
0xbc: {  	s0 =	sadd.s32 $0x8F2B, s0  }
0xbd: {  	[sflag:s0] =	ssyncadd.remote.s32 $0x1  }
0xbe: {  	_ =	sfence.sel $0xFFFF  }
0xbf: {  	[dreg:$0x0] =	wrdreg $0xFFFFFFFF;
	(pc) =	sbr.abs _section_cstart, $3  }
0xc0: {  	[dreg:$0x1] =	wrdreg $0xFFFFFFFF  }
0xc1: {  	_ =	task.clear_ibuf [dreg:s6], $0x2FFFF;
	_ =	strace $0x9FFFFFFF  }
0xc2: {  	(tm) =	ssettm $0x7FFFFFFF  }
0xc3: {  	_ =	shalt  }
tec
execute0_lowered:
.L_overlay_start_1:
0x0: {  	(tag) =	ssettag $0x1  }
0x1: {  	s1 =	srdreg.scid;
	s0 =	stileid.u32  }
0x2: {  	s5 =	rddreg [dreg:$0x0];
	s4 =	smul.u32 $0x4E20, s0  }
0x3: {  	s2 =	rddreg [dreg:$0x1];
	s9 =	smul.u32 $0x280, s0  }
0x4: {  	s3 =	simm.s32 $0x0;
	s17 =	simm.s32 $0x100;
	s25 =	smul.u32 $0x50000, s0  }
0x5: {  	s6 =	sand.u32 $0x1, s1;
	s1 =	rddreg [dreg:$0x2];
	s19 =	smul.u32 $0x2800, s0  }
0x6: {  	s18 =	simm.s32 $0x1;
	[smem:$0x7FF] =	sst s3;
	s7 =	smul.u32 $0x2710, s6  }
0x7: {  	s24 =	smul.u32 $0x28000, s6;
	_ =	strace $0x80000050;
	s26 =	ssub.s32 $0x2, s6  }
0x8: {  	s11 =	sadd.s32 $0x80, s9;
	s6 =	sshrl.u32 s26, $0x1;
	s28 =	sshrl.u32 s25, $0x2  }
0x9: {  	s14 =	sadd.s32 $0x100, s9;
	s15 =	sadd.s32 $0x180, s9;
	s16 =	sadd.s32 $0x200, s9  }
0xa: {  	s4 =	sadd.s32 s7, s4;
	s10 =	sadd.s32 s24, s5;
	s29 =	sshll.u32 s11, $0x7  }
0xb: {  	s13 =	ssub.s32 s26, s6;
	s30 =	sshll.u32 s14, $0x7;
	s31 =	sshll.u32 s15, $0x7  }
0xc: {  	s9 =	sshll.u32 s16, $0x7;
	s20 =	sshll.u32 s11, $0x4;
	s21 =	sshll.u32 s14, $0x4  }
0xd: {  	s22 =	sshll.u32 s15, $0x4;
	s24 =	sshll.u32 s16, $0x4;
	s14 =	simm.s32 $0x2  }
0xe: {  	s15 =	simm.s32 $0x80;
	s16 =	simm.s32 $0x50;
	s8 =	sshrl.u32 s4, $0x3  }
0xf: {  	s4 =	sadd.s32 $0x18400, s5;
	s6 =	sadd.s32 s29, s2;
	s7 =	sadd.s32 s30, s2  }
0x10: {  	s9 =	sadd.s32 s9, s2;
	s23 =	sadd.s32 $0xB8400, s10;
	s10 =	smax.u32 s13, $0x1  }
0x11: {  	s13 =	simm.s32 $0x2900;
	s12 =	sadd.s32 s8, s5;
	s5 =	sadd.s32 s28, s2  }
0x12: {  	s8 =	sadd.s32 s31, s2;
	s19 =	sadd.s32 s19, s23;
	s20 =	sadd.s32 s20, s23  }
0x13: {  	s21 =	sadd.s32 s21, s23;
	s22 =	sadd.s32 s22, s23;
	s23 =	sadd.s32 s24, s23  }
0x14: {  	v0 =	vimm.f32 $0.0e+00;
	s24 =	simm.s32 $0x0;
	s11 =	sadd.s32 $0x4800, s12;
	s12 =	sadd.s32 $0xE600, s12  }
.LBB2_1:
0x15: {  	s25 =	simm.s32 $0x0;
	s26 =	simm.s32 $0x200  }
.LBB2_2:
0x16: {  	p0 =	sne.s32 s26, $0xFE00;
	[tilespmem:s25+$0x2970] =	vst v0  }
0x17: {  	[tilespmem:s25+$0x2900] =	vst v0  }
0x18: {  	[tilespmem:s25+$0x2910] =	vst v0  }
.Ltmp0:
0x19: {  	[tilespmem:s25+$0x2920] =	vst v0;
	(pc) =	sbr.rel @p0 .LBB2_2-.Ltmp0, $4  }
0x1a: {  	[tilespmem:s25+$0x2930] =	vst v0  }
0x1b: {  	[tilespmem:s25+$0x2940] =	vst v0  }
0x1c: {  	[tilespmem:s25+$0x2950] =	vst v0  }
0x1d: {  	[tilespmem:s25+$0x2960] =	vst v0;
	s25 =	sshra.s32 s26, $0x2;
	s26 =	sadd.s32 $0x200, s26  }
0x1e: {  	[tilespmem:s25+$0x2970] =	vst v0  }
0x1f: {  	[tilespmem:s25+$0x2900] =	vst v0  }
0x20: {  	[tilespmem:s25+$0x2910] =	vst v0  }
0x21: {  	[tilespmem:s25+$0x2920] =	vst v0  }
0x22: {  	[tilespmem:s25+$0x2930] =	vst v0  }
0x23: {  	[tilespmem:s25+$0x2940] =	vst v0  }
0x24: {  	[tilespmem:s25+$0x2950] =	vst v0  }
0x25: {  	[tilespmem:s25+$0x2960] =	vst v0  }
0x26: {  	[spmem:s5] =	stream.linear.scatter [tilespmem:s13], [sflag:$0x2], $0x4000, $0x38;
	[tilespmem:$0x1A900] =	vst v63  }
0x27: {  	_ =	swait.ge [sflag:s14], $0x4000  }
0x28: {  	[sflag:s14] =	ssyncset.done $0x0  }
0x29: {  	[sflag:s14] =	ssyncadd.s32 $0xFFFFC000  }
0x2a: {  	[spmem:s6] =	stream.linear.scatter [tilespmem:s13], [sflag:$0x2], $0x4000, $0x38;
	[tilespmem:$0x1A900] =	vst v63  }
0x2b: {  	_ =	swait.ge [sflag:s14], $0x4000  }
0x2c: {  	[sflag:s14] =	ssyncset.done $0x0  }
0x2d: {  	[sflag:s14] =	ssyncadd.s32 $0xFFFFC000  }
0x2e: {  	[spmem:s7] =	stream.linear.scatter [tilespmem:s13], [sflag:$0x2], $0x4000, $0x38;
	[tilespmem:$0x1A900] =	vst v63  }
0x2f: {  	_ =	swait.ge [sflag:s14], $0x4000  }
0x30: {  	[sflag:s14] =	ssyncset.done $0x0  }
0x31: {  	[sflag:s14] =	ssyncadd.s32 $0xFFFFC000  }
0x32: {  	[spmem:s8] =	stream.linear.scatter [tilespmem:s13], [sflag:$0x2], $0x4000, $0x38;
	[tilespmem:$0x1A900] =	vst v63  }
0x33: {  	_ =	swait.ge [sflag:s14], $0x4000  }
0x34: {  	[sflag:s14] =	ssyncset.done $0x0  }
0x35: {  	[sflag:s14] =	ssyncadd.s32 $0xFFFFC000  }
0x36: {  	[spmem:s9] =	stream.linear.scatter [tilespmem:s13], [sflag:$0x2], $0x4000, $0x38;
	[tilespmem:$0x1A900] =	vst v63  }
0x37: {  	_ =	swait.ge [sflag:s14], $0x4000  }
0x38: {  	[sflag:s14] =	ssyncset.done $0x0  }
0x39: {  	[sflag:s14] =	ssyncadd.s32 $0xFFFFC000  }
0x3a: {  	s30 =	sadd.s32 $0x0, s12;
	[bflag:$0x0] =	sbarrier.arrive $0xFFFF  }
0x3b: {  	[tilespmem:s3], [sflag:$0x2] =	stream.linear.gather [hbm4b:s30+s3], $0x50, $0x38;
	[tilespmem:$0x1A900] =	vst v63  }
0x3c: {  	_ =	swait.ge [sflag:s14], $0x50  }
0x3d: {  	[sflag:s14] =	ssyncset.done $0x0  }
0x3e: {  	s31 =	sadd.s32 $0x0, s11;
	[sflag:s14] =	ssyncadd.s32 $0xFFFFFFB0  }
0x3f: {  	[tilespmem:s15], [sflag:$0x2] =	stream.linear.gather [hbm4b:s31+s3], $0x50, $0x38;
	[tilespmem:$0x1A900] =	vst v63  }
0x40: {  	_ =	swait.ge [sflag:s14], $0x50  }
0x41: {  	[sflag:s14] =	ssyncset.done $0x0  }
0x42: {  	[sflag:s14] =	ssyncadd.s32 $0xFFFFFFB0  }
0x43: {  	[tilespmem:s17], [sflag:$0x1] =	stream.indirect.gather [hbm4b:s4+s16], $0x80, s3, s16, $0xb8;
	[tilespmem:$0x1A900] =	vst v63  }
0x44: {  	_ =	swait.ge [sflag:s18], $0x2800  }
0x45: {  	[sflag:s18] =	ssyncset.done $0x0  }
0x46: {  	[sflag:s18] =	ssyncadd.s32 $0xFFFFD800  }
0x47: {  	[spmem:s2] =	stream.indirect.scatter.add.f32 [tilespmem:s17], [sflag:$0x2], $0x80, s15, s16, $0xb8;
	[tilespmem:$0x1A900] =	vst v63  }
0x48: {  	_ =	swait.ge [sflag:s14], $0x2800  }
0x49: {  	s25 =	simm.s32 $0xA;
	s26 =	simm.s32 $0x14;
	[sflag:s14] =	ssyncset.done $0x0  }
.LBB2_4:
0x4a: {  	s28 =	sadd.s32 s25, s12  }
0x4b: {  	[sflag:s14] =	ssyncadd.s32 $0xFFFFD800;
	s29 =	smov.u32 s26;
	s30 =	sadd.s32 $0xA, s26  }
0x4c: {  	[tilespmem:s3], [sflag:$0x2] =	stream.linear.gather [hbm4b:s28+s3], $0x50, $0x38;
	[tilespmem:$0x1A900] =	vst v63  }
0x4d: {  	p0 =	sne.s32 s26, $0x4D8;
	_ =	swait.ge [sflag:s14], $0x50  }
0x4e: {  	[sflag:s14] =	ssyncset.done $0x0  }
0x4f: {  	s26 =	sadd.s32 s25, s11;
	s25 =	smov.u32 s29;
	[sflag:s14] =	ssyncadd.s32 $0xFFFFFFB0  }
0x50: {  	[tilespmem:s15], [sflag:$0x2] =	stream.linear.gather [hbm4b:s26+s3], $0x50, $0x38;
	[tilespmem:$0x1A900] =	vst v63  }
0x51: {  	_ =	swait.ge [sflag:s14], $0x50  }
0x52: {  	[sflag:s14] =	ssyncset.done $0x0  }
0x53: {  	[sflag:s14] =	ssyncadd.s32 $0xFFFFFFB0  }
0x54: {  	[tilespmem:s17], [sflag:$0x1] =	stream.indirect.gather [hbm4b:s4+s16], $0x80, s3, s16, $0xb8;
	[tilespmem:$0x1A900] =	vst v63  }
0x55: {  	_ =	swait.ge [sflag:s18], $0x2800  }
.Ltmp1:
0x56: {  	[sflag:s18] =	ssyncset.done $0x0;
	(pc) =	sbr.rel @p0 .LBB2_4-.Ltmp1, $4  }
0x57: {  	[sflag:s18] =	ssyncadd.s32 $0xFFFFD800  }
0x58: {  	[spmem:s2] =	stream.indirect.scatter.add.f32 [tilespmem:s17], [sflag:$0x2], $0x80, s15, s16, $0xb8;
	[tilespmem:$0x1A900] =	vst v63  }
0x59: {  	_ =	swait.ge [sflag:s14], $0x2800  }
0x5a: {  	s26 =	smov.u32 s30;
	[sflag:s14] =	ssyncset.done $0x0  }
0x5b: {  	s26 =	sadd.s32 s25, s12;
	[sflag:s14] =	ssyncadd.s32 $0xFFFFD800  }
0x5c: {  	[tilespmem:s3], [sflag:$0x2] =	stream.linear.gather [hbm4b:s26+s3], $0x50, $0x38;
	[tilespmem:$0x1A900] =	vst v63  }
0x5d: {  	_ =	swait.ge [sflag:s14], $0x50  }
0x5e: {  	[sflag:s14] =	ssyncset.done $0x0  }
0x5f: {  	s31 =	sadd.s32 s25, s11;
	[sflag:s14] =	ssyncadd.s32 $0xFFFFFFB0  }
0x60: {  	[tilespmem:s15], [sflag:$0x2] =	stream.linear.gather [hbm4b:s31+s3], $0x50, $0x38;
	[tilespmem:$0x1A900] =	vst v63  }
0x61: {  	_ =	swait.ge [sflag:s14], $0x50  }
0x62: {  	[sflag:s14] =	ssyncset.done $0x0  }
0x63: {  	[sflag:s14] =	ssyncadd.s32 $0xFFFFFFB0  }
0x64: {  	[tilespmem:s17], [sflag:$0x1] =	stream.indirect.gather [hbm4b:s4+s16], $0x80, s3, s16, $0xb8;
	[tilespmem:$0x1A900] =	vst v63  }
0x65: {  	_ =	swait.ge [sflag:s18], $0x2800  }
0x66: {  	[sflag:s18] =	ssyncset.done $0x0  }
0x67: {  	[sflag:s18] =	ssyncadd.s32 $0xFFFFD800  }
0x68: {  	[spmem:s2] =	stream.indirect.scatter.add.f32 [tilespmem:s17], [sflag:$0x2], $0x80, s15, s16, $0xb8;
	[tilespmem:$0x1A900] =	vst v63  }
0x69: {  	_ =	swait.ge [sflag:s14], $0x2800  }
0x6a: {  	[sflag:s14] =	ssyncset.done $0x0  }
0x6b: {  	[sflag:s14] =	ssyncadd.s32 $0xFFFFD800  }
0x6c: {  	[bflag:$0x0] =	sbarrier.arrive $0xFFFF  }
0x6d: {  	[tilespmem:s13], [sflag:$0x2] =	stream.linear.gather [spmem:s5], $0x4000, $0x38;
	[tilespmem:$0x1A900] =	vst v63  }
0x6e: {  	_ =	swait.ge [sflag:s14], $0x4000  }
0x6f: {  	[sflag:s14] =	ssyncset.done $0x0  }
0x70: {  	[sflag:s14] =	ssyncadd.s32 $0xFFFFC000  }
0x71: {  	[hbm4b:s19+s3] =	stream.linear.scatter [tilespmem:s13], [sflag:$0x2], $0x4000, $0x38;
	[tilespmem:$0x1A900] =	vst v63  }
0x72: {  	_ =	swait.ge [sflag:s14], $0x4000  }
0x73: {  	[sflag:s14] =	ssyncset.done $0x0  }
0x74: {  	[sflag:s14] =	ssyncadd.s32 $0xFFFFC000  }
0x75: {  	[tilespmem:s13], [sflag:$0x2] =	stream.linear.gather [spmem:s6], $0x4000, $0x38;
	[tilespmem:$0x1A900] =	vst v63  }
0x76: {  	_ =	swait.ge [sflag:s14], $0x4000  }
0x77: {  	[sflag:s14] =	ssyncset.done $0x0  }
0x78: {  	[sflag:s14] =	ssyncadd.s32 $0xFFFFC000  }
0x79: {  	[hbm4b:s20+s3] =	stream.linear.scatter [tilespmem:s13], [sflag:$0x2], $0x4000, $0x38;
	[tilespmem:$0x1A900] =	vst v63  }
0x7a: {  	_ =	swait.ge [sflag:s14], $0x4000  }
0x7b: {  	[sflag:s14] =	ssyncset.done $0x0  }
0x7c: {  	[sflag:s14] =	ssyncadd.s32 $0xFFFFC000  }
0x7d: {  	[tilespmem:s13], [sflag:$0x2] =	stream.linear.gather [spmem:s7], $0x4000, $0x38;
	[tilespmem:$0x1A900] =	vst v63  }
0x7e: {  	_ =	swait.ge [sflag:s14], $0x4000  }
0x7f: {  	[sflag:s14] =	ssyncset.done $0x0  }
0x80: {  	[sflag:s14] =	ssyncadd.s32 $0xFFFFC000  }
0x81: {  	[hbm4b:s21+s3] =	stream.linear.scatter [tilespmem:s13], [sflag:$0x2], $0x4000, $0x38;
	[tilespmem:$0x1A900] =	vst v63  }
0x82: {  	_ =	swait.ge [sflag:s14], $0x4000  }
0x83: {  	[sflag:s14] =	ssyncset.done $0x0  }
0x84: {  	[sflag:s14] =	ssyncadd.s32 $0xFFFFC000  }
0x85: {  	[tilespmem:s13], [sflag:$0x2] =	stream.linear.gather [spmem:s8], $0x4000, $0x38;
	[tilespmem:$0x1A900] =	vst v63  }
0x86: {  	_ =	swait.ge [sflag:s14], $0x4000  }
0x87: {  	[sflag:s14] =	ssyncset.done $0x0  }
0x88: {  	[sflag:s14] =	ssyncadd.s32 $0xFFFFC000  }
0x89: {  	[hbm4b:s22+s3] =	stream.linear.scatter [tilespmem:s13], [sflag:$0x2], $0x4000, $0x38;
	[tilespmem:$0x1A900] =	vst v63  }
0x8a: {  	_ =	swait.ge [sflag:s14], $0x4000  }
0x8b: {  	[sflag:s14] =	ssyncset.done $0x0  }
0x8c: {  	[sflag:s14] =	ssyncadd.s32 $0xFFFFC000  }
0x8d: {  	[tilespmem:s13], [sflag:$0x2] =	stream.linear.gather [spmem:s9], $0x4000, $0x38;
	[tilespmem:$0x1A900] =	vst v63  }
0x8e: {  	s24 =	sadd.s32 $0x1, s24;
	_ =	swait.ge [sflag:s14], $0x4000  }
0x8f: {  	p0 =	sne.s32 s24, s10;
	[sflag:s14] =	ssyncset.done $0x0  }
.Ltmp2:
0x90: {  	[sflag:s14] =	ssyncadd.s32 $0xFFFFC000;
	(pc) =	sbr.rel @p0 .LBB2_1-.Ltmp2, $4  }
0x91: {  	[hbm4b:s23+s3] =	stream.linear.scatter [tilespmem:s13], [sflag:$0x2], $0x4000, $0x38;
	[tilespmem:$0x1A900] =	vst v63  }
0x92: {  	_ =	swait.ge [sflag:s14], $0x4000  }
0x93: {  	[sflag:s14] =	ssyncset.done $0x0  }
0x94: {  	[sflag:s14] =	ssyncadd.s32 $0xFFFFC000  }
0x95: {  	_ =	sfence.sel $0x180000  }
0x96: {  	[bflag:$0x0] =	sbarrier.arrive $0xFFFF  }
0x97: {  	p0 =	sne.s32 s0, $0x0;
	_ =	strace $0x90000050  }
0x98: {  	s0 =	sadd.s32 @!p0 $0x100000, s1;
	[bflag:$0x2] =	sbarrier.arrive $0xFFFF  }
0x99: {  	[sflag:s0] =	ssyncadd.tile.s32 @!p0 $0x1;
	_ =	shalt  }
.Lfunc_end2:
_tile_overlayer_lowered:
.L_overlay_start_2:
0x9a: {  	(tag) =	ssettag $0x2  }
0x9b: {  	s0 =	rddreg [dreg:$0x0];
	s2 =	stileid.u32  }
0x9c: {  	s1 =	rddreg [dreg:$0x1];
	p0 =	sne.s32 s2, $0x0  }
0x9d: {  	s3 =	rddreg [dreg:$0x2];
	[bflag:$0x3] =	sbarrier.arrive $0xFFFF;
	s2 =	simm.s32 @!p0 $0x1C02  }
0x9e: {  	[timem:s3], [sflag:s2] =	dma.local @!p0 [hbm:s0], s1  }
0x9f: {  	s0 =	simm.s32 @!p0 $0x2  }
0xa0: {  	_ =	swait.ge @!p0 [sflag:s0], s1  }
0xa1: {  	s1 =	ssub.s32 @!p0 $0x0, s1;
	[sflag:s0] =	ssyncset.done @!p0 $0x0  }
0xa2: {  	[sflag:s0] =	ssyncadd.s32 @!p0 s1  }
0xa3: {  	[bflag:$0x3] =	sbarrier.arrive $0xFFFF  }
0xa4: {  	_ =	shalt  }

// kernel: kernel.25.cloned.1.call-start
scs
__scs_entry_jumppad:
0x0: {  	(pc) =	sbr.rel $0x88, $3  }
0x1: {  	(tag) =	ssettag $0x0;
	lr =	simm.s32 $0x1  }
0x2: {  	[smem:$0x3F8E] =	sst lr;
	_ =	strace $0xD0000000  }
0x3: {  	_ = 	snop  }
0x4: {  	_ = 	snop  }
0x5: {  	_ = 	snop  }
0x6: {  	_ = 	snop  }
0x7: {  	_ = 	snop  }
__scs_overlays_trampoline_lowered:
0x8: {  	[smem:$0x3F9D] =	sst s0  }
0x9: {  	[smem:$0x3F9E] =	sst s1  }
0xa: {  	[smem:$0x3F9F] =	sst s2  }
0xb: {  	[smem:$0x3FA0] =	sst s3  }
0xc: {  	[smem:$0x3FA1] =	sst s4  }
0xd: {  	[smem:$0x3FA2] =	sst s5  }
0xe: {  	[smem:$0x3FA3] =	sst s6  }
0xf: {  	[smem:$0x3FA4] =	sst s7  }
0x10: {  	[smem:$0x3FA5] =	sst s8  }
0x11: {  	[smem:$0x3FA6] =	sst s9;
	s0 =	simm.s32 @!p0 $0x0  }
0x12: {  	s1 =	sld [smem:$0x3F8C];
	s0 =	simm.s32 @p0 $0x1  }
0x13: {  	[smem:$0x3FA7] =	sst s0;
	s0 =	simm.s32 @!p1 $0x0  }
0x14: {  	s2 =	sld [smem:$0x3F8B];
	s0 =	simm.s32 @p1 $0x1  }
0x15: {  	[smem:$0x3FA8] =	sst s0;
	s0 =	simm.s32 @!p2 $0x0  }
0x16: {  	s3 =	sld [smem:$0x3FDB];
	s0 =	simm.s32 @p2 $0x1  }
0x17: {  	s4 =	simm.s32 $0x1BF5;
	[smem:$0x3FAA] =	sst s0  }
0x18: {  	s0 =	sld [smem:$0x3F8D];
	_ =	swait.ge [sflag:s4], $0x0  }
0x19: {  	s7 =	sld [smem:$0x3F8E]  }
0x1a: {  	s8 =	sadd.s32 $0xFFFFE003, lr  }
0x1b: {  	s9 =	sadd.s32 $0xFFFFFEF7, lr;
	s5 =	simm.s32 $0xFFFFFFFF;
	p2 =	slt.u32 s8, $0xFFFFF086  }
0x1c: {  	p1 =	slt.u32 s9, $0xF7A;
	s5 =	simm.s32 @!p2 $0x0  }
0x1d: {  	s5 =	simm.s32 @p1 $0x1;
	p0 =	seq.s32 s7, s2  }
0x1e: {  	s7 =	smul.u32 @!p0 $0xF7A, s2;
	p2 =	seq.s32 @!p0 s5, $0x0  }
0x1f: {  	s9 =	smul.u32 $0xF7A, s1;
	s8 =	simm.s32 @!p0 $0x1BF5;
	p2 =	por !p2, p0  }
0x20: {  	[sflag:s8] =	ssyncset.s32 @!p0 $0xFFFFF086;
	s6 =	sadd.s32 @!p0 s3, s7;
	s7 =	simm.s32 @!p0 $0x108  }
0x21: {  	s3 =	sadd.s32 s3, s9;
	s6 =	sadd.s32 @!p0 $0x88, s6;
	s7 =	simm.s32 @p2 $0x1082  }
0x22: {  	[simem:s7], [sflag:s8] =	dma.local @!p0 [hbm:s6], $0xF7A  }
0x23: {  	s9 =	sor.u32 $0xD0000000, s2;
	s6 =	simm.s32 $0x108;
	_ =	swait.ge @!p0 [sflag:s8], $0x0  }
0x24: {  	s3 =	sadd.s32 $0x88, s3;
	s6 =	simm.s32 @!p1 $0x1082;
	[sflag:s4] =	ssyncset.s32 $0xFFFFF086  }
0x25: {  	[simem:s6], [sflag:s4] =	dma.local [hbm:s3], $0xF7A  }
0x26: {  	[smem:$0x3F8E] =	sst s1;
	(tag) =	ssettag s2;
	_ =	strace s9  }
0x27: {  	s1 =	sld [smem:$0x3F9E]  }
0x28: {  	s2 =	sld [smem:$0x3F9F]  }
0x29: {  	s4 =	sld [smem:$0x3FA1]  }
0x2a: {  	p0 =	seq.s32 s5, $0x0;
	s5 =	sld [smem:$0x3FA2]  }
0x2b: {  	s6 =	sld [smem:$0x3FA3]  }
0x2c: {  	s7 =	sld [smem:$0x3FA4]  }
0x2d: {  	s3 =	simm.s32 $0x108;
	s8 =	sld [smem:$0x3FA5]  }
0x2e: {  	s3 =	simm.s32 @!p0 $0x1082;
	s9 =	sld [smem:$0x3FA6]  }
0x2f: {  	lr =	sadd.s32 s0, s3;
	s0 =	sld [smem:$0x3F9D]  }
0x30: {  	s3 =	sld [smem:$0x3FA0]  }
0x31: {  	[smem:$0x3FA9] =	sst s10  }
0x32: {  	s10 =	sld [smem:$0x3FA7];
	_ =	sdelay $0x3  }
0x33: {  	p0 =	seq.s32 s10, $0x1;
	s10 =	sld [smem:$0x3FA9];
	_ =	sdelay $0x3  }
0x34: {  	[smem:$0x3FA9] =	sst s10  }
0x35: {  	s10 =	sld [smem:$0x3FA8];
	_ =	sdelay $0x3  }
0x36: {  	p1 =	seq.s32 s10, $0x1;
	s10 =	sld [smem:$0x3FA9];
	_ =	sdelay $0x3  }
0x37: {  	[smem:$0x3FA9] =	sst s10  }
0x38: {  	s10 =	sld [smem:$0x3FAA]  }
0x39: {  	_ = 	snop;
	(pc) =	sbr.ind lr, $3  }
0x3a: {  	_ = 	snop  }
0x3b: {  	_ = 	snop  }
0x3c: {  	p2 =	seq.s32 s10, $0x1;
	s10 =	sld [smem:$0x3FA9]  }
0x3d: {  	_ =	shalt  }
0x3e: {  	_ =	shalt  }
0x3f: {  	_ =	shalt  }
0x40: {  	_ =	shalt  }
0x41: {  	_ =	shalt  }
0x42: {  	_ =	shalt  }
0x43: {  	_ =	shalt  }
0x44: {  	_ =	shalt  }
0x45: {  	_ =	shalt  }
0x46: {  	_ =	shalt  }
0x47: {  	_ =	shalt  }
0x48: {  	_ =	shalt  }
0x49: {  	_ =	shalt  }
0x4a: {  	_ =	shalt  }
0x4b: {  	_ =	shalt  }
0x4c: {  	_ =	shalt  }
0x4d: {  	_ =	shalt  }
0x4e: {  	_ =	shalt  }
0x4f: {  	_ =	shalt  }
0x50: {  	_ =	shalt  }
0x51: {  	_ =	shalt  }
0x52: {  	_ =	shalt  }
0x53: {  	_ =	shalt  }
0x54: {  	_ =	shalt  }
0x55: {  	_ =	shalt  }
0x56: {  	_ =	shalt  }
0x57: {  	_ =	shalt  }
0x58: {  	_ =	shalt  }
0x59: {  	_ =	shalt  }
0x5a: {  	_ =	shalt  }
0x5b: {  	_ =	shalt  }
0x5c: {  	_ =	shalt  }
0x5d: {  	_ =	shalt  }
0x5e: {  	_ =	shalt  }
0x5f: {  	_ =	shalt  }
0x60: {  	_ =	shalt  }
0x61: {  	_ =	shalt  }
0x62: {  	_ =	shalt  }
0x63: {  	_ =	shalt  }
0x64: {  	_ =	shalt  }
0x65: {  	_ =	shalt  }
0x66: {  	_ =	shalt  }
0x67: {  	_ =	shalt  }
0x68: {  	_ =	shalt  }
0x69: {  	_ =	shalt  }
0x6a: {  	_ =	shalt  }
0x6b: {  	_ =	shalt  }
0x6c: {  	_ =	shalt  }
0x6d: {  	_ =	shalt  }
0x6e: {  	_ =	shalt  }
0x6f: {  	_ =	shalt  }
0x70: {  	_ =	shalt  }
0x71: {  	_ =	shalt  }
0x72: {  	_ =	shalt  }
0x73: {  	_ =	shalt  }
0x74: {  	_ =	shalt  }
0x75: {  	_ =	shalt  }
0x76: {  	_ =	shalt  }
0x77: {  	_ =	shalt  }
0x78: {  	_ =	shalt  }
0x79: {  	_ =	shalt  }
0x7a: {  	_ =	shalt  }
0x7b: {  	_ =	shalt  }
0x7c: {  	_ =	shalt  }
0x7d: {  	_ =	shalt  }
0x7e: {  	_ =	shalt  }
0x7f: {  	_ =	shalt  }
0x80: {  	_ =	shalt  }
0x81: {  	_ =	shalt  }
0x82: {  	_ =	shalt  }
0x83: {  	_ =	shalt  }
0x84: {  	_ =	shalt  }
0x85: {  	_ =	shalt  }
0x86: {  	_ =	shalt  }
0x87: {  	_ =	shalt  }
.Lfunc_end0:
.L_simem_size_0:
called_computation.4_lowered:
.L_overlay_start_0:
0x88: {  	s2 =	sld [smem:$0x3FD9]  }
0x89: {  	s3 =	sld [smem:$0x3FFE];
	_ =	sdelay $0x1  }
0x8a: {  	s1 =	srdreg.scid  }
0x8b: {  	s0 =	sand.u32 $0x1, s1  }
0x8c: {  	s16 =	sshll.u32 s0, $0xA;
	s2 =	sadd.s32 s3, s2  }
0x8d: {  	s2 =	sadd.s32 s2, s16  }
0x8e: {  	[smem:$0x3FB5] =	sst s2  }
0x8f: {  	_ = 	snop  }
0x90: {  	(tm) =	ssettm $0x1  }
0x91: {  	s17 =	sld [smem:$0x3FFB];
	_ =	sdelay $0x3  }
0x92: {  	_ =	strace s17  }
0x93: {  	s2 =	sld [smem:$0x3FFC];
	_ =	sdelay $0x3  }
0x94: {  	_ =	strace s2  }
0x95: {  	s2 =	sld [smem:$0x3FFD];
	_ =	sdelay $0x3  }
0x96: {  	_ =	strace s2  }
0x97: {  	_ =	strace $0x8FFFFFFF  }
0x98: {  	s18 =	sld [smem:$0x3FDB];
	_ =	sdelay $0x1  }
0x99: {  	s19 =	simm.s32 $_scs_section_size  }
0x9a: {  	s4 =	simm.s32 $_size__tile_overlayer_lowered;
	s5 =	simm.s32 $_tile_overlayer_lowered  }
0x9b: {  	s22 =	simm.s32 $0x1BFF;
	s21 =	sshll.u32 s5, $0x1;
	s2 =	sadd.s32 s19, s18  }
0x9c: {  	s6 =	simm.s32 $0x0;
	s20 =	sshll.u32 s4, $0x1;
	s4 =	sadd.s32 s21, s2  }
0x9d: {  	[timem:s6], [sflag:s22] =	dma.local [hbm:s4], s20  }
0x9e: {  	_ =	swait.ge [sflag:s22], s20  }
0x9f: {  	s3 =	ssub.s32 $0x0, s20;
	[sflag:s22] =	ssyncset.done $0x0  }
0xa0: {  	[sflag:s22] =	ssyncadd.s32 s3;
	_ =	sdelay $0x1  }
0xa1: {  	s23 =	simm.s32 $0x1B8B  }
0xa2: {  	_ =	swait.ge [sflag:s23], $0x1  }
0xa3: {  	[sflag:s23] =	ssyncset.done $0x0  }
0xa4: {  	s25 =	simm.s32 $0x1B8E;
	s24 =	sld [smem:$0x3FFE];
	[sflag:s23] =	ssyncadd.s32 $0xFFFFFFFF  }
0xa5: {  	s26 =	simm.s32 $execute0_lowered;
	[smem:$0x3FD2] =	sst s25  }
0xa6: {  	s4 =	sshll.u32 s26, $0x1;
	_ =	strace $0x80000052;
	[dreg:$0x1] =	wrdreg $0xFFFFFFFF  }
0xa7: {  	s28 =	simm.s32 $_size_execute0_lowered;
	s2 =	sadd.s32 s2, s4;
	[dreg:$0x0] =	wrdreg $0x0  }
0xa8: {  	s4 =	sshll.u32 s28, $0x1;
	[dreg:$0x2] =	wrdreg s2  }
0xa9: {  	[dreg:$0x3] =	wrdreg s4  }
0xaa: {  	[dreg:$0x4] =	wrdreg $0xC0  }
0xab: {  	_ =	task [dreg:s6], $0x5FFFF  }
0xac: {  	[dreg:$0x1] =	wrdreg $0xFFFFFFFF  }
0xad: {  	[dreg:$0x0] =	wrdreg $0x60  }
0xae: {  	[dreg:$0x2] =	wrdreg s24  }
0xaf: {  	[dreg:$0x3] =	wrdreg $0x69000  }
0xb0: {  	[dreg:$0x4] =	wrdreg $0x9  }
0xb1: {  	_ =	task.clear_ibuf [dreg:s6], $0x5FFFF;
	_ =	strace $0x90000052  }
0xb2: {  	s29 =	simm.s32 $0x9;
	_ =	strace $0x80000054  }
0xb3: {  	_ =	swait.ge [sflag:s29], $0x1  }
0xb4: {  	[sflag:s29] =	ssyncadd.s32 $0xFFFFFFFF  }
0xb5: {  	_ =	strace $0x90000054  }
0xb6: {  	_ =	sfence  }
0xb7: {  	s30 =	sld [smem:$0x0];
	_ =	sdelay $0x2  }
0xb8: {  	s31 =	sshll.u32 s1, $0xD;
	s1 =	sshrl.u32 s1, $0x2  }
0xb9: {  	s3 =	sand.u32 $0x4000, s31;
	s1 =	sadd.s32 s1, s30  }
0xba: {  	s0 =	sor.u32 s3, s0;
	s1 =	sshll.u32 s1, $0x11  }
0xbb: {  	s0 =	sor.u32 s1, s0  }
0xbc: {  	s0 =	sadd.s32 $0x8F2B, s0  }
0xbd: {  	[sflag:s0] =	ssyncadd.remote.s32 $0x1  }
0xbe: {  	_ =	sfence.sel $0xFFFF  }
0xbf: {  	[dreg:$0x0] =	wrdreg $0xFFFFFFFF;
	(pc) =	sbr.abs _section_cstart, $3  }
0xc0: {  	[dreg:$0x1] =	wrdreg $0xFFFFFFFF  }
0xc1: {  	_ =	task.clear_ibuf [dreg:s6], $0x2FFFF;
	_ =	strace $0x9FFFFFFF  }
0xc2: {  	(tm) =	ssettm $0x7FFFFFFF  }
0xc3: {  	_ =	shalt  }
tec
execute0_lowered:
.L_overlay_start_1:
0x0: {  	(tag) =	ssettag $0x1  }
0x1: {  	s1 =	srdreg.scid;
	s0 =	stileid.u32  }
0x2: {  	s5 =	rddreg [dreg:$0x0];
	s4 =	smul.u32 $0x4E20, s0  }
0x3: {  	s2 =	rddreg [dreg:$0x1];
	s9 =	smul.u32 $0x280, s0  }
0x4: {  	s3 =	simm.s32 $0x0;
	s17 =	simm.s32 $0x100;
	s25 =	smul.u32 $0x50000, s0  }
0x5: {  	s6 =	sand.u32 $0x1, s1;
	s1 =	rddreg [dreg:$0x2];
	s19 =	smul.u32 $0x2800, s0  }
0x6: {  	s18 =	simm.s32 $0x1;
	[smem:$0x7FF] =	sst s3;
	s7 =	smul.u32 $0x2710, s6  }
0x7: {  	s24 =	smul.u32 $0x28000, s6;
	_ =	strace $0x80000053;
	s26 =	ssub.s32 $0x2, s6  }
0x8: {  	s11 =	sadd.s32 $0x80, s9;
	s6 =	sshrl.u32 s26, $0x1;
	s28 =	sshrl.u32 s25, $0x2  }
0x9: {  	s14 =	sadd.s32 $0x100, s9;
	s15 =	sadd.s32 $0x180, s9;
	s16 =	sadd.s32 $0x200, s9  }
0xa: {  	s4 =	sadd.s32 s7, s4;
	s10 =	sadd.s32 s24, s5;
	s29 =	sshll.u32 s11, $0x7  }
0xb: {  	s13 =	ssub.s32 s26, s6;
	s30 =	sshll.u32 s14, $0x7;
	s31 =	sshll.u32 s15, $0x7  }
0xc: {  	s9 =	sshll.u32 s16, $0x7;
	s20 =	sshll.u32 s11, $0x4;
	s21 =	sshll.u32 s14, $0x4  }
0xd: {  	s22 =	sshll.u32 s15, $0x4;
	s24 =	sshll.u32 s16, $0x4;
	s14 =	simm.s32 $0x2  }
0xe: {  	s15 =	simm.s32 $0x80;
	s16 =	simm.s32 $0x50;
	s8 =	sshrl.u32 s4, $0x3  }
0xf: {  	s4 =	sadd.s32 $0x18400, s5;
	s6 =	sadd.s32 s29, s2;
	s7 =	sadd.s32 s30, s2  }
0x10: {  	s9 =	sadd.s32 s9, s2;
	s23 =	sadd.s32 $0xB8400, s10;
	s10 =	smax.u32 s13, $0x1  }
0x11: {  	s13 =	simm.s32 $0x2900;
	s12 =	sadd.s32 s8, s5;
	s5 =	sadd.s32 s28, s2  }
0x12: {  	s8 =	sadd.s32 s31, s2;
	s19 =	sadd.s32 s19, s23;
	s20 =	sadd.s32 s20, s23  }
0x13: {  	s21 =	sadd.s32 s21, s23;
	s22 =	sadd.s32 s22, s23;
	s23 =	sadd.s32 s24, s23  }
0x14: {  	v0 =	vimm.f32 $0.0e+00;
	s24 =	simm.s32 $0x0;
	s11 =	sadd.s32 $0x4800, s12;
	s12 =	sadd.s32 $0xE600, s12  }
.LBB2_1:
0x15: {  	s25 =	simm.s32 $0x0;
	s26 =	simm.s32 $0x200  }
.LBB2_2:
0x16: {  	p0 =	sne.s32 s26, $0xFE00;
	[tilespmem:s25+$0x2970] =	vst v0  }
0x17: {  	[tilespmem:s25+$0x2900] =	vst v0  }
0x18: {  	[tilespmem:s25+$0x2910] =	vst v0  }
.Ltmp0:
0x19: {  	[tilespmem:s25+$0x2920] =	vst v0;
	(pc) =	sbr.rel @p0 .LBB2_2-.Ltmp0, $4  }
0x1a: {  	[tilespmem:s25+$0x2930] =	vst v0  }
0x1b: {  	[tilespmem:s25+$0x2940] =	vst v0  }
0x1c: {  	[tilespmem:s25+$0x2950] =	vst v0  }
0x1d: {  	[tilespmem:s25+$0x2960] =	vst v0;
	s25 =	sshra.s32 s26, $0x2;
	s26 =	sadd.s32 $0x200, s26  }
0x1e: {  	[tilespmem:s25+$0x2970] =	vst v0  }
0x1f: {  	[tilespmem:s25+$0x2900] =	vst v0  }
0x20: {  	[tilespmem:s25+$0x2910] =	vst v0  }
0x21: {  	[tilespmem:s25+$0x2920] =	vst v0  }
0x22: {  	[tilespmem:s25+$0x2930] =	vst v0  }
0x23: {  	[tilespmem:s25+$0x2940] =	vst v0  }
0x24: {  	[tilespmem:s25+$0x2950] =	vst v0  }
0x25: {  	[tilespmem:s25+$0x2960] =	vst v0  }
0x26: {  	[spmem:s5] =	stream.linear.scatter [tilespmem:s13], [sflag:$0x2], $0x4000, $0x38;
	[tilespmem:$0x1A900] =	vst v63  }
0x27: {  	_ =	swait.ge [sflag:s14], $0x4000  }
0x28: {  	[sflag:s14] =	ssyncset.done $0x0  }
0x29: {  	[sflag:s14] =	ssyncadd.s32 $0xFFFFC000  }
0x2a: {  	[spmem:s6] =	stream.linear.scatter [tilespmem:s13], [sflag:$0x2], $0x4000, $0x38;
	[tilespmem:$0x1A900] =	vst v63  }
0x2b: {  	_ =	swait.ge [sflag:s14], $0x4000  }
0x2c: {  	[sflag:s14] =	ssyncset.done $0x0  }
0x2d: {  	[sflag:s14] =	ssyncadd.s32 $0xFFFFC000  }
0x2e: {  	[spmem:s7] =	stream.linear.scatter [tilespmem:s13], [sflag:$0x2], $0x4000, $0x38;
	[tilespmem:$0x1A900] =	vst v63  }
0x2f: {  	_ =	swait.ge [sflag:s14], $0x4000  }
0x30: {  	[sflag:s14] =	ssyncset.done $0x0  }
0x31: {  	[sflag:s14] =	ssyncadd.s32 $0xFFFFC000  }
0x32: {  	[spmem:s8] =	stream.linear.scatter [tilespmem:s13], [sflag:$0x2], $0x4000, $0x38;
	[tilespmem:$0x1A900] =	vst v63  }
0x33: {  	_ =	swait.ge [sflag:s14], $0x4000  }
0x34: {  	[sflag:s14] =	ssyncset.done $0x0  }
0x35: {  	[sflag:s14] =	ssyncadd.s32 $0xFFFFC000  }
0x36: {  	[spmem:s9] =	stream.linear.scatter [tilespmem:s13], [sflag:$0x2], $0x4000, $0x38;
	[tilespmem:$0x1A900] =	vst v63  }
0x37: {  	_ =	swait.ge [sflag:s14], $0x4000  }
0x38: {  	[sflag:s14] =	ssyncset.done $0x0  }
0x39: {  	[sflag:s14] =	ssyncadd.s32 $0xFFFFC000  }
0x3a: {  	s30 =	sadd.s32 $0x0, s12;
	[bflag:$0x0] =	sbarrier.arrive $0xFFFF  }
0x3b: {  	[tilespmem:s3], [sflag:$0x2] =	stream.linear.gather [hbm4b:s30+s3], $0x50, $0x38;
	[tilespmem:$0x1A900] =	vst v63  }
0x3c: {  	_ =	swait.ge [sflag:s14], $0x50  }
0x3d: {  	[sflag:s14] =	ssyncset.done $0x0  }
0x3e: {  	s31 =	sadd.s32 $0x0, s11;
	[sflag:s14] =	ssyncadd.s32 $0xFFFFFFB0  }
0x3f: {  	[tilespmem:s15], [sflag:$0x2] =	stream.linear.gather [hbm4b:s31+s3], $0x50, $0x38;
	[tilespmem:$0x1A900] =	vst v63  }
0x40: {  	_ =	swait.ge [sflag:s14], $0x50  }
0x41: {  	[sflag:s14] =	ssyncset.done $0x0  }
0x42: {  	[sflag:s14] =	ssyncadd.s32 $0xFFFFFFB0  }
0x43: {  	[tilespmem:s17], [sflag:$0x1] =	stream.indirect.gather [hbm4b:s4+s16], $0x80, s3, s16, $0xb8;
	[tilespmem:$0x1A900] =	vst v63  }
0x44: {  	_ =	swait.ge [sflag:s18], $0x2800  }
0x45: {  	[sflag:s18] =	ssyncset.done $0x0  }
0x46: {  	[sflag:s18] =	ssyncadd.s32 $0xFFFFD800  }
0x47: {  	[spmem:s2] =	stream.indirect.scatter.add.f32 [tilespmem:s17], [sflag:$0x2], $0x80, s15, s16, $0xb8;
	[tilespmem:$0x1A900] =	vst v63  }
0x48: {  	_ =	swait.ge [sflag:s14], $0x2800  }
0x49: {  	s25 =	simm.s32 $0xA;
	s26 =	simm.s32 $0x14;
	[sflag:s14] =	ssyncset.done $0x0  }
.LBB2_4:
0x4a: {  	s28 =	sadd.s32 s25, s12  }
0x4b: {  	[sflag:s14] =	ssyncadd.s32 $0xFFFFD800;
	s29 =	smov.u32 s26;
	s30 =	sadd.s32 $0xA, s26  }
0x4c: {  	[tilespmem:s3], [sflag:$0x2] =	stream.linear.gather [hbm4b:s28+s3], $0x50, $0x38;
	[tilespmem:$0x1A900] =	vst v63  }
0x4d: {  	p0 =	sne.s32 s26, $0x4D8;
	_ =	swait.ge [sflag:s14], $0x50  }
0x4e: {  	[sflag:s14] =	ssyncset.done $0x0  }
0x4f: {  	s26 =	sadd.s32 s25, s11;
	s25 =	smov.u32 s29;
	[sflag:s14] =	ssyncadd.s32 $0xFFFFFFB0  }
0x50: {  	[tilespmem:s15], [sflag:$0x2] =	stream.linear.gather [hbm4b:s26+s3], $0x50, $0x38;
	[tilespmem:$0x1A900] =	vst v63  }
0x51: {  	_ =	swait.ge [sflag:s14], $0x50  }
0x52: {  	[sflag:s14] =	ssyncset.done $0x0  }
0x53: {  	[sflag:s14] =	ssyncadd.s32 $0xFFFFFFB0  }
0x54: {  	[tilespmem:s17], [sflag:$0x1] =	stream.indirect.gather [hbm4b:s4+s16], $0x80, s3, s16, $0xb8;
	[tilespmem:$0x1A900] =	vst v63  }
0x55: {  	_ =	swait.ge [sflag:s18], $0x2800  }
.Ltmp1:
0x56: {  	[sflag:s18] =	ssyncset.done $0x0;
	(pc) =	sbr.rel @p0 .LBB2_4-.Ltmp1, $4  }
0x57: {  	[sflag:s18] =	ssyncadd.s32 $0xFFFFD800  }
0x58: {  	[spmem:s2] =	stream.indirect.scatter.add.f32 [tilespmem:s17], [sflag:$0x2], $0x80, s15, s16, $0xb8;
	[tilespmem:$0x1A900] =	vst v63  }
0x59: {  	_ =	swait.ge [sflag:s14], $0x2800  }
0x5a: {  	s26 =	smov.u32 s30;
	[sflag:s14] =	ssyncset.done $0x0  }
0x5b: {  	s26 =	sadd.s32 s25, s12;
	[sflag:s14] =	ssyncadd.s32 $0xFFFFD800  }
0x5c: {  	[tilespmem:s3], [sflag:$0x2] =	stream.linear.gather [hbm4b:s26+s3], $0x50, $0x38;
	[tilespmem:$0x1A900] =	vst v63  }
0x5d: {  	_ =	swait.ge [sflag:s14], $0x50  }
0x5e: {  	[sflag:s14] =	ssyncset.done $0x0  }
0x5f: {  	s31 =	sadd.s32 s25, s11;
	[sflag:s14] =	ssyncadd.s32 $0xFFFFFFB0  }
0x60: {  	[tilespmem:s15], [sflag:$0x2] =	stream.linear.gather [hbm4b:s31+s3], $0x50, $0x38;
	[tilespmem:$0x1A900] =	vst v63  }
0x61: {  	_ =	swait.ge [sflag:s14], $0x50  }
0x62: {  	[sflag:s14] =	ssyncset.done $0x0  }
0x63: {  	[sflag:s14] =	ssyncadd.s32 $0xFFFFFFB0  }
0x64: {  	[tilespmem:s17], [sflag:$0x1] =	stream.indirect.gather [hbm4b:s4+s16], $0x80, s3, s16, $0xb8;
	[tilespmem:$0x1A900] =	vst v63  }
0x65: {  	_ =	swait.ge [sflag:s18], $0x2800  }
0x66: {  	[sflag:s18] =	ssyncset.done $0x0  }
0x67: {  	[sflag:s18] =	ssyncadd.s32 $0xFFFFD800  }
0x68: {  	[spmem:s2] =	stream.indirect.scatter.add.f32 [tilespmem:s17], [sflag:$0x2], $0x80, s15, s16, $0xb8;
	[tilespmem:$0x1A900] =	vst v63  }
0x69: {  	_ =	swait.ge [sflag:s14], $0x2800  }
0x6a: {  	[sflag:s14] =	ssyncset.done $0x0  }
0x6b: {  	[sflag:s14] =	ssyncadd.s32 $0xFFFFD800  }
0x6c: {  	[bflag:$0x0] =	sbarrier.arrive $0xFFFF  }
0x6d: {  	[tilespmem:s13], [sflag:$0x2] =	stream.linear.gather [spmem:s5], $0x4000, $0x38;
	[tilespmem:$0x1A900] =	vst v63  }
0x6e: {  	_ =	swait.ge [sflag:s14], $0x4000  }
0x6f: {  	[sflag:s14] =	ssyncset.done $0x0  }
0x70: {  	[sflag:s14] =	ssyncadd.s32 $0xFFFFC000  }
0x71: {  	[hbm4b:s19+s3] =	stream.linear.scatter [tilespmem:s13], [sflag:$0x2], $0x4000, $0x38;
	[tilespmem:$0x1A900] =	vst v63  }
0x72: {  	_ =	swait.ge [sflag:s14], $0x4000  }
0x73: {  	[sflag:s14] =	ssyncset.done $0x0  }
0x74: {  	[sflag:s14] =	ssyncadd.s32 $0xFFFFC000  }
0x75: {  	[tilespmem:s13], [sflag:$0x2] =	stream.linear.gather [spmem:s6], $0x4000, $0x38;
	[tilespmem:$0x1A900] =	vst v63  }
0x76: {  	_ =	swait.ge [sflag:s14], $0x4000  }
0x77: {  	[sflag:s14] =	ssyncset.done $0x0  }
0x78: {  	[sflag:s14] =	ssyncadd.s32 $0xFFFFC000  }
0x79: {  	[hbm4b:s20+s3] =	stream.linear.scatter [tilespmem:s13], [sflag:$0x2], $0x4000, $0x38;
	[tilespmem:$0x1A900] =	vst v63  }
0x7a: {  	_ =	swait.ge [sflag:s14], $0x4000  }
0x7b: {  	[sflag:s14] =	ssyncset.done $0x0  }
0x7c: {  	[sflag:s14] =	ssyncadd.s32 $0xFFFFC000  }
0x7d: {  	[tilespmem:s13], [sflag:$0x2] =	stream.linear.gather [spmem:s7], $0x4000, $0x38;
	[tilespmem:$0x1A900] =	vst v63  }
0x7e: {  	_ =	swait.ge [sflag:s14], $0x4000  }
0x7f: {  	[sflag:s14] =	ssyncset.done $0x0  }
0x80: {  	[sflag:s14] =	ssyncadd.s32 $0xFFFFC000  }
0x81: {  	[hbm4b:s21+s3] =	stream.linear.scatter [tilespmem:s13], [sflag:$0x2], $0x4000, $0x38;
	[tilespmem:$0x1A900] =	vst v63  }
0x82: {  	_ =	swait.ge [sflag:s14], $0x4000  }
0x83: {  	[sflag:s14] =	ssyncset.done $0x0  }
0x84: {  	[sflag:s14] =	ssyncadd.s32 $0xFFFFC000  }
0x85: {  	[tilespmem:s13], [sflag:$0x2] =	stream.linear.gather [spmem:s8], $0x4000, $0x38;
	[tilespmem:$0x1A900] =	vst v63  }
0x86: {  	_ =	swait.ge [sflag:s14], $0x4000  }
0x87: {  	[sflag:s14] =	ssyncset.done $0x0  }
0x88: {  	[sflag:s14] =	ssyncadd.s32 $0xFFFFC000  }
0x89: {  	[hbm4b:s22+s3] =	stream.linear.scatter [tilespmem:s13], [sflag:$0x2], $0x4000, $0x38;
	[tilespmem:$0x1A900] =	vst v63  }
0x8a: {  	_ =	swait.ge [sflag:s14], $0x4000  }
0x8b: {  	[sflag:s14] =	ssyncset.done $0x0  }
0x8c: {  	[sflag:s14] =	ssyncadd.s32 $0xFFFFC000  }
0x8d: {  	[tilespmem:s13], [sflag:$0x2] =	stream.linear.gather [spmem:s9], $0x4000, $0x38;
	[tilespmem:$0x1A900] =	vst v63  }
0x8e: {  	s24 =	sadd.s32 $0x1, s24;
	_ =	swait.ge [sflag:s14], $0x4000  }
0x8f: {  	p0 =	sne.s32 s24, s10;
	[sflag:s14] =	ssyncset.done $0x0  }
.Ltmp2:
0x90: {  	[sflag:s14] =	ssyncadd.s32 $0xFFFFC000;
	(pc) =	sbr.rel @p0 .LBB2_1-.Ltmp2, $4  }
0x91: {  	[hbm4b:s23+s3] =	stream.linear.scatter [tilespmem:s13], [sflag:$0x2], $0x4000, $0x38;
	[tilespmem:$0x1A900] =	vst v63  }
0x92: {  	_ =	swait.ge [sflag:s14], $0x4000  }
0x93: {  	[sflag:s14] =	ssyncset.done $0x0  }
0x94: {  	[sflag:s14] =	ssyncadd.s32 $0xFFFFC000  }
0x95: {  	_ =	sfence.sel $0x180000  }
0x96: {  	[bflag:$0x0] =	sbarrier.arrive $0xFFFF  }
0x97: {  	p0 =	sne.s32 s0, $0x0;
	_ =	strace $0x90000053  }
0x98: {  	s0 =	sadd.s32 @!p0 $0x100000, s1;
	[bflag:$0x2] =	sbarrier.arrive $0xFFFF  }
0x99: {  	[sflag:s0] =	ssyncadd.tile.s32 @!p0 $0x1;
	_ =	shalt  }
.Lfunc_end2:
_tile_overlayer_lowered:
.L_overlay_start_2:
0x9a: {  	(tag) =	ssettag $0x2  }
0x9b: {  	s0 =	rddreg [dreg:$0x0];
	s2 =	stileid.u32  }
0x9c: {  	s1 =	rddreg [dreg:$0x1];
	p0 =	sne.s32 s2, $0x0  }
0x9d: {  	s3 =	rddreg [dreg:$0x2];
	[bflag:$0x3] =	sbarrier.arrive $0xFFFF;
	s2 =	simm.s32 @!p0 $0x1C02  }
0x9e: {  	[timem:s3], [sflag:s2] =	dma.local @!p0 [hbm:s0], s1  }
0x9f: {  	s0 =	simm.s32 @!p0 $0x2  }
0xa0: {  	_ =	swait.ge @!p0 [sflag:s0], s1  }
0xa1: {  	s1 =	ssub.s32 @!p0 $0x0, s1;
	[sflag:s0] =	ssyncset.done @!p0 $0x0  }
0xa2: {  	[sflag:s0] =	ssyncadd.s32 @!p0 s1  }
0xa3: {  	[bflag:$0x3] =	sbarrier.arrive $0xFFFF  }
0xa4: {  	_ =	shalt  }

// kernel: kernel.28.cloned.1.call-start
scs
__scs_entry_jumppad:
0x0: {  	(pc) =	sbr.rel $0x88, $3  }
0x1: {  	(tag) =	ssettag $0x0;
	lr =	simm.s32 $0x1  }
0x2: {  	[smem:$0x3F8E] =	sst lr;
	_ =	strace $0xD0000000  }
0x3: {  	_ = 	snop  }
0x4: {  	_ = 	snop  }
0x5: {  	_ = 	snop  }
0x6: {  	_ = 	snop  }
0x7: {  	_ = 	snop  }
__scs_overlays_trampoline_lowered:
0x8: {  	[smem:$0x3F9D] =	sst s0  }
0x9: {  	[smem:$0x3F9E] =	sst s1  }
0xa: {  	[smem:$0x3F9F] =	sst s2  }
0xb: {  	[smem:$0x3FA0] =	sst s3  }
0xc: {  	[smem:$0x3FA1] =	sst s4  }
0xd: {  	[smem:$0x3FA2] =	sst s5  }
0xe: {  	[smem:$0x3FA3] =	sst s6  }
0xf: {  	[smem:$0x3FA4] =	sst s7  }
0x10: {  	[smem:$0x3FA5] =	sst s8  }
0x11: {  	[smem:$0x3FA6] =	sst s9;
	s0 =	simm.s32 @!p0 $0x0  }
0x12: {  	s1 =	sld [smem:$0x3F8C];
	s0 =	simm.s32 @p0 $0x1  }
0x13: {  	[smem:$0x3FA7] =	sst s0;
	s0 =	simm.s32 @!p1 $0x0  }
0x14: {  	s2 =	sld [smem:$0x3F8B];
	s0 =	simm.s32 @p1 $0x1  }
0x15: {  	[smem:$0x3FA8] =	sst s0;
	s0 =	simm.s32 @!p2 $0x0  }
0x16: {  	s3 =	sld [smem:$0x3FDB];
	s0 =	simm.s32 @p2 $0x1  }
0x17: {  	s4 =	simm.s32 $0x1BF5;
	[smem:$0x3FAA] =	sst s0  }
0x18: {  	s0 =	sld [smem:$0x3F8D];
	_ =	swait.ge [sflag:s4], $0x0  }
0x19: {  	s7 =	sld [smem:$0x3F8E]  }
0x1a: {  	s8 =	sadd.s32 $0xFFFFE003, lr  }
0x1b: {  	s9 =	sadd.s32 $0xFFFFFEF7, lr;
	s5 =	simm.s32 $0xFFFFFFFF;
	p2 =	slt.u32 s8, $0xFFFFF086  }
0x1c: {  	p1 =	slt.u32 s9, $0xF7A;
	s5 =	simm.s32 @!p2 $0x0  }
0x1d: {  	s5 =	simm.s32 @p1 $0x1;
	p0 =	seq.s32 s7, s2  }
0x1e: {  	s7 =	smul.u32 @!p0 $0xF7A, s2;
	p2 =	seq.s32 @!p0 s5, $0x0  }
0x1f: {  	s9 =	smul.u32 $0xF7A, s1;
	s8 =	simm.s32 @!p0 $0x1BF5;
	p2 =	por !p2, p0  }
0x20: {  	[sflag:s8] =	ssyncset.s32 @!p0 $0xFFFFF086;
	s6 =	sadd.s32 @!p0 s3, s7;
	s7 =	simm.s32 @!p0 $0x108  }
0x21: {  	s3 =	sadd.s32 s3, s9;
	s6 =	sadd.s32 @!p0 $0x88, s6;
	s7 =	simm.s32 @p2 $0x1082  }
0x22: {  	[simem:s7], [sflag:s8] =	dma.local @!p0 [hbm:s6], $0xF7A  }
0x23: {  	s9 =	sor.u32 $0xD0000000, s2;
	s6 =	simm.s32 $0x108;
	_ =	swait.ge @!p0 [sflag:s8], $0x0  }
0x24: {  	s3 =	sadd.s32 $0x88, s3;
	s6 =	simm.s32 @!p1 $0x1082;
	[sflag:s4] =	ssyncset.s32 $0xFFFFF086  }
0x25: {  	[simem:s6], [sflag:s4] =	dma.local [hbm:s3], $0xF7A  }
0x26: {  	[smem:$0x3F8E] =	sst s1;
	(tag) =	ssettag s2;
	_ =	strace s9  }
0x27: {  	s1 =	sld [smem:$0x3F9E]  }
0x28: {  	s2 =	sld [smem:$0x3F9F]  }
0x29: {  	s4 =	sld [smem:$0x3FA1]  }
0x2a: {  	p0 =	seq.s32 s5, $0x0;
	s5 =	sld [smem:$0x3FA2]  }
0x2b: {  	s6 =	sld [smem:$0x3FA3]  }
0x2c: {  	s7 =	sld [smem:$0x3FA4]  }
0x2d: {  	s3 =	simm.s32 $0x108;
	s8 =	sld [smem:$0x3FA5]  }
0x2e: {  	s3 =	simm.s32 @!p0 $0x1082;
	s9 =	sld [smem:$0x3FA6]  }
0x2f: {  	lr =	sadd.s32 s0, s3;
	s0 =	sld [smem:$0x3F9D]  }
0x30: {  	s3 =	sld [smem:$0x3FA0]  }
0x31: {  	[smem:$0x3FA9] =	sst s10  }
0x32: {  	s10 =	sld [smem:$0x3FA7];
	_ =	sdelay $0x3  }
0x33: {  	p0 =	seq.s32 s10, $0x1;
	s10 =	sld [smem:$0x3FA9];
	_ =	sdelay $0x3  }
0x34: {  	[smem:$0x3FA9] =	sst s10  }
0x35: {  	s10 =	sld [smem:$0x3FA8];
	_ =	sdelay $0x3  }
0x36: {  	p1 =	seq.s32 s10, $0x1;
	s10 =	sld [smem:$0x3FA9];
	_ =	sdelay $0x3  }
0x37: {  	[smem:$0x3FA9] =	sst s10  }
0x38: {  	s10 =	sld [smem:$0x3FAA]  }
0x39: {  	_ = 	snop;
	(pc) =	sbr.ind lr, $3  }
0x3a: {  	_ = 	snop  }
0x3b: {  	_ = 	snop  }
0x3c: {  	p2 =	seq.s32 s10, $0x1;
	s10 =	sld [smem:$0x3FA9]  }
0x3d: {  	_ =	shalt  }
0x3e: {  	_ =	shalt  }
0x3f: {  	_ =	shalt  }
0x40: {  	_ =	shalt  }
0x41: {  	_ =	shalt  }
0x42: {  	_ =	shalt  }
0x43: {  	_ =	shalt  }
0x44: {  	_ =	shalt  }
0x45: {  	_ =	shalt  }
0x46: {  	_ =	shalt  }
0x47: {  	_ =	shalt  }
0x48: {  	_ =	shalt  }
0x49: {  	_ =	shalt  }
0x4a: {  	_ =	shalt  }
0x4b: {  	_ =	shalt  }
0x4c: {  	_ =	shalt  }
0x4d: {  	_ =	shalt  }
0x4e: {  	_ =	shalt  }
0x4f: {  	_ =	shalt  }
0x50: {  	_ =	shalt  }
0x51: {  	_ =	shalt  }
0x52: {  	_ =	shalt  }
0x53: {  	_ =	shalt  }
0x54: {  	_ =	shalt  }
0x55: {  	_ =	shalt  }
0x56: {  	_ =	shalt  }
0x57: {  	_ =	shalt  }
0x58: {  	_ =	shalt  }
0x59: {  	_ =	shalt  }
0x5a: {  	_ =	shalt  }
0x5b: {  	_ =	shalt  }
0x5c: {  	_ =	shalt  }
0x5d: {  	_ =	shalt  }
0x5e: {  	_ =	shalt  }
0x5f: {  	_ =	shalt  }
0x60: {  	_ =	shalt  }
0x61: {  	_ =	shalt  }
0x62: {  	_ =	shalt  }
0x63: {  	_ =	shalt  }
0x64: {  	_ =	shalt  }
0x65: {  	_ =	shalt  }
0x66: {  	_ =	shalt  }
0x67: {  	_ =	shalt  }
0x68: {  	_ =	shalt  }
0x69: {  	_ =	shalt  }
0x6a: {  	_ =	shalt  }
0x6b: {  	_ =	shalt  }
0x6c: {  	_ =	shalt  }
0x6d: {  	_ =	shalt  }
0x6e: {  	_ =	shalt  }
0x6f: {  	_ =	shalt  }
0x70: {  	_ =	shalt  }
0x71: {  	_ =	shalt  }
0x72: {  	_ =	shalt  }
0x73: {  	_ =	shalt  }
0x74: {  	_ =	shalt  }
0x75: {  	_ =	shalt  }
0x76: {  	_ =	shalt  }
0x77: {  	_ =	shalt  }
0x78: {  	_ =	shalt  }
0x79: {  	_ =	shalt  }
0x7a: {  	_ =	shalt  }
0x7b: {  	_ =	shalt  }
0x7c: {  	_ =	shalt  }
0x7d: {  	_ =	shalt  }
0x7e: {  	_ =	shalt  }
0x7f: {  	_ =	shalt  }
0x80: {  	_ =	shalt  }
0x81: {  	_ =	shalt  }
0x82: {  	_ =	shalt  }
0x83: {  	_ =	shalt  }
0x84: {  	_ =	shalt  }
0x85: {  	_ =	shalt  }
0x86: {  	_ =	shalt  }
0x87: {  	_ =	shalt  }
.Lfunc_end0:
.L_simem_size_0:
called_computation.5_lowered:
.L_overlay_start_0:
0x88: {  	s2 =	sld [smem:$0x3FD9]  }
0x89: {  	s3 =	sld [smem:$0x3FFE];
	_ =	sdelay $0x1  }
0x8a: {  	s1 =	srdreg.scid  }
0x8b: {  	s0 =	sand.u32 $0x1, s1  }
0x8c: {  	s17 =	sshll.u32 s0, $0xA;
	s2 =	sadd.s32 s3, s2  }
0x8d: {  	s2 =	sadd.s32 s2, s17  }
0x8e: {  	[smem:$0x3FB5] =	sst s2  }
0x8f: {  	_ = 	snop  }
0x90: {  	s2 =	sld [smem:$0x3FD0];
	(tm) =	ssettm $0x1  }
0x91: {  	s18 =	sld [smem:$0x3FFB];
	_ =	sdelay $0x3  }
0x92: {  	_ =	strace s18  }
0x93: {  	s3 =	sld [smem:$0x3FFC];
	_ =	sdelay $0x3  }
0x94: {  	_ =	strace s3  }
0x95: {  	s3 =	sld [smem:$0x3FFD];
	_ =	sdelay $0x3  }
0x96: {  	_ =	strace s3  }
0x97: {  	_ =	strace $0x8FFFFFFF  }
0x98: {  	s19 =	sld [smem:$0x3FDB];
	_ =	sdelay $0x1  }
0x99: {  	s4 =	simm.s32 $_scs_section_size  }
0x9a: {  	s5 =	simm.s32 $_size__tile_overlayer_lowered;
	s6 =	simm.s32 $_tile_overlayer_lowered  }
0x9b: {  	s22 =	simm.s32 $0x1BFF;
	s21 =	sshll.u32 s6, $0x1;
	s3 =	sadd.s32 s4, s19  }
0x9c: {  	s7 =	simm.s32 $0x0;
	s20 =	sshll.u32 s5, $0x1;
	s5 =	sadd.s32 s21, s3  }
0x9d: {  	[timem:s7], [sflag:s22] =	dma.local [hbm:s5], s20  }
0x9e: {  	_ =	swait.ge [sflag:s22], s20  }
0x9f: {  	s4 =	ssub.s32 $0x0, s20;
	[sflag:s22] =	ssyncset.done $0x0  }
0xa0: {  	[sflag:s22] =	ssyncadd.s32 s4;
	_ =	sdelay $0x1  }
0xa1: {  	s23 =	simm.s32 $0x1B8B  }
0xa2: {  	_ =	swait.ge [sflag:s23], $0x1  }
0xa3: {  	[sflag:s23] =	ssyncset.done $0x0  }
0xa4: {  	s25 =	simm.s32 $0x1B8E;
	s24 =	sld [smem:$0x3FFE];
	[sflag:s23] =	ssyncadd.s32 $0xFFFFFFFF  }
0xa5: {  	s26 =	simm.s32 $execute0_lowered;
	[smem:$0x3FD2] =	sst s25  }
0xa6: {  	s5 =	sshll.u32 s26, $0x1;
	_ =	strace $0x80000055;
	[dreg:$0x1] =	wrdreg $0xFFFFFFFF  }
0xa7: {  	s28 =	simm.s32 $_size_execute0_lowered;
	s3 =	sadd.s32 s3, s5;
	[dreg:$0x0] =	wrdreg $0x0  }
0xa8: {  	s5 =	sshll.u32 s28, $0x1;
	[dreg:$0x2] =	wrdreg s3  }
0xa9: {  	[dreg:$0x3] =	wrdreg s5  }
0xaa: {  	[dreg:$0x4] =	wrdreg $0xC0  }
0xab: {  	_ =	task [dreg:s7], $0x5FFFF  }
0xac: {  	[dreg:$0x1] =	wrdreg $0xFFFFFFFF  }
0xad: {  	[dreg:$0x0] =	wrdreg $0x60  }
0xae: {  	[dreg:$0x2] =	wrdreg s24  }
0xaf: {  	[dreg:$0x3] =	wrdreg s2  }
0xb0: {  	[dreg:$0x4] =	wrdreg $0x9  }
0xb1: {  	_ =	task.clear_ibuf [dreg:s7], $0x5FFFF;
	_ =	strace $0x90000055  }
0xb2: {  	s29 =	simm.s32 $0x9;
	_ =	strace $0x80000057  }
0xb3: {  	_ =	swait.ge [sflag:s29], $0x1  }
0xb4: {  	[sflag:s29] =	ssyncadd.s32 $0xFFFFFFFF  }
0xb5: {  	_ =	strace $0x90000057  }
0xb6: {  	_ =	sfence  }
0xb7: {  	s30 =	sld [smem:$0x0];
	_ =	sdelay $0x2  }
0xb8: {  	s31 =	sshll.u32 s1, $0xD;
	s1 =	sshrl.u32 s1, $0x2  }
0xb9: {  	s3 =	sand.u32 $0x4000, s31;
	s1 =	sadd.s32 s1, s30  }
0xba: {  	s0 =	sor.u32 s3, s0;
	s1 =	sshll.u32 s1, $0x11  }
0xbb: {  	s0 =	sor.u32 s1, s0  }
0xbc: {  	s0 =	sadd.s32 $0x8F2B, s0  }
0xbd: {  	[sflag:s0] =	ssyncadd.remote.s32 $0x1  }
0xbe: {  	_ =	sfence.sel $0xFFFF  }
0xbf: {  	[dreg:$0x0] =	wrdreg $0xFFFFFFFF;
	(pc) =	sbr.abs _section_cstart, $3  }
0xc0: {  	[dreg:$0x1] =	wrdreg $0xFFFFFFFF  }
0xc1: {  	_ =	task.clear_ibuf [dreg:s7], $0x2FFFF;
	_ =	strace $0x9FFFFFFF  }
0xc2: {  	(tm) =	ssettm $0x7FFFFFFF  }
0xc3: {  	_ =	shalt  }
tec
execute0_lowered:
.L_overlay_start_1:
0x0: {  	(tag) =	ssettag $0x1  }
0x1: {  	s8 =	rddreg [dreg:$0x0]  }
0x2: {  	s1 =	rddreg [dreg:$0x1]  }
0x3: {  	s0 =	rddreg [dreg:$0x2];
	s2 =	simm.s32 $0x0  }
0x4: {  	s3 =	srdreg.scid;
	s4 =	stileid.u32;
	s11 =	simm.s32 $0x3  }
0x5: {  	s12 =	simm.s32 $0x80;
	s13 =	simm.s32 $0x50;
	s14 =	simm.s32 $0x100  }
0x6: {  	s15 =	simm.s32 $0x1;
	s16 =	simm.s32 $0x2900;
	s17 =	simm.s32 $0x5100  }
.Ltmp0:
0x7: {  	s18 =	simm.s32 $0x2;
	s3 =	sand.u32 $0x1, s3;
	(pc) =	sbr.rel .LBB2_1-.Ltmp0, $4  }
0x8: {  	s19 =	simm.s32 $0x0;
	[smem:$0x7FF] =	sst s2;
	s9 =	ssub.s32 $0x2, s3  }
0x9: {  	s5 =	sadd.s32 $0x4800, s8;
	s6 =	sadd.s32 $0x42800, s8;
	s10 =	sshrl.u32 s9, $0x1  }
0xa: {  	s7 =	sadd.s32 $0x3F600, s8;
	s8 =	sadd.s32 $0x69A00, s8;
	s10 =	ssub.s32 s9, s10  }
0xb: {  	_ =	strace $0x80000056;
	s9 =	sshll.u32 s4, $0x1;
	s10 =	smax.u32 s10, $0x1  }
.LBB2_7:
0xc: {  	s19 =	sadd.s32 $0x1, s19  }
0xd: {  	p0 =	sne.s32 s19, s10  }
.Ltmp1:
0xe: {  	_ = 	snop;
	(pc) =	sbr.rel @!p0 .LBB2_8-.Ltmp1, $1  }
0xf: {  	_ =	sdelay $0x3  }
.LBB2_1:
.Ltmp2:
0x10: {  	(pc) =	sbr.rel .LBB2_2-.Ltmp2, $2  }
0x11: {  	_ =	sdelay $0x2  }
0x12: {  	s20 =	simm.s32 $0x0  }
.LBB2_6:
0x13: {  	s20 =	sadd.s32 $0x1, s20  }
0x14: {  	p0 =	sne.s32 s20, $0x28  }
.Ltmp3:
0x15: {  	_ = 	snop;
	(pc) =	sbr.rel @!p0 .LBB2_7-.Ltmp3, $1  }
0x16: {  	_ =	sdelay $0x3  }
.LBB2_2:
0x17: {  	s21 =	sshll.u32 s20, $0x5  }
0x18: {  	s21 =	sor.u32 s9, s21  }
0x19: {  	p0 =	sgt.u32 s21, $0x4E1  }
.Ltmp4:
0x1a: {  	_ = 	snop;
	(pc) =	sbr.rel @p0 .LBB2_6-.Ltmp4, $1  }
0x1b: {  	_ =	sdelay $0x3  }
0x1c: {  	s21 =	sor.u32 s3, s21  }
0x1d: {  	s22 =	smul.u32 $0xA, s21;
	_ =	sdelay $0x1  }
0x1e: {  	s24 =	simm.s32 $0x0;
	s23 =	sadd.s32 s7, s22  }
0x1f: {  	[tilespmem:s24], [sflag:$0x3] =	stream.linear.gather [hbm4b:s23+s24], $0x50, $0x38;
	[tilespmem:$0x7900] =	vst v63  }
0x20: {  	_ =	swait.ge [sflag:s11], $0x50  }
0x21: {  	[sflag:s11] =	ssyncset.done $0x0  }
0x22: {  	s22 =	sadd.s32 s1, s22;
	[sflag:s11] =	ssyncadd.s32 $0xFFFFFFB0  }
0x23: {  	[tilespmem:s12], [sflag:$0x3] =	stream.linear.gather [hbm4b:s22+s24], $0x50, $0x38;
	[tilespmem:$0x7900] =	vst v63  }
0x24: {  	_ =	swait.ge [sflag:s11], $0x50  }
0x25: {  	[sflag:s11] =	ssyncset.done $0x0  }
0x26: {  	[sflag:s11] =	ssyncadd.s32 $0xFFFFFFB0  }
0x27: {  	[tilespmem:s14], [sflag:$0x1] =	stream.indirect.gather [hbm4b:s5+s13], $0x80, s24, s13, $0xb8;
	[tilespmem:$0x7900] =	vst v63  }
0x28: {  	_ =	swait.ge [sflag:s15], $0x2800  }
0x29: {  	[sflag:s15] =	ssyncset.done $0x0  }
0x2a: {  	[sflag:s15] =	ssyncadd.s32 $0xFFFFD800  }
0x2b: {  	[tilespmem:s16], [sflag:$0x1] =	stream.indirect.gather [hbm4b:s6+s13], $0x80, s12, s13, $0xb8;
	[tilespmem:$0x7900] =	vst v63  }
0x2c: {  	_ =	swait.ge [sflag:s15], $0x2800  }
0x2d: {  	[sflag:s15] =	ssyncset.done $0x0  }
0x2e: {  	s22 =	simm.s32 $0x0;
	[sflag:s15] =	ssyncadd.s32 $0xFFFFD800  }
0x2f: {  	v0 =	vld [tilespmem:s22+$0x170]  }
0x30: {  	v1 =	vld [tilespmem:s22+$0x2970]  }
0x31: {  	v2 =	vld [tilespmem:s22+$0x100]  }
0x32: {  	v3 =	vld [tilespmem:s22+$0x2900]  }
0x33: {  	v4 =	vld [tilespmem:s22+$0x110]  }
0x34: {  	v5 =	vld [tilespmem:s22+$0x2910]  }
0x35: {  	v6 =	vld [tilespmem:s22+$0x120]  }
0x36: {  	v7 =	vld [tilespmem:s22+$0x130]  }
0x37: {  	v0 =	vadd.f32 v1, v0;
	v1 =	vld [tilespmem:s22+$0x2920]  }
0x38: {  	v8 =	vld [tilespmem:s22+$0x2930]  }
0x39: {  	v9 =	vld [tilespmem:s22+$0x2940];
	v2 =	vadd.f32 v3, v2  }
0x3a: {  	[tilespmem:s22+$0x5170] =	vst v0;
	v0 =	vadd.f32 v5, v4;
	v5 =	vld [tilespmem:s22+$0x140]  }
0x3b: {  	v3 =	vld [tilespmem:s22+$0x2950];
	[tilespmem:s22+$0x5100] =	vst v2  }
0x3c: {  	v2 =	vld [tilespmem:s22+$0x150];
	[tilespmem:s22+$0x5110] =	vst v0;
	v0 =	vadd.f32 v1, v6  }
0x3d: {  	v4 =	vld [tilespmem:s22+$0x2960];
	v6 =	vadd.f32 v8, v7  }
0x3e: {  	s23 =	simm.s32 $0x80;
	[tilespmem:s22+$0x5120] =	vst v0;
	v0 =	vld [tilespmem:s22+$0x160]  }
0x3f: {  	s24 =	simm.s32 $0x400;
	v5 =	vadd.f32 v9, v5;
	v1 =	vld [tilespmem:s23+$0x170];
	[tilespmem:s22+$0x5130] =	vst v6  }
.LBB2_4:
0x40: {  	p0 =	sne.s32 s24, $0x9E00;
	v6 =	vld [tilespmem:s23+$0x2970]  }
0x41: {  	v7 =	vld [tilespmem:s23+$0x100];
	[tilespmem:s22+$0x5140] =	vst v5;
	v2 =	vadd.f32 v3, v2  }
0x42: {  	v3 =	vld [tilespmem:s23+$0x2900]  }
0x43: {  	v5 =	vld [tilespmem:s23+$0x110];
	[tilespmem:s22+$0x5150] =	vst v2;
	v0 =	vadd.f32 v4, v0  }
0x44: {  	v2 =	vld [tilespmem:s23+$0x2910]  }
0x45: {  	v4 =	vld [tilespmem:s23+$0x120];
	v1 =	vadd.f32 v6, v1;
	[tilespmem:s22+$0x5160] =	vst v0;
	s22 =	smov.u32 s23  }
0x46: {  	v0 =	vld [tilespmem:s22+$0x2920]  }
0x47: {  	v3 =	vadd.f32 v3, v7;
	v6 =	vld [tilespmem:s22+$0x130];
	[tilespmem:s22+$0x5170] =	vst v1  }
0x48: {  	v1 =	vld [tilespmem:s22+$0x2930]  }
0x49: {  	[tilespmem:s22+$0x5100] =	vst v3;
	v2 =	vadd.f32 v2, v5;
	v5 =	vld [tilespmem:s22+$0x140]  }
0x4a: {  	v7 =	vld [tilespmem:s22+$0x2940]  }
.Ltmp5:
0x4b: {  	[tilespmem:s22+$0x5110] =	vst v2;
	v0 =	vadd.f32 v0, v4;
	v2 =	vld [tilespmem:s22+$0x150];
	(pc) =	sbr.rel @p0 .LBB2_4-.Ltmp5, $4  }
0x4c: {  	v3 =	vld [tilespmem:s22+$0x2950]  }
0x4d: {  	[tilespmem:s22+$0x5120] =	vst v0;
	v6 =	vadd.f32 v1, v6;
	v0 =	vld [tilespmem:s22+$0x160]  }
0x4e: {  	s23 =	sshra.s32 s24, $0x2;
	v4 =	vld [tilespmem:s22+$0x2960]  }
0x4f: {  	s24 =	sadd.s32 $0x200, s24;
	v1 =	vld [tilespmem:s23+$0x170];
	[tilespmem:s22+$0x5130] =	vst v6;
	v5 =	vadd.f32 v7, v5  }
0x50: {  	v6 =	vld [tilespmem:s23+$0x2970]  }
0x51: {  	v7 =	vld [tilespmem:s23+$0x100];
	[tilespmem:s22+$0x5140] =	vst v5;
	v2 =	vadd.f32 v3, v2  }
0x52: {  	v51 =	vld [tilespmem:s23+$0x2900]  }
0x53: {  	v5 =	vld [tilespmem:s23+$0x110];
	[tilespmem:s22+$0x5150] =	vst v2;
	v0 =	vadd.f32 v4, v0  }
0x54: {  	v2 =	vld [tilespmem:s23+$0x2910]  }
0x55: {  	v52 =	vld [tilespmem:s23+$0x120];
	[tilespmem:s22+$0x5160] =	vst v0  }
0x56: {  	v54 =	vld [tilespmem:s23+$0x2920]  }
0x57: {  	v55 =	vld [tilespmem:s23+$0x130]  }
0x58: {  	v56 =	vld [tilespmem:s23+$0x2930]  }
0x59: {  	v57 =	vld [tilespmem:s23+$0x140]  }
0x5a: {  	v58 =	vld [tilespmem:s23+$0x2940]  }
0x5b: {  	v59 =	vld [tilespmem:s23+$0x150]  }
0x5c: {  	v53 =	vadd.f32 v6, v1;
	v60 =	vld [tilespmem:s23+$0x2950]  }
0x5d: {  	v61 =	vld [tilespmem:s23+$0x160];
	v3 =	vadd.f32 v51, v7  }
0x5e: {  	v62 =	vld [tilespmem:s23+$0x2960];
	[tilespmem:s23+$0x5170] =	vst v53;
	v2 =	vadd.f32 v2, v5  }
0x5f: {  	[tilespmem:s23+$0x5100] =	vst v3;
	v1 =	vadd.f32 v54, v52  }
0x60: {  	[tilespmem:s23+$0x5110] =	vst v2;
	v0 =	vadd.f32 v56, v55  }
0x61: {  	v3 =	vadd.f32 v58, v57;
	[tilespmem:s23+$0x5120] =	vst v1  }
0x62: {  	v63 =	vadd.f32 v60, v59;
	[tilespmem:s23+$0x5130] =	vst v0  }
0x63: {  	s21 =	smul.u32 $0x500, s21;
	[tilespmem:s23+$0x5140] =	vst v3;
	v1 =	vadd.f32 v62, v61  }
0x64: {  	[tilespmem:s23+$0x5150] =	vst v63  }
.Ltmp6:
0x65: {  	s21 =	sadd.s32 s8, s21;
	[tilespmem:s23+$0x5160] =	vst v1;
	(pc) =	sbr.rel .LBB2_6-.Ltmp6, $4  }
0x66: {  	[hbm4b:s21+s2] =	stream.linear.scatter [tilespmem:s17], [sflag:$0x2], $0x2800, $0x38;
	[tilespmem:$0x7900] =	vst v63  }
0x67: {  	_ =	swait.ge [sflag:s18], $0x2800  }
0x68: {  	[sflag:s18] =	ssyncset.done $0x0  }
0x69: {  	[sflag:s18] =	ssyncadd.s32 $0xFFFFD800  }
.LBB2_8:
0x6a: {  	_ =	sfence.sel $0x180000  }
0x6b: {  	[bflag:$0x0] =	sbarrier.arrive $0xFFFF  }
0x6c: {  	p0 =	sne.s32 s4, $0x0;
	_ =	strace $0x90000056  }
0x6d: {  	s0 =	sadd.s32 @!p0 $0x100000, s0;
	[bflag:$0x2] =	sbarrier.arrive $0xFFFF  }
0x6e: {  	[sflag:s0] =	ssyncadd.tile.s32 @!p0 $0x1;
	_ =	shalt  }
.Lfunc_end2:
_tile_overlayer_lowered:
.L_overlay_start_2:
0x6f: {  	(tag) =	ssettag $0x2  }
0x70: {  	s0 =	rddreg [dreg:$0x0];
	s2 =	stileid.u32  }
0x71: {  	s1 =	rddreg [dreg:$0x1];
	p0 =	sne.s32 s2, $0x0  }
0x72: {  	s3 =	rddreg [dreg:$0x2];
	[bflag:$0x3] =	sbarrier.arrive $0xFFFF;
	s2 =	simm.s32 @!p0 $0x1C02  }
0x73: {  	[timem:s3], [sflag:s2] =	dma.local @!p0 [hbm:s0], s1  }
0x74: {  	s0 =	simm.s32 @!p0 $0x2  }
0x75: {  	_ =	swait.ge @!p0 [sflag:s0], s1  }
0x76: {  	s1 =	ssub.s32 @!p0 $0x0, s1;
	[sflag:s0] =	ssyncset.done @!p0 $0x0  }
0x77: {  	[sflag:s0] =	ssyncadd.s32 @!p0 s1  }
0x78: {  	[bflag:$0x3] =	sbarrier.arrive $0xFFFF  }
0x79: {  	_ =	shalt  }

</sc_bundles>
